<compile_context>
chip_gen: v7x
topology: tpu7x:2x2x1
jax: 0.10.2.dev20260603
libtpu: 0.0.44.dev20260713+nightly
codegen_flags: <defaults>
</compile_context>

<pallas_src>
import jax
import jax.numpy as jnp
from jax import lax
from jax.experimental import pallas as pl
from jax.experimental.pallas import tpu as pltpu
from jax.experimental.pallas import tpu_sc as plsc

_B, _N, _Q = 2, 4096, 4096
_HID, _K, _POS, _OUT, _CB, _H, _CD = 256, 8, 128, 128, 128, 4, 64
_BN = _B * _N
_BQ = _B * _Q
_TN = 1024
_TK = 512
_TD = 1024
_GW = 128
_NC = 2
_QC = _Q // _NC


def _enc_body(xf, we1, be1, we2, be2, wxp, cb, cbt, table, orth_v):
    step = pl.program_id(0)

    @pl.when(step == 0)
    def _orth():
        o_acc = jnp.zeros((1, _CB), jnp.float32)
        for h in range(_H):
            ch = cb[h]
            cht = cbt[h]
            nrm = jnp.sqrt(jnp.sum(ch * ch, axis=1, keepdims=True))
            nrm_t = jnp.sqrt(jnp.sum(cht * cht, axis=0, keepdims=True))
            nc = ch / (nrm + 1e-8)
            nct = cht / (nrm_t + 1e-8)
            cosm = jnp.dot(nc, nct, preferred_element_type=jnp.float32)
            o_acc = o_acc + jnp.sum(cosm * cosm, axis=0, keepdims=True)
        orth_v[...] = o_acc

    h = jnp.maximum(jnp.dot(xf[...], we1[...], preferred_element_type=jnp.float32)
                    + be1[...], 0.0)
    pts = jnp.dot(h, we2[...], preferred_element_type=jnp.float32) + be2[...]
    p = jnp.dot(xf[...], wxp[...], preferred_element_type=jnp.float32)
    table[:, 0:_OUT] = pts
    table[:, _OUT:_OUT + _POS] = p


def _encoder(xf, we1, be1, we2, be2, wxp, cb, cbt):
    grid = (_BN // _TN,)
    return pl.pallas_call(
        _enc_body,
        grid=grid,
        in_specs=[
            pl.BlockSpec((_TN, 3), lambda i: (i, 0)),
            pl.BlockSpec((3, _OUT), lambda i: (0, 0)),
            pl.BlockSpec((1, _OUT), lambda i: (0, 0)),
            pl.BlockSpec((_OUT, _OUT), lambda i: (0, 0)),
            pl.BlockSpec((1, _OUT), lambda i: (0, 0)),
            pl.BlockSpec((3, _POS), lambda i: (0, 0)),
            pl.BlockSpec((_H, _CB, _CD), lambda i: (0, 0, 0)),
            pl.BlockSpec((_H, _CD, _CB), lambda i: (0, 0, 0)),
        ],
        out_specs=[
            pl.BlockSpec((_TN, _OUT + _POS), lambda i: (i, 0)),
            pl.BlockSpec((1, _CB), lambda i: (0, 0)),
        ],
        out_shape=[
            jax.ShapeDtypeStruct((_BN, _OUT + _POS), jnp.float32),
            jax.ShapeDtypeStruct((1, _CB), jnp.float32),
        ],
    )(xf, we1, be1, we2, be2, wxp, cb, cbt)


_NG = 32
_GL = _N // _NG
_T = 3


def _knn_body(q3, xt, idx):
    b = pl.program_id(0)
    qt = q3[0]
    x = xt[0]
    qx = jnp.dot(qt, x, preferred_element_type=jnp.float32)
    qsq = jnp.sum(qt * qt, axis=1, keepdims=True)
    xsq = jnp.sum(x * x, axis=0, keepdims=True)
    d = qsq - 2.0 * qx + xsq
    cols = [d[:, c * _GL:(c + 1) * _GL] for c in range(_NG)]
    liota = lax.broadcasted_iota(jnp.int32, (_TK, _GL), 1)
    cvs, cis = [], []
    for t in range(_T):
        m = cols[0]
        for c in range(1, _NG):
            m = jnp.minimum(m, cols[c])
        ci = jnp.full((_TK, _GL), _NG, jnp.int32)
        for c in range(_NG):
            eq = cols[c] == m
            ci = jnp.minimum(ci, jnp.where(eq, c, _NG))
            cols[c] = jnp.where(eq, jnp.inf, cols[c])
        cvs.append(m)
        cis.append(ci * _GL + liota)
    off = b * _N
    for k in range(_K):
        m2 = cvs[0]
        for t in range(1, _T):
            m2 = jnp.minimum(m2, cvs[t])
        m = jnp.min(m2, axis=1, keepdims=True)
        ik = jnp.full((_TK, 1), _N, jnp.int32)
        for t in range(_T):
            eq = cvs[t] == m
            cand = jnp.min(jnp.where(eq, cis[t], _N), axis=1, keepdims=True)
            ik = jnp.minimum(ik, cand)
            cvs[t] = jnp.where(eq, jnp.inf, cvs[t])
        idx[0, :, k:k + 1] = ik + off


def _knn(q, xt):
    nq = q.shape[1]
    grid = (_B, nq // _TK)
    return pl.pallas_call(
        _knn_body,
        grid=grid,
        in_specs=[
            pl.BlockSpec((1, _TK, 3), lambda b, i: (b, i, 0)),
            pl.BlockSpec((1, 3, _N), lambda b, i: (b, 0, 0)),
        ],
        out_specs=pl.BlockSpec((1, _TK, _K), lambda b, i: (b, i, 0)),
        out_shape=jax.ShapeDtypeStruct((_B, nq, _K), jnp.int32),
    )(q, xt)


def _sc_gather(table, idxt):
    nidx = idxt.shape[1]
    mesh = plsc.VectorSubcoreMesh(core_axis_name="core",
                                  subcore_axis_name="subcore")

    @pl.kernel(out_type=jax.ShapeDtypeStruct((nidx, _OUT + _POS), jnp.float32),
               mesh=mesh)
    def gk(tab_hbm, i_hbm, o_hbm):
        def body(i_vmem, o_vmem):
            pltpu.sync_copy(tab_hbm.at[i_vmem.at[0]], o_vmem)

        pltpu.emit_pipeline(
            body,
            grid=(nidx // _GW,),
            in_specs=[pl.BlockSpec((1, _GW), index_map=lambda i: (0, i))],
            out_specs=[pl.BlockSpec((_GW, _OUT + _POS),
                                    index_map=lambda i: (i, 0))],
            core_axis_name=("core", "subcore"),
            dimension_semantics=(pltpu.PARALLEL,),
        )(i_hbm, o_hbm)

    return gk(table, idxt)


def _dense_body(g, qf, wqd, bpos, w0t, b0, w1t, b1, w2t, b2,
                cb, cbt, csq, w3t, b3, w4t, b4, wot, bo,
                out, commit_v, counts_v):
    step = pl.program_id(0)

    @pl.when(step == 0)
    def _init():
        commit_v[...] = jnp.zeros_like(commit_v)
        counts_v[...] = jnp.zeros_like(counts_v)

    qt = qf[...]
    qpart = jnp.dot(qt, wqd[...], preferred_element_type=jnp.float32) + bpos[...]
    acc = jnp.zeros((_TD, _HID * 2), jnp.float32)
    for k in range(_K):
        gk = g[k]
        posk = jnp.maximum(qpart + gk[:, _OUT:_OUT + _POS],
                           0.0).astype(jnp.bfloat16)
        acc = acc + jnp.dot(posk, w0t[k, 0:_POS, :],
                            preferred_element_type=jnp.float32)
        acc = acc + jnp.dot(gk[:, 0:_OUT].astype(jnp.bfloat16),
                            w0t[k, _POS:_POS + _OUT, :],
                            preferred_element_type=jnp.float32)
    h0 = jnp.maximum(acc + b0[...], 0.0)
    h1 = jnp.maximum(jnp.dot(h0, w1t[...], preferred_element_type=jnp.float32)
                     + b1[...], 0.0)
    f = jnp.maximum(jnp.dot(h1, w2t[...], preferred_element_type=jnp.float32)
                    + b2[...], 0.0)

    iota = lax.broadcasted_iota(jnp.int32, (_TD, _CB), 1)
    quants = []
    for h in range(_H):
        xh = f[:, h * _CD:(h + 1) * _CD]
        xsq = jnp.sum(xh * xh, axis=1, keepdims=True)
        dh = (xsq - 2.0 * jnp.dot(xh, cbt[h], preferred_element_type=jnp.float32)
              + csq[h])
        m = jnp.min(dh, axis=1, keepdims=True)
        sel = jnp.where(dh == m, iota, _CB)
        ind = jnp.min(sel, axis=1, keepdims=True)
        onehot = (iota == ind).astype(jnp.float32)
        quants.append(jnp.dot(onehot, cb[h], preferred_element_type=jnp.float32))
        if h == 0:
            counts_v[...] += jnp.sum(onehot, axis=0, keepdims=True)
    quant = jnp.concatenate(quants, axis=1)
    err2 = (quant - f) ** 2
    commit_v[...] += jnp.sum(err2, axis=0, keepdims=True)

    net = jnp.maximum(jnp.dot(f, w3t[0:_HID, :], preferred_element_type=jnp.float32)
                      + jnp.dot(quant, w3t[_HID:2 * _HID, :],
                                preferred_element_type=jnp.float32)
                      + b3[...], 0.0)
    net = jnp.maximum(jnp.dot(net, w4t[...], preferred_element_type=jnp.float32)
                      + b4[...], 0.0)
    out[...] = jnp.dot(net, wot[...], preferred_element_type=jnp.float32) + bo[...]


def _dense(g3, qf, wqd, bpos, w0t, b0, w1t, b1, w2t, b2,
           cb, cbt, csq, w3t, b3, w4t, b4, wot, bo):
    nr = qf.shape[0]
    grid = (nr // _TD,)
    const = lambda *shape: pl.BlockSpec(shape, lambda i: tuple(0 for _ in shape))
    return pl.pallas_call(
        _dense_body,
        grid=grid,
        in_specs=[
            pl.BlockSpec((_K, _TD, _OUT + _POS), lambda i: (0, i, 0)),
            pl.BlockSpec((_TD, 3), lambda i: (i, 0)),
            const(3, _POS),
            const(1, _POS),
            const(_K, _OUT + _POS, _HID * 2),
            const(1, _HID * 2),
            const(_HID * 2, _HID),
            const(1, _HID),
            const(_HID, _HID),
            const(1, _HID),
            const(_H, _CB, _CD),
            const(_H, _CD, _CB),
            const(_H, 1, _CB),
            const(_HID * 2, _HID),
            const(1, _HID),
            const(_HID, _HID),
            const(1, _HID),
            const(_HID, 3),
            const(1, 3),
        ],
        out_specs=[
            pl.BlockSpec((_TD, 3), lambda i: (i, 0)),
            pl.BlockSpec((1, _HID), lambda i: (0, 0)),
            pl.BlockSpec((1, _CB), lambda i: (0, 0)),
        ],
        out_shape=[
            jax.ShapeDtypeStruct((nr, 3), jnp.float32),
            jax.ShapeDtypeStruct((1, _HID), jnp.float32),
            jax.ShapeDtypeStruct((1, _CB), jnp.float32),
        ],
    )(g3, qf, wqd, bpos, w0t, b0, w1t, b1, w2t, b2,
      cb, cbt, csq, w3t, b3, w4t, b4, wot, bo)


def kernel(q, x, W_enc1, b_enc1, W_enc2, b_enc2, W_pos, b_pos, W0, b0,
           W1, b1, W2, b2, W3, b3, W4, b4, W_out, b_out, codebook):
    f32 = jnp.float32
    bf16 = jnp.bfloat16
    wxp = W_pos[3:6] + W_pos[6:9]
    wqd = W_pos[0:3] - W_pos[6:9]
    w0t = W0.T.reshape(_K, _OUT + _POS, _HID * 2).astype(bf16)
    cbt = jnp.transpose(codebook, (0, 2, 1))
    csq = jnp.sum(codebook * codebook, axis=-1)[:, None, :]

    xf = x.reshape(_BN, 3)
    table, orth_v = _encoder(xf, W_enc1, b_enc1[None, :], W_enc2, b_enc2[None, :],
                             wxp, codebook, cbt)

    xt = jnp.transpose(x, (0, 2, 1))
    dense_args =(wqd, b_pos[None, :], w0t, b0[None, :],
                  W1.T, b1[None, :], W2.T, b2[None, :],
                  codebook, cbt, csq, W3.T, b3[None, :],
                  W4.T, b4[None, :], W_out.T, b_out[None, :])

    outs, commits, counts = [], [], []
    for c in range(_NC):
        qc = lax.slice_in_dim(q, c * _QC, (c + 1) * _QC, axis=1)
        idx = _knn(qc, xt)
        nrow = _B * _QC
        idxt = jnp.transpose(idx.reshape(nrow, _K), (1, 0)).reshape(1, _K * nrow)
        g = _sc_gather(table, idxt)
        g3 = g.reshape(_K, nrow, _OUT + _POS)
        out_c, commit_c, counts_c = _dense(g3, qc.reshape(nrow, 3), *dense_args)
        outs.append(out_c.reshape(_B, _QC, 3))
        commits.append(commit_c)
        counts.append(counts_c)

    out = jnp.concatenate(outs, axis=1)
    commit = sum(jnp.sum(cv) for cv in commits) / (_B * _Q * _HID) * 0.001
    orth = jnp.sum(orth_v) / (_H * _CB * _CB) - (1.0 / _CB)
    loss_vq = commit + 1e-5 * orth
    usage = jnp.sum(sum(counts) > 0.5) / _CB
    return out, loss_vq, usage

# --- scband reference (transcript-rebuilt; emitter-appended) ---
"""Pipeline reference for scband-nvf-66331474919924 (READ-ONLY COPY).

The authoritative reference and input builder live on the scoring server;
editing this copy changes nothing except your own understanding.
"""

import jax, jax.numpy as jnp
import numpy as np

B, N, Q = 2, 4096, 4096
HID, K, POS, OUT, CB, H, CD = 256, 8, 128, 128, 128, 4, 64

def setup_inputs(seed: int = 0):
    key = jax.random.key(seed)
    ks = jax.random.split(key, 16)
    s = 0.05
    return {
        "q": jax.random.uniform(ks[0], (B, Q, 3), dtype=jnp.float32),
        "x": jax.random.uniform(ks[1], (B, N, 3), dtype=jnp.float32),
        "W_enc1": jax.random.normal(ks[2], (3, OUT), dtype=jnp.float32) * s,
        "b_enc1": jnp.zeros((OUT,), jnp.float32),
        "W_enc2": jax.random.normal(ks[3], (OUT, OUT), dtype=jnp.float32) * s,
        "b_enc2": jnp.zeros((OUT,), jnp.float32),
        "W_pos": jax.random.normal(ks[4], (9, POS), dtype=jnp.float32) * s,
        "b_pos": jnp.zeros((POS,), jnp.float32),
        "W0": jax.random.normal(ks[5], (HID * 2, (OUT + POS) * K), dtype=jnp.float32) * 0.01,
        "b0": jnp.zeros((HID * 2,), jnp.float32),
        "W1": jax.random.normal(ks[6], (HID, HID * 2), dtype=jnp.float32) * s,
        "b1": jnp.zeros((HID,), jnp.float32),
        "W2": jax.random.normal(ks[7], (HID, HID), dtype=jnp.float32) * s,
        "b2": jnp.zeros((HID,), jnp.float32),
        "W3": jax.random.normal(ks[8], (HID, HID * 2), dtype=jnp.float32) * s,
        "b3": jnp.zeros((HID,), jnp.float32),
        "W4": jax.random.normal(ks[9], (HID, HID), dtype=jnp.float32) * s,
        "b4": jnp.zeros((HID,), jnp.float32),
        "W_out": jax.random.normal(ks[10], (3, HID), dtype=jnp.float32) * s,
        "b_out": jnp.zeros((3,), jnp.float32),
        "codebook": jax.random.normal(ks[11], (H, CB, CD), dtype=jnp.float32),
    }

def _conv1x1(W, b, feat):
    return jnp.einsum('oc,bcq->boq', W, feat) + b[None, :, None]

def _forward(q, x, W_enc1, b_enc1, W_enc2, b_enc2, W_pos, b_pos, W0, b0, W1, b1, W2, b2, W3, b3, W4, b4, W_out, b_out, codebook):
    relu = jax.nn.relu
    # encoder: per-point MLP stand-in for pc_encoder (c=3 -> out_dim)
    h = relu(x @ W_enc1 + b_enc1)
    points = h @ W_enc2 + b_enc2  # [B, N, OUT]
    # knn_points(q, x, K)
    d2 = (jnp.sum(q * q, -1, keepdims=True)
          - 2.0 * jnp.einsum('bqd,bnd->bqn', q, x)
          + jnp.sum(x * x, -1)[:, None, :])
    idx = jax.lax.top_k(-d2, K)[1]  # [B, Q, K]
    q_nearest_k = jax.vmap(lambda pts, i: pts[i])(x, idx)  # [B, Q, K, 3]
    q_nearest_k_feature = jax.vmap(lambda pf, i: pf[i])(points, idx)  # [B, Q, K, OUT]
    qk = jnp.broadcast_to(q[:, :, None, :], (B, Q, K, 3))
    pos_in = jnp.concatenate([qk, q_nearest_k, q_nearest_k - qk], axis=-1)  # [B,Q,K,9]
    pos_feature = relu(pos_in @ W_pos + b_pos)  # [B,Q,K,POS]
    features = jnp.concatenate([pos_feature, q_nearest_k_feature], axis=-1).reshape(B, Q, -1)
    features = jnp.transpose(features, (0, 2, 1))  # [B, (OUT+POS)*K, Q]
    features = relu(_conv1x1(W0, b0, features))
    features = relu(_conv1x1(W1, b1, features))
    features = relu(_conv1x1(W2, b2, features))  # [B, HID, Q]
    # VectorQuantize: heads=4, separate codebook per head, codebook_dim=64, channel_last=False, eval mode
    x_cl = jnp.transpose(features, (0, 2, 1))  # [B, Q, HID]
    xh = x_cl.reshape(B, Q, H, CD).transpose(2, 0, 1, 3)  # [H, B, Q, CD]
    d = (jnp.sum(xh * xh, -1, keepdims=True)
         - 2.0 * jnp.einsum('hbqd,hcd->hbqc', xh, codebook)
         + jnp.sum(codebook * codebook, -1)[:, None, None, :])  # [H,B,Q,CB]
    embed_ind = jnp.argmin(d, axis=-1)  # [H, B, Q]
    quantize = jax.vmap(lambda cb, ind: cb[ind])(codebook, embed_ind)  # [H,B,Q,CD]
    quantize = quantize.transpose(1, 2, 0, 3).reshape(B, Q, H * CD)
    embed_ind_out = embed_ind.transpose(1, 2, 0)  # [B, Q, H]
    commit = jnp.mean((jax.lax.stop_gradient(quantize) - x_cl) ** 2) * 0.001
    normed = codebook / (jnp.linalg.norm(codebook, axis=-1, keepdims=True) + 1e-8)
    cos = jnp.einsum('hid,hjd->hij', normed, normed)
    orth = (cos ** 2).sum() / (H * CB ** 2) - (1.0 / CB)
    loss_vq = commit + 1e-5 * orth
    q_st = x_cl + jax.lax.stop_gradient(quantize - x_cl)  # straight-through
    features_vq = jnp.transpose(q_st, (0, 2, 1))  # [B, HID, Q]
    net = relu(_conv1x1(W3, b3, jnp.concatenate([features, features_vq], axis=1)))
    net = relu(_conv1x1(W4, b4, net))
    net = _conv1x1(W_out, b_out, net)
    out = jnp.transpose(net, (0, 2, 1))  # [B, Q, 3]
    counts = jnp.bincount(embed_ind_out[:, :, 0].reshape(-1), length=CB)
    usage = jnp.sum(counts > 0) / CB
    return out, loss_vq, usage

def reference(q, x, W_enc1, b_enc1, W_enc2, b_enc2, W_pos, b_pos, W0, b0, W1, b1, W2, b2, W3, b3, W4, b4, W_out, b_out, codebook):
    return _forward(q, x, W_enc1, b_enc1, W_enc2, b_enc2, W_pos, b_pos, W0, b0, W1, b1, W2, b2, W3, b3, W4, b4, W_out, b_out, codebook)

if __name__ == "__main__":
    import jax
    _d = setup_inputs()
    print(jax.jit(kernel)(*tuple(_d.values())))

</pallas_src>

<mosaic_0001>
#map = affine_map<(d0, d1) -> (0, 0)>
module attributes {stable_mosaic.version = 14 : i64} {
  func.func @gk(%arg0: i32, %arg1: i32, %arg2: memref<8192x256xf32, #tpu.memory_space<hbm>>, %arg3: memref<1x32768xi32, #tpu.memory_space<hbm>>, %arg4: memref<32768x256xf32, #tpu.memory_space<hbm>>) attributes {dimension_semantics = [#tpu.dimension_semantics<core_parallel>, #tpu.dimension_semantics<subcore_parallel>], iteration_bounds = array<i64: 2, 16>, scalar_prefetch = 0 : i64, scratch_operands = 0 : i64, tpu.core_type = #tpu.core_type<sc_vector_subcore>, window_params = [{transform_indices = #map}, {transform_indices = #map}, {transform_indices = #map}]} {
    %mul3A = arith.constant 1 : i32
    %mul3A_0 = arith.muli %arg1, %mul3A : i32
    %add3A = arith.constant 0 : i32
    %add3A_1 = arith.addi %add3A, %mul3A_0 : i32
    %mul3A_2 = arith.constant 16 : i32
    %mul3A_3 = arith.muli %arg0, %mul3A_2 : i32
    %add3A_4 = arith.addi %add3A_1, %mul3A_3 : i32
    %mul3A_5 = arith.constant 8 : i32
    %mul3A_6 = arith.muli %add3A_4, %mul3A_5 : i32
    "tpu.region"() ({
      %run_scoped3A = memref.alloca() : memref<2x1x128xi32, #tpu.memory_space<vmem>>
      %run_scoped3A_7 = tpu.sem_alloc : memref<2x!tpu.dma_semaphore, #tpu.memory_space<semaphore_mem>>
      %run_scoped3A_8 = memref.alloca() : memref<2x128x256xf32, #tpu.memory_space<vmem>>
      %run_scoped3A_9 = tpu.sem_alloc : memref<2x!tpu.dma_semaphore, #tpu.memory_space<semaphore_mem>>
      %add3A_10 = arith.constant 0 : i32
      %add3A_11 = arith.addi %add3A_10, %mul3A_6 : i32
      %select_n3A = arith.constant true
      %select_n3A_12 = arith.constant 0 : i32
      %select_n3A_13 = arith.constant -1 : i32
      %select_n3A_14 = arith.select %select_n3A, %select_n3A_13, %select_n3A_12 : i32
      %eq3A = arith.constant -1 : i32
      %eq3A_15 = arith.cmpi eq, %select_n3A_14, %eq3A : i32
      %select_n3A_16 = arith.constant 7 : i32
      %select_n3A_17 = arith.select %eq3A_15, %select_n3A_16, %select_n3A_14 : i32
      %add3A_18 = arith.addi %select_n3A_17, %mul3A_6 : i32
      %select_n3A_19 = arith.constant true
      %select_n3A_20 = arith.constant 0 : i32
      %select_n3A_21 = arith.constant 1 : i32
      %select_n3A_22 = arith.select %select_n3A_19, %select_n3A_21, %select_n3A_20 : i32
      %eq3A_23 = arith.constant 8 : i32
      %eq3A_24 = arith.cmpi eq, %select_n3A_22, %eq3A_23 : i32
      %select_n3A_25 = arith.constant 0 : i32
      %select_n3A_26 = arith.select %eq3A_24, %select_n3A_25, %select_n3A_22 : i32
      %add3A_27 = arith.addi %select_n3A_26, %mul3A_6 : i32
      %add3A_28 = arith.constant 1 : i32
      %add3A_29 = arith.addi %select_n3A_26, %add3A_28 : i32
      %select_n3A_30 = arith.constant true
      %select_n3A_31 = arith.select %select_n3A_30, %add3A_29, %select_n3A_26 : i32
      %eq3A_32 = arith.constant 8 : i32
      %eq3A_33 = arith.cmpi eq, %select_n3A_31, %eq3A_32 : i32
      %select_n3A_34 = arith.constant 0 : i32
      %select_n3A_35 = arith.select %eq3A_33, %select_n3A_34, %select_n3A_31 : i32
      %add3A_36 = arith.addi %select_n3A_35, %mul3A_6 : i32
      "tpu.trace_start"() <{level = 10 : i32, message = "ep_initialize_0"}> : () -> ()
      %rem3A = arith.constant 0 : i32
      %rem3A_37 = arith.constant 2 : i32
      %rem3A_38 = arith.remui %rem3A, %rem3A_37 : i32
      %mul3A_39 = arith.constant 128 : i32
      %mul3A_40 = arith.muli %mul3A_39, %add3A_11 : i32
      %dma_start3A = arith.constant 0 : i32
      %dma_start3A_41 = arith.constant 0 : i32
      %dma_start3A_42 = tpu.memref_slice %run_scoped3A[%rem3A_38, %dma_start3A, %dma_start3A_41] : memref<2x1x128xi32, #tpu.memory_space<vmem>> -> memref<1x1x128xi32, #tpu.memory_space<vmem>>
      %dma_start3A_43 = tpu.memref_squeeze %dma_start3A_42 : memref<1x1x128xi32, #tpu.memory_space<vmem>> -> memref<1x128xi32, #tpu.memory_space<vmem>>
      %dma_start3A_44 = arith.constant 0 : i32
      %dma_start3A_45 = tpu.memref_slice %arg3[%dma_start3A_44, %mul3A_40] : memref<1x32768xi32, #tpu.memory_space<hbm>> -> memref<1x128xi32, #tpu.memory_space<hbm>>
      %dma_start3A_46 = tpu.memref_slice %run_scoped3A_7[%rem3A_38] : memref<2x!tpu.dma_semaphore, #tpu.memory_space<semaphore_mem>> -> memref<1x!tpu.dma_semaphore, #tpu.memory_space<semaphore_mem>>
      %dma_start3A_47 = tpu.memref_squeeze %dma_start3A_46 : memref<1x!tpu.dma_semaphore, #tpu.memory_space<semaphore_mem>> -> memref<!tpu.dma_semaphore, #tpu.memory_space<semaphore_mem>>
      %dma_start3A_48 = arith.constant 0 : i32
      %dma_start3A_49 = arith.constant 0 : i32
      %dma_start3A_50 = tpu.memref_slice %run_scoped3A[%rem3A_38, %dma_start3A_48, %dma_start3A_49] : memref<2x1x128xi32, #tpu.memory_space<vmem>> -> memref<1x1x128xi32, #tpu.memory_space<vmem>>
      %dma_start3A_51 = tpu.memref_squeeze %dma_start3A_50 : memref<1x1x128xi32, #tpu.memory_space<vmem>> -> memref<1x128xi32, #tpu.memory_space<vmem>>
      %dma_start3A_52 = arith.constant 0 : i32
      %dma_start3A_53 = tpu.memref_slice %arg3[%dma_start3A_52, %mul3A_40] : memref<1x32768xi32, #tpu.memory_space<hbm>> -> memref<1x128xi32, #tpu.memory_space<hbm>>
      tpu.enqueue_dma source(%dma_start3A_53 : memref<1x128xi32, #tpu.memory_space<hbm>>) target(%dma_start3A_51 : memref<1x128xi32, #tpu.memory_space<vmem>>) target_semaphore(%dma_start3A_47 : memref<!tpu.dma_semaphore, #tpu.memory_space<semaphore_mem>>)
      %add3A_54 = arith.constant 0 : i32
      %add3A_55 = arith.constant 1 : i32
      %add3A_56 = arith.addi %add3A_54, %add3A_55 : i32
      %select_n3A_57 = arith.constant true
      %select_n3A_58 = arith.constant 0 : i32
      %select_n3A_59 = arith.select %select_n3A_57, %add3A_56, %select_n3A_58 : i32
      "tpu.trace_stop"() : () -> ()
      %scan3A = arith.constant 0 : i32
      %scan3A_60 = arith.constant 0 : i32
      %scan3A_61 = arith.constant 0 : i32
      %scan3A_62 = arith.constant 0 : i32
      %scan3A_63 = arith.constant 0 : i32
      %scan3A_64 = arith.constant 8 : i32
      %scan3A_65 = arith.addi %scan3A_63, %scan3A_64 : i32
      %scan3A_66 = arith.constant 1 : i32
      %scan3A_67:5 = scf.for %scan3A_121 = %scan3A_63 to %scan3A_65 step %scan3A_66 iter_args(%scan3A_122 = %select_n3A_59, %scan3A_123 = %scan3A, %scan3A_124 = %scan3A_60, %scan3A_125 = %scan3A_61, %scan3A_126 = %scan3A_62) -> (i32, i32, i32, i32, i32)  : i32 {
        %eq3A_127 = arith.constant 0 : i32
        %eq3A_128 = arith.cmpi eq, %scan3A_121, %eq3A_127 : i32
        %eq3A_129 = arith.constant 7 : i32
        %eq3A_130 = arith.cmpi eq, %scan3A_121, %eq3A_129 : i32
        %add3A_131 = arith.addi %scan3A_126, %mul3A_6 : i32
        %sub3A_132 = arith.constant 1 : i32
        %sub3A_133 = arith.subi %scan3A_126, %sub3A_132 : i32
        %select_n3A_134 = arith.constant true
        %select_n3A_135 = arith.select %select_n3A_134, %sub3A_133, %scan3A_126 : i32
        %eq3A_136 = arith.constant -1 : i32
        %eq3A_137 = arith.cmpi eq, %select_n3A_135, %eq3A_136 : i32
        %select_n3A_138 = arith.constant 7 : i32
        %select_n3A_139 = arith.select %eq3A_137, %select_n3A_138, %select_n3A_135 : i32
        %add3A_140 = arith.addi %select_n3A_139, %mul3A_6 : i32
        %add3A_141 = arith.constant 1 : i32
        %add3A_142 = arith.addi %scan3A_126, %add3A_141 : i32
        %select_n3A_143 = arith.constant true
        %select_n3A_144 = arith.select %select_n3A_143, %add3A_142, %scan3A_126 : i32
        %eq3A_145 = arith.constant 8 : i32
        %eq3A_146 = arith.cmpi eq, %select_n3A_144, %eq3A_145 : i32
        %select_n3A_147 = arith.constant 0 : i32
        %select_n3A_148 = arith.select %eq3A_146, %select_n3A_147, %select_n3A_144 : i32
        %add3A_149 = arith.addi %select_n3A_148, %mul3A_6 : i32
        %add3A_150 = arith.constant 1 : i32
        %add3A_151 = arith.addi %select_n3A_148, %add3A_150 : i32
        %select_n3A_152 = arith.constant true
        %select_n3A_153 = arith.select %select_n3A_152, %add3A_151, %select_n3A_148 : i32
        %eq3A_154 = arith.constant 8 : i32
        %eq3A_155 = arith.cmpi eq, %select_n3A_153, %eq3A_154 : i32
        %select_n3A_156 = arith.constant 0 : i32
        %select_n3A_157 = arith.select %eq3A_155, %select_n3A_156, %select_n3A_153 : i32
        %add3A_158 = arith.addi %select_n3A_157, %mul3A_6 : i32
        %ne3A = arith.cmpi ne, %add3A_131, %add3A_149 : i32
        %or3A = arith.constant false
        %or3A_159 = arith.ori %or3A, %ne3A : i1
        %ge3A = arith.constant 7 : i32
        %ge3A_160 = arith.cmpi sge, %scan3A_121, %ge3A : i32
        %not3A = arith.constant true
        %not3A_161 = arith.xori %ge3A_160, %not3A : i1
        %and3A = arith.andi %or3A_159, %not3A_161 : i1
        %convert_element_type3A = arith.extui %and3A : i1 to i32
        %cond3A = arith.constant 0 : i32
        %cond3A_162 = arith.cmpi ne, %convert_element_type3A, %cond3A : i32
        scf.if %cond3A_162 {
          "tpu.trace_start"() <{level = 10 : i32, message = "ep_copy_in"}> : () -> ()
          %rem3A_264 = arith.constant 2 : i32
          %rem3A_265 = arith.remui %scan3A_122, %rem3A_264 : i32
          %mul3A_266 = arith.constant 128 : i32
          %mul3A_267 = arith.muli %mul3A_266, %add3A_149 : i32
          %dma_start3A_268 = arith.constant 0 : i32
          %dma_start3A_269 = arith.constant 0 : i32
          %dma_start3A_270 = tpu.memref_slice %run_scoped3A[%rem3A_265, %dma_start3A_268, %dma_start3A_269] : memref<2x1x128xi32, #tpu.memory_space<vmem>> -> memref<1x1x128xi32, #tpu.memory_space<vmem>>
          %dma_start3A_271 = tpu.memref_squeeze %dma_start3A_270 : memref<1x1x128xi32, #tpu.memory_space<vmem>> -> memref<1x128xi32, #tpu.memory_space<vmem>>
          %dma_start3A_272 = arith.constant 0 : i32
          %dma_start3A_273 = tpu.memref_slice %arg3[%dma_start3A_272, %mul3A_267] : memref<1x32768xi32, #tpu.memory_space<hbm>> -> memref<1x128xi32, #tpu.memory_space<hbm>>
          %dma_start3A_274 = tpu.memref_slice %run_scoped3A_7[%rem3A_265] : memref<2x!tpu.dma_semaphore, #tpu.memory_space<semaphore_mem>> -> memref<1x!tpu.dma_semaphore, #tpu.memory_space<semaphore_mem>>
          %dma_start3A_275 = tpu.memref_squeeze %dma_start3A_274 : memref<1x!tpu.dma_semaphore, #tpu.memory_space<semaphore_mem>> -> memref<!tpu.dma_semaphore, #tpu.memory_space<semaphore_mem>>
          %dma_start3A_276 = arith.constant 0 : i32
          %dma_start3A_277 = arith.constant 0 : i32
          %dma_start3A_278 = tpu.memref_slice %run_scoped3A[%rem3A_265, %dma_start3A_276, %dma_start3A_277] : memref<2x1x128xi32, #tpu.memory_space<vmem>> -> memref<1x1x128xi32, #tpu.memory_space<vmem>>
          %dma_start3A_279 = tpu.memref_squeeze %dma_start3A_278 : memref<1x1x128xi32, #tpu.memory_space<vmem>> -> memref<1x128xi32, #tpu.memory_space<vmem>>
          %dma_start3A_280 = arith.constant 0 : i32
          %dma_start3A_281 = tpu.memref_slice %arg3[%dma_start3A_280, %mul3A_267] : memref<1x32768xi32, #tpu.memory_space<hbm>> -> memref<1x128xi32, #tpu.memory_space<hbm>>
          tpu.enqueue_dma source(%dma_start3A_281 : memref<1x128xi32, #tpu.memory_space<hbm>>) target(%dma_start3A_279 : memref<1x128xi32, #tpu.memory_space<vmem>>) target_semaphore(%dma_start3A_275 : memref<!tpu.dma_semaphore, #tpu.memory_space<semaphore_mem>>)
          "tpu.trace_stop"() : () -> ()
        } else {
        }
        %and3A_163 = arith.constant true
        %and3A_164 = arith.andi %and3A, %and3A_163 : i1
        %add3A_165 = arith.constant 1 : i32
        %add3A_166 = arith.addi %scan3A_122, %add3A_165 : i32
        %select_n3A_167 = arith.select %and3A_164, %add3A_166, %scan3A_122 : i32
        %ne3A_168 = arith.cmpi ne, %add3A_131, %add3A_149 : i32
        %or3A_169 = arith.constant false
        %or3A_170 = arith.ori %or3A_169, %ne3A_168 : i1
        %or3A_171 = arith.constant false
        %or3A_172 = arith.ori %or3A_170, %or3A_171 : i1
        %ge3A_173 = arith.constant 7 : i32
        %ge3A_174 = arith.cmpi sge, %scan3A_121, %ge3A_173 : i32
        %not3A_175 = arith.constant true
        %not3A_176 = arith.xori %ge3A_174, %not3A_175 : i1
        %and3A_177 = arith.andi %or3A_172, %not3A_176 : i1
        %ne3A_178 = arith.cmpi ne, %add3A_131, %add3A_140 : i32
        %or3A_179 = arith.constant false
        %or3A_180 = arith.ori %or3A_179, %ne3A_178 : i1
        %or3A_181 = arith.ori %or3A_180, %eq3A_128 : i1
        %convert_element_type3A_182 = arith.extui %or3A_181 : i1 to i32
        %cond3A_183 = arith.constant 0 : i32
        %cond3A_184 = arith.cmpi ne, %convert_element_type3A_182, %cond3A_183 : i32
        scf.if %cond3A_184 {
          "tpu.trace_start"() <{level = 10 : i32, message = "ep_wait_in"}> : () -> ()
          %mul3A_264 = arith.constant 128 : i32
          %mul3A_265 = arith.muli %mul3A_264, %add3A_131 : i32
          %rem3A_266 = arith.constant 2 : i32
          %rem3A_267 = arith.remui %scan3A_123, %rem3A_266 : i32
          %dma_wait3A_268 = arith.constant 0 : i32
          %dma_wait3A_269 = arith.constant 0 : i32
          %dma_wait3A_270 = tpu.memref_slice %run_scoped3A[%rem3A_267, %dma_wait3A_268, %dma_wait3A_269] : memref<2x1x128xi32, #tpu.memory_space<vmem>> -> memref<1x1x128xi32, #tpu.memory_space<vmem>>
          %dma_wait3A_271 = tpu.memref_squeeze %dma_wait3A_270 : memref<1x1x128xi32, #tpu.memory_space<vmem>> -> memref<1x128xi32, #tpu.memory_space<vmem>>
          %dma_wait3A_272 = arith.constant 0 : i32
          %dma_wait3A_273 = tpu.memref_slice %arg3[%dma_wait3A_272, %mul3A_265] : memref<1x32768xi32, #tpu.memory_space<hbm>> -> memref<1x128xi32, #tpu.memory_space<hbm>>
          %dma_wait3A_274 = tpu.memref_slice %run_scoped3A_7[%rem3A_267] : memref<2x!tpu.dma_semaphore, #tpu.memory_space<semaphore_mem>> -> memref<1x!tpu.dma_semaphore, #tpu.memory_space<semaphore_mem>>
          %dma_wait3A_275 = tpu.memref_squeeze %dma_wait3A_274 : memref<1x!tpu.dma_semaphore, #tpu.memory_space<semaphore_mem>> -> memref<!tpu.dma_semaphore, #tpu.memory_space<semaphore_mem>>
          %dma_wait3A_276 = arith.constant 0 : i32
          %dma_wait3A_277 = arith.constant 0 : i32
          %dma_wait3A_278 = tpu.memref_slice %run_scoped3A[%rem3A_267, %dma_wait3A_276, %dma_wait3A_277] : memref<2x1x128xi32, #tpu.memory_space<vmem>> -> memref<1x1x128xi32, #tpu.memory_space<vmem>>
          %dma_wait3A_279 = tpu.memref_squeeze %dma_wait3A_278 : memref<1x1x128xi32, #tpu.memory_space<vmem>> -> memref<1x128xi32, #tpu.memory_space<vmem>>
          %dma_wait3A_280 = arith.constant 0 : i32
          %dma_wait3A_281 = tpu.memref_slice %arg3[%dma_wait3A_280, %mul3A_265] : memref<1x32768xi32, #tpu.memory_space<hbm>> -> memref<1x128xi32, #tpu.memory_space<hbm>>
          tpu.wait_dma2 semaphore(%dma_wait3A_275 : memref<!tpu.dma_semaphore, #tpu.memory_space<semaphore_mem>>) src(%dma_wait3A_281 : memref<1x128xi32, #tpu.memory_space<hbm>>) dst(%dma_wait3A_279 : memref<1x128xi32, #tpu.memory_space<vmem>>)
          "tpu.trace_stop"() : () -> ()
        } else {
        }
        %ne3A_185 = arith.cmpi ne, %add3A_131, %add3A_140 : i32
        %or3A_186 = arith.constant false
        %or3A_187 = arith.ori %or3A_186, %ne3A_185 : i1
        %or3A_188 = arith.constant false
        %or3A_189 = arith.ori %or3A_187, %or3A_188 : i1
        %or3A_190 = arith.ori %or3A_189, %eq3A_128 : i1
        %convert_element_type3A_191 = arith.extui %or3A_190 : i1 to i32
        %cond3A_192 = arith.constant 0 : i32
        %cond3A_193 = arith.cmpi ne, %convert_element_type3A_191, %cond3A_192 : i32
        scf.if %cond3A_193 {
        } else {
        }
        %rem3A_194 = arith.constant 2 : i32
        %rem3A_195 = arith.remui %scan3A_123, %rem3A_194 : i32
        %rem3A_196 = arith.constant 2 : i32
        %rem3A_197 = arith.remui %scan3A_124, %rem3A_196 : i32
        %run_scoped3A_198 = arith.constant 0 : i32
        "tpu.trace_start"() <{level = 10 : i32, message = "ep_run_kernel"}> : () -> ()
        "tpu.region"() ({
          %run_scoped3A_264 = tpu.sem_alloc : memref<!tpu.dma_semaphore, #tpu.memory_space<semaphore_mem>>
          %dma_start3A_265 = arith.constant 0 : i32
          %dma_start3A_266 = arith.constant 0 : i32
          %dma_start3A_267 = tpu.memref_slice %run_scoped3A_8[%rem3A_197, %dma_start3A_265, %dma_start3A_266] : memref<2x128x256xf32, #tpu.memory_space<vmem>> -> memref<1x128x256xf32, #tpu.memory_space<vmem>>
          %dma_start3A_268 = tpu.memref_squeeze %dma_start3A_267 : memref<1x128x256xf32, #tpu.memory_space<vmem>> -> memref<128x256xf32, #tpu.memory_space<vmem>>
          %dma_start3A_269 = arith.constant 0 : i32
          %dma_start3A_270 = arith.constant 0 : i32
          %dma_start3A_271 = tpu.memref_slice %run_scoped3A[%rem3A_195, %dma_start3A_269, %dma_start3A_270] : memref<2x1x128xi32, #tpu.memory_space<vmem>> -> memref<1x1x128xi32, #tpu.memory_space<vmem>>
          %dma_start3A_272 = tpu.memref_squeeze %dma_start3A_271 : memref<1x1x128xi32, #tpu.memory_space<vmem>> -> memref<1x128xi32, #tpu.memory_space<vmem>>
          %dma_start3A_273 = arith.constant 0 : i32
          %dma_start3A_274 = tpu.memref_slice %dma_start3A_272[%run_scoped3A_198, %dma_start3A_273] : memref<1x128xi32, #tpu.memory_space<vmem>> -> memref<1x128xi32, #tpu.memory_space<vmem>>
          %dma_start3A_275 = tpu.memref_squeeze %dma_start3A_274 : memref<1x128xi32, #tpu.memory_space<vmem>> -> memref<128xi32, #tpu.memory_space<vmem>>
          %dma_start3A_276 = arith.constant 0 : i32
          %dma_start3A_277 = arith.constant 0 : i32
          %dma_start3A_278 = tpu.memref_slice %arg2[%dma_start3A_276, %dma_start3A_277] : memref<8192x256xf32, #tpu.memory_space<hbm>> -> memref<8192x256xf32, #tpu.memory_space<hbm>>
          tpu.enqueue_indirect_dma source(%dma_start3A_278 : memref<8192x256xf32, #tpu.memory_space<hbm>>) target(%dma_start3A_268 : memref<128x256xf32, #tpu.memory_space<vmem>>) offsets(%dma_start3A_275 : memref<128xi32, #tpu.memory_space<vmem>>) semaphore(%run_scoped3A_264 : memref<!tpu.dma_semaphore, #tpu.memory_space<semaphore_mem>>)
          %dma_wait3A_279 = arith.constant 0 : i32
          %dma_wait3A_280 = arith.constant 0 : i32
          %dma_wait3A_281 = tpu.memref_slice %run_scoped3A_8[%rem3A_197, %dma_wait3A_279, %dma_wait3A_280] : memref<2x128x256xf32, #tpu.memory_space<vmem>> -> memref<1x128x256xf32, #tpu.memory_space<vmem>>
          %dma_wait3A_282 = tpu.memref_squeeze %dma_wait3A_281 : memref<1x128x256xf32, #tpu.memory_space<vmem>> -> memref<128x256xf32, #tpu.memory_space<vmem>>
          %dma_wait3A_283 = arith.constant 0 : i32
          %dma_wait3A_284 = arith.constant 0 : i32
          %dma_wait3A_285 = tpu.memref_slice %run_scoped3A[%rem3A_195, %dma_wait3A_283, %dma_wait3A_284] : memref<2x1x128xi32, #tpu.memory_space<vmem>> -> memref<1x1x128xi32, #tpu.memory_space<vmem>>
          %dma_wait3A_286 = tpu.memref_squeeze %dma_wait3A_285 : memref<1x1x128xi32, #tpu.memory_space<vmem>> -> memref<1x128xi32, #tpu.memory_space<vmem>>
          %dma_wait3A_287 = arith.constant 0 : i32
          %dma_wait3A_288 = tpu.memref_slice %dma_wait3A_286[%run_scoped3A_198, %dma_wait3A_287] : memref<1x128xi32, #tpu.memory_space<vmem>> -> memref<1x128xi32, #tpu.memory_space<vmem>>
          %dma_wait3A_289 = tpu.memref_squeeze %dma_wait3A_288 : memref<1x128xi32, #tpu.memory_space<vmem>> -> memref<128xi32, #tpu.memory_space<vmem>>
          %dma_wait3A_290 = arith.constant 0 : i32
          %dma_wait3A_291 = arith.constant 0 : i32
          %dma_wait3A_292 = tpu.memref_slice %arg2[%dma_wait3A_290, %dma_wait3A_291] : memref<8192x256xf32, #tpu.memory_space<hbm>> -> memref<8192x256xf32, #tpu.memory_space<hbm>>
          tpu.wait_indirect_dma semaphore(%run_scoped3A_264 : memref<!tpu.dma_semaphore, #tpu.memory_space<semaphore_mem>>) src(%dma_wait3A_292 : memref<8192x256xf32, #tpu.memory_space<hbm>>) dst(%dma_wait3A_282 : memref<128x256xf32, #tpu.memory_space<vmem>>)
          tpu.yield
        }) : () -> ()
        "tpu.trace_stop"() : () -> ()
        %ne3A_199 = arith.cmpi ne, %add3A_131, %add3A_149 : i32
        %or3A_200 = arith.constant false
        %or3A_201 = arith.ori %or3A_200, %ne3A_199 : i1
        %or3A_202 = arith.ori %or3A_201, %eq3A_130 : i1
        %convert_element_type3A_203 = arith.extui %or3A_202 : i1 to i32
        %cond3A_204 = arith.constant 0 : i32
        %cond3A_205 = arith.cmpi ne, %convert_element_type3A_203, %cond3A_204 : i32
        scf.if %cond3A_205 {
        } else {
        }
        %and3A_206 = arith.constant false
        %and3A_207 = arith.andi %or3A_202, %and3A_206 : i1
        %ne3A_208 = arith.cmpi ne, %add3A_131, %add3A_149 : i32
        %or3A_209 = arith.constant false
        %or3A_210 = arith.ori %or3A_209, %ne3A_208 : i1
        %or3A_211 = arith.constant false
        %or3A_212 = arith.ori %or3A_210, %or3A_211 : i1
        %or3A_213 = arith.ori %or3A_212, %eq3A_130 : i1
        %convert_element_type3A_214 = arith.extui %or3A_213 : i1 to i32
        %cond3A_215 = arith.constant 0 : i32
        %cond3A_216 = arith.cmpi ne, %convert_element_type3A_214, %cond3A_215 : i32
        scf.if %cond3A_216 {
          "tpu.trace_start"() <{level = 10 : i32, message = "ep_copy_out"}> : () -> ()
          %rem3A_264 = arith.constant 2 : i32
          %rem3A_265 = arith.remui %scan3A_124, %rem3A_264 : i32
          %mul3A_266 = arith.constant 128 : i32
          %mul3A_267 = arith.muli %mul3A_266, %add3A_131 : i32
          %dma_start3A_268 = arith.constant 0 : i32
          %dma_start3A_269 = arith.constant 0 : i32
          %dma_start3A_270 = tpu.memref_slice %run_scoped3A_8[%rem3A_265, %dma_start3A_268, %dma_start3A_269] : memref<2x128x256xf32, #tpu.memory_space<vmem>> -> memref<1x128x256xf32, #tpu.memory_space<vmem>>
          %dma_start3A_271 = tpu.memref_squeeze %dma_start3A_270 : memref<1x128x256xf32, #tpu.memory_space<vmem>> -> memref<128x256xf32, #tpu.memory_space<vmem>>
          %dma_start3A_272 = arith.constant 0 : i32
          %dma_start3A_273 = tpu.memref_slice %arg4[%mul3A_267, %dma_start3A_272] : memref<32768x256xf32, #tpu.memory_space<hbm>> -> memref<128x256xf32, #tpu.memory_space<hbm>>
          %dma_start3A_274 = tpu.memref_slice %run_scoped3A_9[%rem3A_265] : memref<2x!tpu.dma_semaphore, #tpu.memory_space<semaphore_mem>> -> memref<1x!tpu.dma_semaphore, #tpu.memory_space<semaphore_mem>>
          %dma_start3A_275 = tpu.memref_squeeze %dma_start3A_274 : memref<1x!tpu.dma_semaphore, #tpu.memory_space<semaphore_mem>> -> memref<!tpu.dma_semaphore, #tpu.memory_space<semaphore_mem>>
          %dma_start3A_276 = arith.constant 0 : i32
          %dma_start3A_277 = tpu.memref_slice %arg4[%mul3A_267, %dma_start3A_276] : memref<32768x256xf32, #tpu.memory_space<hbm>> -> memref<128x256xf32, #tpu.memory_space<hbm>>
          %dma_start3A_278 = arith.constant 0 : i32
          %dma_start3A_279 = arith.constant 0 : i32
          %dma_start3A_280 = tpu.memref_slice %run_scoped3A_8[%rem3A_265, %dma_start3A_278, %dma_start3A_279] : memref<2x128x256xf32, #tpu.memory_space<vmem>> -> memref<1x128x256xf32, #tpu.memory_space<vmem>>
          %dma_start3A_281 = tpu.memref_squeeze %dma_start3A_280 : memref<1x128x256xf32, #tpu.memory_space<vmem>> -> memref<128x256xf32, #tpu.memory_space<vmem>>
          tpu.enqueue_dma source(%dma_start3A_281 : memref<128x256xf32, #tpu.memory_space<vmem>>) target(%dma_start3A_277 : memref<128x256xf32, #tpu.memory_space<hbm>>) target_semaphore(%dma_start3A_275 : memref<!tpu.dma_semaphore, #tpu.memory_space<semaphore_mem>>)
          "tpu.trace_stop"() : () -> ()
        } else {
        }
        %and3A_217 = arith.constant true
        %and3A_218 = arith.andi %or3A_213, %and3A_217 : i1
        %add3A_219 = arith.constant 1 : i32
        %add3A_220 = arith.addi %scan3A_124, %add3A_219 : i32
        %select_n3A_221 = arith.select %and3A_218, %add3A_220, %scan3A_124 : i32
        %ne3A_222 = arith.cmpi ne, %add3A_131, %add3A_140 : i32
        %or3A_223 = arith.constant false
        %or3A_224 = arith.ori %or3A_223, %ne3A_222 : i1
        %not3A_225 = arith.constant true
        %not3A_226 = arith.xori %eq3A_128, %not3A_225 : i1
        %and3A_227 = arith.andi %or3A_224, %not3A_226 : i1
        %convert_element_type3A_228 = arith.extui %and3A_227 : i1 to i32
        %cond3A_229 = arith.constant 0 : i32
        %cond3A_230 = arith.cmpi ne, %convert_element_type3A_228, %cond3A_229 : i32
        scf.if %cond3A_230 {
        } else {
        }
        %and3A_231 = arith.constant false
        %and3A_232 = arith.andi %and3A_227, %and3A_231 : i1
        %ne3A_233 = arith.cmpi ne, %add3A_131, %add3A_140 : i32
        %or3A_234 = arith.constant false
        %or3A_235 = arith.ori %or3A_234, %ne3A_233 : i1
        %or3A_236 = arith.constant false
        %or3A_237 = arith.ori %or3A_235, %or3A_236 : i1
        %not3A_238 = arith.constant true
        %not3A_239 = arith.xori %eq3A_128, %not3A_238 : i1
        %and3A_240 = arith.andi %or3A_237, %not3A_239 : i1
        %convert_element_type3A_241 = arith.extui %and3A_240 : i1 to i32
        %cond3A_242 = arith.constant 0 : i32
        %cond3A_243 = arith.cmpi ne, %convert_element_type3A_241, %cond3A_242 : i32
        scf.if %cond3A_243 {
          "tpu.trace_start"() <{level = 10 : i32, message = "ep_wait_out"}> : () -> ()
          %rem3A_264 = arith.constant 2 : i32
          %rem3A_265 = arith.remui %scan3A_125, %rem3A_264 : i32
          %mul3A_266 = arith.constant 128 : i32
          %mul3A_267 = arith.muli %mul3A_266, %add3A_140 : i32
          %dma_wait3A_268 = arith.constant 0 : i32
          %dma_wait3A_269 = arith.constant 0 : i32
          %dma_wait3A_270 = tpu.memref_slice %run_scoped3A_8[%rem3A_265, %dma_wait3A_268, %dma_wait3A_269] : memref<2x128x256xf32, #tpu.memory_space<vmem>> -> memref<1x128x256xf32, #tpu.memory_space<vmem>>
          %dma_wait3A_271 = tpu.memref_squeeze %dma_wait3A_270 : memref<1x128x256xf32, #tpu.memory_space<vmem>> -> memref<128x256xf32, #tpu.memory_space<vmem>>
          %dma_wait3A_272 = arith.constant 0 : i32
          %dma_wait3A_273 = tpu.memref_slice %arg4[%mul3A_267, %dma_wait3A_272] : memref<32768x256xf32, #tpu.memory_space<hbm>> -> memref<128x256xf32, #tpu.memory_space<hbm>>
          %dma_wait3A_274 = tpu.memref_slice %run_scoped3A_9[%rem3A_265] : memref<2x!tpu.dma_semaphore, #tpu.memory_space<semaphore_mem>> -> memref<1x!tpu.dma_semaphore, #tpu.memory_space<semaphore_mem>>
          %dma_wait3A_275 = tpu.memref_squeeze %dma_wait3A_274 : memref<1x!tpu.dma_semaphore, #tpu.memory_space<semaphore_mem>> -> memref<!tpu.dma_semaphore, #tpu.memory_space<semaphore_mem>>
          %dma_wait3A_276 = arith.constant 0 : i32
          %dma_wait3A_277 = tpu.memref_slice %arg4[%mul3A_267, %dma_wait3A_276] : memref<32768x256xf32, #tpu.memory_space<hbm>> -> memref<128x256xf32, #tpu.memory_space<hbm>>
          %dma_wait3A_278 = arith.constant 0 : i32
          %dma_wait3A_279 = arith.constant 0 : i32
          %dma_wait3A_280 = tpu.memref_slice %run_scoped3A_8[%rem3A_265, %dma_wait3A_278, %dma_wait3A_279] : memref<2x128x256xf32, #tpu.memory_space<vmem>> -> memref<1x128x256xf32, #tpu.memory_space<vmem>>
          %dma_wait3A_281 = tpu.memref_squeeze %dma_wait3A_280 : memref<1x128x256xf32, #tpu.memory_space<vmem>> -> memref<128x256xf32, #tpu.memory_space<vmem>>
          tpu.wait_dma2 semaphore(%dma_wait3A_275 : memref<!tpu.dma_semaphore, #tpu.memory_space<semaphore_mem>>) src(%dma_wait3A_281 : memref<128x256xf32, #tpu.memory_space<vmem>>) dst(%dma_wait3A_277 : memref<128x256xf32, #tpu.memory_space<hbm>>)
          "tpu.trace_stop"() : () -> ()
        } else {
        }
        %and3A_244 = arith.constant true
        %and3A_245 = arith.andi %and3A_240, %and3A_244 : i1
        %add3A_246 = arith.constant 1 : i32
        %add3A_247 = arith.addi %scan3A_125, %add3A_246 : i32
        %select_n3A_248 = arith.select %and3A_245, %add3A_247, %scan3A_125 : i32
        %ne3A_249 = arith.cmpi ne, %add3A_131, %add3A_149 : i32
        %or3A_250 = arith.constant false
        %or3A_251 = arith.ori %or3A_250, %ne3A_249 : i1
        %or3A_252 = arith.ori %or3A_251, %eq3A_130 : i1
        %add3A_253 = arith.constant 1 : i32
        %add3A_254 = arith.addi %scan3A_123, %add3A_253 : i32
        %select_n3A_255 = arith.select %or3A_252, %add3A_254, %scan3A_123 : i32
        %add3A_256 = arith.constant 1 : i32
        %add3A_257 = arith.addi %scan3A_126, %add3A_256 : i32
        %select_n3A_258 = arith.constant true
        %select_n3A_259 = arith.select %select_n3A_258, %add3A_257, %scan3A_126 : i32
        %eq3A_260 = arith.constant 8 : i32
        %eq3A_261 = arith.cmpi eq, %select_n3A_259, %eq3A_260 : i32
        %select_n3A_262 = arith.constant 0 : i32
        %select_n3A_263 = arith.select %eq3A_261, %select_n3A_262, %select_n3A_259 : i32
        scf.yield %select_n3A_167, %select_n3A_255, %select_n3A_221, %select_n3A_248, %select_n3A_263 : i32, i32, i32, i32, i32
      }
      %scan3A_68 = arith.constant 8 : i32
      %sub3A = arith.constant 1 : i32
      %sub3A_69 = arith.subi %scan3A_67#4, %sub3A : i32
      %select_n3A_70 = arith.constant true
      %select_n3A_71 = arith.select %select_n3A_70, %sub3A_69, %scan3A_67#4 : i32
      %eq3A_72 = arith.constant -1 : i32
      %eq3A_73 = arith.cmpi eq, %select_n3A_71, %eq3A_72 : i32
      %select_n3A_74 = arith.constant 7 : i32
      %select_n3A_75 = arith.select %eq3A_73, %select_n3A_74, %select_n3A_71 : i32
      %add3A_76 = arith.addi %select_n3A_75, %mul3A_6 : i32
      %sub3A_77 = arith.constant 1 : i32
      %sub3A_78 = arith.subi %select_n3A_75, %sub3A_77 : i32
      %select_n3A_79 = arith.constant true
      %select_n3A_80 = arith.select %select_n3A_79, %sub3A_78, %select_n3A_75 : i32
      %eq3A_81 = arith.constant -1 : i32
      %eq3A_82 = arith.cmpi eq, %select_n3A_80, %eq3A_81 : i32
      %select_n3A_83 = arith.constant 7 : i32
      %select_n3A_84 = arith.select %eq3A_82, %select_n3A_83, %select_n3A_80 : i32
      %add3A_85 = arith.addi %select_n3A_84, %mul3A_6 : i32
      %add3A_86 = arith.constant 1 : i32
      %add3A_87 = arith.addi %select_n3A_75, %add3A_86 : i32
      %select_n3A_88 = arith.constant true
      %select_n3A_89 = arith.select %select_n3A_88, %add3A_87, %select_n3A_75 : i32
      %eq3A_90 = arith.constant 8 : i32
      %eq3A_91 = arith.cmpi eq, %select_n3A_89, %eq3A_90 : i32
      %select_n3A_92 = arith.constant 0 : i32
      %select_n3A_93 = arith.select %eq3A_91, %select_n3A_92, %select_n3A_89 : i32
      %add3A_94 = arith.addi %select_n3A_93, %mul3A_6 : i32
      %add3A_95 = arith.constant 1 : i32
      %add3A_96 = arith.addi %select_n3A_93, %add3A_95 : i32
      %select_n3A_97 = arith.constant true
      %select_n3A_98 = arith.select %select_n3A_97, %add3A_96, %select_n3A_93 : i32
      %eq3A_99 = arith.constant 8 : i32
      %eq3A_100 = arith.cmpi eq, %select_n3A_98, %eq3A_99 : i32
      %select_n3A_101 = arith.constant 0 : i32
      %select_n3A_102 = arith.select %eq3A_100, %select_n3A_101, %select_n3A_98 : i32
      %add3A_103 = arith.addi %select_n3A_102, %mul3A_6 : i32
      "tpu.trace_start"() <{level = 10 : i32, message = "ep_finalize"}> : () -> ()
      %rem3A_104 = arith.constant 2 : i32
      %rem3A_105 = arith.remui %scan3A_67#3, %rem3A_104 : i32
      %mul3A_106 = arith.constant 128 : i32
      %mul3A_107 = arith.muli %mul3A_106, %add3A_76 : i32
      %dma_wait3A = arith.constant 0 : i32
      %dma_wait3A_108 = arith.constant 0 : i32
      %dma_wait3A_109 = tpu.memref_slice %run_scoped3A_8[%rem3A_105, %dma_wait3A, %dma_wait3A_108] : memref<2x128x256xf32, #tpu.memory_space<vmem>> -> memref<1x128x256xf32, #tpu.memory_space<vmem>>
      %dma_wait3A_110 = tpu.memref_squeeze %dma_wait3A_109 : memref<1x128x256xf32, #tpu.memory_space<vmem>> -> memref<128x256xf32, #tpu.memory_space<vmem>>
      %dma_wait3A_111 = arith.constant 0 : i32
      %dma_wait3A_112 = tpu.memref_slice %arg4[%mul3A_107, %dma_wait3A_111] : memref<32768x256xf32, #tpu.memory_space<hbm>> -> memref<128x256xf32, #tpu.memory_space<hbm>>
      %dma_wait3A_113 = tpu.memref_slice %run_scoped3A_9[%rem3A_105] : memref<2x!tpu.dma_semaphore, #tpu.memory_space<semaphore_mem>> -> memref<1x!tpu.dma_semaphore, #tpu.memory_space<semaphore_mem>>
      %dma_wait3A_114 = tpu.memref_squeeze %dma_wait3A_113 : memref<1x!tpu.dma_semaphore, #tpu.memory_space<semaphore_mem>> -> memref<!tpu.dma_semaphore, #tpu.memory_space<semaphore_mem>>
      %dma_wait3A_115 = arith.constant 0 : i32
      %dma_wait3A_116 = tpu.memref_slice %arg4[%mul3A_107, %dma_wait3A_115] : memref<32768x256xf32, #tpu.memory_space<hbm>> -> memref<128x256xf32, #tpu.memory_space<hbm>>
      %dma_wait3A_117 = arith.constant 0 : i32
      %dma_wait3A_118 = arith.constant 0 : i32
      %dma_wait3A_119 = tpu.memref_slice %run_scoped3A_8[%rem3A_105, %dma_wait3A_117, %dma_wait3A_118] : memref<2x128x256xf32, #tpu.memory_space<vmem>> -> memref<1x128x256xf32, #tpu.memory_space<vmem>>
      %dma_wait3A_120 = tpu.memref_squeeze %dma_wait3A_119 : memref<1x128x256xf32, #tpu.memory_space<vmem>> -> memref<128x256xf32, #tpu.memory_space<vmem>>
      tpu.wait_dma2 semaphore(%dma_wait3A_114 : memref<!tpu.dma_semaphore, #tpu.memory_space<semaphore_mem>>) src(%dma_wait3A_120 : memref<128x256xf32, #tpu.memory_space<vmem>>) dst(%dma_wait3A_116 : memref<128x256xf32, #tpu.memory_space<hbm>>)
      "tpu.trace_stop"() : () -> ()
      tpu.yield
    }) : () -> ()
    return
  }
}

#map = affine_map<(d0, d1) -> (0, 0)>
module attributes {stable_mosaic.version = 14 : i64} {
  func.func @gk(%arg0: i32, %arg1: i32, %arg2: memref<8192x256xf32, #tpu.memory_space<hbm>>, %arg3: memref<1x32768xi32, #tpu.memory_space<hbm>>, %arg4: memref<32768x256xf32, #tpu.memory_space<hbm>>) attributes {dimension_semantics = [#tpu.dimension_semantics<core_parallel>, #tpu.dimension_semantics<subcore_parallel>], iteration_bounds = array<i64: 2, 16>, scalar_prefetch = 0 : i64, scratch_operands = 0 : i64, tpu.core_type = #tpu.core_type<sc_vector_subcore>, window_params = [{transform_indices = #map}, {transform_indices = #map}, {transform_indices = #map}]} {
    %mul3A = arith.constant 1 : i32
    %mul3A_0 = arith.muli %arg1, %mul3A : i32
    %add3A = arith.constant 0 : i32
    %add3A_1 = arith.addi %add3A, %mul3A_0 : i32
    %mul3A_2 = arith.constant 16 : i32
    %mul3A_3 = arith.muli %arg0, %mul3A_2 : i32
    %add3A_4 = arith.addi %add3A_1, %mul3A_3 : i32
    %mul3A_5 = arith.constant 8 : i32
    %mul3A_6 = arith.muli %add3A_4, %mul3A_5 : i32
    "tpu.region"() ({
      %run_scoped3A = memref.alloca() : memref<2x1x128xi32, #tpu.memory_space<vmem>>
      %run_scoped3A_7 = tpu.sem_alloc : memref<2x!tpu.dma_semaphore, #tpu.memory_space<semaphore_mem>>
      %run_scoped3A_8 = memref.alloca() : memref<2x128x256xf32, #tpu.memory_space<vmem>>
      %run_scoped3A_9 = tpu.sem_alloc : memref<2x!tpu.dma_semaphore, #tpu.memory_space<semaphore_mem>>
      %add3A_10 = arith.constant 0 : i32
      %add3A_11 = arith.addi %add3A_10, %mul3A_6 : i32
      %select_n3A = arith.constant true
      %select_n3A_12 = arith.constant 0 : i32
      %select_n3A_13 = arith.constant -1 : i32
      %select_n3A_14 = arith.select %select_n3A, %select_n3A_13, %select_n3A_12 : i32
      %eq3A = arith.constant -1 : i32
      %eq3A_15 = arith.cmpi eq, %select_n3A_14, %eq3A : i32
      %select_n3A_16 = arith.constant 7 : i32
      %select_n3A_17 = arith.select %eq3A_15, %select_n3A_16, %select_n3A_14 : i32
      %add3A_18 = arith.addi %select_n3A_17, %mul3A_6 : i32
      %select_n3A_19 = arith.constant true
      %select_n3A_20 = arith.constant 0 : i32
      %select_n3A_21 = arith.constant 1 : i32
      %select_n3A_22 = arith.select %select_n3A_19, %select_n3A_21, %select_n3A_20 : i32
      %eq3A_23 = arith.constant 8 : i32
      %eq3A_24 = arith.cmpi eq, %select_n3A_22, %eq3A_23 : i32
      %select_n3A_25 = arith.constant 0 : i32
      %select_n3A_26 = arith.select %eq3A_24, %select_n3A_25, %select_n3A_22 : i32
      %add3A_27 = arith.addi %select_n3A_26, %mul3A_6 : i32
      %add3A_28 = arith.constant 1 : i32
      %add3A_29 = arith.addi %select_n3A_26, %add3A_28 : i32
      %select_n3A_30 = arith.constant true
      %select_n3A_31 = arith.select %select_n3A_30, %add3A_29, %select_n3A_26 : i32
      %eq3A_32 = arith.constant 8 : i32
      %eq3A_33 = arith.cmpi eq, %select_n3A_31, %eq3A_32 : i32
      %select_n3A_34 = arith.constant 0 : i32
      %select_n3A_35 = arith.select %eq3A_33, %select_n3A_34, %select_n3A_31 : i32
      %add3A_36 = arith.addi %select_n3A_35, %mul3A_6 : i32
      "tpu.trace_start"() <{level = 10 : i32, message = "ep_initialize_0"}> : () -> ()
      %rem3A = arith.constant 0 : i32
      %rem3A_37 = arith.constant 2 : i32
      %rem3A_38 = arith.remui %rem3A, %rem3A_37 : i32
      %mul3A_39 = arith.constant 128 : i32
      %mul3A_40 = arith.muli %mul3A_39, %add3A_11 : i32
      %dma_start3A = arith.constant 0 : i32
      %dma_start3A_41 = arith.constant 0 : i32
      %dma_start3A_42 = tpu.memref_slice %run_scoped3A[%rem3A_38, %dma_start3A, %dma_start3A_41] : memref<2x1x128xi32, #tpu.memory_space<vmem>> -> memref<1x1x128xi32, #tpu.memory_space<vmem>>
      %dma_start3A_43 = tpu.memref_squeeze %dma_start3A_42 : memref<1x1x128xi32, #tpu.memory_space<vmem>> -> memref<1x128xi32, #tpu.memory_space<vmem>>
      %dma_start3A_44 = arith.constant 0 : i32
      %dma_start3A_45 = tpu.memref_slice %arg3[%dma_start3A_44, %mul3A_40] : memref<1x32768xi32, #tpu.memory_space<hbm>> -> memref<1x128xi32, #tpu.memory_space<hbm>>
      %dma_start3A_46 = tpu.memref_slice %run_scoped3A_7[%rem3A_38] : memref<2x!tpu.dma_semaphore, #tpu.memory_space<semaphore_mem>> -> memref<1x!tpu.dma_semaphore, #tpu.memory_space<semaphore_mem>>
      %dma_start3A_47 = tpu.memref_squeeze %dma_start3A_46 : memref<1x!tpu.dma_semaphore, #tpu.memory_space<semaphore_mem>> -> memref<!tpu.dma_semaphore, #tpu.memory_space<semaphore_mem>>
      %dma_start3A_48 = arith.constant 0 : i32
      %dma_start3A_49 = arith.constant 0 : i32
      %dma_start3A_50 = tpu.memref_slice %run_scoped3A[%rem3A_38, %dma_start3A_48, %dma_start3A_49] : memref<2x1x128xi32, #tpu.memory_space<vmem>> -> memref<1x1x128xi32, #tpu.memory_space<vmem>>
      %dma_start3A_51 = tpu.memref_squeeze %dma_start3A_50 : memref<1x1x128xi32, #tpu.memory_space<vmem>> -> memref<1x128xi32, #tpu.memory_space<vmem>>
      %dma_start3A_52 = arith.constant 0 : i32
      %dma_start3A_53 = tpu.memref_slice %arg3[%dma_start3A_52, %mul3A_40] : memref<1x32768xi32, #tpu.memory_space<hbm>> -> memref<1x128xi32, #tpu.memory_space<hbm>>
      tpu.enqueue_dma source(%dma_start3A_53 : memref<1x128xi32, #tpu.memory_space<hbm>>) target(%dma_start3A_51 : memref<1x128xi32, #tpu.memory_space<vmem>>) target_semaphore(%dma_start3A_47 : memref<!tpu.dma_semaphore, #tpu.memory_space<semaphore_mem>>)
      %add3A_54 = arith.constant 0 : i32
      %add3A_55 = arith.constant 1 : i32
      %add3A_56 = arith.addi %add3A_54, %add3A_55 : i32
      %select_n3A_57 = arith.constant true
      %select_n3A_58 = arith.constant 0 : i32
      %select_n3A_59 = arith.select %select_n3A_57, %add3A_56, %select_n3A_58 : i32
      "tpu.trace_stop"() : () -> ()
      %scan3A = arith.constant 0 : i32
      %scan3A_60 = arith.constant 0 : i32
      %scan3A_61 = arith.constant 0 : i32
      %scan3A_62 = arith.constant 0 : i32
      %scan3A_63 = arith.constant 0 : i32
      %scan3A_64 = arith.constant 8 : i32
      %scan3A_65 = arith.addi %scan3A_63, %scan3A_64 : i32
      %scan3A_66 = arith.constant 1 : i32
      %scan3A_67:5 = scf.for %scan3A_121 = %scan3A_63 to %scan3A_65 step %scan3A_66 iter_args(%scan3A_122 = %select_n3A_59, %scan3A_123 = %scan3A, %scan3A_124 = %scan3A_60, %scan3A_125 = %scan3A_61, %scan3A_126 = %scan3A_62) -> (i32, i32, i32, i32, i32)  : i32 {
        %eq3A_127 = arith.constant 0 : i32
        %eq3A_128 = arith.cmpi eq, %scan3A_121, %eq3A_127 : i32
        %eq3A_129 = arith.constant 7 : i32
        %eq3A_130 = arith.cmpi eq, %scan3A_121, %eq3A_129 : i32
        %add3A_131 = arith.addi %scan3A_126, %mul3A_6 : i32
        %sub3A_132 = arith.constant 1 : i32
        %sub3A_133 = arith.subi %scan3A_126, %sub3A_132 : i32
        %select_n3A_134 = arith.constant true
        %select_n3A_135 = arith.select %select_n3A_134, %sub3A_133, %scan3A_126 : i32
        %eq3A_136 = arith.constant -1 : i32
        %eq3A_137 = arith.cmpi eq, %select_n3A_135, %eq3A_136 : i32
        %select_n3A_138 = arith.constant 7 : i32
        %select_n3A_139 = arith.select %eq3A_137, %select_n3A_138, %select_n3A_135 : i32
        %add3A_140 = arith.addi %select_n3A_139, %mul3A_6 : i32
        %add3A_141 = arith.constant 1 : i32
        %add3A_142 = arith.addi %scan3A_126, %add3A_141 : i32
        %select_n3A_143 = arith.constant true
        %select_n3A_144 = arith.select %select_n3A_143, %add3A_142, %scan3A_126 : i32
        %eq3A_145 = arith.constant 8 : i32
        %eq3A_146 = arith.cmpi eq, %select_n3A_144, %eq3A_145 : i32
        %select_n3A_147 = arith.constant 0 : i32
        %select_n3A_148 = arith.select %eq3A_146, %select_n3A_147, %select_n3A_144 : i32
        %add3A_149 = arith.addi %select_n3A_148, %mul3A_6 : i32
        %add3A_150 = arith.constant 1 : i32
        %add3A_151 = arith.addi %select_n3A_148, %add3A_150 : i32
        %select_n3A_152 = arith.constant true
        %select_n3A_153 = arith.select %select_n3A_152, %add3A_151, %select_n3A_148 : i32
        %eq3A_154 = arith.constant 8 : i32
        %eq3A_155 = arith.cmpi eq, %select_n3A_153, %eq3A_154 : i32
        %select_n3A_156 = arith.constant 0 : i32
        %select_n3A_157 = arith.select %eq3A_155, %select_n3A_156, %select_n3A_153 : i32
        %add3A_158 = arith.addi %select_n3A_157, %mul3A_6 : i32
        %ne3A = arith.cmpi ne, %add3A_131, %add3A_149 : i32
        %or3A = arith.constant false
        %or3A_159 = arith.ori %or3A, %ne3A : i1
        %ge3A = arith.constant 7 : i32
        %ge3A_160 = arith.cmpi sge, %scan3A_121, %ge3A : i32
        %not3A = arith.constant true
        %not3A_161 = arith.xori %ge3A_160, %not3A : i1
        %and3A = arith.andi %or3A_159, %not3A_161 : i1
        %convert_element_type3A = arith.extui %and3A : i1 to i32
        %cond3A = arith.constant 0 : i32
        %cond3A_162 = arith.cmpi ne, %convert_element_type3A, %cond3A : i32
        scf.if %cond3A_162 {
          "tpu.trace_start"() <{level = 10 : i32, message = "ep_copy_in"}> : () -> ()
          %rem3A_264 = arith.constant 2 : i32
          %rem3A_265 = arith.remui %scan3A_122, %rem3A_264 : i32
          %mul3A_266 = arith.constant 128 : i32
          %mul3A_267 = arith.muli %mul3A_266, %add3A_149 : i32
          %dma_start3A_268 = arith.constant 0 : i32
          %dma_start3A_269 = arith.constant 0 : i32
          %dma_start3A_270 = tpu.memref_slice %run_scoped3A[%rem3A_265, %dma_start3A_268, %dma_start3A_269] : memref<2x1x128xi32, #tpu.memory_space<vmem>> -> memref<1x1x128xi32, #tpu.memory_space<vmem>>
          %dma_start3A_271 = tpu.memref_squeeze %dma_start3A_270 : memref<1x1x128xi32, #tpu.memory_space<vmem>> -> memref<1x128xi32, #tpu.memory_space<vmem>>
          %dma_start3A_272 = arith.constant 0 : i32
          %dma_start3A_273 = tpu.memref_slice %arg3[%dma_start3A_272, %mul3A_267] : memref<1x32768xi32, #tpu.memory_space<hbm>> -> memref<1x128xi32, #tpu.memory_space<hbm>>
          %dma_start3A_274 = tpu.memref_slice %run_scoped3A_7[%rem3A_265] : memref<2x!tpu.dma_semaphore, #tpu.memory_space<semaphore_mem>> -> memref<1x!tpu.dma_semaphore, #tpu.memory_space<semaphore_mem>>
          %dma_start3A_275 = tpu.memref_squeeze %dma_start3A_274 : memref<1x!tpu.dma_semaphore, #tpu.memory_space<semaphore_mem>> -> memref<!tpu.dma_semaphore, #tpu.memory_space<semaphore_mem>>
          %dma_start3A_276 = arith.constant 0 : i32
          %dma_start3A_277 = arith.constant 0 : i32
          %dma_start3A_278 = tpu.memref_slice %run_scoped3A[%rem3A_265, %dma_start3A_276, %dma_start3A_277] : memref<2x1x128xi32, #tpu.memory_space<vmem>> -> memref<1x1x128xi32, #tpu.memory_space<vmem>>
          %dma_start3A_279 = tpu.memref_squeeze %dma_start3A_278 : memref<1x1x128xi32, #tpu.memory_space<vmem>> -> memref<1x128xi32, #tpu.memory_space<vmem>>
          %dma_start3A_280 = arith.constant 0 : i32
          %dma_start3A_281 = tpu.memref_slice %arg3[%dma_start3A_280, %mul3A_267] : memref<1x32768xi32, #tpu.memory_space<hbm>> -> memref<1x128xi32, #tpu.memory_space<hbm>>
          tpu.enqueue_dma source(%dma_start3A_281 : memref<1x128xi32, #tpu.memory_space<hbm>>) target(%dma_start3A_279 : memref<1x128xi32, #tpu.memory_space<vmem>>) target_semaphore(%dma_start3A_275 : memref<!tpu.dma_semaphore, #tpu.memory_space<semaphore_mem>>)
          "tpu.trace_stop"() : () -> ()
        } else {
        }
        %and3A_163 = arith.constant true
        %and3A_164 = arith.andi %and3A, %and3A_163 : i1
        %add3A_165 = arith.constant 1 : i32
        %add3A_166 = arith.addi %scan3A_122, %add3A_165 : i32
        %select_n3A_167 = arith.select %and3A_164, %add3A_166, %scan3A_122 : i32
        %ne3A_168 = arith.cmpi ne, %add3A_131, %add3A_149 : i32
        %or3A_169 = arith.constant false
        %or3A_170 = arith.ori %or3A_169, %ne3A_168 : i1
        %or3A_171 = arith.constant false
        %or3A_172 = arith.ori %or3A_170, %or3A_171 : i1
        %ge3A_173 = arith.constant 7 : i32
        %ge3A_174 = arith.cmpi sge, %scan3A_121, %ge3A_173 : i32
        %not3A_175 = arith.constant true
        %not3A_176 = arith.xori %ge3A_174, %not3A_175 : i1
        %and3A_177 = arith.andi %or3A_172, %not3A_176 : i1
        %ne3A_178 = arith.cmpi ne, %add3A_131, %add3A_140 : i32
        %or3A_179 = arith.constant false
        %or3A_180 = arith.ori %or3A_179, %ne3A_178 : i1
        %or3A_181 = arith.ori %or3A_180, %eq3A_128 : i1
        %convert_element_type3A_182 = arith.extui %or3A_181 : i1 to i32
        %cond3A_183 = arith.constant 0 : i32
        %cond3A_184 = arith.cmpi ne, %convert_element_type3A_182, %cond3A_183 : i32
        scf.if %cond3A_184 {
          "tpu.trace_start"() <{level = 10 : i32, message = "ep_wait_in"}> : () -> ()
          %mul3A_264 = arith.constant 128 : i32
          %mul3A_265 = arith.muli %mul3A_264, %add3A_131 : i32
          %rem3A_266 = arith.constant 2 : i32
          %rem3A_267 = arith.remui %scan3A_123, %rem3A_266 : i32
          %dma_wait3A_268 = arith.constant 0 : i32
          %dma_wait3A_269 = arith.constant 0 : i32
          %dma_wait3A_270 = tpu.memref_slice %run_scoped3A[%rem3A_267, %dma_wait3A_268, %dma_wait3A_269] : memref<2x1x128xi32, #tpu.memory_space<vmem>> -> memref<1x1x128xi32, #tpu.memory_space<vmem>>
          %dma_wait3A_271 = tpu.memref_squeeze %dma_wait3A_270 : memref<1x1x128xi32, #tpu.memory_space<vmem>> -> memref<1x128xi32, #tpu.memory_space<vmem>>
          %dma_wait3A_272 = arith.constant 0 : i32
          %dma_wait3A_273 = tpu.memref_slice %arg3[%dma_wait3A_272, %mul3A_265] : memref<1x32768xi32, #tpu.memory_space<hbm>> -> memref<1x128xi32, #tpu.memory_space<hbm>>
          %dma_wait3A_274 = tpu.memref_slice %run_scoped3A_7[%rem3A_267] : memref<2x!tpu.dma_semaphore, #tpu.memory_space<semaphore_mem>> -> memref<1x!tpu.dma_semaphore, #tpu.memory_space<semaphore_mem>>
          %dma_wait3A_275 = tpu.memref_squeeze %dma_wait3A_274 : memref<1x!tpu.dma_semaphore, #tpu.memory_space<semaphore_mem>> -> memref<!tpu.dma_semaphore, #tpu.memory_space<semaphore_mem>>
          %dma_wait3A_276 = arith.constant 0 : i32
          %dma_wait3A_277 = arith.constant 0 : i32
          %dma_wait3A_278 = tpu.memref_slice %run_scoped3A[%rem3A_267, %dma_wait3A_276, %dma_wait3A_277] : memref<2x1x128xi32, #tpu.memory_space<vmem>> -> memref<1x1x128xi32, #tpu.memory_space<vmem>>
          %dma_wait3A_279 = tpu.memref_squeeze %dma_wait3A_278 : memref<1x1x128xi32, #tpu.memory_space<vmem>> -> memref<1x128xi32, #tpu.memory_space<vmem>>
          %dma_wait3A_280 = arith.constant 0 : i32
          %dma_wait3A_281 = tpu.memref_slice %arg3[%dma_wait3A_280, %mul3A_265] : memref<1x32768xi32, #tpu.memory_space<hbm>> -> memref<1x128xi32, #tpu.memory_space<hbm>>
          tpu.wait_dma2 semaphore(%dma_wait3A_275 : memref<!tpu.dma_semaphore, #tpu.memory_space<semaphore_mem>>) src(%dma_wait3A_281 : memref<1x128xi32, #tpu.memory_space<hbm>>) dst(%dma_wait3A_279 : memref<1x128xi32, #tpu.memory_space<vmem>>)
          "tpu.trace_stop"() : () -> ()
        } else {
        }
        %ne3A_185 = arith.cmpi ne, %add3A_131, %add3A_140 : i32
        %or3A_186 = arith.constant false
        %or3A_187 = arith.ori %or3A_186, %ne3A_185 : i1
        %or3A_188 = arith.constant false
        %or3A_189 = arith.ori %or3A_187, %or3A_188 : i1
        %or3A_190 = arith.ori %or3A_189, %eq3A_128 : i1
        %convert_element_type3A_191 = arith.extui %or3A_190 : i1 to i32
        %cond3A_192 = arith.constant 0 : i32
        %cond3A_193 = arith.cmpi ne, %convert_element_type3A_191, %cond3A_192 : i32
        scf.if %cond3A_193 {
        } else {
        }
        %rem3A_194 = arith.constant 2 : i32
        %rem3A_195 = arith.remui %scan3A_123, %rem3A_194 : i32
        %rem3A_196 = arith.constant 2 : i32
        %rem3A_197 = arith.remui %scan3A_124, %rem3A_196 : i32
        %run_scoped3A_198 = arith.constant 0 : i32
        "tpu.trace_start"() <{level = 10 : i32, message = "ep_run_kernel"}> : () -> ()
        "tpu.region"() ({
          %run_scoped3A_264 = tpu.sem_alloc : memref<!tpu.dma_semaphore, #tpu.memory_space<semaphore_mem>>
          %dma_start3A_265 = arith.constant 0 : i32
          %dma_start3A_266 = arith.constant 0 : i32
          %dma_start3A_267 = tpu.memref_slice %run_scoped3A_8[%rem3A_197, %dma_start3A_265, %dma_start3A_266] : memref<2x128x256xf32, #tpu.memory_space<vmem>> -> memref<1x128x256xf32, #tpu.memory_space<vmem>>
          %dma_start3A_268 = tpu.memref_squeeze %dma_start3A_267 : memref<1x128x256xf32, #tpu.memory_space<vmem>> -> memref<128x256xf32, #tpu.memory_space<vmem>>
          %dma_start3A_269 = arith.constant 0 : i32
          %dma_start3A_270 = arith.constant 0 : i32
          %dma_start3A_271 = tpu.memref_slice %run_scoped3A[%rem3A_195, %dma_start3A_269, %dma_start3A_270] : memref<2x1x128xi32, #tpu.memory_space<vmem>> -> memref<1x1x128xi32, #tpu.memory_space<vmem>>
          %dma_start3A_272 = tpu.memref_squeeze %dma_start3A_271 : memref<1x1x128xi32, #tpu.memory_space<vmem>> -> memref<1x128xi32, #tpu.memory_space<vmem>>
          %dma_start3A_273 = arith.constant 0 : i32
          %dma_start3A_274 = tpu.memref_slice %dma_start3A_272[%run_scoped3A_198, %dma_start3A_273] : memref<1x128xi32, #tpu.memory_space<vmem>> -> memref<1x128xi32, #tpu.memory_space<vmem>>
          %dma_start3A_275 = tpu.memref_squeeze %dma_start3A_274 : memref<1x128xi32, #tpu.memory_space<vmem>> -> memref<128xi32, #tpu.memory_space<vmem>>
          %dma_start3A_276 = arith.constant 0 : i32
          %dma_start3A_277 = arith.constant 0 : i32
          %dma_start3A_278 = tpu.memref_slice %arg2[%dma_start3A_276, %dma_start3A_277] : memref<8192x256xf32, #tpu.memory_space<hbm>> -> memref<8192x256xf32, #tpu.memory_space<hbm>>
          tpu.enqueue_indirect_dma source(%dma_start3A_278 : memref<8192x256xf32, #tpu.memory_space<hbm>>) target(%dma_start3A_268 : memref<128x256xf32, #tpu.memory_space<vmem>>) offsets(%dma_start3A_275 : memref<128xi32, #tpu.memory_space<vmem>>) semaphore(%run_scoped3A_264 : memref<!tpu.dma_semaphore, #tpu.memory_space<semaphore_mem>>)
          %dma_wait3A_279 = arith.constant 0 : i32
          %dma_wait3A_280 = arith.constant 0 : i32
          %dma_wait3A_281 = tpu.memref_slice %run_scoped3A_8[%rem3A_197, %dma_wait3A_279, %dma_wait3A_280] : memref<2x128x256xf32, #tpu.memory_space<vmem>> -> memref<1x128x256xf32, #tpu.memory_space<vmem>>
          %dma_wait3A_282 = tpu.memref_squeeze %dma_wait3A_281 : memref<1x128x256xf32, #tpu.memory_space<vmem>> -> memref<128x256xf32, #tpu.memory_space<vmem>>
          %dma_wait3A_283 = arith.constant 0 : i32
          %dma_wait3A_284 = arith.constant 0 : i32
          %dma_wait3A_285 = tpu.memref_slice %run_scoped3A[%rem3A_195, %dma_wait3A_283, %dma_wait3A_284] : memref<2x1x128xi32, #tpu.memory_space<vmem>> -> memref<1x1x128xi32, #tpu.memory_space<vmem>>
          %dma_wait3A_286 = tpu.memref_squeeze %dma_wait3A_285 : memref<1x1x128xi32, #tpu.memory_space<vmem>> -> memref<1x128xi32, #tpu.memory_space<vmem>>
          %dma_wait3A_287 = arith.constant 0 : i32
          %dma_wait3A_288 = tpu.memref_slice %dma_wait3A_286[%run_scoped3A_198, %dma_wait3A_287] : memref<1x128xi32, #tpu.memory_space<vmem>> -> memref<1x128xi32, #tpu.memory_space<vmem>>
          %dma_wait3A_289 = tpu.memref_squeeze %dma_wait3A_288 : memref<1x128xi32, #tpu.memory_space<vmem>> -> memref<128xi32, #tpu.memory_space<vmem>>
          %dma_wait3A_290 = arith.constant 0 : i32
          %dma_wait3A_291 = arith.constant 0 : i32
          %dma_wait3A_292 = tpu.memref_slice %arg2[%dma_wait3A_290, %dma_wait3A_291] : memref<8192x256xf32, #tpu.memory_space<hbm>> -> memref<8192x256xf32, #tpu.memory_space<hbm>>
          tpu.wait_indirect_dma semaphore(%run_scoped3A_264 : memref<!tpu.dma_semaphore, #tpu.memory_space<semaphore_mem>>) src(%dma_wait3A_292 : memref<8192x256xf32, #tpu.memory_space<hbm>>) dst(%dma_wait3A_282 : memref<128x256xf32, #tpu.memory_space<vmem>>)
          tpu.yield
        }) : () -> ()
        "tpu.trace_stop"() : () -> ()
        %ne3A_199 = arith.cmpi ne, %add3A_131, %add3A_149 : i32
        %or3A_200 = arith.constant false
        %or3A_201 = arith.ori %or3A_200, %ne3A_199 : i1
        %or3A_202 = arith.ori %or3A_201, %eq3A_130 : i1
        %convert_element_type3A_203 = arith.extui %or3A_202 : i1 to i32
        %cond3A_204 = arith.constant 0 : i32
        %cond3A_205 = arith.cmpi ne, %convert_element_type3A_203, %cond3A_204 : i32
        scf.if %cond3A_205 {
        } else {
        }
        %and3A_206 = arith.constant false
        %and3A_207 = arith.andi %or3A_202, %and3A_206 : i1
        %ne3A_208 = arith.cmpi ne, %add3A_131, %add3A_149 : i32
        %or3A_209 = arith.constant false
        %or3A_210 = arith.ori %or3A_209, %ne3A_208 : i1
        %or3A_211 = arith.constant false
        %or3A_212 = arith.ori %or3A_210, %or3A_211 : i1
        %or3A_213 = arith.ori %or3A_212, %eq3A_130 : i1
        %convert_element_type3A_214 = arith.extui %or3A_213 : i1 to i32
        %cond3A_215 = arith.constant 0 : i32
        %cond3A_216 = arith.cmpi ne, %convert_element_type3A_214, %cond3A_215 : i32
        scf.if %cond3A_216 {
          "tpu.trace_start"() <{level = 10 : i32, message = "ep_copy_out"}> : () -> ()
          %rem3A_264 = arith.constant 2 : i32
          %rem3A_265 = arith.remui %scan3A_124, %rem3A_264 : i32
          %mul3A_266 = arith.constant 128 : i32
          %mul3A_267 = arith.muli %mul3A_266, %add3A_131 : i32
          %dma_start3A_268 = arith.constant 0 : i32
          %dma_start3A_269 = arith.constant 0 : i32
          %dma_start3A_270 = tpu.memref_slice %run_scoped3A_8[%rem3A_265, %dma_start3A_268, %dma_start3A_269] : memref<2x128x256xf32, #tpu.memory_space<vmem>> -> memref<1x128x256xf32, #tpu.memory_space<vmem>>
          %dma_start3A_271 = tpu.memref_squeeze %dma_start3A_270 : memref<1x128x256xf32, #tpu.memory_space<vmem>> -> memref<128x256xf32, #tpu.memory_space<vmem>>
          %dma_start3A_272 = arith.constant 0 : i32
          %dma_start3A_273 = tpu.memref_slice %arg4[%mul3A_267, %dma_start3A_272] : memref<32768x256xf32, #tpu.memory_space<hbm>> -> memref<128x256xf32, #tpu.memory_space<hbm>>
          %dma_start3A_274 = tpu.memref_slice %run_scoped3A_9[%rem3A_265] : memref<2x!tpu.dma_semaphore, #tpu.memory_space<semaphore_mem>> -> memref<1x!tpu.dma_semaphore, #tpu.memory_space<semaphore_mem>>
          %dma_start3A_275 = tpu.memref_squeeze %dma_start3A_274 : memref<1x!tpu.dma_semaphore, #tpu.memory_space<semaphore_mem>> -> memref<!tpu.dma_semaphore, #tpu.memory_space<semaphore_mem>>
          %dma_start3A_276 = arith.constant 0 : i32
          %dma_start3A_277 = tpu.memref_slice %arg4[%mul3A_267, %dma_start3A_276] : memref<32768x256xf32, #tpu.memory_space<hbm>> -> memref<128x256xf32, #tpu.memory_space<hbm>>
          %dma_start3A_278 = arith.constant 0 : i32
          %dma_start3A_279 = arith.constant 0 : i32
          %dma_start3A_280 = tpu.memref_slice %run_scoped3A_8[%rem3A_265, %dma_start3A_278, %dma_start3A_279] : memref<2x128x256xf32, #tpu.memory_space<vmem>> -> memref<1x128x256xf32, #tpu.memory_space<vmem>>
          %dma_start3A_281 = tpu.memref_squeeze %dma_start3A_280 : memref<1x128x256xf32, #tpu.memory_space<vmem>> -> memref<128x256xf32, #tpu.memory_space<vmem>>
          tpu.enqueue_dma source(%dma_start3A_281 : memref<128x256xf32, #tpu.memory_space<vmem>>) target(%dma_start3A_277 : memref<128x256xf32, #tpu.memory_space<hbm>>) target_semaphore(%dma_start3A_275 : memref<!tpu.dma_semaphore, #tpu.memory_space<semaphore_mem>>)
          "tpu.trace_stop"() : () -> ()
        } else {
        }
        %and3A_217 = arith.constant true
        %and3A_218 = arith.andi %or3A_213, %and3A_217 : i1
        %add3A_219 = arith.constant 1 : i32
        %add3A_220 = arith.addi %scan3A_124, %add3A_219 : i32
        %select_n3A_221 = arith.select %and3A_218, %add3A_220, %scan3A_124 : i32
        %ne3A_222 = arith.cmpi ne, %add3A_131, %add3A_140 : i32
        %or3A_223 = arith.constant false
        %or3A_224 = arith.ori %or3A_223, %ne3A_222 : i1
        %not3A_225 = arith.constant true
        %not3A_226 = arith.xori %eq3A_128, %not3A_225 : i1
        %and3A_227 = arith.andi %or3A_224, %not3A_226 : i1
        %convert_element_type3A_228 = arith.extui %and3A_227 : i1 to i32
        %cond3A_229 = arith.constant 0 : i32
        %cond3A_230 = arith.cmpi ne, %convert_element_type3A_228, %cond3A_229 : i32
        scf.if %cond3A_230 {
        } else {
        }
        %and3A_231 = arith.constant false
        %and3A_232 = arith.andi %and3A_227, %and3A_231 : i1
        %ne3A_233 = arith.cmpi ne, %add3A_131, %add3A_140 : i32
        %or3A_234 = arith.constant false
        %or3A_235 = arith.ori %or3A_234, %ne3A_233 : i1
        %or3A_236 = arith.constant false
        %or3A_237 = arith.ori %or3A_235, %or3A_236 : i1
        %not3A_238 = arith.constant true
        %not3A_239 = arith.xori %eq3A_128, %not3A_238 : i1
        %and3A_240 = arith.andi %or3A_237, %not3A_239 : i1
        %convert_element_type3A_241 = arith.extui %and3A_240 : i1 to i32
        %cond3A_242 = arith.constant 0 : i32
        %cond3A_243 = arith.cmpi ne, %convert_element_type3A_241, %cond3A_242 : i32
        scf.if %cond3A_243 {
          "tpu.trace_start"() <{level = 10 : i32, message = "ep_wait_out"}> : () -> ()
          %rem3A_264 = arith.constant 2 : i32
          %rem3A_265 = arith.remui %scan3A_125, %rem3A_264 : i32
          %mul3A_266 = arith.constant 128 : i32
          %mul3A_267 = arith.muli %mul3A_266, %add3A_140 : i32
          %dma_wait3A_268 = arith.constant 0 : i32
          %dma_wait3A_269 = arith.constant 0 : i32
          %dma_wait3A_270 = tpu.memref_slice %run_scoped3A_8[%rem3A_265, %dma_wait3A_268, %dma_wait3A_269] : memref<2x128x256xf32, #tpu.memory_space<vmem>> -> memref<1x128x256xf32, #tpu.memory_space<vmem>>
          %dma_wait3A_271 = tpu.memref_squeeze %dma_wait3A_270 : memref<1x128x256xf32, #tpu.memory_space<vmem>> -> memref<128x256xf32, #tpu.memory_space<vmem>>
          %dma_wait3A_272 = arith.constant 0 : i32
          %dma_wait3A_273 = tpu.memref_slice %arg4[%mul3A_267, %dma_wait3A_272] : memref<32768x256xf32, #tpu.memory_space<hbm>> -> memref<128x256xf32, #tpu.memory_space<hbm>>
          %dma_wait3A_274 = tpu.memref_slice %run_scoped3A_9[%rem3A_265] : memref<2x!tpu.dma_semaphore, #tpu.memory_space<semaphore_mem>> -> memref<1x!tpu.dma_semaphore, #tpu.memory_space<semaphore_mem>>
          %dma_wait3A_275 = tpu.memref_squeeze %dma_wait3A_274 : memref<1x!tpu.dma_semaphore, #tpu.memory_space<semaphore_mem>> -> memref<!tpu.dma_semaphore, #tpu.memory_space<semaphore_mem>>
          %dma_wait3A_276 = arith.constant 0 : i32
          %dma_wait3A_277 = tpu.memref_slice %arg4[%mul3A_267, %dma_wait3A_276] : memref<32768x256xf32, #tpu.memory_space<hbm>> -> memref<128x256xf32, #tpu.memory_space<hbm>>
          %dma_wait3A_278 = arith.constant 0 : i32
          %dma_wait3A_279 = arith.constant 0 : i32
          %dma_wait3A_280 = tpu.memref_slice %run_scoped3A_8[%rem3A_265, %dma_wait3A_278, %dma_wait3A_279] : memref<2x128x256xf32, #tpu.memory_space<vmem>> -> memref<1x128x256xf32, #tpu.memory_space<vmem>>
          %dma_wait3A_281 = tpu.memref_squeeze %dma_wait3A_280 : memref<1x128x256xf32, #tpu.memory_space<vmem>> -> memref<128x256xf32, #tpu.memory_space<vmem>>
          tpu.wait_dma2 semaphore(%dma_wait3A_275 : memref<!tpu.dma_semaphore, #tpu.memory_space<semaphore_mem>>) src(%dma_wait3A_281 : memref<128x256xf32, #tpu.memory_space<vmem>>) dst(%dma_wait3A_277 : memref<128x256xf32, #tpu.memory_space<hbm>>)
          "tpu.trace_stop"() : () -> ()
        } else {
        }
        %and3A_244 = arith.constant true
        %and3A_245 = arith.andi %and3A_240, %and3A_244 : i1
        %add3A_246 = arith.constant 1 : i32
        %add3A_247 = arith.addi %scan3A_125, %add3A_246 : i32
        %select_n3A_248 = arith.select %and3A_245, %add3A_247, %scan3A_125 : i32
        %ne3A_249 = arith.cmpi ne, %add3A_131, %add3A_149 : i32
        %or3A_250 = arith.constant false
        %or3A_251 = arith.ori %or3A_250, %ne3A_249 : i1
        %or3A_252 = arith.ori %or3A_251, %eq3A_130 : i1
        %add3A_253 = arith.constant 1 : i32
        %add3A_254 = arith.addi %scan3A_123, %add3A_253 : i32
        %select_n3A_255 = arith.select %or3A_252, %add3A_254, %scan3A_123 : i32
        %add3A_256 = arith.constant 1 : i32
        %add3A_257 = arith.addi %scan3A_126, %add3A_256 : i32
        %select_n3A_258 = arith.constant true
        %select_n3A_259 = arith.select %select_n3A_258, %add3A_257, %scan3A_126 : i32
        %eq3A_260 = arith.constant 8 : i32
        %eq3A_261 = arith.cmpi eq, %select_n3A_259, %eq3A_260 : i32
        %select_n3A_262 = arith.constant 0 : i32
        %select_n3A_263 = arith.select %eq3A_261, %select_n3A_262, %select_n3A_259 : i32
        scf.yield %select_n3A_167, %select_n3A_255, %select_n3A_221, %select_n3A_248, %select_n3A_263 : i32, i32, i32, i32, i32
      }
      %scan3A_68 = arith.constant 8 : i32
      %sub3A = arith.constant 1 : i32
      %sub3A_69 = arith.subi %scan3A_67#4, %sub3A : i32
      %select_n3A_70 = arith.constant true
      %select_n3A_71 = arith.select %select_n3A_70, %sub3A_69, %scan3A_67#4 : i32
      %eq3A_72 = arith.constant -1 : i32
      %eq3A_73 = arith.cmpi eq, %select_n3A_71, %eq3A_72 : i32
      %select_n3A_74 = arith.constant 7 : i32
      %select_n3A_75 = arith.select %eq3A_73, %select_n3A_74, %select_n3A_71 : i32
      %add3A_76 = arith.addi %select_n3A_75, %mul3A_6 : i32
      %sub3A_77 = arith.constant 1 : i32
      %sub3A_78 = arith.subi %select_n3A_75, %sub3A_77 : i32
      %select_n3A_79 = arith.constant true
      %select_n3A_80 = arith.select %select_n3A_79, %sub3A_78, %select_n3A_75 : i32
      %eq3A_81 = arith.constant -1 : i32
      %eq3A_82 = arith.cmpi eq, %select_n3A_80, %eq3A_81 : i32
      %select_n3A_83 = arith.constant 7 : i32
      %select_n3A_84 = arith.select %eq3A_82, %select_n3A_83, %select_n3A_80 : i32
      %add3A_85 = arith.addi %select_n3A_84, %mul3A_6 : i32
      %add3A_86 = arith.constant 1 : i32
      %add3A_87 = arith.addi %select_n3A_75, %add3A_86 : i32
      %select_n3A_88 = arith.constant true
      %select_n3A_89 = arith.select %select_n3A_88, %add3A_87, %select_n3A_75 : i32
      %eq3A_90 = arith.constant 8 : i32
      %eq3A_91 = arith.cmpi eq, %select_n3A_89, %eq3A_90 : i32
      %select_n3A_92 = arith.constant 0 : i32
      %select_n3A_93 = arith.select %eq3A_91, %select_n3A_92, %select_n3A_89 : i32
      %add3A_94 = arith.addi %select_n3A_93, %mul3A_6 : i32
      %add3A_95 = arith.constant 1 : i32
      %add3A_96 = arith.addi %select_n3A_93, %add3A_95 : i32
      %select_n3A_97 = arith.constant true
      %select_n3A_98 = arith.select %select_n3A_97, %add3A_96, %select_n3A_93 : i32
      %eq3A_99 = arith.constant 8 : i32
      %eq3A_100 = arith.cmpi eq, %select_n3A_98, %eq3A_99 : i32
      %select_n3A_101 = arith.constant 0 : i32
      %select_n3A_102 = arith.select %eq3A_100, %select_n3A_101, %select_n3A_98 : i32
      %add3A_103 = arith.addi %select_n3A_102, %mul3A_6 : i32
      "tpu.trace_start"() <{level = 10 : i32, message = "ep_finalize"}> : () -> ()
      %rem3A_104 = arith.constant 2 : i32
      %rem3A_105 = arith.remui %scan3A_67#3, %rem3A_104 : i32
      %mul3A_106 = arith.constant 128 : i32
      %mul3A_107 = arith.muli %mul3A_106, %add3A_76 : i32
      %dma_wait3A = arith.constant 0 : i32
      %dma_wait3A_108 = arith.constant 0 : i32
      %dma_wait3A_109 = tpu.memref_slice %run_scoped3A_8[%rem3A_105, %dma_wait3A, %dma_wait3A_108] : memref<2x128x256xf32, #tpu.memory_space<vmem>> -> memref<1x128x256xf32, #tpu.memory_space<vmem>>
      %dma_wait3A_110 = tpu.memref_squeeze %dma_wait3A_109 : memref<1x128x256xf32, #tpu.memory_space<vmem>> -> memref<128x256xf32, #tpu.memory_space<vmem>>
      %dma_wait3A_111 = arith.constant 0 : i32
      %dma_wait3A_112 = tpu.memref_slice %arg4[%mul3A_107, %dma_wait3A_111] : memref<32768x256xf32, #tpu.memory_space<hbm>> -> memref<128x256xf32, #tpu.memory_space<hbm>>
      %dma_wait3A_113 = tpu.memref_slice %run_scoped3A_9[%rem3A_105] : memref<2x!tpu.dma_semaphore, #tpu.memory_space<semaphore_mem>> -> memref<1x!tpu.dma_semaphore, #tpu.memory_space<semaphore_mem>>
      %dma_wait3A_114 = tpu.memref_squeeze %dma_wait3A_113 : memref<1x!tpu.dma_semaphore, #tpu.memory_space<semaphore_mem>> -> memref<!tpu.dma_semaphore, #tpu.memory_space<semaphore_mem>>
      %dma_wait3A_115 = arith.constant 0 : i32
      %dma_wait3A_116 = tpu.memref_slice %arg4[%mul3A_107, %dma_wait3A_115] : memref<32768x256xf32, #tpu.memory_space<hbm>> -> memref<128x256xf32, #tpu.memory_space<hbm>>
      %dma_wait3A_117 = arith.constant 0 : i32
      %dma_wait3A_118 = arith.constant 0 : i32
      %dma_wait3A_119 = tpu.memref_slice %run_scoped3A_8[%rem3A_105, %dma_wait3A_117, %dma_wait3A_118] : memref<2x128x256xf32, #tpu.memory_space<vmem>> -> memref<1x128x256xf32, #tpu.memory_space<vmem>>
      %dma_wait3A_120 = tpu.memref_squeeze %dma_wait3A_119 : memref<1x128x256xf32, #tpu.memory_space<vmem>> -> memref<128x256xf32, #tpu.memory_space<vmem>>
      tpu.wait_dma2 semaphore(%dma_wait3A_114 : memref<!tpu.dma_semaphore, #tpu.memory_space<semaphore_mem>>) src(%dma_wait3A_120 : memref<128x256xf32, #tpu.memory_space<vmem>>) dst(%dma_wait3A_116 : memref<128x256xf32, #tpu.memory_space<hbm>>)
      "tpu.trace_stop"() : () -> ()
      tpu.yield
    }) : () -> ()
    return
  }
}

module attributes {stable_mosaic.version = 14 : i64} {
  func.func @_knn_body(%arg0: i32, %arg1: i32, %arg2: memref<1x512x3xf32, #tpu.memory_space<vmem>>, %arg3: memref<1x3x4096xf32, #tpu.memory_space<vmem>>, %arg4: memref<1x512x8xi32, #tpu.memory_space<vmem>>) attributes {dimension_semantics = [#tpu.dimension_semantics<arbitrary>, #tpu.dimension_semantics<arbitrary>], iteration_bounds = array<i64: 2, 4>, scalar_prefetch = 0 : i64, scratch_operands = 0 : i64, tpu.core_type = #tpu.core_type<tc>, window_params = [{transform_indices = @transform_0, window_bounds = array<i64: 1, 512, 3>}, {transform_indices = @transform_1, window_bounds = array<i64: 1, 3, 4096>}, {transform_indices = @transform_2, window_bounds = array<i64: 1, 512, 8>}]} {
    %get3A = arith.constant 0 : index
    %get3A_0 = arith.constant 0 : index
    %get3A_1 = arith.constant 0 : index
    %get3A_2 = vector.load %arg2[%get3A, %get3A_0, %get3A_1] : memref<1x512x3xf32, #tpu.memory_space<vmem>>, vector<1x512x3xf32>
    %get3A_3 = vector.shape_cast %get3A_2 : vector<1x512x3xf32> to vector<512x3xf32>
    %get3A_4 = arith.constant 0 : index
    %get3A_5 = arith.constant 0 : index
    %get3A_6 = arith.constant 0 : index
    %get3A_7 = vector.load %arg3[%get3A_4, %get3A_5, %get3A_6] : memref<1x3x4096xf32, #tpu.memory_space<vmem>>, vector<1x3x4096xf32>
    %get3A_8 = vector.shape_cast %get3A_7 : vector<1x3x4096xf32> to vector<3x4096xf32>
    %dot_general3A = arith.constant dense<0.000000e+00> : vector<512x4096xf32>
    %dot_general3A_9 = tpu.matmul %get3A_3, %get3A_8, %dot_general3A {dimension_numbers = #tpu.dot_dimension_numbers<[1], [0], [0], [1], [0, 0, 1, 1], [], []>, transpose_lhs_hint = false} : vector<512x3xf32>, vector<3x4096xf32>, vector<512x4096xf32> -> vector<512x4096xf32>
    %mul3A = arith.mulf %get3A_3, %get3A_3 : vector<512x3xf32>
    %reduce_sum3A = arith.constant dense<0.000000e+00> : vector<512xf32>
    %reduce_sum3A_10 = vector.multi_reduction <add>, %mul3A, %reduce_sum3A [1] : vector<512x3xf32> to vector<512xf32>
    %broadcast_in_dim3A = vector.shape_cast %reduce_sum3A_10 : vector<512xf32> to vector<512x1xf32>
    %mul3A_11 = arith.mulf %get3A_8, %get3A_8 : vector<3x4096xf32>
    %reduce_sum3A_12 = arith.constant dense<0.000000e+00> : vector<4096xf32>
    %reduce_sum3A_13 = vector.multi_reduction <add>, %mul3A_11, %reduce_sum3A_12 [0] : vector<3x4096xf32> to vector<4096xf32>
    %broadcast_in_dim3A_14 = vector.shape_cast %reduce_sum3A_13 : vector<4096xf32> to vector<1x4096xf32>
    %mul3A_15 = arith.constant 2.000000e+00 : f32
    %mul3A_16 = vector.broadcast %mul3A_15 : f32 to vector<512x4096xf32>
    %mul3A_17 = arith.mulf %mul3A_16, %dot_general3A_9 : vector<512x4096xf32>
    %sub3A = vector.broadcast %broadcast_in_dim3A : vector<512x1xf32> to vector<512x4096xf32>
    %sub3A_18 = arith.subf %sub3A, %mul3A_17 : vector<512x4096xf32>
    %add3A = vector.broadcast %broadcast_in_dim3A_14 : vector<1x4096xf32> to vector<512x4096xf32>
    %add3A_19 = arith.addf %sub3A_18, %add3A : vector<512x4096xf32>
    %slice3A = vector.extract_strided_slice %add3A_19 {offsets = [0, 0], sizes = [512, 128], strides = [1, 1]} : vector<512x4096xf32> to vector<512x128xf32>
    %slice3A_20 = vector.extract_strided_slice %add3A_19 {offsets = [0, 128], sizes = [512, 128], strides = [1, 1]} : vector<512x4096xf32> to vector<512x128xf32>
    %slice3A_21 = vector.extract_strided_slice %add3A_19 {offsets = [0, 256], sizes = [512, 128], strides = [1, 1]} : vector<512x4096xf32> to vector<512x128xf32>
    %slice3A_22 = vector.extract_strided_slice %add3A_19 {offsets = [0, 384], sizes = [512, 128], strides = [1, 1]} : vector<512x4096xf32> to vector<512x128xf32>
    %slice3A_23 = vector.extract_strided_slice %add3A_19 {offsets = [0, 512], sizes = [512, 128], strides = [1, 1]} : vector<512x4096xf32> to vector<512x128xf32>
    %slice3A_24 = vector.extract_strided_slice %add3A_19 {offsets = [0, 640], sizes = [512, 128], strides = [1, 1]} : vector<512x4096xf32> to vector<512x128xf32>
    %slice3A_25 = vector.extract_strided_slice %add3A_19 {offsets = [0, 768], sizes = [512, 128], strides = [1, 1]} : vector<512x4096xf32> to vector<512x128xf32>
    %slice3A_26 = vector.extract_strided_slice %add3A_19 {offsets = [0, 896], sizes = [512, 128], strides = [1, 1]} : vector<512x4096xf32> to vector<512x128xf32>
    %slice3A_27 = vector.extract_strided_slice %add3A_19 {offsets = [0, 1024], sizes = [512, 128], strides = [1, 1]} : vector<512x4096xf32> to vector<512x128xf32>
    %slice3A_28 = vector.extract_strided_slice %add3A_19 {offsets = [0, 1152], sizes = [512, 128], strides = [1, 1]} : vector<512x4096xf32> to vector<512x128xf32>
    %slice3A_29 = vector.extract_strided_slice %add3A_19 {offsets = [0, 1280], sizes = [512, 128], strides = [1, 1]} : vector<512x4096xf32> to vector<512x128xf32>
    %slice3A_30 = vector.extract_strided_slice %add3A_19 {offsets = [0, 1408], sizes = [512, 128], strides = [1, 1]} : vector<512x4096xf32> to vector<512x128xf32>
    %slice3A_31 = vector.extract_strided_slice %add3A_19 {offsets = [0, 1536], sizes = [512, 128], strides = [1, 1]} : vector<512x4096xf32> to vector<512x128xf32>
    %slice3A_32 = vector.extract_strided_slice %add3A_19 {offsets = [0, 1664], sizes = [512, 128], strides = [1, 1]} : vector<512x4096xf32> to vector<512x128xf32>
    %slice3A_33 = vector.extract_strided_slice %add3A_19 {offsets = [0, 1792], sizes = [512, 128], strides = [1, 1]} : vector<512x4096xf32> to vector<512x128xf32>
    %slice3A_34 = vector.extract_strided_slice %add3A_19 {offsets = [0, 1920], sizes = [512, 128], strides = [1, 1]} : vector<512x4096xf32> to vector<512x128xf32>
    %slice3A_35 = vector.extract_strided_slice %add3A_19 {offsets = [0, 2048], sizes = [512, 128], strides = [1, 1]} : vector<512x4096xf32> to vector<512x128xf32>
    %slice3A_36 = vector.extract_strided_slice %add3A_19 {offsets = [0, 2176], sizes = [512, 128], strides = [1, 1]} : vector<512x4096xf32> to vector<512x128xf32>
    %slice3A_37 = vector.extract_strided_slice %add3A_19 {offsets = [0, 2304], sizes = [512, 128], strides = [1, 1]} : vector<512x4096xf32> to vector<512x128xf32>
    %slice3A_38 = vector.extract_strided_slice %add3A_19 {offsets = [0, 2432], sizes = [512, 128], strides = [1, 1]} : vector<512x4096xf32> to vector<512x128xf32>
    %slice3A_39 = vector.extract_strided_slice %add3A_19 {offsets = [0, 2560], sizes = [512, 128], strides = [1, 1]} : vector<512x4096xf32> to vector<512x128xf32>
    %slice3A_40 = vector.extract_strided_slice %add3A_19 {offsets = [0, 2688], sizes = [512, 128], strides = [1, 1]} : vector<512x4096xf32> to vector<512x128xf32>
    %slice3A_41 = vector.extract_strided_slice %add3A_19 {offsets = [0, 2816], sizes = [512, 128], strides = [1, 1]} : vector<512x4096xf32> to vector<512x128xf32>
    %slice3A_42 = vector.extract_strided_slice %add3A_19 {offsets = [0, 2944], sizes = [512, 128], strides = [1, 1]} : vector<512x4096xf32> to vector<512x128xf32>
    %slice3A_43 = vector.extract_strided_slice %add3A_19 {offsets = [0, 3072], sizes = [512, 128], strides = [1, 1]} : vector<512x4096xf32> to vector<512x128xf32>
    %slice3A_44 = vector.extract_strided_slice %add3A_19 {offsets = [0, 3200], sizes = [512, 128], strides = [1, 1]} : vector<512x4096xf32> to vector<512x128xf32>
    %slice3A_45 = vector.extract_strided_slice %add3A_19 {offsets = [0, 3328], sizes = [512, 128], strides = [1, 1]} : vector<512x4096xf32> to vector<512x128xf32>
    %slice3A_46 = vector.extract_strided_slice %add3A_19 {offsets = [0, 3456], sizes = [512, 128], strides = [1, 1]} : vector<512x4096xf32> to vector<512x128xf32>
    %slice3A_47 = vector.extract_strided_slice %add3A_19 {offsets = [0, 3584], sizes = [512, 128], strides = [1, 1]} : vector<512x4096xf32> to vector<512x128xf32>
    %slice3A_48 = vector.extract_strided_slice %add3A_19 {offsets = [0, 3712], sizes = [512, 128], strides = [1, 1]} : vector<512x4096xf32> to vector<512x128xf32>
    %slice3A_49 = vector.extract_strided_slice %add3A_19 {offsets = [0, 3840], sizes = [512, 128], strides = [1, 1]} : vector<512x4096xf32> to vector<512x128xf32>
    %slice3A_50 = vector.extract_strided_slice %add3A_19 {offsets = [0, 3968], sizes = [512, 128], strides = [1, 1]} : vector<512x4096xf32> to vector<512x128xf32>
    %iota3A = tpu.iota {dimensions = array<i32: 1>} : vector<512x128xi32>
    %min3A = arith.minimumf %slice3A, %slice3A_20 : vector<512x128xf32>
    %min3A_51 = arith.minimumf %min3A, %slice3A_21 : vector<512x128xf32>
    %min3A_52 = arith.minimumf %min3A_51, %slice3A_22 : vector<512x128xf32>
    %min3A_53 = arith.minimumf %min3A_52, %slice3A_23 : vector<512x128xf32>
    %min3A_54 = arith.minimumf %min3A_53, %slice3A_24 : vector<512x128xf32>
    %min3A_55 = arith.minimumf %min3A_54, %slice3A_25 : vector<512x128xf32>
    %min3A_56 = arith.minimumf %min3A_55, %slice3A_26 : vector<512x128xf32>
    %min3A_57 = arith.minimumf %min3A_56, %slice3A_27 : vector<512x128xf32>
    %min3A_58 = arith.minimumf %min3A_57, %slice3A_28 : vector<512x128xf32>
    %min3A_59 = arith.minimumf %min3A_58, %slice3A_29 : vector<512x128xf32>
    %min3A_60 = arith.minimumf %min3A_59, %slice3A_30 : vector<512x128xf32>
    %min3A_61 = arith.minimumf %min3A_60, %slice3A_31 : vector<512x128xf32>
    %min3A_62 = arith.minimumf %min3A_61, %slice3A_32 : vector<512x128xf32>
    %min3A_63 = arith.minimumf %min3A_62, %slice3A_33 : vector<512x128xf32>
    %min3A_64 = arith.minimumf %min3A_63, %slice3A_34 : vector<512x128xf32>
    %min3A_65 = arith.minimumf %min3A_64, %slice3A_35 : vector<512x128xf32>
    %min3A_66 = arith.minimumf %min3A_65, %slice3A_36 : vector<512x128xf32>
    %min3A_67 = arith.minimumf %min3A_66, %slice3A_37 : vector<512x128xf32>
    %min3A_68 = arith.minimumf %min3A_67, %slice3A_38 : vector<512x128xf32>
    %min3A_69 = arith.minimumf %min3A_68, %slice3A_39 : vector<512x128xf32>
    %min3A_70 = arith.minimumf %min3A_69, %slice3A_40 : vector<512x128xf32>
    %min3A_71 = arith.minimumf %min3A_70, %slice3A_41 : vector<512x128xf32>
    %min3A_72 = arith.minimumf %min3A_71, %slice3A_42 : vector<512x128xf32>
    %min3A_73 = arith.minimumf %min3A_72, %slice3A_43 : vector<512x128xf32>
    %min3A_74 = arith.minimumf %min3A_73, %slice3A_44 : vector<512x128xf32>
    %min3A_75 = arith.minimumf %min3A_74, %slice3A_45 : vector<512x128xf32>
    %min3A_76 = arith.minimumf %min3A_75, %slice3A_46 : vector<512x128xf32>
    %min3A_77 = arith.minimumf %min3A_76, %slice3A_47 : vector<512x128xf32>
    %min3A_78 = arith.minimumf %min3A_77, %slice3A_48 : vector<512x128xf32>
    %min3A_79 = arith.minimumf %min3A_78, %slice3A_49 : vector<512x128xf32>
    %min3A_80 = arith.minimumf %min3A_79, %slice3A_50 : vector<512x128xf32>
    %broadcast_in_dim3A_81 = arith.constant 32 : i32
    %broadcast_in_dim3A_82 = vector.broadcast %broadcast_in_dim3A_81 : i32 to vector<512x128xi32>
    %eq3A = arith.cmpf oeq, %slice3A, %min3A_80 : vector<512x128xf32>
    %jit3A = arith.constant 0 : i32
    %jit3A_83 = arith.constant 32 : i32
    %broadcast_in_dim3A_84 = vector.broadcast %jit3A : i32 to vector<512x128xi32>
    %broadcast_in_dim3A_85 = vector.broadcast %jit3A_83 : i32 to vector<512x128xi32>
    %select_n3A = arith.select %eq3A, %broadcast_in_dim3A_84, %broadcast_in_dim3A_85 : vector<512x128xi1>, vector<512x128xi32>
    %min3A_86 = arith.minsi %broadcast_in_dim3A_82, %select_n3A : vector<512x128xi32>
    %jit3A_87 = arith.constant 0x7F800000 : f32
    %broadcast_in_dim3A_88 = vector.broadcast %jit3A_87 : f32 to vector<512x128xf32>
    %select_n3A_89 = arith.select %eq3A, %broadcast_in_dim3A_88, %slice3A : vector<512x128xi1>, vector<512x128xf32>
    %eq3A_90 = arith.cmpf oeq, %slice3A_20, %min3A_80 : vector<512x128xf32>
    %jit3A_91 = arith.constant 1 : i32
    %jit3A_92 = arith.constant 32 : i32
    %broadcast_in_dim3A_93 = vector.broadcast %jit3A_91 : i32 to vector<512x128xi32>
    %broadcast_in_dim3A_94 = vector.broadcast %jit3A_92 : i32 to vector<512x128xi32>
    %select_n3A_95 = arith.select %eq3A_90, %broadcast_in_dim3A_93, %broadcast_in_dim3A_94 : vector<512x128xi1>, vector<512x128xi32>
    %min3A_96 = arith.minsi %min3A_86, %select_n3A_95 : vector<512x128xi32>
    %jit3A_97 = arith.constant 0x7F800000 : f32
    %broadcast_in_dim3A_98 = vector.broadcast %jit3A_97 : f32 to vector<512x128xf32>
    %select_n3A_99 = arith.select %eq3A_90, %broadcast_in_dim3A_98, %slice3A_20 : vector<512x128xi1>, vector<512x128xf32>
    %eq3A_100 = arith.cmpf oeq, %slice3A_21, %min3A_80 : vector<512x128xf32>
    %jit3A_101 = arith.constant 2 : i32
    %jit3A_102 = arith.constant 32 : i32
    %broadcast_in_dim3A_103 = vector.broadcast %jit3A_101 : i32 to vector<512x128xi32>
    %broadcast_in_dim3A_104 = vector.broadcast %jit3A_102 : i32 to vector<512x128xi32>
    %select_n3A_105 = arith.select %eq3A_100, %broadcast_in_dim3A_103, %broadcast_in_dim3A_104 : vector<512x128xi1>, vector<512x128xi32>
    %min3A_106 = arith.minsi %min3A_96, %select_n3A_105 : vector<512x128xi32>
    %jit3A_107 = arith.constant 0x7F800000 : f32
    %broadcast_in_dim3A_108 = vector.broadcast %jit3A_107 : f32 to vector<512x128xf32>
    %select_n3A_109 = arith.select %eq3A_100, %broadcast_in_dim3A_108, %slice3A_21 : vector<512x128xi1>, vector<512x128xf32>
    %eq3A_110 = arith.cmpf oeq, %slice3A_22, %min3A_80 : vector<512x128xf32>
    %jit3A_111 = arith.constant 3 : i32
    %jit3A_112 = arith.constant 32 : i32
    %broadcast_in_dim3A_113 = vector.broadcast %jit3A_111 : i32 to vector<512x128xi32>
    %broadcast_in_dim3A_114 = vector.broadcast %jit3A_112 : i32 to vector<512x128xi32>
    %select_n3A_115 = arith.select %eq3A_110, %broadcast_in_dim3A_113, %broadcast_in_dim3A_114 : vector<512x128xi1>, vector<512x128xi32>
    %min3A_116 = arith.minsi %min3A_106, %select_n3A_115 : vector<512x128xi32>
    %jit3A_117 = arith.constant 0x7F800000 : f32
    %broadcast_in_dim3A_118 = vector.broadcast %jit3A_117 : f32 to vector<512x128xf32>
    %select_n3A_119 = arith.select %eq3A_110, %broadcast_in_dim3A_118, %slice3A_22 : vector<512x128xi1>, vector<512x128xf32>
    %eq3A_120 = arith.cmpf oeq, %slice3A_23, %min3A_80 : vector<512x128xf32>
    %jit3A_121 = arith.constant 4 : i32
    %jit3A_122 = arith.constant 32 : i32
    %broadcast_in_dim3A_123 = vector.broadcast %jit3A_121 : i32 to vector<512x128xi32>
    %broadcast_in_dim3A_124 = vector.broadcast %jit3A_122 : i32 to vector<512x128xi32>
    %select_n3A_125 = arith.select %eq3A_120, %broadcast_in_dim3A_123, %broadcast_in_dim3A_124 : vector<512x128xi1>, vector<512x128xi32>
    %min3A_126 = arith.minsi %min3A_116, %select_n3A_125 : vector<512x128xi32>
    %jit3A_127 = arith.constant 0x7F800000 : f32
    %broadcast_in_dim3A_128 = vector.broadcast %jit3A_127 : f32 to vector<512x128xf32>
    %select_n3A_129 = arith.select %eq3A_120, %broadcast_in_dim3A_128, %slice3A_23 : vector<512x128xi1>, vector<512x128xf32>
    %eq3A_130 = arith.cmpf oeq, %slice3A_24, %min3A_80 : vector<512x128xf32>
    %jit3A_131 = arith.constant 5 : i32
    %jit3A_132 = arith.constant 32 : i32
    %broadcast_in_dim3A_133 = vector.broadcast %jit3A_131 : i32 to vector<512x128xi32>
    %broadcast_in_dim3A_134 = vector.broadcast %jit3A_132 : i32 to vector<512x128xi32>
    %select_n3A_135 = arith.select %eq3A_130, %broadcast_in_dim3A_133, %broadcast_in_dim3A_134 : vector<512x128xi1>, vector<512x128xi32>
    %min3A_136 = arith.minsi %min3A_126, %select_n3A_135 : vector<512x128xi32>
    %jit3A_137 = arith.constant 0x7F800000 : f32
    %broadcast_in_dim3A_138 = vector.broadcast %jit3A_137 : f32 to vector<512x128xf32>
    %select_n3A_139 = arith.select %eq3A_130, %broadcast_in_dim3A_138, %slice3A_24 : vector<512x128xi1>, vector<512x128xf32>
    %eq3A_140 = arith.cmpf oeq, %slice3A_25, %min3A_80 : vector<512x128xf32>
    %jit3A_141 = arith.constant 6 : i32
    %jit3A_142 = arith.constant 32 : i32
    %broadcast_in_dim3A_143 = vector.broadcast %jit3A_141 : i32 to vector<512x128xi32>
    %broadcast_in_dim3A_144 = vector.broadcast %jit3A_142 : i32 to vector<512x128xi32>
    %select_n3A_145 = arith.select %eq3A_140, %broadcast_in_dim3A_143, %broadcast_in_dim3A_144 : vector<512x128xi1>, vector<512x128xi32>
    %min3A_146 = arith.minsi %min3A_136, %select_n3A_145 : vector<512x128xi32>
    %jit3A_147 = arith.constant 0x7F800000 : f32
    %broadcast_in_dim3A_148 = vector.broadcast %jit3A_147 : f32 to vector<512x128xf32>
    %select_n3A_149 = arith.select %eq3A_140, %broadcast_in_dim3A_148, %slice3A_25 : vector<512x128xi1>, vector<512x128xf32>
    %eq3A_150 = arith.cmpf oeq, %slice3A_26, %min3A_80 : vector<512x128xf32>
    %jit3A_151 = arith.constant 7 : i32
    %jit3A_152 = arith.constant 32 : i32
    %broadcast_in_dim3A_153 = vector.broadcast %jit3A_151 : i32 to vector<512x128xi32>
    %broadcast_in_dim3A_154 = vector.broadcast %jit3A_152 : i32 to vector<512x128xi32>
    %select_n3A_155 = arith.select %eq3A_150, %broadcast_in_dim3A_153, %broadcast_in_dim3A_154 : vector<512x128xi1>, vector<512x128xi32>
    %min3A_156 = arith.minsi %min3A_146, %select_n3A_155 : vector<512x128xi32>
    %jit3A_157 = arith.constant 0x7F800000 : f32
    %broadcast_in_dim3A_158 = vector.broadcast %jit3A_157 : f32 to vector<512x128xf32>
    %select_n3A_159 = arith.select %eq3A_150, %broadcast_in_dim3A_158, %slice3A_26 : vector<512x128xi1>, vector<512x128xf32>
    %eq3A_160 = arith.cmpf oeq, %slice3A_27, %min3A_80 : vector<512x128xf32>
    %jit3A_161 = arith.constant 8 : i32
    %jit3A_162 = arith.constant 32 : i32
    %broadcast_in_dim3A_163 = vector.broadcast %jit3A_161 : i32 to vector<512x128xi32>
    %broadcast_in_dim3A_164 = vector.broadcast %jit3A_162 : i32 to vector<512x128xi32>
    %select_n3A_165 = arith.select %eq3A_160, %broadcast_in_dim3A_163, %broadcast_in_dim3A_164 : vector<512x128xi1>, vector<512x128xi32>
    %min3A_166 = arith.minsi %min3A_156, %select_n3A_165 : vector<512x128xi32>
    %jit3A_167 = arith.constant 0x7F800000 : f32
    %broadcast_in_dim3A_168 = vector.broadcast %jit3A_167 : f32 to vector<512x128xf32>
    %select_n3A_169 = arith.select %eq3A_160, %broadcast_in_dim3A_168, %slice3A_27 : vector<512x128xi1>, vector<512x128xf32>
    %eq3A_170 = arith.cmpf oeq, %slice3A_28, %min3A_80 : vector<512x128xf32>
    %jit3A_171 = arith.constant 9 : i32
    %jit3A_172 = arith.constant 32 : i32
    %broadcast_in_dim3A_173 = vector.broadcast %jit3A_171 : i32 to vector<512x128xi32>
    %broadcast_in_dim3A_174 = vector.broadcast %jit3A_172 : i32 to vector<512x128xi32>
    %select_n3A_175 = arith.select %eq3A_170, %broadcast_in_dim3A_173, %broadcast_in_dim3A_174 : vector<512x128xi1>, vector<512x128xi32>
    %min3A_176 = arith.minsi %min3A_166, %select_n3A_175 : vector<512x128xi32>
    %jit3A_177 = arith.constant 0x7F800000 : f32
    %broadcast_in_dim3A_178 = vector.broadcast %jit3A_177 : f32 to vector<512x128xf32>
    %select_n3A_179 = arith.select %eq3A_170, %broadcast_in_dim3A_178, %slice3A_28 : vector<512x128xi1>, vector<512x128xf32>
    %eq3A_180 = arith.cmpf oeq, %slice3A_29, %min3A_80 : vector<512x128xf32>
    %jit3A_181 = arith.constant 10 : i32
    %jit3A_182 = arith.constant 32 : i32
    %broadcast_in_dim3A_183 = vector.broadcast %jit3A_181 : i32 to vector<512x128xi32>
    %broadcast_in_dim3A_184 = vector.broadcast %jit3A_182 : i32 to vector<512x128xi32>
    %select_n3A_185 = arith.select %eq3A_180, %broadcast_in_dim3A_183, %broadcast_in_dim3A_184 : vector<512x128xi1>, vector<512x128xi32>
    %min3A_186 = arith.minsi %min3A_176, %select_n3A_185 : vector<512x128xi32>
    %jit3A_187 = arith.constant 0x7F800000 : f32
    %broadcast_in_dim3A_188 = vector.broadcast %jit3A_187 : f32 to vector<512x128xf32>
    %select_n3A_189 = arith.select %eq3A_180, %broadcast_in_dim3A_188, %slice3A_29 : vector<512x128xi1>, vector<512x128xf32>
    %eq3A_190 = arith.cmpf oeq, %slice3A_30, %min3A_80 : vector<512x128xf32>
    %jit3A_191 = arith.constant 11 : i32
    %jit3A_192 = arith.constant 32 : i32
    %broadcast_in_dim3A_193 = vector.broadcast %jit3A_191 : i32 to vector<512x128xi32>
    %broadcast_in_dim3A_194 = vector.broadcast %jit3A_192 : i32 to vector<512x128xi32>
    %select_n3A_195 = arith.select %eq3A_190, %broadcast_in_dim3A_193, %broadcast_in_dim3A_194 : vector<512x128xi1>, vector<512x128xi32>
    %min3A_196 = arith.minsi %min3A_186, %select_n3A_195 : vector<512x128xi32>
    %jit3A_197 = arith.constant 0x7F800000 : f32
    %broadcast_in_dim3A_198 = vector.broadcast %jit3A_197 : f32 to vector<512x128xf32>
    %select_n3A_199 = arith.select %eq3A_190, %broadcast_in_dim3A_198, %slice3A_30 : vector<512x128xi1>, vector<512x128xf32>
    %eq3A_200 = arith.cmpf oeq, %slice3A_31, %min3A_80 : vector<512x128xf32>
    %jit3A_201 = arith.constant 12 : i32
    %jit3A_202 = arith.constant 32 : i32
    %broadcast_in_dim3A_203 = vector.broadcast %jit3A_201 : i32 to vector<512x128xi32>
    %broadcast_in_dim3A_204 = vector.broadcast %jit3A_202 : i32 to vector<512x128xi32>
    %select_n3A_205 = arith.select %eq3A_200, %broadcast_in_dim3A_203, %broadcast_in_dim3A_204 : vector<512x128xi1>, vector<512x128xi32>
    %min3A_206 = arith.minsi %min3A_196, %select_n3A_205 : vector<512x128xi32>
    %jit3A_207 = arith.constant 0x7F800000 : f32
    %broadcast_in_dim3A_208 = vector.broadcast %jit3A_207 : f32 to vector<512x128xf32>
    %select_n3A_209 = arith.select %eq3A_200, %broadcast_in_dim3A_208, %slice3A_31 : vector<512x128xi1>, vector<512x128xf32>
    %eq3A_210 = arith.cmpf oeq, %slice3A_32, %min3A_80 : vector<512x128xf32>
    %jit3A_211 = arith.constant 13 : i32
    %jit3A_212 = arith.constant 32 : i32
    %broadcast_in_dim3A_213 = vector.broadcast %jit3A_211 : i32 to vector<512x128xi32>
    %broadcast_in_dim3A_214 = vector.broadcast %jit3A_212 : i32 to vector<512x128xi32>
    %select_n3A_215 = arith.select %eq3A_210, %broadcast_in_dim3A_213, %broadcast_in_dim3A_214 : vector<512x128xi1>, vector<512x128xi32>
    %min3A_216 = arith.minsi %min3A_206, %select_n3A_215 : vector<512x128xi32>
    %jit3A_217 = arith.constant 0x7F800000 : f32
    %broadcast_in_dim3A_218 = vector.broadcast %jit3A_217 : f32 to vector<512x128xf32>
    %select_n3A_219 = arith.select %eq3A_210, %broadcast_in_dim3A_218, %slice3A_32 : vector<512x128xi1>, vector<512x128xf32>
    %eq3A_220 = arith.cmpf oeq, %slice3A_33, %min3A_80 : vector<512x128xf32>
    %jit3A_221 = arith.constant 14 : i32
    %jit3A_222 = arith.constant 32 : i32
    %broadcast_in_dim3A_223 = vector.broadcast %jit3A_221 : i32 to vector<512x128xi32>
    %broadcast_in_dim3A_224 = vector.broadcast %jit3A_222 : i32 to vector<512x128xi32>
    %select_n3A_225 = arith.select %eq3A_220, %broadcast_in_dim3A_223, %broadcast_in_dim3A_224 : vector<512x128xi1>, vector<512x128xi32>
    %min3A_226 = arith.minsi %min3A_216, %select_n3A_225 : vector<512x128xi32>
    %jit3A_227 = arith.constant 0x7F800000 : f32
    %broadcast_in_dim3A_228 = vector.broadcast %jit3A_227 : f32 to vector<512x128xf32>
    %select_n3A_229 = arith.select %eq3A_220, %broadcast_in_dim3A_228, %slice3A_33 : vector<512x128xi1>, vector<512x128xf32>
    %eq3A_230 = arith.cmpf oeq, %slice3A_34, %min3A_80 : vector<512x128xf32>
    %jit3A_231 = arith.constant 15 : i32
    %jit3A_232 = arith.constant 32 : i32
    %broadcast_in_dim3A_233 = vector.broadcast %jit3A_231 : i32 to vector<512x128xi32>
    %broadcast_in_dim3A_234 = vector.broadcast %jit3A_232 : i32 to vector<512x128xi32>
    %select_n3A_235 = arith.select %eq3A_230, %broadcast_in_dim3A_233, %broadcast_in_dim3A_234 : vector<512x128xi1>, vector<512x128xi32>
    %min3A_236 = arith.minsi %min3A_226, %select_n3A_235 : vector<512x128xi32>
    %jit3A_237 = arith.constant 0x7F800000 : f32
    %broadcast_in_dim3A_238 = vector.broadcast %jit3A_237 : f32 to vector<512x128xf32>
    %select_n3A_239 = arith.select %eq3A_230, %broadcast_in_dim3A_238, %slice3A_34 : vector<512x128xi1>, vector<512x128xf32>
    %eq3A_240 = arith.cmpf oeq, %slice3A_35, %min3A_80 : vector<512x128xf32>
    %jit3A_241 = arith.constant 16 : i32
    %jit3A_242 = arith.constant 32 : i32
    %broadcast_in_dim3A_243 = vector.broadcast %jit3A_241 : i32 to vector<512x128xi32>
    %broadcast_in_dim3A_244 = vector.broadcast %jit3A_242 : i32 to vector<512x128xi32>
    %select_n3A_245 = arith.select %eq3A_240, %broadcast_in_dim3A_243, %broadcast_in_dim3A_244 : vector<512x128xi1>, vector<512x128xi32>
    %min3A_246 = arith.minsi %min3A_236, %select_n3A_245 : vector<512x128xi32>
    %jit3A_247 = arith.constant 0x7F800000 : f32
    %broadcast_in_dim3A_248 = vector.broadcast %jit3A_247 : f32 to vector<512x128xf32>
    %select_n3A_249 = arith.select %eq3A_240, %broadcast_in_dim3A_248, %slice3A_35 : vector<512x128xi1>, vector<512x128xf32>
    %eq3A_250 = arith.cmpf oeq, %slice3A_36, %min3A_80 : vector<512x128xf32>
    %jit3A_251 = arith.constant 17 : i32
    %jit3A_252 = arith.constant 32 : i32
    %broadcast_in_dim3A_253 = vector.broadcast %jit3A_251 : i32 to vector<512x128xi32>
    %broadcast_in_dim3A_254 = vector.broadcast %jit3A_252 : i32 to vector<512x128xi32>
    %select_n3A_255 = arith.select %eq3A_250, %broadcast_in_dim3A_253, %broadcast_in_dim3A_254 : vector<512x128xi1>, vector<512x128xi32>
    %min3A_256 = arith.minsi %min3A_246, %select_n3A_255 : vector<512x128xi32>
    %jit3A_257 = arith.constant 0x7F800000 : f32
    %broadcast_in_dim3A_258 = vector.broadcast %jit3A_257 : f32 to vector<512x128xf32>
    %select_n3A_259 = arith.select %eq3A_250, %broadcast_in_dim3A_258, %slice3A_36 : vector<512x128xi1>, vector<512x128xf32>
    %eq3A_260 = arith.cmpf oeq, %slice3A_37, %min3A_80 : vector<512x128xf32>
    %jit3A_261 = arith.constant 18 : i32
    %jit3A_262 = arith.constant 32 : i32
    %broadcast_in_dim3A_263 = vector.broadcast %jit3A_261 : i32 to vector<512x128xi32>
    %broadcast_in_dim3A_264 = vector.broadcast %jit3A_262 : i32 to vector<512x128xi32>
    %select_n3A_265 = arith.select %eq3A_260, %broadcast_in_dim3A_263, %broadcast_in_dim3A_264 : vector<512x128xi1>, vector<512x128xi32>
    %min3A_266 = arith.minsi %min3A_256, %select_n3A_265 : vector<512x128xi32>
    %jit3A_267 = arith.constant 0x7F800000 : f32
    %broadcast_in_dim3A_268 = vector.broadcast %jit3A_267 : f32 to vector<512x128xf32>
    %select_n3A_269 = arith.select %eq3A_260, %broadcast_in_dim3A_268, %slice3A_37 : vector<512x128xi1>, vector<512x128xf32>
    %eq3A_270 = arith.cmpf oeq, %slice3A_38, %min3A_80 : vector<512x128xf32>
    %jit3A_271 = arith.constant 19 : i32
    %jit3A_272 = arith.constant 32 : i32
    %broadcast_in_dim3A_273 = vector.broadcast %jit3A_271 : i32 to vector<512x128xi32>
    %broadcast_in_dim3A_274 = vector.broadcast %jit3A_272 : i32 to vector<512x128xi32>
    %select_n3A_275 = arith.select %eq3A_270, %broadcast_in_dim3A_273, %broadcast_in_dim3A_274 : vector<512x128xi1>, vector<512x128xi32>
    %min3A_276 = arith.minsi %min3A_266, %select_n3A_275 : vector<512x128xi32>
    %jit3A_277 = arith.constant 0x7F800000 : f32
    %broadcast_in_dim3A_278 = vector.broadcast %jit3A_277 : f32 to vector<512x128xf32>
    %select_n3A_279 = arith.select %eq3A_270, %broadcast_in_dim3A_278, %slice3A_38 : vector<512x128xi1>, vector<512x128xf32>
    %eq3A_280 = arith.cmpf oeq, %slice3A_39, %min3A_80 : vector<512x128xf32>
    %jit3A_281 = arith.constant 20 : i32
    %jit3A_282 = arith.constant 32 : i32
    %broadcast_in_dim3A_283 = vector.broadcast %jit3A_281 : i32 to vector<512x128xi32>
    %broadcast_in_dim3A_284 = vector.broadcast %jit3A_282 : i32 to vector<512x128xi32>
    %select_n3A_285 = arith.select %eq3A_280, %broadcast_in_dim3A_283, %broadcast_in_dim3A_284 : vector<512x128xi1>, vector<512x128xi32>
    %min3A_286 = arith.minsi %min3A_276, %select_n3A_285 : vector<512x128xi32>
    %jit3A_287 = arith.constant 0x7F800000 : f32
    %broadcast_in_dim3A_288 = vector.broadcast %jit3A_287 : f32 to vector<512x128xf32>
    %select_n3A_289 = arith.select %eq3A_280, %broadcast_in_dim3A_288, %slice3A_39 : vector<512x128xi1>, vector<512x128xf32>
    %eq3A_290 = arith.cmpf oeq, %slice3A_40, %min3A_80 : vector<512x128xf32>
    %jit3A_291 = arith.constant 21 : i32
    %jit3A_292 = arith.constant 32 : i32
    %broadcast_in_dim3A_293 = vector.broadcast %jit3A_291 : i32 to vector<512x128xi32>
    %broadcast_in_dim3A_294 = vector.broadcast %jit3A_292 : i32 to vector<512x128xi32>
    %select_n3A_295 = arith.select %eq3A_290, %broadcast_in_dim3A_293, %broadcast_in_dim3A_294 : vector<512x128xi1>, vector<512x128xi32>
    %min3A_296 = arith.minsi %min3A_286, %select_n3A_295 : vector<512x128xi32>
    %jit3A_297 = arith.constant 0x7F800000 : f32
    %broadcast_in_dim3A_298 = vector.broadcast %jit3A_297 : f32 to vector<512x128xf32>
    %select_n3A_299 = arith.select %eq3A_290, %broadcast_in_dim3A_298, %slice3A_40 : vector<512x128xi1>, vector<512x128xf32>
    %eq3A_300 = arith.cmpf oeq, %slice3A_41, %min3A_80 : vector<512x128xf32>
    %jit3A_301 = arith.constant 22 : i32
    %jit3A_302 = arith.constant 32 : i32
    %broadcast_in_dim3A_303 = vector.broadcast %jit3A_301 : i32 to vector<512x128xi32>
    %broadcast_in_dim3A_304 = vector.broadcast %jit3A_302 : i32 to vector<512x128xi32>
    %select_n3A_305 = arith.select %eq3A_300, %broadcast_in_dim3A_303, %broadcast_in_dim3A_304 : vector<512x128xi1>, vector<512x128xi32>
    %min3A_306 = arith.minsi %min3A_296, %select_n3A_305 : vector<512x128xi32>
    %jit3A_307 = arith.constant 0x7F800000 : f32
    %broadcast_in_dim3A_308 = vector.broadcast %jit3A_307 : f32 to vector<512x128xf32>
    %select_n3A_309 = arith.select %eq3A_300, %broadcast_in_dim3A_308, %slice3A_41 : vector<512x128xi1>, vector<512x128xf32>
    %eq3A_310 = arith.cmpf oeq, %slice3A_42, %min3A_80 : vector<512x128xf32>
    %jit3A_311 = arith.constant 23 : i32
    %jit3A_312 = arith.constant 32 : i32
    %broadcast_in_dim3A_313 = vector.broadcast %jit3A_311 : i32 to vector<512x128xi32>
    %broadcast_in_dim3A_314 = vector.broadcast %jit3A_312 : i32 to vector<512x128xi32>
    %select_n3A_315 = arith.select %eq3A_310, %broadcast_in_dim3A_313, %broadcast_in_dim3A_314 : vector<512x128xi1>, vector<512x128xi32>
    %min3A_316 = arith.minsi %min3A_306, %select_n3A_315 : vector<512x128xi32>
    %jit3A_317 = arith.constant 0x7F800000 : f32
    %broadcast_in_dim3A_318 = vector.broadcast %jit3A_317 : f32 to vector<512x128xf32>
    %select_n3A_319 = arith.select %eq3A_310, %broadcast_in_dim3A_318, %slice3A_42 : vector<512x128xi1>, vector<512x128xf32>
    %eq3A_320 = arith.cmpf oeq, %slice3A_43, %min3A_80 : vector<512x128xf32>
    %jit3A_321 = arith.constant 24 : i32
    %jit3A_322 = arith.constant 32 : i32
    %broadcast_in_dim3A_323 = vector.broadcast %jit3A_321 : i32 to vector<512x128xi32>
    %broadcast_in_dim3A_324 = vector.broadcast %jit3A_322 : i32 to vector<512x128xi32>
    %select_n3A_325 = arith.select %eq3A_320, %broadcast_in_dim3A_323, %broadcast_in_dim3A_324 : vector<512x128xi1>, vector<512x128xi32>
    %min3A_326 = arith.minsi %min3A_316, %select_n3A_325 : vector<512x128xi32>
    %jit3A_327 = arith.constant 0x7F800000 : f32
    %broadcast_in_dim3A_328 = vector.broadcast %jit3A_327 : f32 to vector<512x128xf32>
    %select_n3A_329 = arith.select %eq3A_320, %broadcast_in_dim3A_328, %slice3A_43 : vector<512x128xi1>, vector<512x128xf32>
    %eq3A_330 = arith.cmpf oeq, %slice3A_44, %min3A_80 : vector<512x128xf32>
    %jit3A_331 = arith.constant 25 : i32
    %jit3A_332 = arith.constant 32 : i32
    %broadcast_in_dim3A_333 = vector.broadcast %jit3A_331 : i32 to vector<512x128xi32>
    %broadcast_in_dim3A_334 = vector.broadcast %jit3A_332 : i32 to vector<512x128xi32>
    %select_n3A_335 = arith.select %eq3A_330, %broadcast_in_dim3A_333, %broadcast_in_dim3A_334 : vector<512x128xi1>, vector<512x128xi32>
    %min3A_336 = arith.minsi %min3A_326, %select_n3A_335 : vector<512x128xi32>
    %jit3A_337 = arith.constant 0x7F800000 : f32
    %broadcast_in_dim3A_338 = vector.broadcast %jit3A_337 : f32 to vector<512x128xf32>
    %select_n3A_339 = arith.select %eq3A_330, %broadcast_in_dim3A_338, %slice3A_44 : vector<512x128xi1>, vector<512x128xf32>
    %eq3A_340 = arith.cmpf oeq, %slice3A_45, %min3A_80 : vector<512x128xf32>
    %jit3A_341 = arith.constant 26 : i32
    %jit3A_342 = arith.constant 32 : i32
    %broadcast_in_dim3A_343 = vector.broadcast %jit3A_341 : i32 to vector<512x128xi32>
    %broadcast_in_dim3A_344 = vector.broadcast %jit3A_342 : i32 to vector<512x128xi32>
    %select_n3A_345 = arith.select %eq3A_340, %broadcast_in_dim3A_343, %broadcast_in_dim3A_344 : vector<512x128xi1>, vector<512x128xi32>
    %min3A_346 = arith.minsi %min3A_336, %select_n3A_345 : vector<512x128xi32>
    %jit3A_347 = arith.constant 0x7F800000 : f32
    %broadcast_in_dim3A_348 = vector.broadcast %jit3A_347 : f32 to vector<512x128xf32>
    %select_n3A_349 = arith.select %eq3A_340, %broadcast_in_dim3A_348, %slice3A_45 : vector<512x128xi1>, vector<512x128xf32>
    %eq3A_350 = arith.cmpf oeq, %slice3A_46, %min3A_80 : vector<512x128xf32>
    %jit3A_351 = arith.constant 27 : i32
    %jit3A_352 = arith.constant 32 : i32
    %broadcast_in_dim3A_353 = vector.broadcast %jit3A_351 : i32 to vector<512x128xi32>
    %broadcast_in_dim3A_354 = vector.broadcast %jit3A_352 : i32 to vector<512x128xi32>
    %select_n3A_355 = arith.select %eq3A_350, %broadcast_in_dim3A_353, %broadcast_in_dim3A_354 : vector<512x128xi1>, vector<512x128xi32>
    %min3A_356 = arith.minsi %min3A_346, %select_n3A_355 : vector<512x128xi32>
    %jit3A_357 = arith.constant 0x7F800000 : f32
    %broadcast_in_dim3A_358 = vector.broadcast %jit3A_357 : f32 to vector<512x128xf32>
    %select_n3A_359 = arith.select %eq3A_350, %broadcast_in_dim3A_358, %slice3A_46 : vector<512x128xi1>, vector<512x128xf32>
    %eq3A_360 = arith.cmpf oeq, %slice3A_47, %min3A_80 : vector<512x128xf32>
    %jit3A_361 = arith.constant 28 : i32
    %jit3A_362 = arith.constant 32 : i32
    %broadcast_in_dim3A_363 = vector.broadcast %jit3A_361 : i32 to vector<512x128xi32>
    %broadcast_in_dim3A_364 = vector.broadcast %jit3A_362 : i32 to vector<512x128xi32>
    %select_n3A_365 = arith.select %eq3A_360, %broadcast_in_dim3A_363, %broadcast_in_dim3A_364 : vector<512x128xi1>, vector<512x128xi32>
    %min3A_366 = arith.minsi %min3A_356, %select_n3A_365 : vector<512x128xi32>
    %jit3A_367 = arith.constant 0x7F800000 : f32
    %broadcast_in_dim3A_368 = vector.broadcast %jit3A_367 : f32 to vector<512x128xf32>
    %select_n3A_369 = arith.select %eq3A_360, %broadcast_in_dim3A_368, %slice3A_47 : vector<512x128xi1>, vector<512x128xf32>
    %eq3A_370 = arith.cmpf oeq, %slice3A_48, %min3A_80 : vector<512x128xf32>
    %jit3A_371 = arith.constant 29 : i32
    %jit3A_372 = arith.constant 32 : i32
    %broadcast_in_dim3A_373 = vector.broadcast %jit3A_371 : i32 to vector<512x128xi32>
    %broadcast_in_dim3A_374 = vector.broadcast %jit3A_372 : i32 to vector<512x128xi32>
    %select_n3A_375 = arith.select %eq3A_370, %broadcast_in_dim3A_373, %broadcast_in_dim3A_374 : vector<512x128xi1>, vector<512x128xi32>
    %min3A_376 = arith.minsi %min3A_366, %select_n3A_375 : vector<512x128xi32>
    %jit3A_377 = arith.constant 0x7F800000 : f32
    %broadcast_in_dim3A_378 = vector.broadcast %jit3A_377 : f32 to vector<512x128xf32>
    %select_n3A_379 = arith.select %eq3A_370, %broadcast_in_dim3A_378, %slice3A_48 : vector<512x128xi1>, vector<512x128xf32>
    %eq3A_380 = arith.cmpf oeq, %slice3A_49, %min3A_80 : vector<512x128xf32>
    %jit3A_381 = arith.constant 30 : i32
    %jit3A_382 = arith.constant 32 : i32
    %broadcast_in_dim3A_383 = vector.broadcast %jit3A_381 : i32 to vector<512x128xi32>
    %broadcast_in_dim3A_384 = vector.broadcast %jit3A_382 : i32 to vector<512x128xi32>
    %select_n3A_385 = arith.select %eq3A_380, %broadcast_in_dim3A_383, %broadcast_in_dim3A_384 : vector<512x128xi1>, vector<512x128xi32>
    %min3A_386 = arith.minsi %min3A_376, %select_n3A_385 : vector<512x128xi32>
    %jit3A_387 = arith.constant 0x7F800000 : f32
    %broadcast_in_dim3A_388 = vector.broadcast %jit3A_387 : f32 to vector<512x128xf32>
    %select_n3A_389 = arith.select %eq3A_380, %broadcast_in_dim3A_388, %slice3A_49 : vector<512x128xi1>, vector<512x128xf32>
    %eq3A_390 = arith.cmpf oeq, %slice3A_50, %min3A_80 : vector<512x128xf32>
    %jit3A_391 = arith.constant 31 : i32
    %jit3A_392 = arith.constant 32 : i32
    %broadcast_in_dim3A_393 = vector.broadcast %jit3A_391 : i32 to vector<512x128xi32>
    %broadcast_in_dim3A_394 = vector.broadcast %jit3A_392 : i32 to vector<512x128xi32>
    %select_n3A_395 = arith.select %eq3A_390, %broadcast_in_dim3A_393, %broadcast_in_dim3A_394 : vector<512x128xi1>, vector<512x128xi32>
    %min3A_396 = arith.minsi %min3A_386, %select_n3A_395 : vector<512x128xi32>
    %jit3A_397 = arith.constant 0x7F800000 : f32
    %broadcast_in_dim3A_398 = vector.broadcast %jit3A_397 : f32 to vector<512x128xf32>
    %select_n3A_399 = arith.select %eq3A_390, %broadcast_in_dim3A_398, %slice3A_50 : vector<512x128xi1>, vector<512x128xf32>
    %mul3A_400 = arith.constant 128 : i32
    %mul3A_401 = vector.broadcast %mul3A_400 : i32 to vector<512x128xi32>
    %mul3A_402 = arith.muli %min3A_396, %mul3A_401 : vector<512x128xi32>
    %add3A_403 = arith.addi %mul3A_402, %iota3A : vector<512x128xi32>
    %min3A_404 = arith.minimumf %select_n3A_89, %select_n3A_99 : vector<512x128xf32>
    %min3A_405 = arith.minimumf %min3A_404, %select_n3A_109 : vector<512x128xf32>
    %min3A_406 = arith.minimumf %min3A_405, %select_n3A_119 : vector<512x128xf32>
    %min3A_407 = arith.minimumf %min3A_406, %select_n3A_129 : vector<512x128xf32>
    %min3A_408 = arith.minimumf %min3A_407, %select_n3A_139 : vector<512x128xf32>
    %min3A_409 = arith.minimumf %min3A_408, %select_n3A_149 : vector<512x128xf32>
    %min3A_410 = arith.minimumf %min3A_409, %select_n3A_159 : vector<512x128xf32>
    %min3A_411 = arith.minimumf %min3A_410, %select_n3A_169 : vector<512x128xf32>
    %min3A_412 = arith.minimumf %min3A_411, %select_n3A_179 : vector<512x128xf32>
    %min3A_413 = arith.minimumf %min3A_412, %select_n3A_189 : vector<512x128xf32>
    %min3A_414 = arith.minimumf %min3A_413, %select_n3A_199 : vector<512x128xf32>
    %min3A_415 = arith.minimumf %min3A_414, %select_n3A_209 : vector<512x128xf32>
    %min3A_416 = arith.minimumf %min3A_415, %select_n3A_219 : vector<512x128xf32>
    %min3A_417 = arith.minimumf %min3A_416, %select_n3A_229 : vector<512x128xf32>
    %min3A_418 = arith.minimumf %min3A_417, %select_n3A_239 : vector<512x128xf32>
    %min3A_419 = arith.minimumf %min3A_418, %select_n3A_249 : vector<512x128xf32>
    %min3A_420 = arith.minimumf %min3A_419, %select_n3A_259 : vector<512x128xf32>
    %min3A_421 = arith.minimumf %min3A_420, %select_n3A_269 : vector<512x128xf32>
    %min3A_422 = arith.minimumf %min3A_421, %select_n3A_279 : vector<512x128xf32>
    %min3A_423 = arith.minimumf %min3A_422, %select_n3A_289 : vector<512x128xf32>
    %min3A_424 = arith.minimumf %min3A_423, %select_n3A_299 : vector<512x128xf32>
    %min3A_425 = arith.minimumf %min3A_424, %select_n3A_309 : vector<512x128xf32>
    %min3A_426 = arith.minimumf %min3A_425, %select_n3A_319 : vector<512x128xf32>
    %min3A_427 = arith.minimumf %min3A_426, %select_n3A_329 : vector<512x128xf32>
    %min3A_428 = arith.minimumf %min3A_427, %select_n3A_339 : vector<512x128xf32>
    %min3A_429 = arith.minimumf %min3A_428, %select_n3A_349 : vector<512x128xf32>
    %min3A_430 = arith.minimumf %min3A_429, %select_n3A_359 : vector<512x128xf32>
    %min3A_431 = arith.minimumf %min3A_430, %select_n3A_369 : vector<512x128xf32>
    %min3A_432 = arith.minimumf %min3A_431, %select_n3A_379 : vector<512x128xf32>
    %min3A_433 = arith.minimumf %min3A_432, %select_n3A_389 : vector<512x128xf32>
    %min3A_434 = arith.minimumf %min3A_433, %select_n3A_399 : vector<512x128xf32>
    %broadcast_in_dim3A_435 = arith.constant 32 : i32
    %broadcast_in_dim3A_436 = vector.broadcast %broadcast_in_dim3A_435 : i32 to vector<512x128xi32>
    %eq3A_437 = arith.cmpf oeq, %select_n3A_89, %min3A_434 : vector<512x128xf32>
    %jit3A_438 = arith.constant 0 : i32
    %jit3A_439 = arith.constant 32 : i32
    %broadcast_in_dim3A_440 = vector.broadcast %jit3A_438 : i32 to vector<512x128xi32>
    %broadcast_in_dim3A_441 = vector.broadcast %jit3A_439 : i32 to vector<512x128xi32>
    %select_n3A_442 = arith.select %eq3A_437, %broadcast_in_dim3A_440, %broadcast_in_dim3A_441 : vector<512x128xi1>, vector<512x128xi32>
    %min3A_443 = arith.minsi %broadcast_in_dim3A_436, %select_n3A_442 : vector<512x128xi32>
    %jit3A_444 = arith.constant 0x7F800000 : f32
    %broadcast_in_dim3A_445 = vector.broadcast %jit3A_444 : f32 to vector<512x128xf32>
    %select_n3A_446 = arith.select %eq3A_437, %broadcast_in_dim3A_445, %select_n3A_89 : vector<512x128xi1>, vector<512x128xf32>
    %eq3A_447 = arith.cmpf oeq, %select_n3A_99, %min3A_434 : vector<512x128xf32>
    %jit3A_448 = arith.constant 1 : i32
    %jit3A_449 = arith.constant 32 : i32
    %broadcast_in_dim3A_450 = vector.broadcast %jit3A_448 : i32 to vector<512x128xi32>
    %broadcast_in_dim3A_451 = vector.broadcast %jit3A_449 : i32 to vector<512x128xi32>
    %select_n3A_452 = arith.select %eq3A_447, %broadcast_in_dim3A_450, %broadcast_in_dim3A_451 : vector<512x128xi1>, vector<512x128xi32>
    %min3A_453 = arith.minsi %min3A_443, %select_n3A_452 : vector<512x128xi32>
    %jit3A_454 = arith.constant 0x7F800000 : f32
    %broadcast_in_dim3A_455 = vector.broadcast %jit3A_454 : f32 to vector<512x128xf32>
    %select_n3A_456 = arith.select %eq3A_447, %broadcast_in_dim3A_455, %select_n3A_99 : vector<512x128xi1>, vector<512x128xf32>
    %eq3A_457 = arith.cmpf oeq, %select_n3A_109, %min3A_434 : vector<512x128xf32>
    %jit3A_458 = arith.constant 2 : i32
    %jit3A_459 = arith.constant 32 : i32
    %broadcast_in_dim3A_460 = vector.broadcast %jit3A_458 : i32 to vector<512x128xi32>
    %broadcast_in_dim3A_461 = vector.broadcast %jit3A_459 : i32 to vector<512x128xi32>
    %select_n3A_462 = arith.select %eq3A_457, %broadcast_in_dim3A_460, %broadcast_in_dim3A_461 : vector<512x128xi1>, vector<512x128xi32>
    %min3A_463 = arith.minsi %min3A_453, %select_n3A_462 : vector<512x128xi32>
    %jit3A_464 = arith.constant 0x7F800000 : f32
    %broadcast_in_dim3A_465 = vector.broadcast %jit3A_464 : f32 to vector<512x128xf32>
    %select_n3A_466 = arith.select %eq3A_457, %broadcast_in_dim3A_465, %select_n3A_109 : vector<512x128xi1>, vector<512x128xf32>
    %eq3A_467 = arith.cmpf oeq, %select_n3A_119, %min3A_434 : vector<512x128xf32>
    %jit3A_468 = arith.constant 3 : i32
    %jit3A_469 = arith.constant 32 : i32
    %broadcast_in_dim3A_470 = vector.broadcast %jit3A_468 : i32 to vector<512x128xi32>
    %broadcast_in_dim3A_471 = vector.broadcast %jit3A_469 : i32 to vector<512x128xi32>
    %select_n3A_472 = arith.select %eq3A_467, %broadcast_in_dim3A_470, %broadcast_in_dim3A_471 : vector<512x128xi1>, vector<512x128xi32>
    %min3A_473 = arith.minsi %min3A_463, %select_n3A_472 : vector<512x128xi32>
    %jit3A_474 = arith.constant 0x7F800000 : f32
    %broadcast_in_dim3A_475 = vector.broadcast %jit3A_474 : f32 to vector<512x128xf32>
    %select_n3A_476 = arith.select %eq3A_467, %broadcast_in_dim3A_475, %select_n3A_119 : vector<512x128xi1>, vector<512x128xf32>
    %eq3A_477 = arith.cmpf oeq, %select_n3A_129, %min3A_434 : vector<512x128xf32>
    %jit3A_478 = arith.constant 4 : i32
    %jit3A_479 = arith.constant 32 : i32
    %broadcast_in_dim3A_480 = vector.broadcast %jit3A_478 : i32 to vector<512x128xi32>
    %broadcast_in_dim3A_481 = vector.broadcast %jit3A_479 : i32 to vector<512x128xi32>
    %select_n3A_482 = arith.select %eq3A_477, %broadcast_in_dim3A_480, %broadcast_in_dim3A_481 : vector<512x128xi1>, vector<512x128xi32>
    %min3A_483 = arith.minsi %min3A_473, %select_n3A_482 : vector<512x128xi32>
    %jit3A_484 = arith.constant 0x7F800000 : f32
    %broadcast_in_dim3A_485 = vector.broadcast %jit3A_484 : f32 to vector<512x128xf32>
    %select_n3A_486 = arith.select %eq3A_477, %broadcast_in_dim3A_485, %select_n3A_129 : vector<512x128xi1>, vector<512x128xf32>
    %eq3A_487 = arith.cmpf oeq, %select_n3A_139, %min3A_434 : vector<512x128xf32>
    %jit3A_488 = arith.constant 5 : i32
    %jit3A_489 = arith.constant 32 : i32
    %broadcast_in_dim3A_490 = vector.broadcast %jit3A_488 : i32 to vector<512x128xi32>
    %broadcast_in_dim3A_491 = vector.broadcast %jit3A_489 : i32 to vector<512x128xi32>
    %select_n3A_492 = arith.select %eq3A_487, %broadcast_in_dim3A_490, %broadcast_in_dim3A_491 : vector<512x128xi1>, vector<512x128xi32>
    %min3A_493 = arith.minsi %min3A_483, %select_n3A_492 : vector<512x128xi32>
    %jit3A_494 = arith.constant 0x7F800000 : f32
    %broadcast_in_dim3A_495 = vector.broadcast %jit3A_494 : f32 to vector<512x128xf32>
    %select_n3A_496 = arith.select %eq3A_487, %broadcast_in_dim3A_495, %select_n3A_139 : vector<512x128xi1>, vector<512x128xf32>
    %eq3A_497 = arith.cmpf oeq, %select_n3A_149, %min3A_434 : vector<512x128xf32>
    %jit3A_498 = arith.constant 6 : i32
    %jit3A_499 = arith.constant 32 : i32
    %broadcast_in_dim3A_500 = vector.broadcast %jit3A_498 : i32 to vector<512x128xi32>
    %broadcast_in_dim3A_501 = vector.broadcast %jit3A_499 : i32 to vector<512x128xi32>
    %select_n3A_502 = arith.select %eq3A_497, %broadcast_in_dim3A_500, %broadcast_in_dim3A_501 : vector<512x128xi1>, vector<512x128xi32>
    %min3A_503 = arith.minsi %min3A_493, %select_n3A_502 : vector<512x128xi32>
    %jit3A_504 = arith.constant 0x7F800000 : f32
    %broadcast_in_dim3A_505 = vector.broadcast %jit3A_504 : f32 to vector<512x128xf32>
    %select_n3A_506 = arith.select %eq3A_497, %broadcast_in_dim3A_505, %select_n3A_149 : vector<512x128xi1>, vector<512x128xf32>
    %eq3A_507 = arith.cmpf oeq, %select_n3A_159, %min3A_434 : vector<512x128xf32>
    %jit3A_508 = arith.constant 7 : i32
    %jit3A_509 = arith.constant 32 : i32
    %broadcast_in_dim3A_510 = vector.broadcast %jit3A_508 : i32 to vector<512x128xi32>
    %broadcast_in_dim3A_511 = vector.broadcast %jit3A_509 : i32 to vector<512x128xi32>
    %select_n3A_512 = arith.select %eq3A_507, %broadcast_in_dim3A_510, %broadcast_in_dim3A_511 : vector<512x128xi1>, vector<512x128xi32>
    %min3A_513 = arith.minsi %min3A_503, %select_n3A_512 : vector<512x128xi32>
    %jit3A_514 = arith.constant 0x7F800000 : f32
    %broadcast_in_dim3A_515 = vector.broadcast %jit3A_514 : f32 to vector<512x128xf32>
    %select_n3A_516 = arith.select %eq3A_507, %broadcast_in_dim3A_515, %select_n3A_159 : vector<512x128xi1>, vector<512x128xf32>
    %eq3A_517 = arith.cmpf oeq, %select_n3A_169, %min3A_434 : vector<512x128xf32>
    %jit3A_518 = arith.constant 8 : i32
    %jit3A_519 = arith.constant 32 : i32
    %broadcast_in_dim3A_520 = vector.broadcast %jit3A_518 : i32 to vector<512x128xi32>
    %broadcast_in_dim3A_521 = vector.broadcast %jit3A_519 : i32 to vector<512x128xi32>
    %select_n3A_522 = arith.select %eq3A_517, %broadcast_in_dim3A_520, %broadcast_in_dim3A_521 : vector<512x128xi1>, vector<512x128xi32>
    %min3A_523 = arith.minsi %min3A_513, %select_n3A_522 : vector<512x128xi32>
    %jit3A_524 = arith.constant 0x7F800000 : f32
    %broadcast_in_dim3A_525 = vector.broadcast %jit3A_524 : f32 to vector<512x128xf32>
    %select_n3A_526 = arith.select %eq3A_517, %broadcast_in_dim3A_525, %select_n3A_169 : vector<512x128xi1>, vector<512x128xf32>
    %eq3A_527 = arith.cmpf oeq, %select_n3A_179, %min3A_434 : vector<512x128xf32>
    %jit3A_528 = arith.constant 9 : i32
    %jit3A_529 = arith.constant 32 : i32
    %broadcast_in_dim3A_530 = vector.broadcast %jit3A_528 : i32 to vector<512x128xi32>
    %broadcast_in_dim3A_531 = vector.broadcast %jit3A_529 : i32 to vector<512x128xi32>
    %select_n3A_532 = arith.select %eq3A_527, %broadcast_in_dim3A_530, %broadcast_in_dim3A_531 : vector<512x128xi1>, vector<512x128xi32>
    %min3A_533 = arith.minsi %min3A_523, %select_n3A_532 : vector<512x128xi32>
    %jit3A_534 = arith.constant 0x7F800000 : f32
    %broadcast_in_dim3A_535 = vector.broadcast %jit3A_534 : f32 to vector<512x128xf32>
    %select_n3A_536 = arith.select %eq3A_527, %broadcast_in_dim3A_535, %select_n3A_179 : vector<512x128xi1>, vector<512x128xf32>
    %eq3A_537 = arith.cmpf oeq, %select_n3A_189, %min3A_434 : vector<512x128xf32>
    %jit3A_538 = arith.constant 10 : i32
    %jit3A_539 = arith.constant 32 : i32
    %broadcast_in_dim3A_540 = vector.broadcast %jit3A_538 : i32 to vector<512x128xi32>
    %broadcast_in_dim3A_541 = vector.broadcast %jit3A_539 : i32 to vector<512x128xi32>
    %select_n3A_542 = arith.select %eq3A_537, %broadcast_in_dim3A_540, %broadcast_in_dim3A_541 : vector<512x128xi1>, vector<512x128xi32>
    %min3A_543 = arith.minsi %min3A_533, %select_n3A_542 : vector<512x128xi32>
    %jit3A_544 = arith.constant 0x7F800000 : f32
    %broadcast_in_dim3A_545 = vector.broadcast %jit3A_544 : f32 to vector<512x128xf32>
    %select_n3A_546 = arith.select %eq3A_537, %broadcast_in_dim3A_545, %select_n3A_189 : vector<512x128xi1>, vector<512x128xf32>
    %eq3A_547 = arith.cmpf oeq, %select_n3A_199, %min3A_434 : vector<512x128xf32>
    %jit3A_548 = arith.constant 11 : i32
    %jit3A_549 = arith.constant 32 : i32
    %broadcast_in_dim3A_550 = vector.broadcast %jit3A_548 : i32 to vector<512x128xi32>
    %broadcast_in_dim3A_551 = vector.broadcast %jit3A_549 : i32 to vector<512x128xi32>
    %select_n3A_552 = arith.select %eq3A_547, %broadcast_in_dim3A_550, %broadcast_in_dim3A_551 : vector<512x128xi1>, vector<512x128xi32>
    %min3A_553 = arith.minsi %min3A_543, %select_n3A_552 : vector<512x128xi32>
    %jit3A_554 = arith.constant 0x7F800000 : f32
    %broadcast_in_dim3A_555 = vector.broadcast %jit3A_554 : f32 to vector<512x128xf32>
    %select_n3A_556 = arith.select %eq3A_547, %broadcast_in_dim3A_555, %select_n3A_199 : vector<512x128xi1>, vector<512x128xf32>
    %eq3A_557 = arith.cmpf oeq, %select_n3A_209, %min3A_434 : vector<512x128xf32>
    %jit3A_558 = arith.constant 12 : i32
    %jit3A_559 = arith.constant 32 : i32
    %broadcast_in_dim3A_560 = vector.broadcast %jit3A_558 : i32 to vector<512x128xi32>
    %broadcast_in_dim3A_561 = vector.broadcast %jit3A_559 : i32 to vector<512x128xi32>
    %select_n3A_562 = arith.select %eq3A_557, %broadcast_in_dim3A_560, %broadcast_in_dim3A_561 : vector<512x128xi1>, vector<512x128xi32>
    %min3A_563 = arith.minsi %min3A_553, %select_n3A_562 : vector<512x128xi32>
    %jit3A_564 = arith.constant 0x7F800000 : f32
    %broadcast_in_dim3A_565 = vector.broadcast %jit3A_564 : f32 to vector<512x128xf32>
    %select_n3A_566 = arith.select %eq3A_557, %broadcast_in_dim3A_565, %select_n3A_209 : vector<512x128xi1>, vector<512x128xf32>
    %eq3A_567 = arith.cmpf oeq, %select_n3A_219, %min3A_434 : vector<512x128xf32>
    %jit3A_568 = arith.constant 13 : i32
    %jit3A_569 = arith.constant 32 : i32
    %broadcast_in_dim3A_570 = vector.broadcast %jit3A_568 : i32 to vector<512x128xi32>
    %broadcast_in_dim3A_571 = vector.broadcast %jit3A_569 : i32 to vector<512x128xi32>
    %select_n3A_572 = arith.select %eq3A_567, %broadcast_in_dim3A_570, %broadcast_in_dim3A_571 : vector<512x128xi1>, vector<512x128xi32>
    %min3A_573 = arith.minsi %min3A_563, %select_n3A_572 : vector<512x128xi32>
    %jit3A_574 = arith.constant 0x7F800000 : f32
    %broadcast_in_dim3A_575 = vector.broadcast %jit3A_574 : f32 to vector<512x128xf32>
    %select_n3A_576 = arith.select %eq3A_567, %broadcast_in_dim3A_575, %select_n3A_219 : vector<512x128xi1>, vector<512x128xf32>
    %eq3A_577 = arith.cmpf oeq, %select_n3A_229, %min3A_434 : vector<512x128xf32>
    %jit3A_578 = arith.constant 14 : i32
    %jit3A_579 = arith.constant 32 : i32
    %broadcast_in_dim3A_580 = vector.broadcast %jit3A_578 : i32 to vector<512x128xi32>
    %broadcast_in_dim3A_581 = vector.broadcast %jit3A_579 : i32 to vector<512x128xi32>
    %select_n3A_582 = arith.select %eq3A_577, %broadcast_in_dim3A_580, %broadcast_in_dim3A_581 : vector<512x128xi1>, vector<512x128xi32>
    %min3A_583 = arith.minsi %min3A_573, %select_n3A_582 : vector<512x128xi32>
    %jit3A_584 = arith.constant 0x7F800000 : f32
    %broadcast_in_dim3A_585 = vector.broadcast %jit3A_584 : f32 to vector<512x128xf32>
    %select_n3A_586 = arith.select %eq3A_577, %broadcast_in_dim3A_585, %select_n3A_229 : vector<512x128xi1>, vector<512x128xf32>
    %eq3A_587 = arith.cmpf oeq, %select_n3A_239, %min3A_434 : vector<512x128xf32>
    %jit3A_588 = arith.constant 15 : i32
    %jit3A_589 = arith.constant 32 : i32
    %broadcast_in_dim3A_590 = vector.broadcast %jit3A_588 : i32 to vector<512x128xi32>
    %broadcast_in_dim3A_591 = vector.broadcast %jit3A_589 : i32 to vector<512x128xi32>
    %select_n3A_592 = arith.select %eq3A_587, %broadcast_in_dim3A_590, %broadcast_in_dim3A_591 : vector<512x128xi1>, vector<512x128xi32>
    %min3A_593 = arith.minsi %min3A_583, %select_n3A_592 : vector<512x128xi32>
    %jit3A_594 = arith.constant 0x7F800000 : f32
    %broadcast_in_dim3A_595 = vector.broadcast %jit3A_594 : f32 to vector<512x128xf32>
    %select_n3A_596 = arith.select %eq3A_587, %broadcast_in_dim3A_595, %select_n3A_239 : vector<512x128xi1>, vector<512x128xf32>
    %eq3A_597 = arith.cmpf oeq, %select_n3A_249, %min3A_434 : vector<512x128xf32>
    %jit3A_598 = arith.constant 16 : i32
    %jit3A_599 = arith.constant 32 : i32
    %broadcast_in_dim3A_600 = vector.broadcast %jit3A_598 : i32 to vector<512x128xi32>
    %broadcast_in_dim3A_601 = vector.broadcast %jit3A_599 : i32 to vector<512x128xi32>
    %select_n3A_602 = arith.select %eq3A_597, %broadcast_in_dim3A_600, %broadcast_in_dim3A_601 : vector<512x128xi1>, vector<512x128xi32>
    %min3A_603 = arith.minsi %min3A_593, %select_n3A_602 : vector<512x128xi32>
    %jit3A_604 = arith.constant 0x7F800000 : f32
    %broadcast_in_dim3A_605 = vector.broadcast %jit3A_604 : f32 to vector<512x128xf32>
    %select_n3A_606 = arith.select %eq3A_597, %broadcast_in_dim3A_605, %select_n3A_249 : vector<512x128xi1>, vector<512x128xf32>
    %eq3A_607 = arith.cmpf oeq, %select_n3A_259, %min3A_434 : vector<512x128xf32>
    %jit3A_608 = arith.constant 17 : i32
    %jit3A_609 = arith.constant 32 : i32
    %broadcast_in_dim3A_610 = vector.broadcast %jit3A_608 : i32 to vector<512x128xi32>
    %broadcast_in_dim3A_611 = vector.broadcast %jit3A_609 : i32 to vector<512x128xi32>
    %select_n3A_612 = arith.select %eq3A_607, %broadcast_in_dim3A_610, %broadcast_in_dim3A_611 : vector<512x128xi1>, vector<512x128xi32>
    %min3A_613 = arith.minsi %min3A_603, %select_n3A_612 : vector<512x128xi32>
    %jit3A_614 = arith.constant 0x7F800000 : f32
    %broadcast_in_dim3A_615 = vector.broadcast %jit3A_614 : f32 to vector<512x128xf32>
    %select_n3A_616 = arith.select %eq3A_607, %broadcast_in_dim3A_615, %select_n3A_259 : vector<512x128xi1>, vector<512x128xf32>
    %eq3A_617 = arith.cmpf oeq, %select_n3A_269, %min3A_434 : vector<512x128xf32>
    %jit3A_618 = arith.constant 18 : i32
    %jit3A_619 = arith.constant 32 : i32
    %broadcast_in_dim3A_620 = vector.broadcast %jit3A_618 : i32 to vector<512x128xi32>
    %broadcast_in_dim3A_621 = vector.broadcast %jit3A_619 : i32 to vector<512x128xi32>
    %select_n3A_622 = arith.select %eq3A_617, %broadcast_in_dim3A_620, %broadcast_in_dim3A_621 : vector<512x128xi1>, vector<512x128xi32>
    %min3A_623 = arith.minsi %min3A_613, %select_n3A_622 : vector<512x128xi32>
    %jit3A_624 = arith.constant 0x7F800000 : f32
    %broadcast_in_dim3A_625 = vector.broadcast %jit3A_624 : f32 to vector<512x128xf32>
    %select_n3A_626 = arith.select %eq3A_617, %broadcast_in_dim3A_625, %select_n3A_269 : vector<512x128xi1>, vector<512x128xf32>
    %eq3A_627 = arith.cmpf oeq, %select_n3A_279, %min3A_434 : vector<512x128xf32>
    %jit3A_628 = arith.constant 19 : i32
    %jit3A_629 = arith.constant 32 : i32
    %broadcast_in_dim3A_630 = vector.broadcast %jit3A_628 : i32 to vector<512x128xi32>
    %broadcast_in_dim3A_631 = vector.broadcast %jit3A_629 : i32 to vector<512x128xi32>
    %select_n3A_632 = arith.select %eq3A_627, %broadcast_in_dim3A_630, %broadcast_in_dim3A_631 : vector<512x128xi1>, vector<512x128xi32>
    %min3A_633 = arith.minsi %min3A_623, %select_n3A_632 : vector<512x128xi32>
    %jit3A_634 = arith.constant 0x7F800000 : f32
    %broadcast_in_dim3A_635 = vector.broadcast %jit3A_634 : f32 to vector<512x128xf32>
    %select_n3A_636 = arith.select %eq3A_627, %broadcast_in_dim3A_635, %select_n3A_279 : vector<512x128xi1>, vector<512x128xf32>
    %eq3A_637 = arith.cmpf oeq, %select_n3A_289, %min3A_434 : vector<512x128xf32>
    %jit3A_638 = arith.constant 20 : i32
    %jit3A_639 = arith.constant 32 : i32
    %broadcast_in_dim3A_640 = vector.broadcast %jit3A_638 : i32 to vector<512x128xi32>
    %broadcast_in_dim3A_641 = vector.broadcast %jit3A_639 : i32 to vector<512x128xi32>
    %select_n3A_642 = arith.select %eq3A_637, %broadcast_in_dim3A_640, %broadcast_in_dim3A_641 : vector<512x128xi1>, vector<512x128xi32>
    %min3A_643 = arith.minsi %min3A_633, %select_n3A_642 : vector<512x128xi32>
    %jit3A_644 = arith.constant 0x7F800000 : f32
    %broadcast_in_dim3A_645 = vector.broadcast %jit3A_644 : f32 to vector<512x128xf32>
    %select_n3A_646 = arith.select %eq3A_637, %broadcast_in_dim3A_645, %select_n3A_289 : vector<512x128xi1>, vector<512x128xf32>
    %eq3A_647 = arith.cmpf oeq, %select_n3A_299, %min3A_434 : vector<512x128xf32>
    %jit3A_648 = arith.constant 21 : i32
    %jit3A_649 = arith.constant 32 : i32
    %broadcast_in_dim3A_650 = vector.broadcast %jit3A_648 : i32 to vector<512x128xi32>
    %broadcast_in_dim3A_651 = vector.broadcast %jit3A_649 : i32 to vector<512x128xi32>
    %select_n3A_652 = arith.select %eq3A_647, %broadcast_in_dim3A_650, %broadcast_in_dim3A_651 : vector<512x128xi1>, vector<512x128xi32>
    %min3A_653 = arith.minsi %min3A_643, %select_n3A_652 : vector<512x128xi32>
    %jit3A_654 = arith.constant 0x7F800000 : f32
    %broadcast_in_dim3A_655 = vector.broadcast %jit3A_654 : f32 to vector<512x128xf32>
    %select_n3A_656 = arith.select %eq3A_647, %broadcast_in_dim3A_655, %select_n3A_299 : vector<512x128xi1>, vector<512x128xf32>
    %eq3A_657 = arith.cmpf oeq, %select_n3A_309, %min3A_434 : vector<512x128xf32>
    %jit3A_658 = arith.constant 22 : i32
    %jit3A_659 = arith.constant 32 : i32
    %broadcast_in_dim3A_660 = vector.broadcast %jit3A_658 : i32 to vector<512x128xi32>
    %broadcast_in_dim3A_661 = vector.broadcast %jit3A_659 : i32 to vector<512x128xi32>
    %select_n3A_662 = arith.select %eq3A_657, %broadcast_in_dim3A_660, %broadcast_in_dim3A_661 : vector<512x128xi1>, vector<512x128xi32>
    %min3A_663 = arith.minsi %min3A_653, %select_n3A_662 : vector<512x128xi32>
    %jit3A_664 = arith.constant 0x7F800000 : f32
    %broadcast_in_dim3A_665 = vector.broadcast %jit3A_664 : f32 to vector<512x128xf32>
    %select_n3A_666 = arith.select %eq3A_657, %broadcast_in_dim3A_665, %select_n3A_309 : vector<512x128xi1>, vector<512x128xf32>
    %eq3A_667 = arith.cmpf oeq, %select_n3A_319, %min3A_434 : vector<512x128xf32>
    %jit3A_668 = arith.constant 23 : i32
    %jit3A_669 = arith.constant 32 : i32
    %broadcast_in_dim3A_670 = vector.broadcast %jit3A_668 : i32 to vector<512x128xi32>
    %broadcast_in_dim3A_671 = vector.broadcast %jit3A_669 : i32 to vector<512x128xi32>
    %select_n3A_672 = arith.select %eq3A_667, %broadcast_in_dim3A_670, %broadcast_in_dim3A_671 : vector<512x128xi1>, vector<512x128xi32>
    %min3A_673 = arith.minsi %min3A_663, %select_n3A_672 : vector<512x128xi32>
    %jit3A_674 = arith.constant 0x7F800000 : f32
    %broadcast_in_dim3A_675 = vector.broadcast %jit3A_674 : f32 to vector<512x128xf32>
    %select_n3A_676 = arith.select %eq3A_667, %broadcast_in_dim3A_675, %select_n3A_319 : vector<512x128xi1>, vector<512x128xf32>
    %eq3A_677 = arith.cmpf oeq, %select_n3A_329, %min3A_434 : vector<512x128xf32>
    %jit3A_678 = arith.constant 24 : i32
    %jit3A_679 = arith.constant 32 : i32
    %broadcast_in_dim3A_680 = vector.broadcast %jit3A_678 : i32 to vector<512x128xi32>
    %broadcast_in_dim3A_681 = vector.broadcast %jit3A_679 : i32 to vector<512x128xi32>
    %select_n3A_682 = arith.select %eq3A_677, %broadcast_in_dim3A_680, %broadcast_in_dim3A_681 : vector<512x128xi1>, vector<512x128xi32>
    %min3A_683 = arith.minsi %min3A_673, %select_n3A_682 : vector<512x128xi32>
    %jit3A_684 = arith.constant 0x7F800000 : f32
    %broadcast_in_dim3A_685 = vector.broadcast %jit3A_684 : f32 to vector<512x128xf32>
    %select_n3A_686 = arith.select %eq3A_677, %broadcast_in_dim3A_685, %select_n3A_329 : vector<512x128xi1>, vector<512x128xf32>
    %eq3A_687 = arith.cmpf oeq, %select_n3A_339, %min3A_434 : vector<512x128xf32>
    %jit3A_688 = arith.constant 25 : i32
    %jit3A_689 = arith.constant 32 : i32
    %broadcast_in_dim3A_690 = vector.broadcast %jit3A_688 : i32 to vector<512x128xi32>
    %broadcast_in_dim3A_691 = vector.broadcast %jit3A_689 : i32 to vector<512x128xi32>
    %select_n3A_692 = arith.select %eq3A_687, %broadcast_in_dim3A_690, %broadcast_in_dim3A_691 : vector<512x128xi1>, vector<512x128xi32>
    %min3A_693 = arith.minsi %min3A_683, %select_n3A_692 : vector<512x128xi32>
    %jit3A_694 = arith.constant 0x7F800000 : f32
    %broadcast_in_dim3A_695 = vector.broadcast %jit3A_694 : f32 to vector<512x128xf32>
    %select_n3A_696 = arith.select %eq3A_687, %broadcast_in_dim3A_695, %select_n3A_339 : vector<512x128xi1>, vector<512x128xf32>
    %eq3A_697 = arith.cmpf oeq, %select_n3A_349, %min3A_434 : vector<512x128xf32>
    %jit3A_698 = arith.constant 26 : i32
    %jit3A_699 = arith.constant 32 : i32
    %broadcast_in_dim3A_700 = vector.broadcast %jit3A_698 : i32 to vector<512x128xi32>
    %broadcast_in_dim3A_701 = vector.broadcast %jit3A_699 : i32 to vector<512x128xi32>
    %select_n3A_702 = arith.select %eq3A_697, %broadcast_in_dim3A_700, %broadcast_in_dim3A_701 : vector<512x128xi1>, vector<512x128xi32>
    %min3A_703 = arith.minsi %min3A_693, %select_n3A_702 : vector<512x128xi32>
    %jit3A_704 = arith.constant 0x7F800000 : f32
    %broadcast_in_dim3A_705 = vector.broadcast %jit3A_704 : f32 to vector<512x128xf32>
    %select_n3A_706 = arith.select %eq3A_697, %broadcast_in_dim3A_705, %select_n3A_349 : vector<512x128xi1>, vector<512x128xf32>
    %eq3A_707 = arith.cmpf oeq, %select_n3A_359, %min3A_434 : vector<512x128xf32>
    %jit3A_708 = arith.constant 27 : i32
    %jit3A_709 = arith.constant 32 : i32
    %broadcast_in_dim3A_710 = vector.broadcast %jit3A_708 : i32 to vector<512x128xi32>
    %broadcast_in_dim3A_711 = vector.broadcast %jit3A_709 : i32 to vector<512x128xi32>
    %select_n3A_712 = arith.select %eq3A_707, %broadcast_in_dim3A_710, %broadcast_in_dim3A_711 : vector<512x128xi1>, vector<512x128xi32>
    %min3A_713 = arith.minsi %min3A_703, %select_n3A_712 : vector<512x128xi32>
    %jit3A_714 = arith.constant 0x7F800000 : f32
    %broadcast_in_dim3A_715 = vector.broadcast %jit3A_714 : f32 to vector<512x128xf32>
    %select_n3A_716 = arith.select %eq3A_707, %broadcast_in_dim3A_715, %select_n3A_359 : vector<512x128xi1>, vector<512x128xf32>
    %eq3A_717 = arith.cmpf oeq, %select_n3A_369, %min3A_434 : vector<512x128xf32>
    %jit3A_718 = arith.constant 28 : i32
    %jit3A_719 = arith.constant 32 : i32
    %broadcast_in_dim3A_720 = vector.broadcast %jit3A_718 : i32 to vector<512x128xi32>
    %broadcast_in_dim3A_721 = vector.broadcast %jit3A_719 : i32 to vector<512x128xi32>
    %select_n3A_722 = arith.select %eq3A_717, %broadcast_in_dim3A_720, %broadcast_in_dim3A_721 : vector<512x128xi1>, vector<512x128xi32>
    %min3A_723 = arith.minsi %min3A_713, %select_n3A_722 : vector<512x128xi32>
    %jit3A_724 = arith.constant 0x7F800000 : f32
    %broadcast_in_dim3A_725 = vector.broadcast %jit3A_724 : f32 to vector<512x128xf32>
    %select_n3A_726 = arith.select %eq3A_717, %broadcast_in_dim3A_725, %select_n3A_369 : vector<512x128xi1>, vector<512x128xf32>
    %eq3A_727 = arith.cmpf oeq, %select_n3A_379, %min3A_434 : vector<512x128xf32>
    %jit3A_728 = arith.constant 29 : i32
    %jit3A_729 = arith.constant 32 : i32
    %broadcast_in_dim3A_730 = vector.broadcast %jit3A_728 : i32 to vector<512x128xi32>
    %broadcast_in_dim3A_731 = vector.broadcast %jit3A_729 : i32 to vector<512x128xi32>
    %select_n3A_732 = arith.select %eq3A_727, %broadcast_in_dim3A_730, %broadcast_in_dim3A_731 : vector<512x128xi1>, vector<512x128xi32>
    %min3A_733 = arith.minsi %min3A_723, %select_n3A_732 : vector<512x128xi32>
    %jit3A_734 = arith.constant 0x7F800000 : f32
    %broadcast_in_dim3A_735 = vector.broadcast %jit3A_734 : f32 to vector<512x128xf32>
    %select_n3A_736 = arith.select %eq3A_727, %broadcast_in_dim3A_735, %select_n3A_379 : vector<512x128xi1>, vector<512x128xf32>
    %eq3A_737 = arith.cmpf oeq, %select_n3A_389, %min3A_434 : vector<512x128xf32>
    %jit3A_738 = arith.constant 30 : i32
    %jit3A_739 = arith.constant 32 : i32
    %broadcast_in_dim3A_740 = vector.broadcast %jit3A_738 : i32 to vector<512x128xi32>
    %broadcast_in_dim3A_741 = vector.broadcast %jit3A_739 : i32 to vector<512x128xi32>
    %select_n3A_742 = arith.select %eq3A_737, %broadcast_in_dim3A_740, %broadcast_in_dim3A_741 : vector<512x128xi1>, vector<512x128xi32>
    %min3A_743 = arith.minsi %min3A_733, %select_n3A_742 : vector<512x128xi32>
    %jit3A_744 = arith.constant 0x7F800000 : f32
    %broadcast_in_dim3A_745 = vector.broadcast %jit3A_744 : f32 to vector<512x128xf32>
    %select_n3A_746 = arith.select %eq3A_737, %broadcast_in_dim3A_745, %select_n3A_389 : vector<512x128xi1>, vector<512x128xf32>
    %eq3A_747 = arith.cmpf oeq, %select_n3A_399, %min3A_434 : vector<512x128xf32>
    %jit3A_748 = arith.constant 31 : i32
    %jit3A_749 = arith.constant 32 : i32
    %broadcast_in_dim3A_750 = vector.broadcast %jit3A_748 : i32 to vector<512x128xi32>
    %broadcast_in_dim3A_751 = vector.broadcast %jit3A_749 : i32 to vector<512x128xi32>
    %select_n3A_752 = arith.select %eq3A_747, %broadcast_in_dim3A_750, %broadcast_in_dim3A_751 : vector<512x128xi1>, vector<512x128xi32>
    %min3A_753 = arith.minsi %min3A_743, %select_n3A_752 : vector<512x128xi32>
    %jit3A_754 = arith.constant 0x7F800000 : f32
    %broadcast_in_dim3A_755 = vector.broadcast %jit3A_754 : f32 to vector<512x128xf32>
    %select_n3A_756 = arith.select %eq3A_747, %broadcast_in_dim3A_755, %select_n3A_399 : vector<512x128xi1>, vector<512x128xf32>
    %mul3A_757 = arith.constant 128 : i32
    %mul3A_758 = vector.broadcast %mul3A_757 : i32 to vector<512x128xi32>
    %mul3A_759 = arith.muli %min3A_753, %mul3A_758 : vector<512x128xi32>
    %add3A_760 = arith.addi %mul3A_759, %iota3A : vector<512x128xi32>
    %min3A_761 = arith.minimumf %select_n3A_446, %select_n3A_456 : vector<512x128xf32>
    %min3A_762 = arith.minimumf %min3A_761, %select_n3A_466 : vector<512x128xf32>
    %min3A_763 = arith.minimumf %min3A_762, %select_n3A_476 : vector<512x128xf32>
    %min3A_764 = arith.minimumf %min3A_763, %select_n3A_486 : vector<512x128xf32>
    %min3A_765 = arith.minimumf %min3A_764, %select_n3A_496 : vector<512x128xf32>
    %min3A_766 = arith.minimumf %min3A_765, %select_n3A_506 : vector<512x128xf32>
    %min3A_767 = arith.minimumf %min3A_766, %select_n3A_516 : vector<512x128xf32>
    %min3A_768 = arith.minimumf %min3A_767, %select_n3A_526 : vector<512x128xf32>
    %min3A_769 = arith.minimumf %min3A_768, %select_n3A_536 : vector<512x128xf32>
    %min3A_770 = arith.minimumf %min3A_769, %select_n3A_546 : vector<512x128xf32>
    %min3A_771 = arith.minimumf %min3A_770, %select_n3A_556 : vector<512x128xf32>
    %min3A_772 = arith.minimumf %min3A_771, %select_n3A_566 : vector<512x128xf32>
    %min3A_773 = arith.minimumf %min3A_772, %select_n3A_576 : vector<512x128xf32>
    %min3A_774 = arith.minimumf %min3A_773, %select_n3A_586 : vector<512x128xf32>
    %min3A_775 = arith.minimumf %min3A_774, %select_n3A_596 : vector<512x128xf32>
    %min3A_776 = arith.minimumf %min3A_775, %select_n3A_606 : vector<512x128xf32>
    %min3A_777 = arith.minimumf %min3A_776, %select_n3A_616 : vector<512x128xf32>
    %min3A_778 = arith.minimumf %min3A_777, %select_n3A_626 : vector<512x128xf32>
    %min3A_779 = arith.minimumf %min3A_778, %select_n3A_636 : vector<512x128xf32>
    %min3A_780 = arith.minimumf %min3A_779, %select_n3A_646 : vector<512x128xf32>
    %min3A_781 = arith.minimumf %min3A_780, %select_n3A_656 : vector<512x128xf32>
    %min3A_782 = arith.minimumf %min3A_781, %select_n3A_666 : vector<512x128xf32>
    %min3A_783 = arith.minimumf %min3A_782, %select_n3A_676 : vector<512x128xf32>
    %min3A_784 = arith.minimumf %min3A_783, %select_n3A_686 : vector<512x128xf32>
    %min3A_785 = arith.minimumf %min3A_784, %select_n3A_696 : vector<512x128xf32>
    %min3A_786 = arith.minimumf %min3A_785, %select_n3A_706 : vector<512x128xf32>
    %min3A_787 = arith.minimumf %min3A_786, %select_n3A_716 : vector<512x128xf32>
    %min3A_788 = arith.minimumf %min3A_787, %select_n3A_726 : vector<512x128xf32>
    %min3A_789 = arith.minimumf %min3A_788, %select_n3A_736 : vector<512x128xf32>
    %min3A_790 = arith.minimumf %min3A_789, %select_n3A_746 : vector<512x128xf32>
    %min3A_791 = arith.minimumf %min3A_790, %select_n3A_756 : vector<512x128xf32>
    %broadcast_in_dim3A_792 = arith.constant 32 : i32
    %broadcast_in_dim3A_793 = vector.broadcast %broadcast_in_dim3A_792 : i32 to vector<512x128xi32>
    %eq3A_794 = arith.cmpf oeq, %select_n3A_446, %min3A_791 : vector<512x128xf32>
    %jit3A_795 = arith.constant 0 : i32
    %jit3A_796 = arith.constant 32 : i32
    %broadcast_in_dim3A_797 = vector.broadcast %jit3A_795 : i32 to vector<512x128xi32>
    %broadcast_in_dim3A_798 = vector.broadcast %jit3A_796 : i32 to vector<512x128xi32>
    %select_n3A_799 = arith.select %eq3A_794, %broadcast_in_dim3A_797, %broadcast_in_dim3A_798 : vector<512x128xi1>, vector<512x128xi32>
    %min3A_800 = arith.minsi %broadcast_in_dim3A_793, %select_n3A_799 : vector<512x128xi32>
    %eq3A_801 = arith.cmpf oeq, %select_n3A_456, %min3A_791 : vector<512x128xf32>
    %jit3A_802 = arith.constant 1 : i32
    %jit3A_803 = arith.constant 32 : i32
    %broadcast_in_dim3A_804 = vector.broadcast %jit3A_802 : i32 to vector<512x128xi32>
    %broadcast_in_dim3A_805 = vector.broadcast %jit3A_803 : i32 to vector<512x128xi32>
    %select_n3A_806 = arith.select %eq3A_801, %broadcast_in_dim3A_804, %broadcast_in_dim3A_805 : vector<512x128xi1>, vector<512x128xi32>
    %min3A_807 = arith.minsi %min3A_800, %select_n3A_806 : vector<512x128xi32>
    %eq3A_808 = arith.cmpf oeq, %select_n3A_466, %min3A_791 : vector<512x128xf32>
    %jit3A_809 = arith.constant 2 : i32
    %jit3A_810 = arith.constant 32 : i32
    %broadcast_in_dim3A_811 = vector.broadcast %jit3A_809 : i32 to vector<512x128xi32>
    %broadcast_in_dim3A_812 = vector.broadcast %jit3A_810 : i32 to vector<512x128xi32>
    %select_n3A_813 = arith.select %eq3A_808, %broadcast_in_dim3A_811, %broadcast_in_dim3A_812 : vector<512x128xi1>, vector<512x128xi32>
    %min3A_814 = arith.minsi %min3A_807, %select_n3A_813 : vector<512x128xi32>
    %eq3A_815 = arith.cmpf oeq, %select_n3A_476, %min3A_791 : vector<512x128xf32>
    %jit3A_816 = arith.constant 3 : i32
    %jit3A_817 = arith.constant 32 : i32
    %broadcast_in_dim3A_818 = vector.broadcast %jit3A_816 : i32 to vector<512x128xi32>
    %broadcast_in_dim3A_819 = vector.broadcast %jit3A_817 : i32 to vector<512x128xi32>
    %select_n3A_820 = arith.select %eq3A_815, %broadcast_in_dim3A_818, %broadcast_in_dim3A_819 : vector<512x128xi1>, vector<512x128xi32>
    %min3A_821 = arith.minsi %min3A_814, %select_n3A_820 : vector<512x128xi32>
    %eq3A_822 = arith.cmpf oeq, %select_n3A_486, %min3A_791 : vector<512x128xf32>
    %jit3A_823 = arith.constant 4 : i32
    %jit3A_824 = arith.constant 32 : i32
    %broadcast_in_dim3A_825 = vector.broadcast %jit3A_823 : i32 to vector<512x128xi32>
    %broadcast_in_dim3A_826 = vector.broadcast %jit3A_824 : i32 to vector<512x128xi32>
    %select_n3A_827 = arith.select %eq3A_822, %broadcast_in_dim3A_825, %broadcast_in_dim3A_826 : vector<512x128xi1>, vector<512x128xi32>
    %min3A_828 = arith.minsi %min3A_821, %select_n3A_827 : vector<512x128xi32>
    %eq3A_829 = arith.cmpf oeq, %select_n3A_496, %min3A_791 : vector<512x128xf32>
    %jit3A_830 = arith.constant 5 : i32
    %jit3A_831 = arith.constant 32 : i32
    %broadcast_in_dim3A_832 = vector.broadcast %jit3A_830 : i32 to vector<512x128xi32>
    %broadcast_in_dim3A_833 = vector.broadcast %jit3A_831 : i32 to vector<512x128xi32>
    %select_n3A_834 = arith.select %eq3A_829, %broadcast_in_dim3A_832, %broadcast_in_dim3A_833 : vector<512x128xi1>, vector<512x128xi32>
    %min3A_835 = arith.minsi %min3A_828, %select_n3A_834 : vector<512x128xi32>
    %eq3A_836 = arith.cmpf oeq, %select_n3A_506, %min3A_791 : vector<512x128xf32>
    %jit3A_837 = arith.constant 6 : i32
    %jit3A_838 = arith.constant 32 : i32
    %broadcast_in_dim3A_839 = vector.broadcast %jit3A_837 : i32 to vector<512x128xi32>
    %broadcast_in_dim3A_840 = vector.broadcast %jit3A_838 : i32 to vector<512x128xi32>
    %select_n3A_841 = arith.select %eq3A_836, %broadcast_in_dim3A_839, %broadcast_in_dim3A_840 : vector<512x128xi1>, vector<512x128xi32>
    %min3A_842 = arith.minsi %min3A_835, %select_n3A_841 : vector<512x128xi32>
    %eq3A_843 = arith.cmpf oeq, %select_n3A_516, %min3A_791 : vector<512x128xf32>
    %jit3A_844 = arith.constant 7 : i32
    %jit3A_845 = arith.constant 32 : i32
    %broadcast_in_dim3A_846 = vector.broadcast %jit3A_844 : i32 to vector<512x128xi32>
    %broadcast_in_dim3A_847 = vector.broadcast %jit3A_845 : i32 to vector<512x128xi32>
    %select_n3A_848 = arith.select %eq3A_843, %broadcast_in_dim3A_846, %broadcast_in_dim3A_847 : vector<512x128xi1>, vector<512x128xi32>
    %min3A_849 = arith.minsi %min3A_842, %select_n3A_848 : vector<512x128xi32>
    %eq3A_850 = arith.cmpf oeq, %select_n3A_526, %min3A_791 : vector<512x128xf32>
    %jit3A_851 = arith.constant 8 : i32
    %jit3A_852 = arith.constant 32 : i32
    %broadcast_in_dim3A_853 = vector.broadcast %jit3A_851 : i32 to vector<512x128xi32>
    %broadcast_in_dim3A_854 = vector.broadcast %jit3A_852 : i32 to vector<512x128xi32>
    %select_n3A_855 = arith.select %eq3A_850, %broadcast_in_dim3A_853, %broadcast_in_dim3A_854 : vector<512x128xi1>, vector<512x128xi32>
    %min3A_856 = arith.minsi %min3A_849, %select_n3A_855 : vector<512x128xi32>
    %eq3A_857 = arith.cmpf oeq, %select_n3A_536, %min3A_791 : vector<512x128xf32>
    %jit3A_858 = arith.constant 9 : i32
    %jit3A_859 = arith.constant 32 : i32
    %broadcast_in_dim3A_860 = vector.broadcast %jit3A_858 : i32 to vector<512x128xi32>
    %broadcast_in_dim3A_861 = vector.broadcast %jit3A_859 : i32 to vector<512x128xi32>
    %select_n3A_862 = arith.select %eq3A_857, %broadcast_in_dim3A_860, %broadcast_in_dim3A_861 : vector<512x128xi1>, vector<512x128xi32>
    %min3A_863 = arith.minsi %min3A_856, %select_n3A_862 : vector<512x128xi32>
    %eq3A_864 = arith.cmpf oeq, %select_n3A_546, %min3A_791 : vector<512x128xf32>
    %jit3A_865 = arith.constant 10 : i32
    %jit3A_866 = arith.constant 32 : i32
    %broadcast_in_dim3A_867 = vector.broadcast %jit3A_865 : i32 to vector<512x128xi32>
    %broadcast_in_dim3A_868 = vector.broadcast %jit3A_866 : i32 to vector<512x128xi32>
    %select_n3A_869 = arith.select %eq3A_864, %broadcast_in_dim3A_867, %broadcast_in_dim3A_868 : vector<512x128xi1>, vector<512x128xi32>
    %min3A_870 = arith.minsi %min3A_863, %select_n3A_869 : vector<512x128xi32>
    %eq3A_871 = arith.cmpf oeq, %select_n3A_556, %min3A_791 : vector<512x128xf32>
    %jit3A_872 = arith.constant 11 : i32
    %jit3A_873 = arith.constant 32 : i32
    %broadcast_in_dim3A_874 = vector.broadcast %jit3A_872 : i32 to vector<512x128xi32>
    %broadcast_in_dim3A_875 = vector.broadcast %jit3A_873 : i32 to vector<512x128xi32>
    %select_n3A_876 = arith.select %eq3A_871, %broadcast_in_dim3A_874, %broadcast_in_dim3A_875 : vector<512x128xi1>, vector<512x128xi32>
    %min3A_877 = arith.minsi %min3A_870, %select_n3A_876 : vector<512x128xi32>
    %eq3A_878 = arith.cmpf oeq, %select_n3A_566, %min3A_791 : vector<512x128xf32>
    %jit3A_879 = arith.constant 12 : i32
    %jit3A_880 = arith.constant 32 : i32
    %broadcast_in_dim3A_881 = vector.broadcast %jit3A_879 : i32 to vector<512x128xi32>
    %broadcast_in_dim3A_882 = vector.broadcast %jit3A_880 : i32 to vector<512x128xi32>
    %select_n3A_883 = arith.select %eq3A_878, %broadcast_in_dim3A_881, %broadcast_in_dim3A_882 : vector<512x128xi1>, vector<512x128xi32>
    %min3A_884 = arith.minsi %min3A_877, %select_n3A_883 : vector<512x128xi32>
    %eq3A_885 = arith.cmpf oeq, %select_n3A_576, %min3A_791 : vector<512x128xf32>
    %jit3A_886 = arith.constant 13 : i32
    %jit3A_887 = arith.constant 32 : i32
    %broadcast_in_dim3A_888 = vector.broadcast %jit3A_886 : i32 to vector<512x128xi32>
    %broadcast_in_dim3A_889 = vector.broadcast %jit3A_887 : i32 to vector<512x128xi32>
    %select_n3A_890 = arith.select %eq3A_885, %broadcast_in_dim3A_888, %broadcast_in_dim3A_889 : vector<512x128xi1>, vector<512x128xi32>
    %min3A_891 = arith.minsi %min3A_884, %select_n3A_890 : vector<512x128xi32>
    %eq3A_892 = arith.cmpf oeq, %select_n3A_586, %min3A_791 : vector<512x128xf32>
    %jit3A_893 = arith.constant 14 : i32
    %jit3A_894 = arith.constant 32 : i32
    %broadcast_in_dim3A_895 = vector.broadcast %jit3A_893 : i32 to vector<512x128xi32>
    %broadcast_in_dim3A_896 = vector.broadcast %jit3A_894 : i32 to vector<512x128xi32>
    %select_n3A_897 = arith.select %eq3A_892, %broadcast_in_dim3A_895, %broadcast_in_dim3A_896 : vector<512x128xi1>, vector<512x128xi32>
    %min3A_898 = arith.minsi %min3A_891, %select_n3A_897 : vector<512x128xi32>
    %eq3A_899 = arith.cmpf oeq, %select_n3A_596, %min3A_791 : vector<512x128xf32>
    %jit3A_900 = arith.constant 15 : i32
    %jit3A_901 = arith.constant 32 : i32
    %broadcast_in_dim3A_902 = vector.broadcast %jit3A_900 : i32 to vector<512x128xi32>
    %broadcast_in_dim3A_903 = vector.broadcast %jit3A_901 : i32 to vector<512x128xi32>
    %select_n3A_904 = arith.select %eq3A_899, %broadcast_in_dim3A_902, %broadcast_in_dim3A_903 : vector<512x128xi1>, vector<512x128xi32>
    %min3A_905 = arith.minsi %min3A_898, %select_n3A_904 : vector<512x128xi32>
    %eq3A_906 = arith.cmpf oeq, %select_n3A_606, %min3A_791 : vector<512x128xf32>
    %jit3A_907 = arith.constant 16 : i32
    %jit3A_908 = arith.constant 32 : i32
    %broadcast_in_dim3A_909 = vector.broadcast %jit3A_907 : i32 to vector<512x128xi32>
    %broadcast_in_dim3A_910 = vector.broadcast %jit3A_908 : i32 to vector<512x128xi32>
    %select_n3A_911 = arith.select %eq3A_906, %broadcast_in_dim3A_909, %broadcast_in_dim3A_910 : vector<512x128xi1>, vector<512x128xi32>
    %min3A_912 = arith.minsi %min3A_905, %select_n3A_911 : vector<512x128xi32>
    %eq3A_913 = arith.cmpf oeq, %select_n3A_616, %min3A_791 : vector<512x128xf32>
    %jit3A_914 = arith.constant 17 : i32
    %jit3A_915 = arith.constant 32 : i32
    %broadcast_in_dim3A_916 = vector.broadcast %jit3A_914 : i32 to vector<512x128xi32>
    %broadcast_in_dim3A_917 = vector.broadcast %jit3A_915 : i32 to vector<512x128xi32>
    %select_n3A_918 = arith.select %eq3A_913, %broadcast_in_dim3A_916, %broadcast_in_dim3A_917 : vector<512x128xi1>, vector<512x128xi32>
    %min3A_919 = arith.minsi %min3A_912, %select_n3A_918 : vector<512x128xi32>
    %eq3A_920 = arith.cmpf oeq, %select_n3A_626, %min3A_791 : vector<512x128xf32>
    %jit3A_921 = arith.constant 18 : i32
    %jit3A_922 = arith.constant 32 : i32
    %broadcast_in_dim3A_923 = vector.broadcast %jit3A_921 : i32 to vector<512x128xi32>
    %broadcast_in_dim3A_924 = vector.broadcast %jit3A_922 : i32 to vector<512x128xi32>
    %select_n3A_925 = arith.select %eq3A_920, %broadcast_in_dim3A_923, %broadcast_in_dim3A_924 : vector<512x128xi1>, vector<512x128xi32>
    %min3A_926 = arith.minsi %min3A_919, %select_n3A_925 : vector<512x128xi32>
    %eq3A_927 = arith.cmpf oeq, %select_n3A_636, %min3A_791 : vector<512x128xf32>
    %jit3A_928 = arith.constant 19 : i32
    %jit3A_929 = arith.constant 32 : i32
    %broadcast_in_dim3A_930 = vector.broadcast %jit3A_928 : i32 to vector<512x128xi32>
    %broadcast_in_dim3A_931 = vector.broadcast %jit3A_929 : i32 to vector<512x128xi32>
    %select_n3A_932 = arith.select %eq3A_927, %broadcast_in_dim3A_930, %broadcast_in_dim3A_931 : vector<512x128xi1>, vector<512x128xi32>
    %min3A_933 = arith.minsi %min3A_926, %select_n3A_932 : vector<512x128xi32>
    %eq3A_934 = arith.cmpf oeq, %select_n3A_646, %min3A_791 : vector<512x128xf32>
    %jit3A_935 = arith.constant 20 : i32
    %jit3A_936 = arith.constant 32 : i32
    %broadcast_in_dim3A_937 = vector.broadcast %jit3A_935 : i32 to vector<512x128xi32>
    %broadcast_in_dim3A_938 = vector.broadcast %jit3A_936 : i32 to vector<512x128xi32>
    %select_n3A_939 = arith.select %eq3A_934, %broadcast_in_dim3A_937, %broadcast_in_dim3A_938 : vector<512x128xi1>, vector<512x128xi32>
    %min3A_940 = arith.minsi %min3A_933, %select_n3A_939 : vector<512x128xi32>
    %eq3A_941 = arith.cmpf oeq, %select_n3A_656, %min3A_791 : vector<512x128xf32>
    %jit3A_942 = arith.constant 21 : i32
    %jit3A_943 = arith.constant 32 : i32
    %broadcast_in_dim3A_944 = vector.broadcast %jit3A_942 : i32 to vector<512x128xi32>
    %broadcast_in_dim3A_945 = vector.broadcast %jit3A_943 : i32 to vector<512x128xi32>
    %select_n3A_946 = arith.select %eq3A_941, %broadcast_in_dim3A_944, %broadcast_in_dim3A_945 : vector<512x128xi1>, vector<512x128xi32>
    %min3A_947 = arith.minsi %min3A_940, %select_n3A_946 : vector<512x128xi32>
    %eq3A_948 = arith.cmpf oeq, %select_n3A_666, %min3A_791 : vector<512x128xf32>
    %jit3A_949 = arith.constant 22 : i32
    %jit3A_950 = arith.constant 32 : i32
    %broadcast_in_dim3A_951 = vector.broadcast %jit3A_949 : i32 to vector<512x128xi32>
    %broadcast_in_dim3A_952 = vector.broadcast %jit3A_950 : i32 to vector<512x128xi32>
    %select_n3A_953 = arith.select %eq3A_948, %broadcast_in_dim3A_951, %broadcast_in_dim3A_952 : vector<512x128xi1>, vector<512x128xi32>
    %min3A_954 = arith.minsi %min3A_947, %select_n3A_953 : vector<512x128xi32>
    %eq3A_955 = arith.cmpf oeq, %select_n3A_676, %min3A_791 : vector<512x128xf32>
    %jit3A_956 = arith.constant 23 : i32
    %jit3A_957 = arith.constant 32 : i32
    %broadcast_in_dim3A_958 = vector.broadcast %jit3A_956 : i32 to vector<512x128xi32>
    %broadcast_in_dim3A_959 = vector.broadcast %jit3A_957 : i32 to vector<512x128xi32>
    %select_n3A_960 = arith.select %eq3A_955, %broadcast_in_dim3A_958, %broadcast_in_dim3A_959 : vector<512x128xi1>, vector<512x128xi32>
    %min3A_961 = arith.minsi %min3A_954, %select_n3A_960 : vector<512x128xi32>
    %eq3A_962 = arith.cmpf oeq, %select_n3A_686, %min3A_791 : vector<512x128xf32>
    %jit3A_963 = arith.constant 24 : i32
    %jit3A_964 = arith.constant 32 : i32
    %broadcast_in_dim3A_965 = vector.broadcast %jit3A_963 : i32 to vector<512x128xi32>
    %broadcast_in_dim3A_966 = vector.broadcast %jit3A_964 : i32 to vector<512x128xi32>
    %select_n3A_967 = arith.select %eq3A_962, %broadcast_in_dim3A_965, %broadcast_in_dim3A_966 : vector<512x128xi1>, vector<512x128xi32>
    %min3A_968 = arith.minsi %min3A_961, %select_n3A_967 : vector<512x128xi32>
    %eq3A_969 = arith.cmpf oeq, %select_n3A_696, %min3A_791 : vector<512x128xf32>
    %jit3A_970 = arith.constant 25 : i32
    %jit3A_971 = arith.constant 32 : i32
    %broadcast_in_dim3A_972 = vector.broadcast %jit3A_970 : i32 to vector<512x128xi32>
    %broadcast_in_dim3A_973 = vector.broadcast %jit3A_971 : i32 to vector<512x128xi32>
    %select_n3A_974 = arith.select %eq3A_969, %broadcast_in_dim3A_972, %broadcast_in_dim3A_973 : vector<512x128xi1>, vector<512x128xi32>
    %min3A_975 = arith.minsi %min3A_968, %select_n3A_974 : vector<512x128xi32>
    %eq3A_976 = arith.cmpf oeq, %select_n3A_706, %min3A_791 : vector<512x128xf32>
    %jit3A_977 = arith.constant 26 : i32
    %jit3A_978 = arith.constant 32 : i32
    %broadcast_in_dim3A_979 = vector.broadcast %jit3A_977 : i32 to vector<512x128xi32>
    %broadcast_in_dim3A_980 = vector.broadcast %jit3A_978 : i32 to vector<512x128xi32>
    %select_n3A_981 = arith.select %eq3A_976, %broadcast_in_dim3A_979, %broadcast_in_dim3A_980 : vector<512x128xi1>, vector<512x128xi32>
    %min3A_982 = arith.minsi %min3A_975, %select_n3A_981 : vector<512x128xi32>
    %eq3A_983 = arith.cmpf oeq, %select_n3A_716, %min3A_791 : vector<512x128xf32>
    %jit3A_984 = arith.constant 27 : i32
    %jit3A_985 = arith.constant 32 : i32
    %broadcast_in_dim3A_986 = vector.broadcast %jit3A_984 : i32 to vector<512x128xi32>
    %broadcast_in_dim3A_987 = vector.broadcast %jit3A_985 : i32 to vector<512x128xi32>
    %select_n3A_988 = arith.select %eq3A_983, %broadcast_in_dim3A_986, %broadcast_in_dim3A_987 : vector<512x128xi1>, vector<512x128xi32>
    %min3A_989 = arith.minsi %min3A_982, %select_n3A_988 : vector<512x128xi32>
    %eq3A_990 = arith.cmpf oeq, %select_n3A_726, %min3A_791 : vector<512x128xf32>
    %jit3A_991 = arith.constant 28 : i32
    %jit3A_992 = arith.constant 32 : i32
    %broadcast_in_dim3A_993 = vector.broadcast %jit3A_991 : i32 to vector<512x128xi32>
    %broadcast_in_dim3A_994 = vector.broadcast %jit3A_992 : i32 to vector<512x128xi32>
    %select_n3A_995 = arith.select %eq3A_990, %broadcast_in_dim3A_993, %broadcast_in_dim3A_994 : vector<512x128xi1>, vector<512x128xi32>
    %min3A_996 = arith.minsi %min3A_989, %select_n3A_995 : vector<512x128xi32>
    %eq3A_997 = arith.cmpf oeq, %select_n3A_736, %min3A_791 : vector<512x128xf32>
    %jit3A_998 = arith.constant 29 : i32
    %jit3A_999 = arith.constant 32 : i32
    %broadcast_in_dim3A_1000 = vector.broadcast %jit3A_998 : i32 to vector<512x128xi32>
    %broadcast_in_dim3A_1001 = vector.broadcast %jit3A_999 : i32 to vector<512x128xi32>
    %select_n3A_1002 = arith.select %eq3A_997, %broadcast_in_dim3A_1000, %broadcast_in_dim3A_1001 : vector<512x128xi1>, vector<512x128xi32>
    %min3A_1003 = arith.minsi %min3A_996, %select_n3A_1002 : vector<512x128xi32>
    %eq3A_1004 = arith.cmpf oeq, %select_n3A_746, %min3A_791 : vector<512x128xf32>
    %jit3A_1005 = arith.constant 30 : i32
    %jit3A_1006 = arith.constant 32 : i32
    %broadcast_in_dim3A_1007 = vector.broadcast %jit3A_1005 : i32 to vector<512x128xi32>
    %broadcast_in_dim3A_1008 = vector.broadcast %jit3A_1006 : i32 to vector<512x128xi32>
    %select_n3A_1009 = arith.select %eq3A_1004, %broadcast_in_dim3A_1007, %broadcast_in_dim3A_1008 : vector<512x128xi1>, vector<512x128xi32>
    %min3A_1010 = arith.minsi %min3A_1003, %select_n3A_1009 : vector<512x128xi32>
    %eq3A_1011 = arith.cmpf oeq, %select_n3A_756, %min3A_791 : vector<512x128xf32>
    %jit3A_1012 = arith.constant 31 : i32
    %jit3A_1013 = arith.constant 32 : i32
    %broadcast_in_dim3A_1014 = vector.broadcast %jit3A_1012 : i32 to vector<512x128xi32>
    %broadcast_in_dim3A_1015 = vector.broadcast %jit3A_1013 : i32 to vector<512x128xi32>
    %select_n3A_1016 = arith.select %eq3A_1011, %broadcast_in_dim3A_1014, %broadcast_in_dim3A_1015 : vector<512x128xi1>, vector<512x128xi32>
    %min3A_1017 = arith.minsi %min3A_1010, %select_n3A_1016 : vector<512x128xi32>
    %mul3A_1018 = arith.constant 128 : i32
    %mul3A_1019 = vector.broadcast %mul3A_1018 : i32 to vector<512x128xi32>
    %mul3A_1020 = arith.muli %min3A_1017, %mul3A_1019 : vector<512x128xi32>
    %add3A_1021 = arith.addi %mul3A_1020, %iota3A : vector<512x128xi32>
    %mul3A_1022 = arith.constant 4096 : i32
    %mul3A_1023 = arith.muli %arg0, %mul3A_1022 : i32
    %min3A_1024 = arith.minimumf %min3A_80, %min3A_434 : vector<512x128xf32>
    %min3A_1025 = arith.minimumf %min3A_1024, %min3A_791 : vector<512x128xf32>
    %reduce_min3A = arith.constant dense<0x7F800000> : vector<512xf32>
    %reduce_min3A_1026 = vector.multi_reduction <minimumf>, %min3A_1025, %reduce_min3A [1] : vector<512x128xf32> to vector<512xf32>
    %broadcast_in_dim3A_1027 = vector.shape_cast %reduce_min3A_1026 : vector<512xf32> to vector<512x1xf32>
    %broadcast_in_dim3A_1028 = arith.constant 4096 : i32
    %broadcast_in_dim3A_1029 = vector.broadcast %broadcast_in_dim3A_1028 : i32 to vector<512x1xi32>
    %eq3A_1030 = vector.broadcast %broadcast_in_dim3A_1027 : vector<512x1xf32> to vector<512x128xf32>
    %eq3A_1031 = arith.cmpf oeq, %min3A_80, %eq3A_1030 : vector<512x128xf32>
    %jit3A_1032 = arith.constant 4096 : i32
    %broadcast_in_dim3A_1033 = vector.broadcast %jit3A_1032 : i32 to vector<512x128xi32>
    %select_n3A_1034 = arith.select %eq3A_1031, %add3A_403, %broadcast_in_dim3A_1033 : vector<512x128xi1>, vector<512x128xi32>
    %reduce_min3A_1035 = arith.constant dense<2147483647> : vector<512xi32>
    %reduce_min3A_1036 = vector.multi_reduction <minsi>, %select_n3A_1034, %reduce_min3A_1035 [1] : vector<512x128xi32> to vector<512xi32>
    %broadcast_in_dim3A_1037 = vector.shape_cast %reduce_min3A_1036 : vector<512xi32> to vector<512x1xi32>
    %min3A_1038 = arith.minsi %broadcast_in_dim3A_1029, %broadcast_in_dim3A_1037 : vector<512x1xi32>
    %jit3A_1039 = arith.constant 0x7F800000 : f32
    %broadcast_in_dim3A_1040 = vector.broadcast %jit3A_1039 : f32 to vector<512x128xf32>
    %select_n3A_1041 = arith.select %eq3A_1031, %broadcast_in_dim3A_1040, %min3A_80 : vector<512x128xi1>, vector<512x128xf32>
    %eq3A_1042 = vector.broadcast %broadcast_in_dim3A_1027 : vector<512x1xf32> to vector<512x128xf32>
    %eq3A_1043 = arith.cmpf oeq, %min3A_434, %eq3A_1042 : vector<512x128xf32>
    %jit3A_1044 = arith.constant 4096 : i32
    %broadcast_in_dim3A_1045 = vector.broadcast %jit3A_1044 : i32 to vector<512x128xi32>
    %select_n3A_1046 = arith.select %eq3A_1043, %add3A_760, %broadcast_in_dim3A_1045 : vector<512x128xi1>, vector<512x128xi32>
    %reduce_min3A_1047 = arith.constant dense<2147483647> : vector<512xi32>
    %reduce_min3A_1048 = vector.multi_reduction <minsi>, %select_n3A_1046, %reduce_min3A_1047 [1] : vector<512x128xi32> to vector<512xi32>
    %broadcast_in_dim3A_1049 = vector.shape_cast %reduce_min3A_1048 : vector<512xi32> to vector<512x1xi32>
    %min3A_1050 = arith.minsi %min3A_1038, %broadcast_in_dim3A_1049 : vector<512x1xi32>
    %jit3A_1051 = arith.constant 0x7F800000 : f32
    %broadcast_in_dim3A_1052 = vector.broadcast %jit3A_1051 : f32 to vector<512x128xf32>
    %select_n3A_1053 = arith.select %eq3A_1043, %broadcast_in_dim3A_1052, %min3A_434 : vector<512x128xi1>, vector<512x128xf32>
    %eq3A_1054 = vector.broadcast %broadcast_in_dim3A_1027 : vector<512x1xf32> to vector<512x128xf32>
    %eq3A_1055 = arith.cmpf oeq, %min3A_791, %eq3A_1054 : vector<512x128xf32>
    %jit3A_1056 = arith.constant 4096 : i32
    %broadcast_in_dim3A_1057 = vector.broadcast %jit3A_1056 : i32 to vector<512x128xi32>
    %select_n3A_1058 = arith.select %eq3A_1055, %add3A_1021, %broadcast_in_dim3A_1057 : vector<512x128xi1>, vector<512x128xi32>
    %reduce_min3A_1059 = arith.constant dense<2147483647> : vector<512xi32>
    %reduce_min3A_1060 = vector.multi_reduction <minsi>, %select_n3A_1058, %reduce_min3A_1059 [1] : vector<512x128xi32> to vector<512xi32>
    %broadcast_in_dim3A_1061 = vector.shape_cast %reduce_min3A_1060 : vector<512xi32> to vector<512x1xi32>
    %min3A_1062 = arith.minsi %min3A_1050, %broadcast_in_dim3A_1061 : vector<512x1xi32>
    %jit3A_1063 = arith.constant 0x7F800000 : f32
    %broadcast_in_dim3A_1064 = vector.broadcast %jit3A_1063 : f32 to vector<512x128xf32>
    %select_n3A_1065 = arith.select %eq3A_1055, %broadcast_in_dim3A_1064, %min3A_791 : vector<512x128xi1>, vector<512x128xf32>
    %add3A_1066 = vector.broadcast %mul3A_1023 : i32 to vector<512x1xi32>
    %add3A_1067 = arith.addi %min3A_1062, %add3A_1066 : vector<512x1xi32>
    %swap3A = arith.constant 0 : index
    %swap3A_1068 = arith.constant 0 : index
    %swap3A_1069 = arith.constant 0 : index
    %swap3A_1070 = vector.load %arg4[%swap3A, %swap3A_1068, %swap3A_1069] : memref<1x512x8xi32, #tpu.memory_space<vmem>>, vector<1x512x1xi32>
    %swap3A_1071 = vector.shape_cast %swap3A_1070 : vector<1x512x1xi32> to vector<512x1xi32>
    %swap3A_1072 = vector.shape_cast %add3A_1067 : vector<512x1xi32> to vector<1x512x1xi32>
    tpu.vector_store %arg4[%swap3A, %swap3A_1068, %swap3A_1069], %swap3A_1072 {strides = array<i32>} : memref<1x512x8xi32, #tpu.memory_space<vmem>>, vector<1x512x1xi32>,
    %min3A_1073 = arith.minimumf %select_n3A_1041, %select_n3A_1053 : vector<512x128xf32>
    %min3A_1074 = arith.minimumf %min3A_1073, %select_n3A_1065 : vector<512x128xf32>
    %reduce_min3A_1075 = arith.constant dense<0x7F800000> : vector<512xf32>
    %reduce_min3A_1076 = vector.multi_reduction <minimumf>, %min3A_1074, %reduce_min3A_1075 [1] : vector<512x128xf32> to vector<512xf32>
    %broadcast_in_dim3A_1077 = vector.shape_cast %reduce_min3A_1076 : vector<512xf32> to vector<512x1xf32>
    %broadcast_in_dim3A_1078 = arith.constant 4096 : i32
    %broadcast_in_dim3A_1079 = vector.broadcast %broadcast_in_dim3A_1078 : i32 to vector<512x1xi32>
    %eq3A_1080 = vector.broadcast %broadcast_in_dim3A_1077 : vector<512x1xf32> to vector<512x128xf32>
    %eq3A_1081 = arith.cmpf oeq, %select_n3A_1041, %eq3A_1080 : vector<512x128xf32>
    %jit3A_1082 = arith.constant 4096 : i32
    %broadcast_in_dim3A_1083 = vector.broadcast %jit3A_1082 : i32 to vector<512x128xi32>
    %select_n3A_1084 = arith.select %eq3A_1081, %add3A_403, %broadcast_in_dim3A_1083 : vector<512x128xi1>, vector<512x128xi32>
    %reduce_min3A_1085 = arith.constant dense<2147483647> : vector<512xi32>
    %reduce_min3A_1086 = vector.multi_reduction <minsi>, %select_n3A_1084, %reduce_min3A_1085 [1] : vector<512x128xi32> to vector<512xi32>
    %broadcast_in_dim3A_1087 = vector.shape_cast %reduce_min3A_1086 : vector<512xi32> to vector<512x1xi32>
    %min3A_1088 = arith.minsi %broadcast_in_dim3A_1079, %broadcast_in_dim3A_1087 : vector<512x1xi32>
    %jit3A_1089 = arith.constant 0x7F800000 : f32
    %broadcast_in_dim3A_1090 = vector.broadcast %jit3A_1089 : f32 to vector<512x128xf32>
    %select_n3A_1091 = arith.select %eq3A_1081, %broadcast_in_dim3A_1090, %select_n3A_1041 : vector<512x128xi1>, vector<512x128xf32>
    %eq3A_1092 = vector.broadcast %broadcast_in_dim3A_1077 : vector<512x1xf32> to vector<512x128xf32>
    %eq3A_1093 = arith.cmpf oeq, %select_n3A_1053, %eq3A_1092 : vector<512x128xf32>
    %jit3A_1094 = arith.constant 4096 : i32
    %broadcast_in_dim3A_1095 = vector.broadcast %jit3A_1094 : i32 to vector<512x128xi32>
    %select_n3A_1096 = arith.select %eq3A_1093, %add3A_760, %broadcast_in_dim3A_1095 : vector<512x128xi1>, vector<512x128xi32>
    %reduce_min3A_1097 = arith.constant dense<2147483647> : vector<512xi32>
    %reduce_min3A_1098 = vector.multi_reduction <minsi>, %select_n3A_1096, %reduce_min3A_1097 [1] : vector<512x128xi32> to vector<512xi32>
    %broadcast_in_dim3A_1099 = vector.shape_cast %reduce_min3A_1098 : vector<512xi32> to vector<512x1xi32>
    %min3A_1100 = arith.minsi %min3A_1088, %broadcast_in_dim3A_1099 : vector<512x1xi32>
    %jit3A_1101 = arith.constant 0x7F800000 : f32
    %broadcast_in_dim3A_1102 = vector.broadcast %jit3A_1101 : f32 to vector<512x128xf32>
    %select_n3A_1103 = arith.select %eq3A_1093, %broadcast_in_dim3A_1102, %select_n3A_1053 : vector<512x128xi1>, vector<512x128xf32>
    %eq3A_1104 = vector.broadcast %broadcast_in_dim3A_1077 : vector<512x1xf32> to vector<512x128xf32>
    %eq3A_1105 = arith.cmpf oeq, %select_n3A_1065, %eq3A_1104 : vector<512x128xf32>
    %jit3A_1106 = arith.constant 4096 : i32
    %broadcast_in_dim3A_1107 = vector.broadcast %jit3A_1106 : i32 to vector<512x128xi32>
    %select_n3A_1108 = arith.select %eq3A_1105, %add3A_1021, %broadcast_in_dim3A_1107 : vector<512x128xi1>, vector<512x128xi32>
    %reduce_min3A_1109 = arith.constant dense<2147483647> : vector<512xi32>
    %reduce_min3A_1110 = vector.multi_reduction <minsi>, %select_n3A_1108, %reduce_min3A_1109 [1] : vector<512x128xi32> to vector<512xi32>
    %broadcast_in_dim3A_1111 = vector.shape_cast %reduce_min3A_1110 : vector<512xi32> to vector<512x1xi32>
    %min3A_1112 = arith.minsi %min3A_1100, %broadcast_in_dim3A_1111 : vector<512x1xi32>
    %jit3A_1113 = arith.constant 0x7F800000 : f32
    %broadcast_in_dim3A_1114 = vector.broadcast %jit3A_1113 : f32 to vector<512x128xf32>
    %select_n3A_1115 = arith.select %eq3A_1105, %broadcast_in_dim3A_1114, %select_n3A_1065 : vector<512x128xi1>, vector<512x128xf32>
    %add3A_1116 = vector.broadcast %mul3A_1023 : i32 to vector<512x1xi32>
    %add3A_1117 = arith.addi %min3A_1112, %add3A_1116 : vector<512x1xi32>
    %swap3A_1118 = arith.constant 0 : index
    %swap3A_1119 = arith.constant 0 : index
    %swap3A_1120 = arith.constant 1 : index
    %swap3A_1121 = vector.load %arg4[%swap3A_1118, %swap3A_1119, %swap3A_1120] : memref<1x512x8xi32, #tpu.memory_space<vmem>>, vector<1x512x1xi32>
    %swap3A_1122 = vector.shape_cast %swap3A_1121 : vector<1x512x1xi32> to vector<512x1xi32>
    %swap3A_1123 = vector.shape_cast %add3A_1117 : vector<512x1xi32> to vector<1x512x1xi32>
    tpu.vector_store %arg4[%swap3A_1118, %swap3A_1119, %swap3A_1120], %swap3A_1123 {strides = array<i32>} : memref<1x512x8xi32, #tpu.memory_space<vmem>>, vector<1x512x1xi32>,
    %min3A_1124 = arith.minimumf %select_n3A_1091, %select_n3A_1103 : vector<512x128xf32>
    %min3A_1125 = arith.minimumf %min3A_1124, %select_n3A_1115 : vector<512x128xf32>
    %reduce_min3A_1126 = arith.constant dense<0x7F800000> : vector<512xf32>
    %reduce_min3A_1127 = vector.multi_reduction <minimumf>, %min3A_1125, %reduce_min3A_1126 [1] : vector<512x128xf32> to vector<512xf32>
    %broadcast_in_dim3A_1128 = vector.shape_cast %reduce_min3A_1127 : vector<512xf32> to vector<512x1xf32>
    %broadcast_in_dim3A_1129 = arith.constant 4096 : i32
    %broadcast_in_dim3A_1130 = vector.broadcast %broadcast_in_dim3A_1129 : i32 to vector<512x1xi32>
    %eq3A_1131 = vector.broadcast %broadcast_in_dim3A_1128 : vector<512x1xf32> to vector<512x128xf32>
    %eq3A_1132 = arith.cmpf oeq, %select_n3A_1091, %eq3A_1131 : vector<512x128xf32>
    %jit3A_1133 = arith.constant 4096 : i32
    %broadcast_in_dim3A_1134 = vector.broadcast %jit3A_1133 : i32 to vector<512x128xi32>
    %select_n3A_1135 = arith.select %eq3A_1132, %add3A_403, %broadcast_in_dim3A_1134 : vector<512x128xi1>, vector<512x128xi32>
    %reduce_min3A_1136 = arith.constant dense<2147483647> : vector<512xi32>
    %reduce_min3A_1137 = vector.multi_reduction <minsi>, %select_n3A_1135, %reduce_min3A_1136 [1] : vector<512x128xi32> to vector<512xi32>
    %broadcast_in_dim3A_1138 = vector.shape_cast %reduce_min3A_1137 : vector<512xi32> to vector<512x1xi32>
    %min3A_1139 = arith.minsi %broadcast_in_dim3A_1130, %broadcast_in_dim3A_1138 : vector<512x1xi32>
    %jit3A_1140 = arith.constant 0x7F800000 : f32
    %broadcast_in_dim3A_1141 = vector.broadcast %jit3A_1140 : f32 to vector<512x128xf32>
    %select_n3A_1142 = arith.select %eq3A_1132, %broadcast_in_dim3A_1141, %select_n3A_1091 : vector<512x128xi1>, vector<512x128xf32>
    %eq3A_1143 = vector.broadcast %broadcast_in_dim3A_1128 : vector<512x1xf32> to vector<512x128xf32>
    %eq3A_1144 = arith.cmpf oeq, %select_n3A_1103, %eq3A_1143 : vector<512x128xf32>
    %jit3A_1145 = arith.constant 4096 : i32
    %broadcast_in_dim3A_1146 = vector.broadcast %jit3A_1145 : i32 to vector<512x128xi32>
    %select_n3A_1147 = arith.select %eq3A_1144, %add3A_760, %broadcast_in_dim3A_1146 : vector<512x128xi1>, vector<512x128xi32>
    %reduce_min3A_1148 = arith.constant dense<2147483647> : vector<512xi32>
    %reduce_min3A_1149 = vector.multi_reduction <minsi>, %select_n3A_1147, %reduce_min3A_1148 [1] : vector<512x128xi32> to vector<512xi32>
    %broadcast_in_dim3A_1150 = vector.shape_cast %reduce_min3A_1149 : vector<512xi32> to vector<512x1xi32>
    %min3A_1151 = arith.minsi %min3A_1139, %broadcast_in_dim3A_1150 : vector<512x1xi32>
    %jit3A_1152 = arith.constant 0x7F800000 : f32
    %broadcast_in_dim3A_1153 = vector.broadcast %jit3A_1152 : f32 to vector<512x128xf32>
    %select_n3A_1154 = arith.select %eq3A_1144, %broadcast_in_dim3A_1153, %select_n3A_1103 : vector<512x128xi1>, vector<512x128xf32>
    %eq3A_1155 = vector.broadcast %broadcast_in_dim3A_1128 : vector<512x1xf32> to vector<512x128xf32>
    %eq3A_1156 = arith.cmpf oeq, %select_n3A_1115, %eq3A_1155 : vector<512x128xf32>
    %jit3A_1157 = arith.constant 4096 : i32
    %broadcast_in_dim3A_1158 = vector.broadcast %jit3A_1157 : i32 to vector<512x128xi32>
    %select_n3A_1159 = arith.select %eq3A_1156, %add3A_1021, %broadcast_in_dim3A_1158 : vector<512x128xi1>, vector<512x128xi32>
    %reduce_min3A_1160 = arith.constant dense<2147483647> : vector<512xi32>
    %reduce_min3A_1161 = vector.multi_reduction <minsi>, %select_n3A_1159, %reduce_min3A_1160 [1] : vector<512x128xi32> to vector<512xi32>
    %broadcast_in_dim3A_1162 = vector.shape_cast %reduce_min3A_1161 : vector<512xi32> to vector<512x1xi32>
    %min3A_1163 = arith.minsi %min3A_1151, %broadcast_in_dim3A_1162 : vector<512x1xi32>
    %jit3A_1164 = arith.constant 0x7F800000 : f32
    %broadcast_in_dim3A_1165 = vector.broadcast %jit3A_1164 : f32 to vector<512x128xf32>
    %select_n3A_1166 = arith.select %eq3A_1156, %broadcast_in_dim3A_1165, %select_n3A_1115 : vector<512x128xi1>, vector<512x128xf32>
    %add3A_1167 = vector.broadcast %mul3A_1023 : i32 to vector<512x1xi32>
    %add3A_1168 = arith.addi %min3A_1163, %add3A_1167 : vector<512x1xi32>
    %swap3A_1169 = arith.constant 0 : index
    %swap3A_1170 = arith.constant 0 : index
    %swap3A_1171 = arith.constant 2 : index
    %swap3A_1172 = vector.load %arg4[%swap3A_1169, %swap3A_1170, %swap3A_1171] : memref<1x512x8xi32, #tpu.memory_space<vmem>>, vector<1x512x1xi32>
    %swap3A_1173 = vector.shape_cast %swap3A_1172 : vector<1x512x1xi32> to vector<512x1xi32>
    %swap3A_1174 = vector.shape_cast %add3A_1168 : vector<512x1xi32> to vector<1x512x1xi32>
    tpu.vector_store %arg4[%swap3A_1169, %swap3A_1170, %swap3A_1171], %swap3A_1174 {strides = array<i32>} : memref<1x512x8xi32, #tpu.memory_space<vmem>>, vector<1x512x1xi32>,
    %min3A_1175 = arith.minimumf %select_n3A_1142, %select_n3A_1154 : vector<512x128xf32>
    %min3A_1176 = arith.minimumf %min3A_1175, %select_n3A_1166 : vector<512x128xf32>
    %reduce_min3A_1177 = arith.constant dense<0x7F800000> : vector<512xf32>
    %reduce_min3A_1178 = vector.multi_reduction <minimumf>, %min3A_1176, %reduce_min3A_1177 [1] : vector<512x128xf32> to vector<512xf32>
    %broadcast_in_dim3A_1179 = vector.shape_cast %reduce_min3A_1178 : vector<512xf32> to vector<512x1xf32>
    %broadcast_in_dim3A_1180 = arith.constant 4096 : i32
    %broadcast_in_dim3A_1181 = vector.broadcast %broadcast_in_dim3A_1180 : i32 to vector<512x1xi32>
    %eq3A_1182 = vector.broadcast %broadcast_in_dim3A_1179 : vector<512x1xf32> to vector<512x128xf32>
    %eq3A_1183 = arith.cmpf oeq, %select_n3A_1142, %eq3A_1182 : vector<512x128xf32>
    %jit3A_1184 = arith.constant 4096 : i32
    %broadcast_in_dim3A_1185 = vector.broadcast %jit3A_1184 : i32 to vector<512x128xi32>
    %select_n3A_1186 = arith.select %eq3A_1183, %add3A_403, %broadcast_in_dim3A_1185 : vector<512x128xi1>, vector<512x128xi32>
    %reduce_min3A_1187 = arith.constant dense<2147483647> : vector<512xi32>
    %reduce_min3A_1188 = vector.multi_reduction <minsi>, %select_n3A_1186, %reduce_min3A_1187 [1] : vector<512x128xi32> to vector<512xi32>
    %broadcast_in_dim3A_1189 = vector.shape_cast %reduce_min3A_1188 : vector<512xi32> to vector<512x1xi32>
    %min3A_1190 = arith.minsi %broadcast_in_dim3A_1181, %broadcast_in_dim3A_1189 : vector<512x1xi32>
    %jit3A_1191 = arith.constant 0x7F800000 : f32
    %broadcast_in_dim3A_1192 = vector.broadcast %jit3A_1191 : f32 to vector<512x128xf32>
    %select_n3A_1193 = arith.select %eq3A_1183, %broadcast_in_dim3A_1192, %select_n3A_1142 : vector<512x128xi1>, vector<512x128xf32>
    %eq3A_1194 = vector.broadcast %broadcast_in_dim3A_1179 : vector<512x1xf32> to vector<512x128xf32>
    %eq3A_1195 = arith.cmpf oeq, %select_n3A_1154, %eq3A_1194 : vector<512x128xf32>
    %jit3A_1196 = arith.constant 4096 : i32
    %broadcast_in_dim3A_1197 = vector.broadcast %jit3A_1196 : i32 to vector<512x128xi32>
    %select_n3A_1198 = arith.select %eq3A_1195, %add3A_760, %broadcast_in_dim3A_1197 : vector<512x128xi1>, vector<512x128xi32>
    %reduce_min3A_1199 = arith.constant dense<2147483647> : vector<512xi32>
    %reduce_min3A_1200 = vector.multi_reduction <minsi>, %select_n3A_1198, %reduce_min3A_1199 [1] : vector<512x128xi32> to vector<512xi32>
    %broadcast_in_dim3A_1201 = vector.shape_cast %reduce_min3A_1200 : vector<512xi32> to vector<512x1xi32>
    %min3A_1202 = arith.minsi %min3A_1190, %broadcast_in_dim3A_1201 : vector<512x1xi32>
    %jit3A_1203 = arith.constant 0x7F800000 : f32
    %broadcast_in_dim3A_1204 = vector.broadcast %jit3A_1203 : f32 to vector<512x128xf32>
    %select_n3A_1205 = arith.select %eq3A_1195, %broadcast_in_dim3A_1204, %select_n3A_1154 : vector<512x128xi1>, vector<512x128xf32>
    %eq3A_1206 = vector.broadcast %broadcast_in_dim3A_1179 : vector<512x1xf32> to vector<512x128xf32>
    %eq3A_1207 = arith.cmpf oeq, %select_n3A_1166, %eq3A_1206 : vector<512x128xf32>
    %jit3A_1208 = arith.constant 4096 : i32
    %broadcast_in_dim3A_1209 = vector.broadcast %jit3A_1208 : i32 to vector<512x128xi32>
    %select_n3A_1210 = arith.select %eq3A_1207, %add3A_1021, %broadcast_in_dim3A_1209 : vector<512x128xi1>, vector<512x128xi32>
    %reduce_min3A_1211 = arith.constant dense<2147483647> : vector<512xi32>
    %reduce_min3A_1212 = vector.multi_reduction <minsi>, %select_n3A_1210, %reduce_min3A_1211 [1] : vector<512x128xi32> to vector<512xi32>
    %broadcast_in_dim3A_1213 = vector.shape_cast %reduce_min3A_1212 : vector<512xi32> to vector<512x1xi32>
    %min3A_1214 = arith.minsi %min3A_1202, %broadcast_in_dim3A_1213 : vector<512x1xi32>
    %jit3A_1215 = arith.constant 0x7F800000 : f32
    %broadcast_in_dim3A_1216 = vector.broadcast %jit3A_1215 : f32 to vector<512x128xf32>
    %select_n3A_1217 = arith.select %eq3A_1207, %broadcast_in_dim3A_1216, %select_n3A_1166 : vector<512x128xi1>, vector<512x128xf32>
    %add3A_1218 = vector.broadcast %mul3A_1023 : i32 to vector<512x1xi32>
    %add3A_1219 = arith.addi %min3A_1214, %add3A_1218 : vector<512x1xi32>
    %swap3A_1220 = arith.constant 0 : index
    %swap3A_1221 = arith.constant 0 : index
    %swap3A_1222 = arith.constant 3 : index
    %swap3A_1223 = vector.load %arg4[%swap3A_1220, %swap3A_1221, %swap3A_1222] : memref<1x512x8xi32, #tpu.memory_space<vmem>>, vector<1x512x1xi32>
    %swap3A_1224 = vector.shape_cast %swap3A_1223 : vector<1x512x1xi32> to vector<512x1xi32>
    %swap3A_1225 = vector.shape_cast %add3A_1219 : vector<512x1xi32> to vector<1x512x1xi32>
    tpu.vector_store %arg4[%swap3A_1220, %swap3A_1221, %swap3A_1222], %swap3A_1225 {strides = array<i32>} : memref<1x512x8xi32, #tpu.memory_space<vmem>>, vector<1x512x1xi32>,
    %min3A_1226 = arith.minimumf %select_n3A_1193, %select_n3A_1205 : vector<512x128xf32>
    %min3A_1227 = arith.minimumf %min3A_1226, %select_n3A_1217 : vector<512x128xf32>
    %reduce_min3A_1228 = arith.constant dense<0x7F800000> : vector<512xf32>
    %reduce_min3A_1229 = vector.multi_reduction <minimumf>, %min3A_1227, %reduce_min3A_1228 [1] : vector<512x128xf32> to vector<512xf32>
    %broadcast_in_dim3A_1230 = vector.shape_cast %reduce_min3A_1229 : vector<512xf32> to vector<512x1xf32>
    %broadcast_in_dim3A_1231 = arith.constant 4096 : i32
    %broadcast_in_dim3A_1232 = vector.broadcast %broadcast_in_dim3A_1231 : i32 to vector<512x1xi32>
    %eq3A_1233 = vector.broadcast %broadcast_in_dim3A_1230 : vector<512x1xf32> to vector<512x128xf32>
    %eq3A_1234 = arith.cmpf oeq, %select_n3A_1193, %eq3A_1233 : vector<512x128xf32>
    %jit3A_1235 = arith.constant 4096 : i32
    %broadcast_in_dim3A_1236 = vector.broadcast %jit3A_1235 : i32 to vector<512x128xi32>
    %select_n3A_1237 = arith.select %eq3A_1234, %add3A_403, %broadcast_in_dim3A_1236 : vector<512x128xi1>, vector<512x128xi32>
    %reduce_min3A_1238 = arith.constant dense<2147483647> : vector<512xi32>
    %reduce_min3A_1239 = vector.multi_reduction <minsi>, %select_n3A_1237, %reduce_min3A_1238 [1] : vector<512x128xi32> to vector<512xi32>
    %broadcast_in_dim3A_1240 = vector.shape_cast %reduce_min3A_1239 : vector<512xi32> to vector<512x1xi32>
    %min3A_1241 = arith.minsi %broadcast_in_dim3A_1232, %broadcast_in_dim3A_1240 : vector<512x1xi32>
    %jit3A_1242 = arith.constant 0x7F800000 : f32
    %broadcast_in_dim3A_1243 = vector.broadcast %jit3A_1242 : f32 to vector<512x128xf32>
    %select_n3A_1244 = arith.select %eq3A_1234, %broadcast_in_dim3A_1243, %select_n3A_1193 : vector<512x128xi1>, vector<512x128xf32>
    %eq3A_1245 = vector.broadcast %broadcast_in_dim3A_1230 : vector<512x1xf32> to vector<512x128xf32>
    %eq3A_1246 = arith.cmpf oeq, %select_n3A_1205, %eq3A_1245 : vector<512x128xf32>
    %jit3A_1247 = arith.constant 4096 : i32
    %broadcast_in_dim3A_1248 = vector.broadcast %jit3A_1247 : i32 to vector<512x128xi32>
    %select_n3A_1249 = arith.select %eq3A_1246, %add3A_760, %broadcast_in_dim3A_1248 : vector<512x128xi1>, vector<512x128xi32>
    %reduce_min3A_1250 = arith.constant dense<2147483647> : vector<512xi32>
    %reduce_min3A_1251 = vector.multi_reduction <minsi>, %select_n3A_1249, %reduce_min3A_1250 [1] : vector<512x128xi32> to vector<512xi32>
    %broadcast_in_dim3A_1252 = vector.shape_cast %reduce_min3A_1251 : vector<512xi32> to vector<512x1xi32>
    %min3A_1253 = arith.minsi %min3A_1241, %broadcast_in_dim3A_1252 : vector<512x1xi32>
    %jit3A_1254 = arith.constant 0x7F800000 : f32
    %broadcast_in_dim3A_1255 = vector.broadcast %jit3A_1254 : f32 to vector<512x128xf32>
    %select_n3A_1256 = arith.select %eq3A_1246, %broadcast_in_dim3A_1255, %select_n3A_1205 : vector<512x128xi1>, vector<512x128xf32>
    %eq3A_1257 = vector.broadcast %broadcast_in_dim3A_1230 : vector<512x1xf32> to vector<512x128xf32>
    %eq3A_1258 = arith.cmpf oeq, %select_n3A_1217, %eq3A_1257 : vector<512x128xf32>
    %jit3A_1259 = arith.constant 4096 : i32
    %broadcast_in_dim3A_1260 = vector.broadcast %jit3A_1259 : i32 to vector<512x128xi32>
    %select_n3A_1261 = arith.select %eq3A_1258, %add3A_1021, %broadcast_in_dim3A_1260 : vector<512x128xi1>, vector<512x128xi32>
    %reduce_min3A_1262 = arith.constant dense<2147483647> : vector<512xi32>
    %reduce_min3A_1263 = vector.multi_reduction <minsi>, %select_n3A_1261, %reduce_min3A_1262 [1] : vector<512x128xi32> to vector<512xi32>
    %broadcast_in_dim3A_1264 = vector.shape_cast %reduce_min3A_1263 : vector<512xi32> to vector<512x1xi32>
    %min3A_1265 = arith.minsi %min3A_1253, %broadcast_in_dim3A_1264 : vector<512x1xi32>
    %jit3A_1266 = arith.constant 0x7F800000 : f32
    %broadcast_in_dim3A_1267 = vector.broadcast %jit3A_1266 : f32 to vector<512x128xf32>
    %select_n3A_1268 = arith.select %eq3A_1258, %broadcast_in_dim3A_1267, %select_n3A_1217 : vector<512x128xi1>, vector<512x128xf32>
    %add3A_1269 = vector.broadcast %mul3A_1023 : i32 to vector<512x1xi32>
    %add3A_1270 = arith.addi %min3A_1265, %add3A_1269 : vector<512x1xi32>
    %swap3A_1271 = arith.constant 0 : index
    %swap3A_1272 = arith.constant 0 : index
    %swap3A_1273 = arith.constant 4 : index
    %swap3A_1274 = vector.load %arg4[%swap3A_1271, %swap3A_1272, %swap3A_1273] : memref<1x512x8xi32, #tpu.memory_space<vmem>>, vector<1x512x1xi32>
    %swap3A_1275 = vector.shape_cast %swap3A_1274 : vector<1x512x1xi32> to vector<512x1xi32>
    %swap3A_1276 = vector.shape_cast %add3A_1270 : vector<512x1xi32> to vector<1x512x1xi32>
    tpu.vector_store %arg4[%swap3A_1271, %swap3A_1272, %swap3A_1273], %swap3A_1276 {strides = array<i32>} : memref<1x512x8xi32, #tpu.memory_space<vmem>>, vector<1x512x1xi32>,
    %min3A_1277 = arith.minimumf %select_n3A_1244, %select_n3A_1256 : vector<512x128xf32>
    %min3A_1278 = arith.minimumf %min3A_1277, %select_n3A_1268 : vector<512x128xf32>
    %reduce_min3A_1279 = arith.constant dense<0x7F800000> : vector<512xf32>
    %reduce_min3A_1280 = vector.multi_reduction <minimumf>, %min3A_1278, %reduce_min3A_1279 [1] : vector<512x128xf32> to vector<512xf32>
    %broadcast_in_dim3A_1281 = vector.shape_cast %reduce_min3A_1280 : vector<512xf32> to vector<512x1xf32>
    %broadcast_in_dim3A_1282 = arith.constant 4096 : i32
    %broadcast_in_dim3A_1283 = vector.broadcast %broadcast_in_dim3A_1282 : i32 to vector<512x1xi32>
    %eq3A_1284 = vector.broadcast %broadcast_in_dim3A_1281 : vector<512x1xf32> to vector<512x128xf32>
    %eq3A_1285 = arith.cmpf oeq, %select_n3A_1244, %eq3A_1284 : vector<512x128xf32>
    %jit3A_1286 = arith.constant 4096 : i32
    %broadcast_in_dim3A_1287 = vector.broadcast %jit3A_1286 : i32 to vector<512x128xi32>
    %select_n3A_1288 = arith.select %eq3A_1285, %add3A_403, %broadcast_in_dim3A_1287 : vector<512x128xi1>, vector<512x128xi32>
    %reduce_min3A_1289 = arith.constant dense<2147483647> : vector<512xi32>
    %reduce_min3A_1290 = vector.multi_reduction <minsi>, %select_n3A_1288, %reduce_min3A_1289 [1] : vector<512x128xi32> to vector<512xi32>
    %broadcast_in_dim3A_1291 = vector.shape_cast %reduce_min3A_1290 : vector<512xi32> to vector<512x1xi32>
    %min3A_1292 = arith.minsi %broadcast_in_dim3A_1283, %broadcast_in_dim3A_1291 : vector<512x1xi32>
    %jit3A_1293 = arith.constant 0x7F800000 : f32
    %broadcast_in_dim3A_1294 = vector.broadcast %jit3A_1293 : f32 to vector<512x128xf32>
    %select_n3A_1295 = arith.select %eq3A_1285, %broadcast_in_dim3A_1294, %select_n3A_1244 : vector<512x128xi1>, vector<512x128xf32>
    %eq3A_1296 = vector.broadcast %broadcast_in_dim3A_1281 : vector<512x1xf32> to vector<512x128xf32>
    %eq3A_1297 = arith.cmpf oeq, %select_n3A_1256, %eq3A_1296 : vector<512x128xf32>
    %jit3A_1298 = arith.constant 4096 : i32
    %broadcast_in_dim3A_1299 = vector.broadcast %jit3A_1298 : i32 to vector<512x128xi32>
    %select_n3A_1300 = arith.select %eq3A_1297, %add3A_760, %broadcast_in_dim3A_1299 : vector<512x128xi1>, vector<512x128xi32>
    %reduce_min3A_1301 = arith.constant dense<2147483647> : vector<512xi32>
    %reduce_min3A_1302 = vector.multi_reduction <minsi>, %select_n3A_1300, %reduce_min3A_1301 [1] : vector<512x128xi32> to vector<512xi32>
    %broadcast_in_dim3A_1303 = vector.shape_cast %reduce_min3A_1302 : vector<512xi32> to vector<512x1xi32>
    %min3A_1304 = arith.minsi %min3A_1292, %broadcast_in_dim3A_1303 : vector<512x1xi32>
    %jit3A_1305 = arith.constant 0x7F800000 : f32
    %broadcast_in_dim3A_1306 = vector.broadcast %jit3A_1305 : f32 to vector<512x128xf32>
    %select_n3A_1307 = arith.select %eq3A_1297, %broadcast_in_dim3A_1306, %select_n3A_1256 : vector<512x128xi1>, vector<512x128xf32>
    %eq3A_1308 = vector.broadcast %broadcast_in_dim3A_1281 : vector<512x1xf32> to vector<512x128xf32>
    %eq3A_1309 = arith.cmpf oeq, %select_n3A_1268, %eq3A_1308 : vector<512x128xf32>
    %jit3A_1310 = arith.constant 4096 : i32
    %broadcast_in_dim3A_1311 = vector.broadcast %jit3A_1310 : i32 to vector<512x128xi32>
    %select_n3A_1312 = arith.select %eq3A_1309, %add3A_1021, %broadcast_in_dim3A_1311 : vector<512x128xi1>, vector<512x128xi32>
    %reduce_min3A_1313 = arith.constant dense<2147483647> : vector<512xi32>
    %reduce_min3A_1314 = vector.multi_reduction <minsi>, %select_n3A_1312, %reduce_min3A_1313 [1] : vector<512x128xi32> to vector<512xi32>
    %broadcast_in_dim3A_1315 = vector.shape_cast %reduce_min3A_1314 : vector<512xi32> to vector<512x1xi32>
    %min3A_1316 = arith.minsi %min3A_1304, %broadcast_in_dim3A_1315 : vector<512x1xi32>
    %jit3A_1317 = arith.constant 0x7F800000 : f32
    %broadcast_in_dim3A_1318 = vector.broadcast %jit3A_1317 : f32 to vector<512x128xf32>
    %select_n3A_1319 = arith.select %eq3A_1309, %broadcast_in_dim3A_1318, %select_n3A_1268 : vector<512x128xi1>, vector<512x128xf32>
    %add3A_1320 = vector.broadcast %mul3A_1023 : i32 to vector<512x1xi32>
    %add3A_1321 = arith.addi %min3A_1316, %add3A_1320 : vector<512x1xi32>
    %swap3A_1322 = arith.constant 0 : index
    %swap3A_1323 = arith.constant 0 : index
    %swap3A_1324 = arith.constant 5 : index
    %swap3A_1325 = vector.load %arg4[%swap3A_1322, %swap3A_1323, %swap3A_1324] : memref<1x512x8xi32, #tpu.memory_space<vmem>>, vector<1x512x1xi32>
    %swap3A_1326 = vector.shape_cast %swap3A_1325 : vector<1x512x1xi32> to vector<512x1xi32>
    %swap3A_1327 = vector.shape_cast %add3A_1321 : vector<512x1xi32> to vector<1x512x1xi32>
    tpu.vector_store %arg4[%swap3A_1322, %swap3A_1323, %swap3A_1324], %swap3A_1327 {strides = array<i32>} : memref<1x512x8xi32, #tpu.memory_space<vmem>>, vector<1x512x1xi32>,
    %min3A_1328 = arith.minimumf %select_n3A_1295, %select_n3A_1307 : vector<512x128xf32>
    %min3A_1329 = arith.minimumf %min3A_1328, %select_n3A_1319 : vector<512x128xf32>
    %reduce_min3A_1330 = arith.constant dense<0x7F800000> : vector<512xf32>
    %reduce_min3A_1331 = vector.multi_reduction <minimumf>, %min3A_1329, %reduce_min3A_1330 [1] : vector<512x128xf32> to vector<512xf32>
    %broadcast_in_dim3A_1332 = vector.shape_cast %reduce_min3A_1331 : vector<512xf32> to vector<512x1xf32>
    %broadcast_in_dim3A_1333 = arith.constant 4096 : i32
    %broadcast_in_dim3A_1334 = vector.broadcast %broadcast_in_dim3A_1333 : i32 to vector<512x1xi32>
    %eq3A_1335 = vector.broadcast %broadcast_in_dim3A_1332 : vector<512x1xf32> to vector<512x128xf32>
    %eq3A_1336 = arith.cmpf oeq, %select_n3A_1295, %eq3A_1335 : vector<512x128xf32>
    %jit3A_1337 = arith.constant 4096 : i32
    %broadcast_in_dim3A_1338 = vector.broadcast %jit3A_1337 : i32 to vector<512x128xi32>
    %select_n3A_1339 = arith.select %eq3A_1336, %add3A_403, %broadcast_in_dim3A_1338 : vector<512x128xi1>, vector<512x128xi32>
    %reduce_min3A_1340 = arith.constant dense<2147483647> : vector<512xi32>
    %reduce_min3A_1341 = vector.multi_reduction <minsi>, %select_n3A_1339, %reduce_min3A_1340 [1] : vector<512x128xi32> to vector<512xi32>
    %broadcast_in_dim3A_1342 = vector.shape_cast %reduce_min3A_1341 : vector<512xi32> to vector<512x1xi32>
    %min3A_1343 = arith.minsi %broadcast_in_dim3A_1334, %broadcast_in_dim3A_1342 : vector<512x1xi32>
    %jit3A_1344 = arith.constant 0x7F800000 : f32
    %broadcast_in_dim3A_1345 = vector.broadcast %jit3A_1344 : f32 to vector<512x128xf32>
    %select_n3A_1346 = arith.select %eq3A_1336, %broadcast_in_dim3A_1345, %select_n3A_1295 : vector<512x128xi1>, vector<512x128xf32>
    %eq3A_1347 = vector.broadcast %broadcast_in_dim3A_1332 : vector<512x1xf32> to vector<512x128xf32>
    %eq3A_1348 = arith.cmpf oeq, %select_n3A_1307, %eq3A_1347 : vector<512x128xf32>
    %jit3A_1349 = arith.constant 4096 : i32
    %broadcast_in_dim3A_1350 = vector.broadcast %jit3A_1349 : i32 to vector<512x128xi32>
    %select_n3A_1351 = arith.select %eq3A_1348, %add3A_760, %broadcast_in_dim3A_1350 : vector<512x128xi1>, vector<512x128xi32>
    %reduce_min3A_1352 = arith.constant dense<2147483647> : vector<512xi32>
    %reduce_min3A_1353 = vector.multi_reduction <minsi>, %select_n3A_1351, %reduce_min3A_1352 [1] : vector<512x128xi32> to vector<512xi32>
    %broadcast_in_dim3A_1354 = vector.shape_cast %reduce_min3A_1353 : vector<512xi32> to vector<512x1xi32>
    %min3A_1355 = arith.minsi %min3A_1343, %broadcast_in_dim3A_1354 : vector<512x1xi32>
    %jit3A_1356 = arith.constant 0x7F800000 : f32
    %broadcast_in_dim3A_1357 = vector.broadcast %jit3A_1356 : f32 to vector<512x128xf32>
    %select_n3A_1358 = arith.select %eq3A_1348, %broadcast_in_dim3A_1357, %select_n3A_1307 : vector<512x128xi1>, vector<512x128xf32>
    %eq3A_1359 = vector.broadcast %broadcast_in_dim3A_1332 : vector<512x1xf32> to vector<512x128xf32>
    %eq3A_1360 = arith.cmpf oeq, %select_n3A_1319, %eq3A_1359 : vector<512x128xf32>
    %jit3A_1361 = arith.constant 4096 : i32
    %broadcast_in_dim3A_1362 = vector.broadcast %jit3A_1361 : i32 to vector<512x128xi32>
    %select_n3A_1363 = arith.select %eq3A_1360, %add3A_1021, %broadcast_in_dim3A_1362 : vector<512x128xi1>, vector<512x128xi32>
    %reduce_min3A_1364 = arith.constant dense<2147483647> : vector<512xi32>
    %reduce_min3A_1365 = vector.multi_reduction <minsi>, %select_n3A_1363, %reduce_min3A_1364 [1] : vector<512x128xi32> to vector<512xi32>
    %broadcast_in_dim3A_1366 = vector.shape_cast %reduce_min3A_1365 : vector<512xi32> to vector<512x1xi32>
    %min3A_1367 = arith.minsi %min3A_1355, %broadcast_in_dim3A_1366 : vector<512x1xi32>
    %jit3A_1368 = arith.constant 0x7F800000 : f32
    %broadcast_in_dim3A_1369 = vector.broadcast %jit3A_1368 : f32 to vector<512x128xf32>
    %select_n3A_1370 = arith.select %eq3A_1360, %broadcast_in_dim3A_1369, %select_n3A_1319 : vector<512x128xi1>, vector<512x128xf32>
    %add3A_1371 = vector.broadcast %mul3A_1023 : i32 to vector<512x1xi32>
    %add3A_1372 = arith.addi %min3A_1367, %add3A_1371 : vector<512x1xi32>
    %swap3A_1373 = arith.constant 0 : index
    %swap3A_1374 = arith.constant 0 : index
    %swap3A_1375 = arith.constant 6 : index
    %swap3A_1376 = vector.load %arg4[%swap3A_1373, %swap3A_1374, %swap3A_1375] : memref<1x512x8xi32, #tpu.memory_space<vmem>>, vector<1x512x1xi32>
    %swap3A_1377 = vector.shape_cast %swap3A_1376 : vector<1x512x1xi32> to vector<512x1xi32>
    %swap3A_1378 = vector.shape_cast %add3A_1372 : vector<512x1xi32> to vector<1x512x1xi32>
    tpu.vector_store %arg4[%swap3A_1373, %swap3A_1374, %swap3A_1375], %swap3A_1378 {strides = array<i32>} : memref<1x512x8xi32, #tpu.memory_space<vmem>>, vector<1x512x1xi32>,
    %min3A_1379 = arith.minimumf %select_n3A_1346, %select_n3A_1358 : vector<512x128xf32>
    %min3A_1380 = arith.minimumf %min3A_1379, %select_n3A_1370 : vector<512x128xf32>
    %reduce_min3A_1381 = arith.constant dense<0x7F800000> : vector<512xf32>
    %reduce_min3A_1382 = vector.multi_reduction <minimumf>, %min3A_1380, %reduce_min3A_1381 [1] : vector<512x128xf32> to vector<512xf32>
    %broadcast_in_dim3A_1383 = vector.shape_cast %reduce_min3A_1382 : vector<512xf32> to vector<512x1xf32>
    %broadcast_in_dim3A_1384 = arith.constant 4096 : i32
    %broadcast_in_dim3A_1385 = vector.broadcast %broadcast_in_dim3A_1384 : i32 to vector<512x1xi32>
    %eq3A_1386 = vector.broadcast %broadcast_in_dim3A_1383 : vector<512x1xf32> to vector<512x128xf32>
    %eq3A_1387 = arith.cmpf oeq, %select_n3A_1346, %eq3A_1386 : vector<512x128xf32>
    %jit3A_1388 = arith.constant 4096 : i32
    %broadcast_in_dim3A_1389 = vector.broadcast %jit3A_1388 : i32 to vector<512x128xi32>
    %select_n3A_1390 = arith.select %eq3A_1387, %add3A_403, %broadcast_in_dim3A_1389 : vector<512x128xi1>, vector<512x128xi32>
    %reduce_min3A_1391 = arith.constant dense<2147483647> : vector<512xi32>
    %reduce_min3A_1392 = vector.multi_reduction <minsi>, %select_n3A_1390, %reduce_min3A_1391 [1] : vector<512x128xi32> to vector<512xi32>
    %broadcast_in_dim3A_1393 = vector.shape_cast %reduce_min3A_1392 : vector<512xi32> to vector<512x1xi32>
    %min3A_1394 = arith.minsi %broadcast_in_dim3A_1385, %broadcast_in_dim3A_1393 : vector<512x1xi32>
    %eq3A_1395 = vector.broadcast %broadcast_in_dim3A_1383 : vector<512x1xf32> to vector<512x128xf32>
    %eq3A_1396 = arith.cmpf oeq, %select_n3A_1358, %eq3A_1395 : vector<512x128xf32>
    %jit3A_1397 = arith.constant 4096 : i32
    %broadcast_in_dim3A_1398 = vector.broadcast %jit3A_1397 : i32 to vector<512x128xi32>
    %select_n3A_1399 = arith.select %eq3A_1396, %add3A_760, %broadcast_in_dim3A_1398 : vector<512x128xi1>, vector<512x128xi32>
    %reduce_min3A_1400 = arith.constant dense<2147483647> : vector<512xi32>
    %reduce_min3A_1401 = vector.multi_reduction <minsi>, %select_n3A_1399, %reduce_min3A_1400 [1] : vector<512x128xi32> to vector<512xi32>
    %broadcast_in_dim3A_1402 = vector.shape_cast %reduce_min3A_1401 : vector<512xi32> to vector<512x1xi32>
    %min3A_1403 = arith.minsi %min3A_1394, %broadcast_in_dim3A_1402 : vector<512x1xi32>
    %eq3A_1404 = vector.broadcast %broadcast_in_dim3A_1383 : vector<512x1xf32> to vector<512x128xf32>
    %eq3A_1405 = arith.cmpf oeq, %select_n3A_1370, %eq3A_1404 : vector<512x128xf32>
    %jit3A_1406 = arith.constant 4096 : i32
    %broadcast_in_dim3A_1407 = vector.broadcast %jit3A_1406 : i32 to vector<512x128xi32>
    %select_n3A_1408 = arith.select %eq3A_1405, %add3A_1021, %broadcast_in_dim3A_1407 : vector<512x128xi1>, vector<512x128xi32>
    %reduce_min3A_1409 = arith.constant dense<2147483647> : vector<512xi32>
    %reduce_min3A_1410 = vector.multi_reduction <minsi>, %select_n3A_1408, %reduce_min3A_1409 [1] : vector<512x128xi32> to vector<512xi32>
    %broadcast_in_dim3A_1411 = vector.shape_cast %reduce_min3A_1410 : vector<512xi32> to vector<512x1xi32>
    %min3A_1412 = arith.minsi %min3A_1403, %broadcast_in_dim3A_1411 : vector<512x1xi32>
    %add3A_1413 = vector.broadcast %mul3A_1023 : i32 to vector<512x1xi32>
    %add3A_1414 = arith.addi %min3A_1412, %add3A_1413 : vector<512x1xi32>
    %swap3A_1415 = arith.constant 0 : index
    %swap3A_1416 = arith.constant 0 : index
    %swap3A_1417 = arith.constant 7 : index
    %swap3A_1418 = vector.load %arg4[%swap3A_1415, %swap3A_1416, %swap3A_1417] : memref<1x512x8xi32, #tpu.memory_space<vmem>>, vector<1x512x1xi32>
    %swap3A_1419 = vector.shape_cast %swap3A_1418 : vector<1x512x1xi32> to vector<512x1xi32>
    %swap3A_1420 = vector.shape_cast %add3A_1414 : vector<512x1xi32> to vector<1x512x1xi32>
    tpu.vector_store %arg4[%swap3A_1415, %swap3A_1416, %swap3A_1417], %swap3A_1420 {strides = array<i32>} : memref<1x512x8xi32, #tpu.memory_space<vmem>>, vector<1x512x1xi32>,
    return
  }
  func.func @transform_0(%arg0: i32, %arg1: i32) -> (i32, i32, i32) {
    %c0_i32 = arith.constant 0 : i32
    %c0_i32_0 = arith.constant 0 : i32
    return %arg0, %arg1, %c0_i32 : i32, i32, i32
  }
  func.func @transform_1(%arg0: i32, %arg1: i32) -> (i32, i32, i32) {
    %c0_i32 = arith.constant 0 : i32
    %c0_i32_0 = arith.constant 0 : i32
    %c0_i32_1 = arith.constant 0 : i32
    return %arg0, %c0_i32, %c0_i32_0 : i32, i32, i32
  }
  func.func @transform_2(%arg0: i32, %arg1: i32) -> (i32, i32, i32) {
    %c0_i32 = arith.constant 0 : i32
    %c0_i32_0 = arith.constant 0 : i32
    return %arg0, %arg1, %c0_i32 : i32, i32, i32
  }
}

module attributes {stable_mosaic.version = 14 : i64} {
  func.func @_enc_body(%arg0: i32, %arg1: memref<1024x3xf32, #tpu.memory_space<vmem>>, %arg2: memref<3x128xf32, #tpu.memory_space<vmem>>, %arg3: memref<1x128xf32, #tpu.memory_space<vmem>>, %arg4: memref<128x128xf32, #tpu.memory_space<vmem>>, %arg5: memref<1x128xf32, #tpu.memory_space<vmem>>, %arg6: memref<3x128xf32, #tpu.memory_space<vmem>>, %arg7: memref<4x128x64xf32, #tpu.memory_space<vmem>>, %arg8: memref<4x64x128xf32, #tpu.memory_space<vmem>>, %arg9: memref<1024x256xf32, #tpu.memory_space<vmem>>, %arg10: memref<1x128xf32, #tpu.memory_space<vmem>>) attributes {dimension_semantics = [#tpu.dimension_semantics<arbitrary>], iteration_bounds = array<i64: 8>, scalar_prefetch = 0 : i64, scratch_operands = 0 : i64, tpu.core_type = #tpu.core_type<tc>, window_params = [{transform_indices = @transform_0, window_bounds = array<i64: 1024, 3>}, {pipeline_mode = #tpu.pipeline_mode<synchronous>, transform_indices = @transform_1, window_bounds = array<i64: 3, 128>}, {pipeline_mode = #tpu.pipeline_mode<synchronous>, transform_indices = @transform_2, window_bounds = array<i64: 1, 128>}, {pipeline_mode = #tpu.pipeline_mode<synchronous>, transform_indices = @transform_3, window_bounds = array<i64: 128, 128>}, {pipeline_mode = #tpu.pipeline_mode<synchronous>, transform_indices = @transform_4, window_bounds = array<i64: 1, 128>}, {pipeline_mode = #tpu.pipeline_mode<synchronous>, transform_indices = @transform_5, window_bounds = array<i64: 3, 128>}, {pipeline_mode = #tpu.pipeline_mode<synchronous>, transform_indices = @transform_6, window_bounds = array<i64: 4, 128, 64>}, {pipeline_mode = #tpu.pipeline_mode<synchronous>, transform_indices = @transform_7, window_bounds = array<i64: 4, 64, 128>}, {transform_indices = @transform_8, window_bounds = array<i64: 1024, 256>}, {pipeline_mode = #tpu.pipeline_mode<synchronous>, transform_indices = @transform_9, window_bounds = array<i64: 1, 128>}]} {
    %eq3A = arith.constant 0 : i32
    %eq3A_0 = arith.cmpi eq, %arg0, %eq3A : i32
    %convert_element_type3A = arith.extui %eq3A_0 : i1 to i32
    %cond3A = arith.constant 0 : i32
    %cond3A_1 = arith.cmpi ne, %convert_element_type3A, %cond3A : i32
    scf.if %cond3A_1 {
      %broadcast_in_dim3A = arith.constant 0.000000e+00 : f32
      %broadcast_in_dim3A_37 = vector.broadcast %broadcast_in_dim3A : f32 to vector<1x128xf32>
      %get3A_38 = arith.constant 0 : index
      %get3A_39 = arith.constant 0 : index
      %get3A_40 = arith.constant 0 : index
      %get3A_41 = vector.load %arg7[%get3A_38, %get3A_39, %get3A_40] : memref<4x128x64xf32, #tpu.memory_space<vmem>>, vector<1x128x64xf32>
      %get3A_42 = vector.shape_cast %get3A_41 : vector<1x128x64xf32> to vector<128x64xf32>
      %get3A_43 = arith.constant 0 : index
      %get3A_44 = arith.constant 0 : index
      %get3A_45 = arith.constant 0 : index
      %get3A_46 = vector.load %arg8[%get3A_43, %get3A_44, %get3A_45] : memref<4x64x128xf32, #tpu.memory_space<vmem>>, vector<1x64x128xf32>
      %get3A_47 = vector.shape_cast %get3A_46 : vector<1x64x128xf32> to vector<64x128xf32>
      %mul3A = arith.mulf %get3A_42, %get3A_42 : vector<128x64xf32>
      %reduce_sum3A = arith.constant dense<0.000000e+00> : vector<128xf32>
      %reduce_sum3A_48 = vector.multi_reduction <add>, %mul3A, %reduce_sum3A [1] : vector<128x64xf32> to vector<128xf32>
      %broadcast_in_dim3A_49 = vector.shape_cast %reduce_sum3A_48 : vector<128xf32> to vector<128x1xf32>
      %sqrt3A = math.sqrt %broadcast_in_dim3A_49 : vector<128x1xf32>
      %mul3A_50 = arith.mulf %get3A_47, %get3A_47 : vector<64x128xf32>
      %reduce_sum3A_51 = arith.constant dense<0.000000e+00> : vector<128xf32>
      %reduce_sum3A_52 = vector.multi_reduction <add>, %mul3A_50, %reduce_sum3A_51 [0] : vector<64x128xf32> to vector<128xf32>
      %broadcast_in_dim3A_53 = vector.shape_cast %reduce_sum3A_52 : vector<128xf32> to vector<1x128xf32>
      %sqrt3A_54 = math.sqrt %broadcast_in_dim3A_53 : vector<1x128xf32>
      %add3A_55 = arith.constant 9.99999993E-9 : f32
      %add3A_56 = vector.broadcast %add3A_55 : f32 to vector<128x1xf32>
      %add3A_57 = arith.addf %sqrt3A, %add3A_56 : vector<128x1xf32>
      %div3A = vector.broadcast %add3A_57 : vector<128x1xf32> to vector<128x64xf32>
      %div3A_58 = arith.divf %get3A_42, %div3A : vector<128x64xf32>
      %add3A_59 = arith.constant 9.99999993E-9 : f32
      %add3A_60 = vector.broadcast %add3A_59 : f32 to vector<1x128xf32>
      %add3A_61 = arith.addf %sqrt3A_54, %add3A_60 : vector<1x128xf32>
      %div3A_62 = vector.broadcast %add3A_61 : vector<1x128xf32> to vector<64x128xf32>
      %div3A_63 = arith.divf %get3A_47, %div3A_62 : vector<64x128xf32>
      %dot_general3A_64 = arith.constant dense<0.000000e+00> : vector<128x128xf32>
      %dot_general3A_65 = tpu.matmul %div3A_58, %div3A_63, %dot_general3A_64 {dimension_numbers = #tpu.dot_dimension_numbers<[1], [0], [0], [1], [0, 0, 1, 1], [], []>, transpose_lhs_hint = false} : vector<128x64xf32>, vector<64x128xf32>, vector<128x128xf32> -> vector<128x128xf32>
      %mul3A_66 = arith.mulf %dot_general3A_65, %dot_general3A_65 : vector<128x128xf32>
      %reduce_sum3A_67 = arith.constant dense<0.000000e+00> : vector<128xf32>
      %reduce_sum3A_68 = vector.multi_reduction <add>, %mul3A_66, %reduce_sum3A_67 [0] : vector<128x128xf32> to vector<128xf32>
      %broadcast_in_dim3A_69 = vector.shape_cast %reduce_sum3A_68 : vector<128xf32> to vector<1x128xf32>
      %add3A_70 = arith.addf %broadcast_in_dim3A_37, %broadcast_in_dim3A_69 : vector<1x128xf32>
      %get3A_71 = arith.constant 1 : index
      %get3A_72 = arith.constant 0 : index
      %get3A_73 = arith.constant 0 : index
      %get3A_74 = vector.load %arg7[%get3A_71, %get3A_72, %get3A_73] : memref<4x128x64xf32, #tpu.memory_space<vmem>>, vector<1x128x64xf32>
      %get3A_75 = vector.shape_cast %get3A_74 : vector<1x128x64xf32> to vector<128x64xf32>
      %get3A_76 = arith.constant 1 : index
      %get3A_77 = arith.constant 0 : index
      %get3A_78 = arith.constant 0 : index
      %get3A_79 = vector.load %arg8[%get3A_76, %get3A_77, %get3A_78] : memref<4x64x128xf32, #tpu.memory_space<vmem>>, vector<1x64x128xf32>
      %get3A_80 = vector.shape_cast %get3A_79 : vector<1x64x128xf32> to vector<64x128xf32>
      %mul3A_81 = arith.mulf %get3A_75, %get3A_75 : vector<128x64xf32>
      %reduce_sum3A_82 = arith.constant dense<0.000000e+00> : vector<128xf32>
      %reduce_sum3A_83 = vector.multi_reduction <add>, %mul3A_81, %reduce_sum3A_82 [1] : vector<128x64xf32> to vector<128xf32>
      %broadcast_in_dim3A_84 = vector.shape_cast %reduce_sum3A_83 : vector<128xf32> to vector<128x1xf32>
      %sqrt3A_85 = math.sqrt %broadcast_in_dim3A_84 : vector<128x1xf32>
      %mul3A_86 = arith.mulf %get3A_80, %get3A_80 : vector<64x128xf32>
      %reduce_sum3A_87 = arith.constant dense<0.000000e+00> : vector<128xf32>
      %reduce_sum3A_88 = vector.multi_reduction <add>, %mul3A_86, %reduce_sum3A_87 [0] : vector<64x128xf32> to vector<128xf32>
      %broadcast_in_dim3A_89 = vector.shape_cast %reduce_sum3A_88 : vector<128xf32> to vector<1x128xf32>
      %sqrt3A_90 = math.sqrt %broadcast_in_dim3A_89 : vector<1x128xf32>
      %add3A_91 = arith.constant 9.99999993E-9 : f32
      %add3A_92 = vector.broadcast %add3A_91 : f32 to vector<128x1xf32>
      %add3A_93 = arith.addf %sqrt3A_85, %add3A_92 : vector<128x1xf32>
      %div3A_94 = vector.broadcast %add3A_93 : vector<128x1xf32> to vector<128x64xf32>
      %div3A_95 = arith.divf %get3A_75, %div3A_94 : vector<128x64xf32>
      %add3A_96 = arith.constant 9.99999993E-9 : f32
      %add3A_97 = vector.broadcast %add3A_96 : f32 to vector<1x128xf32>
      %add3A_98 = arith.addf %sqrt3A_90, %add3A_97 : vector<1x128xf32>
      %div3A_99 = vector.broadcast %add3A_98 : vector<1x128xf32> to vector<64x128xf32>
      %div3A_100 = arith.divf %get3A_80, %div3A_99 : vector<64x128xf32>
      %dot_general3A_101 = arith.constant dense<0.000000e+00> : vector<128x128xf32>
      %dot_general3A_102 = tpu.matmul %div3A_95, %div3A_100, %dot_general3A_101 {dimension_numbers = #tpu.dot_dimension_numbers<[1], [0], [0], [1], [0, 0, 1, 1], [], []>, transpose_lhs_hint = false} : vector<128x64xf32>, vector<64x128xf32>, vector<128x128xf32> -> vector<128x128xf32>
      %mul3A_103 = arith.mulf %dot_general3A_102, %dot_general3A_102 : vector<128x128xf32>
      %reduce_sum3A_104 = arith.constant dense<0.000000e+00> : vector<128xf32>
      %reduce_sum3A_105 = vector.multi_reduction <add>, %mul3A_103, %reduce_sum3A_104 [0] : vector<128x128xf32> to vector<128xf32>
      %broadcast_in_dim3A_106 = vector.shape_cast %reduce_sum3A_105 : vector<128xf32> to vector<1x128xf32>
      %add3A_107 = arith.addf %add3A_70, %broadcast_in_dim3A_106 : vector<1x128xf32>
      %get3A_108 = arith.constant 2 : index
      %get3A_109 = arith.constant 0 : index
      %get3A_110 = arith.constant 0 : index
      %get3A_111 = vector.load %arg7[%get3A_108, %get3A_109, %get3A_110] : memref<4x128x64xf32, #tpu.memory_space<vmem>>, vector<1x128x64xf32>
      %get3A_112 = vector.shape_cast %get3A_111 : vector<1x128x64xf32> to vector<128x64xf32>
      %get3A_113 = arith.constant 2 : index
      %get3A_114 = arith.constant 0 : index
      %get3A_115 = arith.constant 0 : index
      %get3A_116 = vector.load %arg8[%get3A_113, %get3A_114, %get3A_115] : memref<4x64x128xf32, #tpu.memory_space<vmem>>, vector<1x64x128xf32>
      %get3A_117 = vector.shape_cast %get3A_116 : vector<1x64x128xf32> to vector<64x128xf32>
      %mul3A_118 = arith.mulf %get3A_112, %get3A_112 : vector<128x64xf32>
      %reduce_sum3A_119 = arith.constant dense<0.000000e+00> : vector<128xf32>
      %reduce_sum3A_120 = vector.multi_reduction <add>, %mul3A_118, %reduce_sum3A_119 [1] : vector<128x64xf32> to vector<128xf32>
      %broadcast_in_dim3A_121 = vector.shape_cast %reduce_sum3A_120 : vector<128xf32> to vector<128x1xf32>
      %sqrt3A_122 = math.sqrt %broadcast_in_dim3A_121 : vector<128x1xf32>
      %mul3A_123 = arith.mulf %get3A_117, %get3A_117 : vector<64x128xf32>
      %reduce_sum3A_124 = arith.constant dense<0.000000e+00> : vector<128xf32>
      %reduce_sum3A_125 = vector.multi_reduction <add>, %mul3A_123, %reduce_sum3A_124 [0] : vector<64x128xf32> to vector<128xf32>
      %broadcast_in_dim3A_126 = vector.shape_cast %reduce_sum3A_125 : vector<128xf32> to vector<1x128xf32>
      %sqrt3A_127 = math.sqrt %broadcast_in_dim3A_126 : vector<1x128xf32>
      %add3A_128 = arith.constant 9.99999993E-9 : f32
      %add3A_129 = vector.broadcast %add3A_128 : f32 to vector<128x1xf32>
      %add3A_130 = arith.addf %sqrt3A_122, %add3A_129 : vector<128x1xf32>
      %div3A_131 = vector.broadcast %add3A_130 : vector<128x1xf32> to vector<128x64xf32>
      %div3A_132 = arith.divf %get3A_112, %div3A_131 : vector<128x64xf32>
      %add3A_133 = arith.constant 9.99999993E-9 : f32
      %add3A_134 = vector.broadcast %add3A_133 : f32 to vector<1x128xf32>
      %add3A_135 = arith.addf %sqrt3A_127, %add3A_134 : vector<1x128xf32>
      %div3A_136 = vector.broadcast %add3A_135 : vector<1x128xf32> to vector<64x128xf32>
      %div3A_137 = arith.divf %get3A_117, %div3A_136 : vector<64x128xf32>
      %dot_general3A_138 = arith.constant dense<0.000000e+00> : vector<128x128xf32>
      %dot_general3A_139 = tpu.matmul %div3A_132, %div3A_137, %dot_general3A_138 {dimension_numbers = #tpu.dot_dimension_numbers<[1], [0], [0], [1], [0, 0, 1, 1], [], []>, transpose_lhs_hint = false} : vector<128x64xf32>, vector<64x128xf32>, vector<128x128xf32> -> vector<128x128xf32>
      %mul3A_140 = arith.mulf %dot_general3A_139, %dot_general3A_139 : vector<128x128xf32>
      %reduce_sum3A_141 = arith.constant dense<0.000000e+00> : vector<128xf32>
      %reduce_sum3A_142 = vector.multi_reduction <add>, %mul3A_140, %reduce_sum3A_141 [0] : vector<128x128xf32> to vector<128xf32>
      %broadcast_in_dim3A_143 = vector.shape_cast %reduce_sum3A_142 : vector<128xf32> to vector<1x128xf32>
      %add3A_144 = arith.addf %add3A_107, %broadcast_in_dim3A_143 : vector<1x128xf32>
      %get3A_145 = arith.constant 3 : index
      %get3A_146 = arith.constant 0 : index
      %get3A_147 = arith.constant 0 : index
      %get3A_148 = vector.load %arg7[%get3A_145, %get3A_146, %get3A_147] : memref<4x128x64xf32, #tpu.memory_space<vmem>>, vector<1x128x64xf32>
      %get3A_149 = vector.shape_cast %get3A_148 : vector<1x128x64xf32> to vector<128x64xf32>
      %get3A_150 = arith.constant 3 : index
      %get3A_151 = arith.constant 0 : index
      %get3A_152 = arith.constant 0 : index
      %get3A_153 = vector.load %arg8[%get3A_150, %get3A_151, %get3A_152] : memref<4x64x128xf32, #tpu.memory_space<vmem>>, vector<1x64x128xf32>
      %get3A_154 = vector.shape_cast %get3A_153 : vector<1x64x128xf32> to vector<64x128xf32>
      %mul3A_155 = arith.mulf %get3A_149, %get3A_149 : vector<128x64xf32>
      %reduce_sum3A_156 = arith.constant dense<0.000000e+00> : vector<128xf32>
      %reduce_sum3A_157 = vector.multi_reduction <add>, %mul3A_155, %reduce_sum3A_156 [1] : vector<128x64xf32> to vector<128xf32>
      %broadcast_in_dim3A_158 = vector.shape_cast %reduce_sum3A_157 : vector<128xf32> to vector<128x1xf32>
      %sqrt3A_159 = math.sqrt %broadcast_in_dim3A_158 : vector<128x1xf32>
      %mul3A_160 = arith.mulf %get3A_154, %get3A_154 : vector<64x128xf32>
      %reduce_sum3A_161 = arith.constant dense<0.000000e+00> : vector<128xf32>
      %reduce_sum3A_162 = vector.multi_reduction <add>, %mul3A_160, %reduce_sum3A_161 [0] : vector<64x128xf32> to vector<128xf32>
      %broadcast_in_dim3A_163 = vector.shape_cast %reduce_sum3A_162 : vector<128xf32> to vector<1x128xf32>
      %sqrt3A_164 = math.sqrt %broadcast_in_dim3A_163 : vector<1x128xf32>
      %add3A_165 = arith.constant 9.99999993E-9 : f32
      %add3A_166 = vector.broadcast %add3A_165 : f32 to vector<128x1xf32>
      %add3A_167 = arith.addf %sqrt3A_159, %add3A_166 : vector<128x1xf32>
      %div3A_168 = vector.broadcast %add3A_167 : vector<128x1xf32> to vector<128x64xf32>
      %div3A_169 = arith.divf %get3A_149, %div3A_168 : vector<128x64xf32>
      %add3A_170 = arith.constant 9.99999993E-9 : f32
      %add3A_171 = vector.broadcast %add3A_170 : f32 to vector<1x128xf32>
      %add3A_172 = arith.addf %sqrt3A_164, %add3A_171 : vector<1x128xf32>
      %div3A_173 = vector.broadcast %add3A_172 : vector<1x128xf32> to vector<64x128xf32>
      %div3A_174 = arith.divf %get3A_154, %div3A_173 : vector<64x128xf32>
      %dot_general3A_175 = arith.constant dense<0.000000e+00> : vector<128x128xf32>
      %dot_general3A_176 = tpu.matmul %div3A_169, %div3A_174, %dot_general3A_175 {dimension_numbers = #tpu.dot_dimension_numbers<[1], [0], [0], [1], [0, 0, 1, 1], [], []>, transpose_lhs_hint = false} : vector<128x64xf32>, vector<64x128xf32>, vector<128x128xf32> -> vector<128x128xf32>
      %mul3A_177 = arith.mulf %dot_general3A_176, %dot_general3A_176 : vector<128x128xf32>
      %reduce_sum3A_178 = arith.constant dense<0.000000e+00> : vector<128xf32>
      %reduce_sum3A_179 = vector.multi_reduction <add>, %mul3A_177, %reduce_sum3A_178 [0] : vector<128x128xf32> to vector<128xf32>
      %broadcast_in_dim3A_180 = vector.shape_cast %reduce_sum3A_179 : vector<128xf32> to vector<1x128xf32>
      %add3A_181 = arith.addf %add3A_144, %broadcast_in_dim3A_180 : vector<1x128xf32>
      %swap3A_182 = arith.constant 0 : index
      %swap3A_183 = arith.constant 0 : index
      %swap3A_184 = vector.load %arg10[%swap3A_182, %swap3A_183] : memref<1x128xf32, #tpu.memory_space<vmem>>, vector<1x128xf32>
      tpu.vector_store %arg10[%swap3A_182, %swap3A_183], %add3A_181 {strides = array<i32>} : memref<1x128xf32, #tpu.memory_space<vmem>>, vector<1x128xf32>,
    } else {
    }
    %get3A = arith.constant 0 : index
    %get3A_2 = arith.constant 0 : index
    %get3A_3 = vector.load %arg1[%get3A, %get3A_2] : memref<1024x3xf32, #tpu.memory_space<vmem>>, vector<1024x3xf32>
    %get3A_4 = arith.constant 0 : index
    %get3A_5 = arith.constant 0 : index
    %get3A_6 = vector.load %arg2[%get3A_4, %get3A_5] : memref<3x128xf32, #tpu.memory_space<vmem>>, vector<3x128xf32>
    %dot_general3A = arith.constant dense<0.000000e+00> : vector<1024x128xf32>
    %dot_general3A_7 = tpu.matmul %get3A_3, %get3A_6, %dot_general3A {dimension_numbers = #tpu.dot_dimension_numbers<[1], [0], [0], [1], [0, 0, 1, 1], [], []>, transpose_lhs_hint = false} : vector<1024x3xf32>, vector<3x128xf32>, vector<1024x128xf32> -> vector<1024x128xf32>
    %get3A_8 = arith.constant 0 : index
    %get3A_9 = arith.constant 0 : index
    %get3A_10 = vector.load %arg3[%get3A_8, %get3A_9] : memref<1x128xf32, #tpu.memory_space<vmem>>, vector<1x128xf32>
    %add3A = vector.broadcast %get3A_10 : vector<1x128xf32> to vector<1024x128xf32>
    %add3A_11 = arith.addf %dot_general3A_7, %add3A : vector<1024x128xf32>
    %max3A = arith.constant 0.000000e+00 : f32
    %max3A_12 = vector.broadcast %max3A : f32 to vector<1024x128xf32>
    %max3A_13 = arith.maximumf %add3A_11, %max3A_12 : vector<1024x128xf32>
    %get3A_14 = arith.constant 0 : index
    %get3A_15 = arith.constant 0 : index
    %get3A_16 = vector.load %arg4[%get3A_14, %get3A_15] : memref<128x128xf32, #tpu.memory_space<vmem>>, vector<128x128xf32>
    %dot_general3A_17 = arith.constant dense<0.000000e+00> : vector<1024x128xf32>
    %dot_general3A_18 = tpu.matmul %max3A_13, %get3A_16, %dot_general3A_17 {dimension_numbers = #tpu.dot_dimension_numbers<[1], [0], [0], [1], [0, 0, 1, 1], [], []>, transpose_lhs_hint = false} : vector<1024x128xf32>, vector<128x128xf32>, vector<1024x128xf32> -> vector<1024x128xf32>
    %get3A_19 = arith.constant 0 : index
    %get3A_20 = arith.constant 0 : index
    %get3A_21 = vector.load %arg5[%get3A_19, %get3A_20] : memref<1x128xf32, #tpu.memory_space<vmem>>, vector<1x128xf32>
    %add3A_22 = vector.broadcast %get3A_21 : vector<1x128xf32> to vector<1024x128xf32>
    %add3A_23 = arith.addf %dot_general3A_18, %add3A_22 : vector<1024x128xf32>
    %get3A_24 = arith.constant 0 : index
    %get3A_25 = arith.constant 0 : index
    %get3A_26 = vector.load %arg1[%get3A_24, %get3A_25] : memref<1024x3xf32, #tpu.memory_space<vmem>>, vector<1024x3xf32>
    %get3A_27 = arith.constant 0 : index
    %get3A_28 = arith.constant 0 : index
    %get3A_29 = vector.load %arg6[%get3A_27, %get3A_28] : memref<3x128xf32, #tpu.memory_space<vmem>>, vector<3x128xf32>
    %dot_general3A_30 = arith.constant dense<0.000000e+00> : vector<1024x128xf32>
    %dot_general3A_31 = tpu.matmul %get3A_26, %get3A_29, %dot_general3A_30 {dimension_numbers = #tpu.dot_dimension_numbers<[1], [0], [0], [1], [0, 0, 1, 1], [], []>, transpose_lhs_hint = false} : vector<1024x3xf32>, vector<3x128xf32>, vector<1024x128xf32> -> vector<1024x128xf32>
    %swap3A = arith.constant 0 : index
    %swap3A_32 = arith.constant 0 : index
    %swap3A_33 = vector.load %arg9[%swap3A, %swap3A_32] : memref<1024x256xf32, #tpu.memory_space<vmem>>, vector<1024x128xf32>
    tpu.vector_store %arg9[%swap3A, %swap3A_32], %add3A_23 {strides = array<i32>} : memref<1024x256xf32, #tpu.memory_space<vmem>>, vector<1024x128xf32>,
    %swap3A_34 = arith.constant 0 : index
    %swap3A_35 = arith.constant 128 : index
    %swap3A_36 = vector.load %arg9[%swap3A_34, %swap3A_35] : memref<1024x256xf32, #tpu.memory_space<vmem>>, vector<1024x128xf32>
    tpu.vector_store %arg9[%swap3A_34, %swap3A_35], %dot_general3A_31 {strides = array<i32>} : memref<1024x256xf32, #tpu.memory_space<vmem>>, vector<1024x128xf32>,
    return
  }
  func.func @transform_0(%arg0: i32) -> (i32, i32) {
    %c0_i32 = arith.constant 0 : i32
    %c0_i32_0 = arith.constant 0 : i32
    return %arg0, %c0_i32 : i32, i32
  }
  func.func @transform_1(%arg0: i32) -> (i32, i32) {
    %c0_i32 = arith.constant 0 : i32
    %c0_i32_0 = arith.constant 0 : i32
    %c0_i32_1 = arith.constant 0 : i32
    return %c0_i32, %c0_i32_0 : i32, i32
  }
  func.func @transform_2(%arg0: i32) -> (i32, i32) {
    %c0_i32 = arith.constant 0 : i32
    %c0_i32_0 = arith.constant 0 : i32
    %c0_i32_1 = arith.constant 0 : i32
    return %c0_i32, %c0_i32_0 : i32, i32
  }
  func.func @transform_3(%arg0: i32) -> (i32, i32) {
    %c0_i32 = arith.constant 0 : i32
    %c0_i32_0 = arith.constant 0 : i32
    %c0_i32_1 = arith.constant 0 : i32
    return %c0_i32, %c0_i32_0 : i32, i32
  }
  func.func @transform_4(%arg0: i32) -> (i32, i32) {
    %c0_i32 = arith.constant 0 : i32
    %c0_i32_0 = arith.constant 0 : i32
    %c0_i32_1 = arith.constant 0 : i32
    return %c0_i32, %c0_i32_0 : i32, i32
  }
  func.func @transform_5(%arg0: i32) -> (i32, i32) {
    %c0_i32 = arith.constant 0 : i32
    %c0_i32_0 = arith.constant 0 : i32
    %c0_i32_1 = arith.constant 0 : i32
    return %c0_i32, %c0_i32_0 : i32, i32
  }
  func.func @transform_6(%arg0: i32) -> (i32, i32, i32) {
    %c0_i32 = arith.constant 0 : i32
    %c0_i32_0 = arith.constant 0 : i32
    %c0_i32_1 = arith.constant 0 : i32
    %c0_i32_2 = arith.constant 0 : i32
    return %c0_i32, %c0_i32_0, %c0_i32_1 : i32, i32, i32
  }
  func.func @transform_7(%arg0: i32) -> (i32, i32, i32) {
    %c0_i32 = arith.constant 0 : i32
    %c0_i32_0 = arith.constant 0 : i32
    %c0_i32_1 = arith.constant 0 : i32
    %c0_i32_2 = arith.constant 0 : i32
    return %c0_i32, %c0_i32_0, %c0_i32_1 : i32, i32, i32
  }
  func.func @transform_8(%arg0: i32) -> (i32, i32) {
    %c0_i32 = arith.constant 0 : i32
    %c0_i32_0 = arith.constant 0 : i32
    return %arg0, %c0_i32 : i32, i32
  }
  func.func @transform_9(%arg0: i32) -> (i32, i32) {
    %c0_i32 = arith.constant 0 : i32
    %c0_i32_0 = arith.constant 0 : i32
    %c0_i32_1 = arith.constant 0 : i32
    return %c0_i32, %c0_i32_0 : i32, i32
  }
}

module attributes {stable_mosaic.version = 14 : i64} {
  func.func @_dense_body(%arg0: i32, %arg1: memref<8x1024x256xf32, #tpu.memory_space<vmem>>, %arg2: memref<1024x3xf32, #tpu.memory_space<vmem>>, %arg3: memref<3x128xf32, #tpu.memory_space<vmem>>, %arg4: memref<1x128xf32, #tpu.memory_space<vmem>>, %arg5: memref<8x256x512xbf16, #tpu.memory_space<vmem>>, %arg6: memref<1x512xf32, #tpu.memory_space<vmem>>, %arg7: memref<512x256xf32, #tpu.memory_space<vmem>>, %arg8: memref<1x256xf32, #tpu.memory_space<vmem>>, %arg9: memref<256x256xf32, #tpu.memory_space<vmem>>, %arg10: memref<1x256xf32, #tpu.memory_space<vmem>>, %arg11: memref<4x128x64xf32, #tpu.memory_space<vmem>>, %arg12: memref<4x64x128xf32, #tpu.memory_space<vmem>>, %arg13: memref<4x1x128xf32, #tpu.memory_space<vmem>>, %arg14: memref<512x256xf32, #tpu.memory_space<vmem>>, %arg15: memref<1x256xf32, #tpu.memory_space<vmem>>, %arg16: memref<256x256xf32, #tpu.memory_space<vmem>>, %arg17: memref<1x256xf32, #tpu.memory_space<vmem>>, %arg18: memref<256x3xf32, #tpu.memory_space<vmem>>, %arg19: memref<1x3xf32, #tpu.memory_space<vmem>>, %arg20: memref<1024x3xf32, #tpu.memory_space<vmem>>, %arg21: memref<1x256xf32, #tpu.memory_space<vmem>>, %arg22: memref<1x128xf32, #tpu.memory_space<vmem>>) attributes {dimension_semantics = [#tpu.dimension_semantics<arbitrary>], iteration_bounds = array<i64: 4>, scalar_prefetch = 0 : i64, scratch_operands = 0 : i64, tpu.core_type = #tpu.core_type<tc>, window_params = [{transform_indices = @transform_0, window_bounds = array<i64: 8, 1024, 256>}, {transform_indices = @transform_1, window_bounds = array<i64: 1024, 3>}, {pipeline_mode = #tpu.pipeline_mode<synchronous>, transform_indices = @transform_2, window_bounds = array<i64: 3, 128>}, {pipeline_mode = #tpu.pipeline_mode<synchronous>, transform_indices = @transform_3, window_bounds = array<i64: 1, 128>}, {pipeline_mode = #tpu.pipeline_mode<synchronous>, transform_indices = @transform_4, window_bounds = array<i64: 8, 256, 512>}, {pipeline_mode = #tpu.pipeline_mode<synchronous>, transform_indices = @transform_5, window_bounds = array<i64: 1, 512>}, {pipeline_mode = #tpu.pipeline_mode<synchronous>, transform_indices = @transform_6, window_bounds = array<i64: 512, 256>}, {pipeline_mode = #tpu.pipeline_mode<synchronous>, transform_indices = @transform_7, window_bounds = array<i64: 1, 256>}, {pipeline_mode = #tpu.pipeline_mode<synchronous>, transform_indices = @transform_8, window_bounds = array<i64: 256, 256>}, {pipeline_mode = #tpu.pipeline_mode<synchronous>, transform_indices = @transform_9, window_bounds = array<i64: 1, 256>}, {pipeline_mode = #tpu.pipeline_mode<synchronous>, transform_indices = @transform_10, window_bounds = array<i64: 4, 128, 64>}, {pipeline_mode = #tpu.pipeline_mode<synchronous>, transform_indices = @transform_11, window_bounds = array<i64: 4, 64, 128>}, {pipeline_mode = #tpu.pipeline_mode<synchronous>, transform_indices = @transform_12, window_bounds = array<i64: 4, 1, 128>}, {pipeline_mode = #tpu.pipeline_mode<synchronous>, transform_indices = @transform_13, window_bounds = array<i64: 512, 256>}, {pipeline_mode = #tpu.pipeline_mode<synchronous>, transform_indices = @transform_14, window_bounds = array<i64: 1, 256>}, {pipeline_mode = #tpu.pipeline_mode<synchronous>, transform_indices = @transform_15, window_bounds = array<i64: 256, 256>}, {pipeline_mode = #tpu.pipeline_mode<synchronous>, transform_indices = @transform_16, window_bounds = array<i64: 1, 256>}, {pipeline_mode = #tpu.pipeline_mode<synchronous>, transform_indices = @transform_17, window_bounds = array<i64: 256, 3>}, {pipeline_mode = #tpu.pipeline_mode<synchronous>, transform_indices = @transform_18, window_bounds = array<i64: 1, 3>}, {transform_indices = @transform_19, window_bounds = array<i64: 1024, 3>}, {pipeline_mode = #tpu.pipeline_mode<synchronous>, transform_indices = @transform_20, window_bounds = array<i64: 1, 256>}, {pipeline_mode = #tpu.pipeline_mode<synchronous>, transform_indices = @transform_21, window_bounds = array<i64: 1, 128>}]} {
    %eq3A = arith.constant 0 : i32
    %eq3A_0 = arith.cmpi eq, %arg0, %eq3A : i32
    %convert_element_type3A = arith.extui %eq3A_0 : i1 to i32
    %cond3A = arith.constant 0 : i32
    %cond3A_1 = arith.cmpi ne, %convert_element_type3A, %cond3A : i32
    scf.if %cond3A_1 {
      %broadcast_in_dim3A_520 = arith.constant 0.000000e+00 : f32
      %broadcast_in_dim3A_521 = vector.broadcast %broadcast_in_dim3A_520 : f32 to vector<1x256xf32>
      %swap3A_522 = arith.constant 0 : index
      %swap3A_523 = arith.constant 0 : index
      %swap3A_524 = vector.load %arg21[%swap3A_522, %swap3A_523] : memref<1x256xf32, #tpu.memory_space<vmem>>, vector<1x256xf32>
      tpu.vector_store %arg21[%swap3A_522, %swap3A_523], %broadcast_in_dim3A_521 {strides = array<i32>} : memref<1x256xf32, #tpu.memory_space<vmem>>, vector<1x256xf32>,
      %broadcast_in_dim3A_525 = arith.constant 0.000000e+00 : f32
      %broadcast_in_dim3A_526 = vector.broadcast %broadcast_in_dim3A_525 : f32 to vector<1x128xf32>
      %swap3A_527 = arith.constant 0 : index
      %swap3A_528 = arith.constant 0 : index
      %swap3A_529 = vector.load %arg22[%swap3A_527, %swap3A_528] : memref<1x128xf32, #tpu.memory_space<vmem>>, vector<1x128xf32>
      tpu.vector_store %arg22[%swap3A_527, %swap3A_528], %broadcast_in_dim3A_526 {strides = array<i32>} : memref<1x128xf32, #tpu.memory_space<vmem>>, vector<1x128xf32>,
    } else {
    }
    %get3A = arith.constant 0 : index
    %get3A_2 = arith.constant 0 : index
    %get3A_3 = vector.load %arg2[%get3A, %get3A_2] : memref<1024x3xf32, #tpu.memory_space<vmem>>, vector<1024x3xf32>
    %get3A_4 = arith.constant 0 : index
    %get3A_5 = arith.constant 0 : index
    %get3A_6 = vector.load %arg3[%get3A_4, %get3A_5] : memref<3x128xf32, #tpu.memory_space<vmem>>, vector<3x128xf32>
    %dot_general3A = arith.constant dense<0.000000e+00> : vector<1024x128xf32>
    %dot_general3A_7 = tpu.matmul %get3A_3, %get3A_6, %dot_general3A {dimension_numbers = #tpu.dot_dimension_numbers<[1], [0], [0], [1], [0, 0, 1, 1], [], []>, transpose_lhs_hint = false} : vector<1024x3xf32>, vector<3x128xf32>, vector<1024x128xf32> -> vector<1024x128xf32>
    %get3A_8 = arith.constant 0 : index
    %get3A_9 = arith.constant 0 : index
    %get3A_10 = vector.load %arg4[%get3A_8, %get3A_9] : memref<1x128xf32, #tpu.memory_space<vmem>>, vector<1x128xf32>
    %add3A = vector.broadcast %get3A_10 : vector<1x128xf32> to vector<1024x128xf32>
    %add3A_11 = arith.addf %dot_general3A_7, %add3A : vector<1024x128xf32>
    %broadcast_in_dim3A = arith.constant 0.000000e+00 : f32
    %broadcast_in_dim3A_12 = vector.broadcast %broadcast_in_dim3A : f32 to vector<1024x512xf32>
    %get3A_13 = arith.constant 0 : index
    %get3A_14 = arith.constant 0 : index
    %get3A_15 = arith.constant 0 : index
    %get3A_16 = vector.load %arg1[%get3A_13, %get3A_14, %get3A_15] : memref<8x1024x256xf32, #tpu.memory_space<vmem>>, vector<1x1024x256xf32>
    %get3A_17 = vector.shape_cast %get3A_16 : vector<1x1024x256xf32> to vector<1024x256xf32>
    %slice3A = vector.extract_strided_slice %get3A_17 {offsets = [0, 128], sizes = [1024, 128], strides = [1, 1]} : vector<1024x256xf32> to vector<1024x128xf32>
    %add3A_18 = arith.addf %add3A_11, %slice3A : vector<1024x128xf32>
    %max3A = arith.constant 0.000000e+00 : f32
    %max3A_19 = vector.broadcast %max3A : f32 to vector<1024x128xf32>
    %max3A_20 = arith.maximumf %add3A_18, %max3A_19 : vector<1024x128xf32>
    %convert_element_type3A_21 = arith.truncf %max3A_20 : vector<1024x128xf32> to vector<1024x128xbf16>
    %get3A_22 = arith.constant 0 : index
    %get3A_23 = arith.constant 0 : index
    %get3A_24 = arith.constant 0 : index
    %get3A_25 = vector.load %arg5[%get3A_22, %get3A_23, %get3A_24] : memref<8x256x512xbf16, #tpu.memory_space<vmem>>, vector<1x128x512xbf16>
    %get3A_26 = vector.shape_cast %get3A_25 : vector<1x128x512xbf16> to vector<128x512xbf16>
    %dot_general3A_27 = arith.constant dense<0.000000e+00> : vector<1024x512xf32>
    %dot_general3A_28 = tpu.matmul %convert_element_type3A_21, %get3A_26, %dot_general3A_27 {dimension_numbers = #tpu.dot_dimension_numbers<[1], [0], [0], [1], [0, 0, 1, 1], [], []>, transpose_lhs_hint = false} : vector<1024x128xbf16>, vector<128x512xbf16>, vector<1024x512xf32> -> vector<1024x512xf32>
    %add3A_29 = arith.addf %broadcast_in_dim3A_12, %dot_general3A_28 : vector<1024x512xf32>
    %slice3A_30 = vector.extract_strided_slice %get3A_17 {offsets = [0, 0], sizes = [1024, 128], strides = [1, 1]} : vector<1024x256xf32> to vector<1024x128xf32>
    %convert_element_type3A_31 = arith.truncf %slice3A_30 : vector<1024x128xf32> to vector<1024x128xbf16>
    %get3A_32 = arith.constant 0 : index
    %get3A_33 = arith.constant 128 : index
    %get3A_34 = arith.constant 0 : index
    %get3A_35 = vector.load %arg5[%get3A_32, %get3A_33, %get3A_34] : memref<8x256x512xbf16, #tpu.memory_space<vmem>>, vector<1x128x512xbf16>
    %get3A_36 = vector.shape_cast %get3A_35 : vector<1x128x512xbf16> to vector<128x512xbf16>
    %dot_general3A_37 = arith.constant dense<0.000000e+00> : vector<1024x512xf32>
    %dot_general3A_38 = tpu.matmul %convert_element_type3A_31, %get3A_36, %dot_general3A_37 {dimension_numbers = #tpu.dot_dimension_numbers<[1], [0], [0], [1], [0, 0, 1, 1], [], []>, transpose_lhs_hint = false} : vector<1024x128xbf16>, vector<128x512xbf16>, vector<1024x512xf32> -> vector<1024x512xf32>
    %add3A_39 = arith.addf %add3A_29, %dot_general3A_38 : vector<1024x512xf32>
    %get3A_40 = arith.constant 1 : index
    %get3A_41 = arith.constant 0 : index
    %get3A_42 = arith.constant 0 : index
    %get3A_43 = vector.load %arg1[%get3A_40, %get3A_41, %get3A_42] : memref<8x1024x256xf32, #tpu.memory_space<vmem>>, vector<1x1024x256xf32>
    %get3A_44 = vector.shape_cast %get3A_43 : vector<1x1024x256xf32> to vector<1024x256xf32>
    %slice3A_45 = vector.extract_strided_slice %get3A_44 {offsets = [0, 128], sizes = [1024, 128], strides = [1, 1]} : vector<1024x256xf32> to vector<1024x128xf32>
    %add3A_46 = arith.addf %add3A_11, %slice3A_45 : vector<1024x128xf32>
    %max3A_47 = arith.constant 0.000000e+00 : f32
    %max3A_48 = vector.broadcast %max3A_47 : f32 to vector<1024x128xf32>
    %max3A_49 = arith.maximumf %add3A_46, %max3A_48 : vector<1024x128xf32>
    %convert_element_type3A_50 = arith.truncf %max3A_49 : vector<1024x128xf32> to vector<1024x128xbf16>
    %get3A_51 = arith.constant 1 : index
    %get3A_52 = arith.constant 0 : index
    %get3A_53 = arith.constant 0 : index
    %get3A_54 = vector.load %arg5[%get3A_51, %get3A_52, %get3A_53] : memref<8x256x512xbf16, #tpu.memory_space<vmem>>, vector<1x128x512xbf16>
    %get3A_55 = vector.shape_cast %get3A_54 : vector<1x128x512xbf16> to vector<128x512xbf16>
    %dot_general3A_56 = arith.constant dense<0.000000e+00> : vector<1024x512xf32>
    %dot_general3A_57 = tpu.matmul %convert_element_type3A_50, %get3A_55, %dot_general3A_56 {dimension_numbers = #tpu.dot_dimension_numbers<[1], [0], [0], [1], [0, 0, 1, 1], [], []>, transpose_lhs_hint = false} : vector<1024x128xbf16>, vector<128x512xbf16>, vector<1024x512xf32> -> vector<1024x512xf32>
    %add3A_58 = arith.addf %add3A_39, %dot_general3A_57 : vector<1024x512xf32>
    %slice3A_59 = vector.extract_strided_slice %get3A_44 {offsets = [0, 0], sizes = [1024, 128], strides = [1, 1]} : vector<1024x256xf32> to vector<1024x128xf32>
    %convert_element_type3A_60 = arith.truncf %slice3A_59 : vector<1024x128xf32> to vector<1024x128xbf16>
    %get3A_61 = arith.constant 1 : index
    %get3A_62 = arith.constant 128 : index
    %get3A_63 = arith.constant 0 : index
    %get3A_64 = vector.load %arg5[%get3A_61, %get3A_62, %get3A_63] : memref<8x256x512xbf16, #tpu.memory_space<vmem>>, vector<1x128x512xbf16>
    %get3A_65 = vector.shape_cast %get3A_64 : vector<1x128x512xbf16> to vector<128x512xbf16>
    %dot_general3A_66 = arith.constant dense<0.000000e+00> : vector<1024x512xf32>
    %dot_general3A_67 = tpu.matmul %convert_element_type3A_60, %get3A_65, %dot_general3A_66 {dimension_numbers = #tpu.dot_dimension_numbers<[1], [0], [0], [1], [0, 0, 1, 1], [], []>, transpose_lhs_hint = false} : vector<1024x128xbf16>, vector<128x512xbf16>, vector<1024x512xf32> -> vector<1024x512xf32>
    %add3A_68 = arith.addf %add3A_58, %dot_general3A_67 : vector<1024x512xf32>
    %get3A_69 = arith.constant 2 : index
    %get3A_70 = arith.constant 0 : index
    %get3A_71 = arith.constant 0 : index
    %get3A_72 = vector.load %arg1[%get3A_69, %get3A_70, %get3A_71] : memref<8x1024x256xf32, #tpu.memory_space<vmem>>, vector<1x1024x256xf32>
    %get3A_73 = vector.shape_cast %get3A_72 : vector<1x1024x256xf32> to vector<1024x256xf32>
    %slice3A_74 = vector.extract_strided_slice %get3A_73 {offsets = [0, 128], sizes = [1024, 128], strides = [1, 1]} : vector<1024x256xf32> to vector<1024x128xf32>
    %add3A_75 = arith.addf %add3A_11, %slice3A_74 : vector<1024x128xf32>
    %max3A_76 = arith.constant 0.000000e+00 : f32
    %max3A_77 = vector.broadcast %max3A_76 : f32 to vector<1024x128xf32>
    %max3A_78 = arith.maximumf %add3A_75, %max3A_77 : vector<1024x128xf32>
    %convert_element_type3A_79 = arith.truncf %max3A_78 : vector<1024x128xf32> to vector<1024x128xbf16>
    %get3A_80 = arith.constant 2 : index
    %get3A_81 = arith.constant 0 : index
    %get3A_82 = arith.constant 0 : index
    %get3A_83 = vector.load %arg5[%get3A_80, %get3A_81, %get3A_82] : memref<8x256x512xbf16, #tpu.memory_space<vmem>>, vector<1x128x512xbf16>
    %get3A_84 = vector.shape_cast %get3A_83 : vector<1x128x512xbf16> to vector<128x512xbf16>
    %dot_general3A_85 = arith.constant dense<0.000000e+00> : vector<1024x512xf32>
    %dot_general3A_86 = tpu.matmul %convert_element_type3A_79, %get3A_84, %dot_general3A_85 {dimension_numbers = #tpu.dot_dimension_numbers<[1], [0], [0], [1], [0, 0, 1, 1], [], []>, transpose_lhs_hint = false} : vector<1024x128xbf16>, vector<128x512xbf16>, vector<1024x512xf32> -> vector<1024x512xf32>
    %add3A_87 = arith.addf %add3A_68, %dot_general3A_86 : vector<1024x512xf32>
    %slice3A_88 = vector.extract_strided_slice %get3A_73 {offsets = [0, 0], sizes = [1024, 128], strides = [1, 1]} : vector<1024x256xf32> to vector<1024x128xf32>
    %convert_element_type3A_89 = arith.truncf %slice3A_88 : vector<1024x128xf32> to vector<1024x128xbf16>
    %get3A_90 = arith.constant 2 : index
    %get3A_91 = arith.constant 128 : index
    %get3A_92 = arith.constant 0 : index
    %get3A_93 = vector.load %arg5[%get3A_90, %get3A_91, %get3A_92] : memref<8x256x512xbf16, #tpu.memory_space<vmem>>, vector<1x128x512xbf16>
    %get3A_94 = vector.shape_cast %get3A_93 : vector<1x128x512xbf16> to vector<128x512xbf16>
    %dot_general3A_95 = arith.constant dense<0.000000e+00> : vector<1024x512xf32>
    %dot_general3A_96 = tpu.matmul %convert_element_type3A_89, %get3A_94, %dot_general3A_95 {dimension_numbers = #tpu.dot_dimension_numbers<[1], [0], [0], [1], [0, 0, 1, 1], [], []>, transpose_lhs_hint = false} : vector<1024x128xbf16>, vector<128x512xbf16>, vector<1024x512xf32> -> vector<1024x512xf32>
    %add3A_97 = arith.addf %add3A_87, %dot_general3A_96 : vector<1024x512xf32>
    %get3A_98 = arith.constant 3 : index
    %get3A_99 = arith.constant 0 : index
    %get3A_100 = arith.constant 0 : index
    %get3A_101 = vector.load %arg1[%get3A_98, %get3A_99, %get3A_100] : memref<8x1024x256xf32, #tpu.memory_space<vmem>>, vector<1x1024x256xf32>
    %get3A_102 = vector.shape_cast %get3A_101 : vector<1x1024x256xf32> to vector<1024x256xf32>
    %slice3A_103 = vector.extract_strided_slice %get3A_102 {offsets = [0, 128], sizes = [1024, 128], strides = [1, 1]} : vector<1024x256xf32> to vector<1024x128xf32>
    %add3A_104 = arith.addf %add3A_11, %slice3A_103 : vector<1024x128xf32>
    %max3A_105 = arith.constant 0.000000e+00 : f32
    %max3A_106 = vector.broadcast %max3A_105 : f32 to vector<1024x128xf32>
    %max3A_107 = arith.maximumf %add3A_104, %max3A_106 : vector<1024x128xf32>
    %convert_element_type3A_108 = arith.truncf %max3A_107 : vector<1024x128xf32> to vector<1024x128xbf16>
    %get3A_109 = arith.constant 3 : index
    %get3A_110 = arith.constant 0 : index
    %get3A_111 = arith.constant 0 : index
    %get3A_112 = vector.load %arg5[%get3A_109, %get3A_110, %get3A_111] : memref<8x256x512xbf16, #tpu.memory_space<vmem>>, vector<1x128x512xbf16>
    %get3A_113 = vector.shape_cast %get3A_112 : vector<1x128x512xbf16> to vector<128x512xbf16>
    %dot_general3A_114 = arith.constant dense<0.000000e+00> : vector<1024x512xf32>
    %dot_general3A_115 = tpu.matmul %convert_element_type3A_108, %get3A_113, %dot_general3A_114 {dimension_numbers = #tpu.dot_dimension_numbers<[1], [0], [0], [1], [0, 0, 1, 1], [], []>, transpose_lhs_hint = false} : vector<1024x128xbf16>, vector<128x512xbf16>, vector<1024x512xf32> -> vector<1024x512xf32>
    %add3A_116 = arith.addf %add3A_97, %dot_general3A_115 : vector<1024x512xf32>
    %slice3A_117 = vector.extract_strided_slice %get3A_102 {offsets = [0, 0], sizes = [1024, 128], strides = [1, 1]} : vector<1024x256xf32> to vector<1024x128xf32>
    %convert_element_type3A_118 = arith.truncf %slice3A_117 : vector<1024x128xf32> to vector<1024x128xbf16>
    %get3A_119 = arith.constant 3 : index
    %get3A_120 = arith.constant 128 : index
    %get3A_121 = arith.constant 0 : index
    %get3A_122 = vector.load %arg5[%get3A_119, %get3A_120, %get3A_121] : memref<8x256x512xbf16, #tpu.memory_space<vmem>>, vector<1x128x512xbf16>
    %get3A_123 = vector.shape_cast %get3A_122 : vector<1x128x512xbf16> to vector<128x512xbf16>
    %dot_general3A_124 = arith.constant dense<0.000000e+00> : vector<1024x512xf32>
    %dot_general3A_125 = tpu.matmul %convert_element_type3A_118, %get3A_123, %dot_general3A_124 {dimension_numbers = #tpu.dot_dimension_numbers<[1], [0], [0], [1], [0, 0, 1, 1], [], []>, transpose_lhs_hint = false} : vector<1024x128xbf16>, vector<128x512xbf16>, vector<1024x512xf32> -> vector<1024x512xf32>
    %add3A_126 = arith.addf %add3A_116, %dot_general3A_125 : vector<1024x512xf32>
    %get3A_127 = arith.constant 4 : index
    %get3A_128 = arith.constant 0 : index
    %get3A_129 = arith.constant 0 : index
    %get3A_130 = vector.load %arg1[%get3A_127, %get3A_128, %get3A_129] : memref<8x1024x256xf32, #tpu.memory_space<vmem>>, vector<1x1024x256xf32>
    %get3A_131 = vector.shape_cast %get3A_130 : vector<1x1024x256xf32> to vector<1024x256xf32>
    %slice3A_132 = vector.extract_strided_slice %get3A_131 {offsets = [0, 128], sizes = [1024, 128], strides = [1, 1]} : vector<1024x256xf32> to vector<1024x128xf32>
    %add3A_133 = arith.addf %add3A_11, %slice3A_132 : vector<1024x128xf32>
    %max3A_134 = arith.constant 0.000000e+00 : f32
    %max3A_135 = vector.broadcast %max3A_134 : f32 to vector<1024x128xf32>
    %max3A_136 = arith.maximumf %add3A_133, %max3A_135 : vector<1024x128xf32>
    %convert_element_type3A_137 = arith.truncf %max3A_136 : vector<1024x128xf32> to vector<1024x128xbf16>
    %get3A_138 = arith.constant 4 : index
    %get3A_139 = arith.constant 0 : index
    %get3A_140 = arith.constant 0 : index
    %get3A_141 = vector.load %arg5[%get3A_138, %get3A_139, %get3A_140] : memref<8x256x512xbf16, #tpu.memory_space<vmem>>, vector<1x128x512xbf16>
    %get3A_142 = vector.shape_cast %get3A_141 : vector<1x128x512xbf16> to vector<128x512xbf16>
    %dot_general3A_143 = arith.constant dense<0.000000e+00> : vector<1024x512xf32>
    %dot_general3A_144 = tpu.matmul %convert_element_type3A_137, %get3A_142, %dot_general3A_143 {dimension_numbers = #tpu.dot_dimension_numbers<[1], [0], [0], [1], [0, 0, 1, 1], [], []>, transpose_lhs_hint = false} : vector<1024x128xbf16>, vector<128x512xbf16>, vector<1024x512xf32> -> vector<1024x512xf32>
    %add3A_145 = arith.addf %add3A_126, %dot_general3A_144 : vector<1024x512xf32>
    %slice3A_146 = vector.extract_strided_slice %get3A_131 {offsets = [0, 0], sizes = [1024, 128], strides = [1, 1]} : vector<1024x256xf32> to vector<1024x128xf32>
    %convert_element_type3A_147 = arith.truncf %slice3A_146 : vector<1024x128xf32> to vector<1024x128xbf16>
    %get3A_148 = arith.constant 4 : index
    %get3A_149 = arith.constant 128 : index
    %get3A_150 = arith.constant 0 : index
    %get3A_151 = vector.load %arg5[%get3A_148, %get3A_149, %get3A_150] : memref<8x256x512xbf16, #tpu.memory_space<vmem>>, vector<1x128x512xbf16>
    %get3A_152 = vector.shape_cast %get3A_151 : vector<1x128x512xbf16> to vector<128x512xbf16>
    %dot_general3A_153 = arith.constant dense<0.000000e+00> : vector<1024x512xf32>
    %dot_general3A_154 = tpu.matmul %convert_element_type3A_147, %get3A_152, %dot_general3A_153 {dimension_numbers = #tpu.dot_dimension_numbers<[1], [0], [0], [1], [0, 0, 1, 1], [], []>, transpose_lhs_hint = false} : vector<1024x128xbf16>, vector<128x512xbf16>, vector<1024x512xf32> -> vector<1024x512xf32>
    %add3A_155 = arith.addf %add3A_145, %dot_general3A_154 : vector<1024x512xf32>
    %get3A_156 = arith.constant 5 : index
    %get3A_157 = arith.constant 0 : index
    %get3A_158 = arith.constant 0 : index
    %get3A_159 = vector.load %arg1[%get3A_156, %get3A_157, %get3A_158] : memref<8x1024x256xf32, #tpu.memory_space<vmem>>, vector<1x1024x256xf32>
    %get3A_160 = vector.shape_cast %get3A_159 : vector<1x1024x256xf32> to vector<1024x256xf32>
    %slice3A_161 = vector.extract_strided_slice %get3A_160 {offsets = [0, 128], sizes = [1024, 128], strides = [1, 1]} : vector<1024x256xf32> to vector<1024x128xf32>
    %add3A_162 = arith.addf %add3A_11, %slice3A_161 : vector<1024x128xf32>
    %max3A_163 = arith.constant 0.000000e+00 : f32
    %max3A_164 = vector.broadcast %max3A_163 : f32 to vector<1024x128xf32>
    %max3A_165 = arith.maximumf %add3A_162, %max3A_164 : vector<1024x128xf32>
    %convert_element_type3A_166 = arith.truncf %max3A_165 : vector<1024x128xf32> to vector<1024x128xbf16>
    %get3A_167 = arith.constant 5 : index
    %get3A_168 = arith.constant 0 : index
    %get3A_169 = arith.constant 0 : index
    %get3A_170 = vector.load %arg5[%get3A_167, %get3A_168, %get3A_169] : memref<8x256x512xbf16, #tpu.memory_space<vmem>>, vector<1x128x512xbf16>
    %get3A_171 = vector.shape_cast %get3A_170 : vector<1x128x512xbf16> to vector<128x512xbf16>
    %dot_general3A_172 = arith.constant dense<0.000000e+00> : vector<1024x512xf32>
    %dot_general3A_173 = tpu.matmul %convert_element_type3A_166, %get3A_171, %dot_general3A_172 {dimension_numbers = #tpu.dot_dimension_numbers<[1], [0], [0], [1], [0, 0, 1, 1], [], []>, transpose_lhs_hint = false} : vector<1024x128xbf16>, vector<128x512xbf16>, vector<1024x512xf32> -> vector<1024x512xf32>
    %add3A_174 = arith.addf %add3A_155, %dot_general3A_173 : vector<1024x512xf32>
    %slice3A_175 = vector.extract_strided_slice %get3A_160 {offsets = [0, 0], sizes = [1024, 128], strides = [1, 1]} : vector<1024x256xf32> to vector<1024x128xf32>
    %convert_element_type3A_176 = arith.truncf %slice3A_175 : vector<1024x128xf32> to vector<1024x128xbf16>
    %get3A_177 = arith.constant 5 : index
    %get3A_178 = arith.constant 128 : index
    %get3A_179 = arith.constant 0 : index
    %get3A_180 = vector.load %arg5[%get3A_177, %get3A_178, %get3A_179] : memref<8x256x512xbf16, #tpu.memory_space<vmem>>, vector<1x128x512xbf16>
    %get3A_181 = vector.shape_cast %get3A_180 : vector<1x128x512xbf16> to vector<128x512xbf16>
    %dot_general3A_182 = arith.constant dense<0.000000e+00> : vector<1024x512xf32>
    %dot_general3A_183 = tpu.matmul %convert_element_type3A_176, %get3A_181, %dot_general3A_182 {dimension_numbers = #tpu.dot_dimension_numbers<[1], [0], [0], [1], [0, 0, 1, 1], [], []>, transpose_lhs_hint = false} : vector<1024x128xbf16>, vector<128x512xbf16>, vector<1024x512xf32> -> vector<1024x512xf32>
    %add3A_184 = arith.addf %add3A_174, %dot_general3A_183 : vector<1024x512xf32>
    %get3A_185 = arith.constant 6 : index
    %get3A_186 = arith.constant 0 : index
    %get3A_187 = arith.constant 0 : index
    %get3A_188 = vector.load %arg1[%get3A_185, %get3A_186, %get3A_187] : memref<8x1024x256xf32, #tpu.memory_space<vmem>>, vector<1x1024x256xf32>
    %get3A_189 = vector.shape_cast %get3A_188 : vector<1x1024x256xf32> to vector<1024x256xf32>
    %slice3A_190 = vector.extract_strided_slice %get3A_189 {offsets = [0, 128], sizes = [1024, 128], strides = [1, 1]} : vector<1024x256xf32> to vector<1024x128xf32>
    %add3A_191 = arith.addf %add3A_11, %slice3A_190 : vector<1024x128xf32>
    %max3A_192 = arith.constant 0.000000e+00 : f32
    %max3A_193 = vector.broadcast %max3A_192 : f32 to vector<1024x128xf32>
    %max3A_194 = arith.maximumf %add3A_191, %max3A_193 : vector<1024x128xf32>
    %convert_element_type3A_195 = arith.truncf %max3A_194 : vector<1024x128xf32> to vector<1024x128xbf16>
    %get3A_196 = arith.constant 6 : index
    %get3A_197 = arith.constant 0 : index
    %get3A_198 = arith.constant 0 : index
    %get3A_199 = vector.load %arg5[%get3A_196, %get3A_197, %get3A_198] : memref<8x256x512xbf16, #tpu.memory_space<vmem>>, vector<1x128x512xbf16>
    %get3A_200 = vector.shape_cast %get3A_199 : vector<1x128x512xbf16> to vector<128x512xbf16>
    %dot_general3A_201 = arith.constant dense<0.000000e+00> : vector<1024x512xf32>
    %dot_general3A_202 = tpu.matmul %convert_element_type3A_195, %get3A_200, %dot_general3A_201 {dimension_numbers = #tpu.dot_dimension_numbers<[1], [0], [0], [1], [0, 0, 1, 1], [], []>, transpose_lhs_hint = false} : vector<1024x128xbf16>, vector<128x512xbf16>, vector<1024x512xf32> -> vector<1024x512xf32>
    %add3A_203 = arith.addf %add3A_184, %dot_general3A_202 : vector<1024x512xf32>
    %slice3A_204 = vector.extract_strided_slice %get3A_189 {offsets = [0, 0], sizes = [1024, 128], strides = [1, 1]} : vector<1024x256xf32> to vector<1024x128xf32>
    %convert_element_type3A_205 = arith.truncf %slice3A_204 : vector<1024x128xf32> to vector<1024x128xbf16>
    %get3A_206 = arith.constant 6 : index
    %get3A_207 = arith.constant 128 : index
    %get3A_208 = arith.constant 0 : index
    %get3A_209 = vector.load %arg5[%get3A_206, %get3A_207, %get3A_208] : memref<8x256x512xbf16, #tpu.memory_space<vmem>>, vector<1x128x512xbf16>
    %get3A_210 = vector.shape_cast %get3A_209 : vector<1x128x512xbf16> to vector<128x512xbf16>
    %dot_general3A_211 = arith.constant dense<0.000000e+00> : vector<1024x512xf32>
    %dot_general3A_212 = tpu.matmul %convert_element_type3A_205, %get3A_210, %dot_general3A_211 {dimension_numbers = #tpu.dot_dimension_numbers<[1], [0], [0], [1], [0, 0, 1, 1], [], []>, transpose_lhs_hint = false} : vector<1024x128xbf16>, vector<128x512xbf16>, vector<1024x512xf32> -> vector<1024x512xf32>
    %add3A_213 = arith.addf %add3A_203, %dot_general3A_212 : vector<1024x512xf32>
    %get3A_214 = arith.constant 7 : index
    %get3A_215 = arith.constant 0 : index
    %get3A_216 = arith.constant 0 : index
    %get3A_217 = vector.load %arg1[%get3A_214, %get3A_215, %get3A_216] : memref<8x1024x256xf32, #tpu.memory_space<vmem>>, vector<1x1024x256xf32>
    %get3A_218 = vector.shape_cast %get3A_217 : vector<1x1024x256xf32> to vector<1024x256xf32>
    %slice3A_219 = vector.extract_strided_slice %get3A_218 {offsets = [0, 128], sizes = [1024, 128], strides = [1, 1]} : vector<1024x256xf32> to vector<1024x128xf32>
    %add3A_220 = arith.addf %add3A_11, %slice3A_219 : vector<1024x128xf32>
    %max3A_221 = arith.constant 0.000000e+00 : f32
    %max3A_222 = vector.broadcast %max3A_221 : f32 to vector<1024x128xf32>
    %max3A_223 = arith.maximumf %add3A_220, %max3A_222 : vector<1024x128xf32>
    %convert_element_type3A_224 = arith.truncf %max3A_223 : vector<1024x128xf32> to vector<1024x128xbf16>
    %get3A_225 = arith.constant 7 : index
    %get3A_226 = arith.constant 0 : index
    %get3A_227 = arith.constant 0 : index
    %get3A_228 = vector.load %arg5[%get3A_225, %get3A_226, %get3A_227] : memref<8x256x512xbf16, #tpu.memory_space<vmem>>, vector<1x128x512xbf16>
    %get3A_229 = vector.shape_cast %get3A_228 : vector<1x128x512xbf16> to vector<128x512xbf16>
    %dot_general3A_230 = arith.constant dense<0.000000e+00> : vector<1024x512xf32>
    %dot_general3A_231 = tpu.matmul %convert_element_type3A_224, %get3A_229, %dot_general3A_230 {dimension_numbers = #tpu.dot_dimension_numbers<[1], [0], [0], [1], [0, 0, 1, 1], [], []>, transpose_lhs_hint = false} : vector<1024x128xbf16>, vector<128x512xbf16>, vector<1024x512xf32> -> vector<1024x512xf32>
    %add3A_232 = arith.addf %add3A_213, %dot_general3A_231 : vector<1024x512xf32>
    %slice3A_233 = vector.extract_strided_slice %get3A_218 {offsets = [0, 0], sizes = [1024, 128], strides = [1, 1]} : vector<1024x256xf32> to vector<1024x128xf32>
    %convert_element_type3A_234 = arith.truncf %slice3A_233 : vector<1024x128xf32> to vector<1024x128xbf16>
    %get3A_235 = arith.constant 7 : index
    %get3A_236 = arith.constant 128 : index
    %get3A_237 = arith.constant 0 : index
    %get3A_238 = vector.load %arg5[%get3A_235, %get3A_236, %get3A_237] : memref<8x256x512xbf16, #tpu.memory_space<vmem>>, vector<1x128x512xbf16>
    %get3A_239 = vector.shape_cast %get3A_238 : vector<1x128x512xbf16> to vector<128x512xbf16>
    %dot_general3A_240 = arith.constant dense<0.000000e+00> : vector<1024x512xf32>
    %dot_general3A_241 = tpu.matmul %convert_element_type3A_234, %get3A_239, %dot_general3A_240 {dimension_numbers = #tpu.dot_dimension_numbers<[1], [0], [0], [1], [0, 0, 1, 1], [], []>, transpose_lhs_hint = false} : vector<1024x128xbf16>, vector<128x512xbf16>, vector<1024x512xf32> -> vector<1024x512xf32>
    %add3A_242 = arith.addf %add3A_232, %dot_general3A_241 : vector<1024x512xf32>
    %get3A_243 = arith.constant 0 : index
    %get3A_244 = arith.constant 0 : index
    %get3A_245 = vector.load %arg6[%get3A_243, %get3A_244] : memref<1x512xf32, #tpu.memory_space<vmem>>, vector<1x512xf32>
    %add3A_246 = vector.broadcast %get3A_245 : vector<1x512xf32> to vector<1024x512xf32>
    %add3A_247 = arith.addf %add3A_242, %add3A_246 : vector<1024x512xf32>
    %max3A_248 = arith.constant 0.000000e+00 : f32
    %max3A_249 = vector.broadcast %max3A_248 : f32 to vector<1024x512xf32>
    %max3A_250 = arith.maximumf %add3A_247, %max3A_249 : vector<1024x512xf32>
    %get3A_251 = arith.constant 0 : index
    %get3A_252 = arith.constant 0 : index
    %get3A_253 = vector.load %arg7[%get3A_251, %get3A_252] : memref<512x256xf32, #tpu.memory_space<vmem>>, vector<512x256xf32>
    %dot_general3A_254 = arith.constant dense<0.000000e+00> : vector<1024x256xf32>
    %dot_general3A_255 = tpu.matmul %max3A_250, %get3A_253, %dot_general3A_254 {dimension_numbers = #tpu.dot_dimension_numbers<[1], [0], [0], [1], [0, 0, 1, 1], [], []>, transpose_lhs_hint = false} : vector<1024x512xf32>, vector<512x256xf32>, vector<1024x256xf32> -> vector<1024x256xf32>
    %get3A_256 = arith.constant 0 : index
    %get3A_257 = arith.constant 0 : index
    %get3A_258 = vector.load %arg8[%get3A_256, %get3A_257] : memref<1x256xf32, #tpu.memory_space<vmem>>, vector<1x256xf32>
    %add3A_259 = vector.broadcast %get3A_258 : vector<1x256xf32> to vector<1024x256xf32>
    %add3A_260 = arith.addf %dot_general3A_255, %add3A_259 : vector<1024x256xf32>
    %max3A_261 = arith.constant 0.000000e+00 : f32
    %max3A_262 = vector.broadcast %max3A_261 : f32 to vector<1024x256xf32>
    %max3A_263 = arith.maximumf %add3A_260, %max3A_262 : vector<1024x256xf32>
    %get3A_264 = arith.constant 0 : index
    %get3A_265 = arith.constant 0 : index
    %get3A_266 = vector.load %arg9[%get3A_264, %get3A_265] : memref<256x256xf32, #tpu.memory_space<vmem>>, vector<256x256xf32>
    %dot_general3A_267 = arith.constant dense<0.000000e+00> : vector<1024x256xf32>
    %dot_general3A_268 = tpu.matmul %max3A_263, %get3A_266, %dot_general3A_267 {dimension_numbers = #tpu.dot_dimension_numbers<[1], [0], [0], [1], [0, 0, 1, 1], [], []>, transpose_lhs_hint = false} : vector<1024x256xf32>, vector<256x256xf32>, vector<1024x256xf32> -> vector<1024x256xf32>
    %get3A_269 = arith.constant 0 : index
    %get3A_270 = arith.constant 0 : index
    %get3A_271 = vector.load %arg10[%get3A_269, %get3A_270] : memref<1x256xf32, #tpu.memory_space<vmem>>, vector<1x256xf32>
    %add3A_272 = vector.broadcast %get3A_271 : vector<1x256xf32> to vector<1024x256xf32>
    %add3A_273 = arith.addf %dot_general3A_268, %add3A_272 : vector<1024x256xf32>
    %max3A_274 = arith.constant 0.000000e+00 : f32
    %max3A_275 = vector.broadcast %max3A_274 : f32 to vector<1024x256xf32>
    %max3A_276 = arith.maximumf %add3A_273, %max3A_275 : vector<1024x256xf32>
    %iota3A = tpu.iota {dimensions = array<i32: 1>} : vector<1024x128xi32>
    %slice3A_277 = vector.extract_strided_slice %max3A_276 {offsets = [0, 0], sizes = [1024, 64], strides = [1, 1]} : vector<1024x256xf32> to vector<1024x64xf32>
    %mul3A = arith.mulf %slice3A_277, %slice3A_277 : vector<1024x64xf32>
    %reduce_sum3A = arith.constant dense<0.000000e+00> : vector<1024xf32>
    %reduce_sum3A_278 = vector.multi_reduction <add>, %mul3A, %reduce_sum3A [1] : vector<1024x64xf32> to vector<1024xf32>
    %broadcast_in_dim3A_279 = vector.shape_cast %reduce_sum3A_278 : vector<1024xf32> to vector<1024x1xf32>
    %get3A_280 = arith.constant 0 : index
    %get3A_281 = arith.constant 0 : index
    %get3A_282 = arith.constant 0 : index
    %get3A_283 = vector.load %arg12[%get3A_280, %get3A_281, %get3A_282] : memref<4x64x128xf32, #tpu.memory_space<vmem>>, vector<1x64x128xf32>
    %get3A_284 = vector.shape_cast %get3A_283 : vector<1x64x128xf32> to vector<64x128xf32>
    %dot_general3A_285 = arith.constant dense<0.000000e+00> : vector<1024x128xf32>
    %dot_general3A_286 = tpu.matmul %slice3A_277, %get3A_284, %dot_general3A_285 {dimension_numbers = #tpu.dot_dimension_numbers<[1], [0], [0], [1], [0, 0, 1, 1], [], []>, transpose_lhs_hint = false} : vector<1024x64xf32>, vector<64x128xf32>, vector<1024x128xf32> -> vector<1024x128xf32>
    %mul3A_287 = arith.constant 2.000000e+00 : f32
    %mul3A_288 = vector.broadcast %mul3A_287 : f32 to vector<1024x128xf32>
    %mul3A_289 = arith.mulf %mul3A_288, %dot_general3A_286 : vector<1024x128xf32>
    %sub3A = vector.broadcast %broadcast_in_dim3A_279 : vector<1024x1xf32> to vector<1024x128xf32>
    %sub3A_290 = arith.subf %sub3A, %mul3A_289 : vector<1024x128xf32>
    %get3A_291 = arith.constant 0 : index
    %get3A_292 = arith.constant 0 : index
    %get3A_293 = arith.constant 0 : index
    %get3A_294 = vector.load %arg13[%get3A_291, %get3A_292, %get3A_293] : memref<4x1x128xf32, #tpu.memory_space<vmem>>, vector<1x1x128xf32>
    %get3A_295 = vector.shape_cast %get3A_294 : vector<1x1x128xf32> to vector<1x128xf32>
    %add3A_296 = vector.broadcast %get3A_295 : vector<1x128xf32> to vector<1024x128xf32>
    %add3A_297 = arith.addf %sub3A_290, %add3A_296 : vector<1024x128xf32>
    %reduce_min3A = arith.constant dense<0x7F800000> : vector<1024xf32>
    %reduce_min3A_298 = vector.multi_reduction <minimumf>, %add3A_297, %reduce_min3A [1] : vector<1024x128xf32> to vector<1024xf32>
    %broadcast_in_dim3A_299 = vector.shape_cast %reduce_min3A_298 : vector<1024xf32> to vector<1024x1xf32>
    %eq3A_300 = vector.broadcast %broadcast_in_dim3A_299 : vector<1024x1xf32> to vector<1024x128xf32>
    %eq3A_301 = arith.cmpf oeq, %add3A_297, %eq3A_300 : vector<1024x128xf32>
    %jit3A = arith.constant 128 : i32
    %broadcast_in_dim3A_302 = vector.broadcast %jit3A : i32 to vector<1024x128xi32>
    %select_n3A = arith.select %eq3A_301, %iota3A, %broadcast_in_dim3A_302 : vector<1024x128xi1>, vector<1024x128xi32>
    %reduce_min3A_303 = arith.constant dense<2147483647> : vector<1024xi32>
    %reduce_min3A_304 = vector.multi_reduction <minsi>, %select_n3A, %reduce_min3A_303 [1] : vector<1024x128xi32> to vector<1024xi32>
    %broadcast_in_dim3A_305 = vector.shape_cast %reduce_min3A_304 : vector<1024xi32> to vector<1024x1xi32>
    %eq3A_306 = vector.broadcast %broadcast_in_dim3A_305 : vector<1024x1xi32> to vector<1024x128xi32>
    %eq3A_307 = arith.cmpi eq, %iota3A, %eq3A_306 : vector<1024x128xi32>
    %convert_element_type3A_308 = arith.extui %eq3A_307 : vector<1024x128xi1> to vector<1024x128xi32>
    %convert_element_type3A_309 = arith.sitofp %convert_element_type3A_308 : vector<1024x128xi32> to vector<1024x128xf32>
    %get3A_310 = arith.constant 0 : index
    %get3A_311 = arith.constant 0 : index
    %get3A_312 = arith.constant 0 : index
    %get3A_313 = vector.load %arg11[%get3A_310, %get3A_311, %get3A_312] : memref<4x128x64xf32, #tpu.memory_space<vmem>>, vector<1x128x64xf32>
    %get3A_314 = vector.shape_cast %get3A_313 : vector<1x128x64xf32> to vector<128x64xf32>
    %dot_general3A_315 = arith.constant dense<0.000000e+00> : vector<1024x64xf32>
    %dot_general3A_316 = tpu.matmul %convert_element_type3A_309, %get3A_314, %dot_general3A_315 {dimension_numbers = #tpu.dot_dimension_numbers<[1], [0], [0], [1], [0, 0, 1, 1], [], []>, transpose_lhs_hint = false} : vector<1024x128xf32>, vector<128x64xf32>, vector<1024x64xf32> -> vector<1024x64xf32>
    %get3A_317 = arith.constant 0 : index
    %get3A_318 = arith.constant 0 : index
    %get3A_319 = vector.load %arg22[%get3A_317, %get3A_318] : memref<1x128xf32, #tpu.memory_space<vmem>>, vector<1x128xf32>
    %reduce_sum3A_320 = arith.constant dense<0.000000e+00> : vector<128xf32>
    %reduce_sum3A_321 = vector.multi_reduction <add>, %convert_element_type3A_309, %reduce_sum3A_320 [0] : vector<1024x128xf32> to vector<128xf32>
    %broadcast_in_dim3A_322 = vector.shape_cast %reduce_sum3A_321 : vector<128xf32> to vector<1x128xf32>
    %add3A_323 = arith.addf %get3A_319, %broadcast_in_dim3A_322 : vector<1x128xf32>
    %swap3A = arith.constant 0 : index
    %swap3A_324 = arith.constant 0 : index
    %swap3A_325 = vector.load %arg22[%swap3A, %swap3A_324] : memref<1x128xf32, #tpu.memory_space<vmem>>, vector<1x128xf32>
    tpu.vector_store %arg22[%swap3A, %swap3A_324], %add3A_323 {strides = array<i32>} : memref<1x128xf32, #tpu.memory_space<vmem>>, vector<1x128xf32>,
    %slice3A_326 = vector.extract_strided_slice %max3A_276 {offsets = [0, 64], sizes = [1024, 64], strides = [1, 1]} : vector<1024x256xf32> to vector<1024x64xf32>
    %mul3A_327 = arith.mulf %slice3A_326, %slice3A_326 : vector<1024x64xf32>
    %reduce_sum3A_328 = arith.constant dense<0.000000e+00> : vector<1024xf32>
    %reduce_sum3A_329 = vector.multi_reduction <add>, %mul3A_327, %reduce_sum3A_328 [1] : vector<1024x64xf32> to vector<1024xf32>
    %broadcast_in_dim3A_330 = vector.shape_cast %reduce_sum3A_329 : vector<1024xf32> to vector<1024x1xf32>
    %get3A_331 = arith.constant 1 : index
    %get3A_332 = arith.constant 0 : index
    %get3A_333 = arith.constant 0 : index
    %get3A_334 = vector.load %arg12[%get3A_331, %get3A_332, %get3A_333] : memref<4x64x128xf32, #tpu.memory_space<vmem>>, vector<1x64x128xf32>
    %get3A_335 = vector.shape_cast %get3A_334 : vector<1x64x128xf32> to vector<64x128xf32>
    %dot_general3A_336 = arith.constant dense<0.000000e+00> : vector<1024x128xf32>
    %dot_general3A_337 = tpu.matmul %slice3A_326, %get3A_335, %dot_general3A_336 {dimension_numbers = #tpu.dot_dimension_numbers<[1], [0], [0], [1], [0, 0, 1, 1], [], []>, transpose_lhs_hint = false} : vector<1024x64xf32>, vector<64x128xf32>, vector<1024x128xf32> -> vector<1024x128xf32>
    %mul3A_338 = arith.constant 2.000000e+00 : f32
    %mul3A_339 = vector.broadcast %mul3A_338 : f32 to vector<1024x128xf32>
    %mul3A_340 = arith.mulf %mul3A_339, %dot_general3A_337 : vector<1024x128xf32>
    %sub3A_341 = vector.broadcast %broadcast_in_dim3A_330 : vector<1024x1xf32> to vector<1024x128xf32>
    %sub3A_342 = arith.subf %sub3A_341, %mul3A_340 : vector<1024x128xf32>
    %get3A_343 = arith.constant 1 : index
    %get3A_344 = arith.constant 0 : index
    %get3A_345 = arith.constant 0 : index
    %get3A_346 = vector.load %arg13[%get3A_343, %get3A_344, %get3A_345] : memref<4x1x128xf32, #tpu.memory_space<vmem>>, vector<1x1x128xf32>
    %get3A_347 = vector.shape_cast %get3A_346 : vector<1x1x128xf32> to vector<1x128xf32>
    %add3A_348 = vector.broadcast %get3A_347 : vector<1x128xf32> to vector<1024x128xf32>
    %add3A_349 = arith.addf %sub3A_342, %add3A_348 : vector<1024x128xf32>
    %reduce_min3A_350 = arith.constant dense<0x7F800000> : vector<1024xf32>
    %reduce_min3A_351 = vector.multi_reduction <minimumf>, %add3A_349, %reduce_min3A_350 [1] : vector<1024x128xf32> to vector<1024xf32>
    %broadcast_in_dim3A_352 = vector.shape_cast %reduce_min3A_351 : vector<1024xf32> to vector<1024x1xf32>
    %eq3A_353 = vector.broadcast %broadcast_in_dim3A_352 : vector<1024x1xf32> to vector<1024x128xf32>
    %eq3A_354 = arith.cmpf oeq, %add3A_349, %eq3A_353 : vector<1024x128xf32>
    %jit3A_355 = arith.constant 128 : i32
    %broadcast_in_dim3A_356 = vector.broadcast %jit3A_355 : i32 to vector<1024x128xi32>
    %select_n3A_357 = arith.select %eq3A_354, %iota3A, %broadcast_in_dim3A_356 : vector<1024x128xi1>, vector<1024x128xi32>
    %reduce_min3A_358 = arith.constant dense<2147483647> : vector<1024xi32>
    %reduce_min3A_359 = vector.multi_reduction <minsi>, %select_n3A_357, %reduce_min3A_358 [1] : vector<1024x128xi32> to vector<1024xi32>
    %broadcast_in_dim3A_360 = vector.shape_cast %reduce_min3A_359 : vector<1024xi32> to vector<1024x1xi32>
    %eq3A_361 = vector.broadcast %broadcast_in_dim3A_360 : vector<1024x1xi32> to vector<1024x128xi32>
    %eq3A_362 = arith.cmpi eq, %iota3A, %eq3A_361 : vector<1024x128xi32>
    %convert_element_type3A_363 = arith.extui %eq3A_362 : vector<1024x128xi1> to vector<1024x128xi32>
    %convert_element_type3A_364 = arith.sitofp %convert_element_type3A_363 : vector<1024x128xi32> to vector<1024x128xf32>
    %get3A_365 = arith.constant 1 : index
    %get3A_366 = arith.constant 0 : index
    %get3A_367 = arith.constant 0 : index
    %get3A_368 = vector.load %arg11[%get3A_365, %get3A_366, %get3A_367] : memref<4x128x64xf32, #tpu.memory_space<vmem>>, vector<1x128x64xf32>
    %get3A_369 = vector.shape_cast %get3A_368 : vector<1x128x64xf32> to vector<128x64xf32>
    %dot_general3A_370 = arith.constant dense<0.000000e+00> : vector<1024x64xf32>
    %dot_general3A_371 = tpu.matmul %convert_element_type3A_364, %get3A_369, %dot_general3A_370 {dimension_numbers = #tpu.dot_dimension_numbers<[1], [0], [0], [1], [0, 0, 1, 1], [], []>, transpose_lhs_hint = false} : vector<1024x128xf32>, vector<128x64xf32>, vector<1024x64xf32> -> vector<1024x64xf32>
    %slice3A_372 = vector.extract_strided_slice %max3A_276 {offsets = [0, 128], sizes = [1024, 64], strides = [1, 1]} : vector<1024x256xf32> to vector<1024x64xf32>
    %mul3A_373 = arith.mulf %slice3A_372, %slice3A_372 : vector<1024x64xf32>
    %reduce_sum3A_374 = arith.constant dense<0.000000e+00> : vector<1024xf32>
    %reduce_sum3A_375 = vector.multi_reduction <add>, %mul3A_373, %reduce_sum3A_374 [1] : vector<1024x64xf32> to vector<1024xf32>
    %broadcast_in_dim3A_376 = vector.shape_cast %reduce_sum3A_375 : vector<1024xf32> to vector<1024x1xf32>
    %get3A_377 = arith.constant 2 : index
    %get3A_378 = arith.constant 0 : index
    %get3A_379 = arith.constant 0 : index
    %get3A_380 = vector.load %arg12[%get3A_377, %get3A_378, %get3A_379] : memref<4x64x128xf32, #tpu.memory_space<vmem>>, vector<1x64x128xf32>
    %get3A_381 = vector.shape_cast %get3A_380 : vector<1x64x128xf32> to vector<64x128xf32>
    %dot_general3A_382 = arith.constant dense<0.000000e+00> : vector<1024x128xf32>
    %dot_general3A_383 = tpu.matmul %slice3A_372, %get3A_381, %dot_general3A_382 {dimension_numbers = #tpu.dot_dimension_numbers<[1], [0], [0], [1], [0, 0, 1, 1], [], []>, transpose_lhs_hint = false} : vector<1024x64xf32>, vector<64x128xf32>, vector<1024x128xf32> -> vector<1024x128xf32>
    %mul3A_384 = arith.constant 2.000000e+00 : f32
    %mul3A_385 = vector.broadcast %mul3A_384 : f32 to vector<1024x128xf32>
    %mul3A_386 = arith.mulf %mul3A_385, %dot_general3A_383 : vector<1024x128xf32>
    %sub3A_387 = vector.broadcast %broadcast_in_dim3A_376 : vector<1024x1xf32> to vector<1024x128xf32>
    %sub3A_388 = arith.subf %sub3A_387, %mul3A_386 : vector<1024x128xf32>
    %get3A_389 = arith.constant 2 : index
    %get3A_390 = arith.constant 0 : index
    %get3A_391 = arith.constant 0 : index
    %get3A_392 = vector.load %arg13[%get3A_389, %get3A_390, %get3A_391] : memref<4x1x128xf32, #tpu.memory_space<vmem>>, vector<1x1x128xf32>
    %get3A_393 = vector.shape_cast %get3A_392 : vector<1x1x128xf32> to vector<1x128xf32>
    %add3A_394 = vector.broadcast %get3A_393 : vector<1x128xf32> to vector<1024x128xf32>
    %add3A_395 = arith.addf %sub3A_388, %add3A_394 : vector<1024x128xf32>
    %reduce_min3A_396 = arith.constant dense<0x7F800000> : vector<1024xf32>
    %reduce_min3A_397 = vector.multi_reduction <minimumf>, %add3A_395, %reduce_min3A_396 [1] : vector<1024x128xf32> to vector<1024xf32>
    %broadcast_in_dim3A_398 = vector.shape_cast %reduce_min3A_397 : vector<1024xf32> to vector<1024x1xf32>
    %eq3A_399 = vector.broadcast %broadcast_in_dim3A_398 : vector<1024x1xf32> to vector<1024x128xf32>
    %eq3A_400 = arith.cmpf oeq, %add3A_395, %eq3A_399 : vector<1024x128xf32>
    %jit3A_401 = arith.constant 128 : i32
    %broadcast_in_dim3A_402 = vector.broadcast %jit3A_401 : i32 to vector<1024x128xi32>
    %select_n3A_403 = arith.select %eq3A_400, %iota3A, %broadcast_in_dim3A_402 : vector<1024x128xi1>, vector<1024x128xi32>
    %reduce_min3A_404 = arith.constant dense<2147483647> : vector<1024xi32>
    %reduce_min3A_405 = vector.multi_reduction <minsi>, %select_n3A_403, %reduce_min3A_404 [1] : vector<1024x128xi32> to vector<1024xi32>
    %broadcast_in_dim3A_406 = vector.shape_cast %reduce_min3A_405 : vector<1024xi32> to vector<1024x1xi32>
    %eq3A_407 = vector.broadcast %broadcast_in_dim3A_406 : vector<1024x1xi32> to vector<1024x128xi32>
    %eq3A_408 = arith.cmpi eq, %iota3A, %eq3A_407 : vector<1024x128xi32>
    %convert_element_type3A_409 = arith.extui %eq3A_408 : vector<1024x128xi1> to vector<1024x128xi32>
    %convert_element_type3A_410 = arith.sitofp %convert_element_type3A_409 : vector<1024x128xi32> to vector<1024x128xf32>
    %get3A_411 = arith.constant 2 : index
    %get3A_412 = arith.constant 0 : index
    %get3A_413 = arith.constant 0 : index
    %get3A_414 = vector.load %arg11[%get3A_411, %get3A_412, %get3A_413] : memref<4x128x64xf32, #tpu.memory_space<vmem>>, vector<1x128x64xf32>
    %get3A_415 = vector.shape_cast %get3A_414 : vector<1x128x64xf32> to vector<128x64xf32>
    %dot_general3A_416 = arith.constant dense<0.000000e+00> : vector<1024x64xf32>
    %dot_general3A_417 = tpu.matmul %convert_element_type3A_410, %get3A_415, %dot_general3A_416 {dimension_numbers = #tpu.dot_dimension_numbers<[1], [0], [0], [1], [0, 0, 1, 1], [], []>, transpose_lhs_hint = false} : vector<1024x128xf32>, vector<128x64xf32>, vector<1024x64xf32> -> vector<1024x64xf32>
    %slice3A_418 = vector.extract_strided_slice %max3A_276 {offsets = [0, 192], sizes = [1024, 64], strides = [1, 1]} : vector<1024x256xf32> to vector<1024x64xf32>
    %mul3A_419 = arith.mulf %slice3A_418, %slice3A_418 : vector<1024x64xf32>
    %reduce_sum3A_420 = arith.constant dense<0.000000e+00> : vector<1024xf32>
    %reduce_sum3A_421 = vector.multi_reduction <add>, %mul3A_419, %reduce_sum3A_420 [1] : vector<1024x64xf32> to vector<1024xf32>
    %broadcast_in_dim3A_422 = vector.shape_cast %reduce_sum3A_421 : vector<1024xf32> to vector<1024x1xf32>
    %get3A_423 = arith.constant 3 : index
    %get3A_424 = arith.constant 0 : index
    %get3A_425 = arith.constant 0 : index
    %get3A_426 = vector.load %arg12[%get3A_423, %get3A_424, %get3A_425] : memref<4x64x128xf32, #tpu.memory_space<vmem>>, vector<1x64x128xf32>
    %get3A_427 = vector.shape_cast %get3A_426 : vector<1x64x128xf32> to vector<64x128xf32>
    %dot_general3A_428 = arith.constant dense<0.000000e+00> : vector<1024x128xf32>
    %dot_general3A_429 = tpu.matmul %slice3A_418, %get3A_427, %dot_general3A_428 {dimension_numbers = #tpu.dot_dimension_numbers<[1], [0], [0], [1], [0, 0, 1, 1], [], []>, transpose_lhs_hint = false} : vector<1024x64xf32>, vector<64x128xf32>, vector<1024x128xf32> -> vector<1024x128xf32>
    %mul3A_430 = arith.constant 2.000000e+00 : f32
    %mul3A_431 = vector.broadcast %mul3A_430 : f32 to vector<1024x128xf32>
    %mul3A_432 = arith.mulf %mul3A_431, %dot_general3A_429 : vector<1024x128xf32>
    %sub3A_433 = vector.broadcast %broadcast_in_dim3A_422 : vector<1024x1xf32> to vector<1024x128xf32>
    %sub3A_434 = arith.subf %sub3A_433, %mul3A_432 : vector<1024x128xf32>
    %get3A_435 = arith.constant 3 : index
    %get3A_436 = arith.constant 0 : index
    %get3A_437 = arith.constant 0 : index
    %get3A_438 = vector.load %arg13[%get3A_435, %get3A_436, %get3A_437] : memref<4x1x128xf32, #tpu.memory_space<vmem>>, vector<1x1x128xf32>
    %get3A_439 = vector.shape_cast %get3A_438 : vector<1x1x128xf32> to vector<1x128xf32>
    %add3A_440 = vector.broadcast %get3A_439 : vector<1x128xf32> to vector<1024x128xf32>
    %add3A_441 = arith.addf %sub3A_434, %add3A_440 : vector<1024x128xf32>
    %reduce_min3A_442 = arith.constant dense<0x7F800000> : vector<1024xf32>
    %reduce_min3A_443 = vector.multi_reduction <minimumf>, %add3A_441, %reduce_min3A_442 [1] : vector<1024x128xf32> to vector<1024xf32>
    %broadcast_in_dim3A_444 = vector.shape_cast %reduce_min3A_443 : vector<1024xf32> to vector<1024x1xf32>
    %eq3A_445 = vector.broadcast %broadcast_in_dim3A_444 : vector<1024x1xf32> to vector<1024x128xf32>
    %eq3A_446 = arith.cmpf oeq, %add3A_441, %eq3A_445 : vector<1024x128xf32>
    %jit3A_447 = arith.constant 128 : i32
    %broadcast_in_dim3A_448 = vector.broadcast %jit3A_447 : i32 to vector<1024x128xi32>
    %select_n3A_449 = arith.select %eq3A_446, %iota3A, %broadcast_in_dim3A_448 : vector<1024x128xi1>, vector<1024x128xi32>
    %reduce_min3A_450 = arith.constant dense<2147483647> : vector<1024xi32>
    %reduce_min3A_451 = vector.multi_reduction <minsi>, %select_n3A_449, %reduce_min3A_450 [1] : vector<1024x128xi32> to vector<1024xi32>
    %broadcast_in_dim3A_452 = vector.shape_cast %reduce_min3A_451 : vector<1024xi32> to vector<1024x1xi32>
    %eq3A_453 = vector.broadcast %broadcast_in_dim3A_452 : vector<1024x1xi32> to vector<1024x128xi32>
    %eq3A_454 = arith.cmpi eq, %iota3A, %eq3A_453 : vector<1024x128xi32>
    %convert_element_type3A_455 = arith.extui %eq3A_454 : vector<1024x128xi1> to vector<1024x128xi32>
    %convert_element_type3A_456 = arith.sitofp %convert_element_type3A_455 : vector<1024x128xi32> to vector<1024x128xf32>
    %get3A_457 = arith.constant 3 : index
    %get3A_458 = arith.constant 0 : index
    %get3A_459 = arith.constant 0 : index
    %get3A_460 = vector.load %arg11[%get3A_457, %get3A_458, %get3A_459] : memref<4x128x64xf32, #tpu.memory_space<vmem>>, vector<1x128x64xf32>
    %get3A_461 = vector.shape_cast %get3A_460 : vector<1x128x64xf32> to vector<128x64xf32>
    %dot_general3A_462 = arith.constant dense<0.000000e+00> : vector<1024x64xf32>
    %dot_general3A_463 = tpu.matmul %convert_element_type3A_456, %get3A_461, %dot_general3A_462 {dimension_numbers = #tpu.dot_dimension_numbers<[1], [0], [0], [1], [0, 0, 1, 1], [], []>, transpose_lhs_hint = false} : vector<1024x128xf32>, vector<128x64xf32>, vector<1024x64xf32> -> vector<1024x64xf32>
    %concatenate3A = tpu.concatenate %dot_general3A_316, %dot_general3A_371, %dot_general3A_417, %dot_general3A_463 in 1 : vector<1024x64xf32>, vector<1024x64xf32>, vector<1024x64xf32>, vector<1024x64xf32> -> vector<1024x256xf32>
    %sub3A_464 = arith.subf %concatenate3A, %max3A_276 : vector<1024x256xf32>
    %integer_pow3A = arith.mulf %sub3A_464, %sub3A_464 : vector<1024x256xf32>
    %get3A_465 = arith.constant 0 : index
    %get3A_466 = arith.constant 0 : index
    %get3A_467 = vector.load %arg21[%get3A_465, %get3A_466] : memref<1x256xf32, #tpu.memory_space<vmem>>, vector<1x256xf32>
    %reduce_sum3A_468 = arith.constant dense<0.000000e+00> : vector<256xf32>
    %reduce_sum3A_469 = vector.multi_reduction <add>, %integer_pow3A, %reduce_sum3A_468 [0] : vector<1024x256xf32> to vector<256xf32>
    %broadcast_in_dim3A_470 = vector.shape_cast %reduce_sum3A_469 : vector<256xf32> to vector<1x256xf32>
    %add3A_471 = arith.addf %get3A_467, %broadcast_in_dim3A_470 : vector<1x256xf32>
    %swap3A_472 = arith.constant 0 : index
    %swap3A_473 = arith.constant 0 : index
    %swap3A_474 = vector.load %arg21[%swap3A_472, %swap3A_473] : memref<1x256xf32, #tpu.memory_space<vmem>>, vector<1x256xf32>
    tpu.vector_store %arg21[%swap3A_472, %swap3A_473], %add3A_471 {strides = array<i32>} : memref<1x256xf32, #tpu.memory_space<vmem>>, vector<1x256xf32>,
    %get3A_475 = arith.constant 0 : index
    %get3A_476 = arith.constant 0 : index
    %get3A_477 = vector.load %arg14[%get3A_475, %get3A_476] : memref<512x256xf32, #tpu.memory_space<vmem>>, vector<256x256xf32>
    %dot_general3A_478 = arith.constant dense<0.000000e+00> : vector<1024x256xf32>
    %dot_general3A_479 = tpu.matmul %max3A_276, %get3A_477, %dot_general3A_478 {dimension_numbers = #tpu.dot_dimension_numbers<[1], [0], [0], [1], [0, 0, 1, 1], [], []>, transpose_lhs_hint = false} : vector<1024x256xf32>, vector<256x256xf32>, vector<1024x256xf32> -> vector<1024x256xf32>
    %get3A_480 = arith.constant 256 : index
    %get3A_481 = arith.constant 0 : index
    %get3A_482 = vector.load %arg14[%get3A_480, %get3A_481] : memref<512x256xf32, #tpu.memory_space<vmem>>, vector<256x256xf32>
    %dot_general3A_483 = arith.constant dense<0.000000e+00> : vector<1024x256xf32>
    %dot_general3A_484 = tpu.matmul %concatenate3A, %get3A_482, %dot_general3A_483 {dimension_numbers = #tpu.dot_dimension_numbers<[1], [0], [0], [1], [0, 0, 1, 1], [], []>, transpose_lhs_hint = false} : vector<1024x256xf32>, vector<256x256xf32>, vector<1024x256xf32> -> vector<1024x256xf32>
    %add3A_485 = arith.addf %dot_general3A_479, %dot_general3A_484 : vector<1024x256xf32>
    %get3A_486 = arith.constant 0 : index
    %get3A_487 = arith.constant 0 : index
    %get3A_488 = vector.load %arg15[%get3A_486, %get3A_487] : memref<1x256xf32, #tpu.memory_space<vmem>>, vector<1x256xf32>
    %add3A_489 = vector.broadcast %get3A_488 : vector<1x256xf32> to vector<1024x256xf32>
    %add3A_490 = arith.addf %add3A_485, %add3A_489 : vector<1024x256xf32>
    %max3A_491 = arith.constant 0.000000e+00 : f32
    %max3A_492 = vector.broadcast %max3A_491 : f32 to vector<1024x256xf32>
    %max3A_493 = arith.maximumf %add3A_490, %max3A_492 : vector<1024x256xf32>
    %get3A_494 = arith.constant 0 : index
    %get3A_495 = arith.constant 0 : index
    %get3A_496 = vector.load %arg16[%get3A_494, %get3A_495] : memref<256x256xf32, #tpu.memory_space<vmem>>, vector<256x256xf32>
    %dot_general3A_497 = arith.constant dense<0.000000e+00> : vector<1024x256xf32>
    %dot_general3A_498 = tpu.matmul %max3A_493, %get3A_496, %dot_general3A_497 {dimension_numbers = #tpu.dot_dimension_numbers<[1], [0], [0], [1], [0, 0, 1, 1], [], []>, transpose_lhs_hint = false} : vector<1024x256xf32>, vector<256x256xf32>, vector<1024x256xf32> -> vector<1024x256xf32>
    %get3A_499 = arith.constant 0 : index
    %get3A_500 = arith.constant 0 : index
    %get3A_501 = vector.load %arg17[%get3A_499, %get3A_500] : memref<1x256xf32, #tpu.memory_space<vmem>>, vector<1x256xf32>
    %add3A_502 = vector.broadcast %get3A_501 : vector<1x256xf32> to vector<1024x256xf32>
    %add3A_503 = arith.addf %dot_general3A_498, %add3A_502 : vector<1024x256xf32>
    %max3A_504 = arith.constant 0.000000e+00 : f32
    %max3A_505 = vector.broadcast %max3A_504 : f32 to vector<1024x256xf32>
    %max3A_506 = arith.maximumf %add3A_503, %max3A_505 : vector<1024x256xf32>
    %get3A_507 = arith.constant 0 : index
    %get3A_508 = arith.constant 0 : index
    %get3A_509 = vector.load %arg18[%get3A_507, %get3A_508] : memref<256x3xf32, #tpu.memory_space<vmem>>, vector<256x3xf32>
    %dot_general3A_510 = arith.constant dense<0.000000e+00> : vector<1024x3xf32>
    %dot_general3A_511 = tpu.matmul %max3A_506, %get3A_509, %dot_general3A_510 {dimension_numbers = #tpu.dot_dimension_numbers<[1], [0], [0], [1], [0, 0, 1, 1], [], []>, transpose_lhs_hint = false} : vector<1024x256xf32>, vector<256x3xf32>, vector<1024x3xf32> -> vector<1024x3xf32>
    %get3A_512 = arith.constant 0 : index
    %get3A_513 = arith.constant 0 : index
    %get3A_514 = vector.load %arg19[%get3A_512, %get3A_513] : memref<1x3xf32, #tpu.memory_space<vmem>>, vector<1x3xf32>
    %add3A_515 = vector.broadcast %get3A_514 : vector<1x3xf32> to vector<1024x3xf32>
    %add3A_516 = arith.addf %dot_general3A_511, %add3A_515 : vector<1024x3xf32>
    %swap3A_517 = arith.constant 0 : index
    %swap3A_518 = arith.constant 0 : index
    %swap3A_519 = vector.load %arg20[%swap3A_517, %swap3A_518] : memref<1024x3xf32, #tpu.memory_space<vmem>>, vector<1024x3xf32>
    tpu.vector_store %arg20[%swap3A_517, %swap3A_518], %add3A_516 {strides = array<i32>} : memref<1024x3xf32, #tpu.memory_space<vmem>>, vector<1024x3xf32>,
    return
  }
  func.func @transform_0(%arg0: i32) -> (i32, i32, i32) {
    %c0_i32 = arith.constant 0 : i32
    %c0_i32_0 = arith.constant 0 : i32
    %c0_i32_1 = arith.constant 0 : i32
    return %c0_i32, %arg0, %c0_i32_0 : i32, i32, i32
  }
  func.func @transform_1(%arg0: i32) -> (i32, i32) {
    %c0_i32 = arith.constant 0 : i32
    %c0_i32_0 = arith.constant 0 : i32
    return %arg0, %c0_i32 : i32, i32
  }
  func.func @transform_2(%arg0: i32) -> (i32, i32) {
    %c0_i32 = arith.constant 0 : i32
    %c0_i32_0 = arith.constant 0 : i32
    %c0_i32_1 = arith.constant 0 : i32
    return %c0_i32, %c0_i32_0 : i32, i32
  }
  func.func @transform_3(%arg0: i32) -> (i32, i32) {
    %c0_i32 = arith.constant 0 : i32
    %c0_i32_0 = arith.constant 0 : i32
    %c0_i32_1 = arith.constant 0 : i32
    return %c0_i32, %c0_i32_0 : i32, i32
  }
  func.func @transform_4(%arg0: i32) -> (i32, i32, i32) {
    %c0_i32 = arith.constant 0 : i32
    %c0_i32_0 = arith.constant 0 : i32
    %c0_i32_1 = arith.constant 0 : i32
    %c0_i32_2 = arith.constant 0 : i32
    return %c0_i32, %c0_i32_0, %c0_i32_1 : i32, i32, i32
  }
  func.func @transform_5(%arg0: i32) -> (i32, i32) {
    %c0_i32 = arith.constant 0 : i32
    %c0_i32_0 = arith.constant 0 : i32
    %c0_i32_1 = arith.constant 0 : i32
    return %c0_i32, %c0_i32_0 : i32, i32
  }
  func.func @transform_6(%arg0: i32) -> (i32, i32) {
    %c0_i32 = arith.constant 0 : i32
    %c0_i32_0 = arith.constant 0 : i32
    %c0_i32_1 = arith.constant 0 : i32
    return %c0_i32, %c0_i32_0 : i32, i32
  }
  func.func @transform_7(%arg0: i32) -> (i32, i32) {
    %c0_i32 = arith.constant 0 : i32
    %c0_i32_0 = arith.constant 0 : i32
    %c0_i32_1 = arith.constant 0 : i32
    return %c0_i32, %c0_i32_0 : i32, i32
  }
  func.func @transform_8(%arg0: i32) -> (i32, i32) {
    %c0_i32 = arith.constant 0 : i32
    %c0_i32_0 = arith.constant 0 : i32
    %c0_i32_1 = arith.constant 0 : i32
    return %c0_i32, %c0_i32_0 : i32, i32
  }
  func.func @transform_9(%arg0: i32) -> (i32, i32) {
    %c0_i32 = arith.constant 0 : i32
    %c0_i32_0 = arith.constant 0 : i32
    %c0_i32_1 = arith.constant 0 : i32
    return %c0_i32, %c0_i32_0 : i32, i32
  }
  func.func @transform_10(%arg0: i32) -> (i32, i32, i32) {
    %c0_i32 = arith.constant 0 : i32
    %c0_i32_0 = arith.constant 0 : i32
    %c0_i32_1 = arith.constant 0 : i32
    %c0_i32_2 = arith.constant 0 : i32
    return %c0_i32, %c0_i32_0, %c0_i32_1 : i32, i32, i32
  }
  func.func @transform_11(%arg0: i32) -> (i32, i32, i32) {
    %c0_i32 = arith.constant 0 : i32
    %c0_i32_0 = arith.constant 0 : i32
    %c0_i32_1 = arith.constant 0 : i32
    %c0_i32_2 = arith.constant 0 : i32
    return %c0_i32, %c0_i32_0, %c0_i32_1 : i32, i32, i32
  }
  func.func @transform_12(%arg0: i32) -> (i32, i32, i32) {
    %c0_i32 = arith.constant 0 : i32
    %c0_i32_0 = arith.constant 0 : i32
    %c0_i32_1 = arith.constant 0 : i32
    %c0_i32_2 = arith.constant 0 : i32
    return %c0_i32, %c0_i32_0, %c0_i32_1 : i32, i32, i32
  }
  func.func @transform_13(%arg0: i32) -> (i32, i32) {
    %c0_i32 = arith.constant 0 : i32
    %c0_i32_0 = arith.constant 0 : i32
    %c0_i32_1 = arith.constant 0 : i32
    return %c0_i32, %c0_i32_0 : i32, i32
  }
  func.func @transform_14(%arg0: i32) -> (i32, i32) {
    %c0_i32 = arith.constant 0 : i32
    %c0_i32_0 = arith.constant 0 : i32
    %c0_i32_1 = arith.constant 0 : i32
    return %c0_i32, %c0_i32_0 : i32, i32
  }
  func.func @transform_15(%arg0: i32) -> (i32, i32) {
    %c0_i32 = arith.constant 0 : i32
    %c0_i32_0 = arith.constant 0 : i32
    %c0_i32_1 = arith.constant 0 : i32
    return %c0_i32, %c0_i32_0 : i32, i32
  }
  func.func @transform_16(%arg0: i32) -> (i32, i32) {
    %c0_i32 = arith.constant 0 : i32
    %c0_i32_0 = arith.constant 0 : i32
    %c0_i32_1 = arith.constant 0 : i32
    return %c0_i32, %c0_i32_0 : i32, i32
  }
  func.func @transform_17(%arg0: i32) -> (i32, i32) {
    %c0_i32 = arith.constant 0 : i32
    %c0_i32_0 = arith.constant 0 : i32
    %c0_i32_1 = arith.constant 0 : i32
    return %c0_i32, %c0_i32_0 : i32, i32
  }
  func.func @transform_18(%arg0: i32) -> (i32, i32) {
    %c0_i32 = arith.constant 0 : i32
    %c0_i32_0 = arith.constant 0 : i32
    %c0_i32_1 = arith.constant 0 : i32
    return %c0_i32, %c0_i32_0 : i32, i32
  }
  func.func @transform_19(%arg0: i32) -> (i32, i32) {
    %c0_i32 = arith.constant 0 : i32
    %c0_i32_0 = arith.constant 0 : i32
    return %arg0, %c0_i32 : i32, i32
  }
  func.func @transform_20(%arg0: i32) -> (i32, i32) {
    %c0_i32 = arith.constant 0 : i32
    %c0_i32_0 = arith.constant 0 : i32
    %c0_i32_1 = arith.constant 0 : i32
    return %c0_i32, %c0_i32_0 : i32, i32
  }
  func.func @transform_21(%arg0: i32) -> (i32, i32) {
    %c0_i32 = arith.constant 0 : i32
    %c0_i32_0 = arith.constant 0 : i32
    %c0_i32_1 = arith.constant 0 : i32
    return %c0_i32, %c0_i32_0 : i32, i32
  }
}

</mosaic_0001>

<sc_bundles>
// kernel: kernel.12.cloned.1.call-start
scs
__scs_entry_jumppad:
0x0: {  	(pc) =	sbr.rel $0x88, $3  }
0x1: {  	(tag) =	ssettag $0x0;
	lr =	simm.s32 $0x1  }
0x2: {  	[smem:$0x3F8C] =	sst lr;
	_ =	strace $0xD0000000  }
0x3: {  	_ = 	snop  }
0x4: {  	_ = 	snop  }
0x5: {  	_ = 	snop  }
0x6: {  	_ = 	snop  }
0x7: {  	_ = 	snop  }
__scs_overlays_trampoline_lowered:
0x8: {  	[smem:$0x3F9B] =	sst s0  }
0x9: {  	[smem:$0x3F9C] =	sst s1  }
0xa: {  	[smem:$0x3F9D] =	sst s2  }
0xb: {  	[smem:$0x3F9E] =	sst s3  }
0xc: {  	[smem:$0x3F9F] =	sst s4  }
0xd: {  	[smem:$0x3FA0] =	sst s5  }
0xe: {  	[smem:$0x3FA1] =	sst s6  }
0xf: {  	[smem:$0x3FA2] =	sst s7  }
0x10: {  	[smem:$0x3FA3] =	sst s8  }
0x11: {  	[smem:$0x3FA4] =	sst s9;
	s0 =	simm.s32 @!p0 $0x0  }
0x12: {  	s1 =	sld [smem:$0x3F8A];
	s0 =	simm.s32 @p0 $0x1  }
0x13: {  	[smem:$0x3FA5] =	sst s0;
	s0 =	simm.s32 @!p1 $0x0  }
0x14: {  	s2 =	sld [smem:$0x3F89];
	s0 =	simm.s32 @p1 $0x1  }
0x15: {  	[smem:$0x3FA6] =	sst s0;
	s0 =	simm.s32 @!p2 $0x0  }
0x16: {  	s3 =	sld [smem:$0x3FDB];
	s0 =	simm.s32 @p2 $0x1  }
0x17: {  	s4 =	simm.s32 $0x1BF5;
	[smem:$0x3FA8] =	sst s0  }
0x18: {  	s0 =	sld [smem:$0x3F8B];
	_ =	swait.ge [sflag:s4], $0x0  }
0x19: {  	s7 =	sld [smem:$0x3F8C]  }
0x1a: {  	s8 =	sadd.s32 $0xFFFFE003, lr  }
0x1b: {  	s9 =	sadd.s32 $0xFFFFFEF7, lr;
	s5 =	simm.s32 $0xFFFFFFFF;
	p2 =	slt.u32 s8, $0xFFFFF086  }
0x1c: {  	p1 =	slt.u32 s9, $0xF7A;
	s5 =	simm.s32 @!p2 $0x0  }
0x1d: {  	s5 =	simm.s32 @p1 $0x1;
	p0 =	seq.s32 s7, s2  }
0x1e: {  	s7 =	smul.u32 @!p0 $0xF7A, s2;
	p2 =	seq.s32 @!p0 s5, $0x0  }
0x1f: {  	s9 =	smul.u32 $0xF7A, s1;
	s8 =	simm.s32 @!p0 $0x1BF5;
	p2 =	por !p2, p0  }
0x20: {  	[sflag:s8] =	ssyncset.s32 @!p0 $0xFFFFF086;
	s6 =	sadd.s32 @!p0 s3, s7;
	s7 =	simm.s32 @!p0 $0x108  }
0x21: {  	s3 =	sadd.s32 s3, s9;
	s6 =	sadd.s32 @!p0 $0x88, s6;
	s7 =	simm.s32 @p2 $0x1082  }
0x22: {  	[simem:s7], [sflag:s8] =	dma.local @!p0 [hbm:s6], $0xF7A  }
0x23: {  	s9 =	sor.u32 $0xD0000000, s2;
	s6 =	simm.s32 $0x108;
	_ =	swait.ge @!p0 [sflag:s8], $0x0  }
0x24: {  	s3 =	sadd.s32 $0x88, s3;
	s6 =	simm.s32 @!p1 $0x1082;
	[sflag:s4] =	ssyncset.s32 $0xFFFFF086  }
0x25: {  	[simem:s6], [sflag:s4] =	dma.local [hbm:s3], $0xF7A  }
0x26: {  	[smem:$0x3F8C] =	sst s1;
	(tag) =	ssettag s2;
	_ =	strace s9  }
0x27: {  	s1 =	sld [smem:$0x3F9C]  }
0x28: {  	s2 =	sld [smem:$0x3F9D]  }
0x29: {  	s4 =	sld [smem:$0x3F9F]  }
0x2a: {  	p0 =	seq.s32 s5, $0x0;
	s5 =	sld [smem:$0x3FA0]  }
0x2b: {  	s6 =	sld [smem:$0x3FA1]  }
0x2c: {  	s7 =	sld [smem:$0x3FA2]  }
0x2d: {  	s3 =	simm.s32 $0x108;
	s8 =	sld [smem:$0x3FA3]  }
0x2e: {  	s3 =	simm.s32 @!p0 $0x1082;
	s9 =	sld [smem:$0x3FA4]  }
0x2f: {  	lr =	sadd.s32 s0, s3;
	s0 =	sld [smem:$0x3F9B]  }
0x30: {  	s3 =	sld [smem:$0x3F9E]  }
0x31: {  	[smem:$0x3FA7] =	sst s10  }
0x32: {  	s10 =	sld [smem:$0x3FA5];
	_ =	sdelay $0x3  }
0x33: {  	p0 =	seq.s32 s10, $0x1;
	s10 =	sld [smem:$0x3FA7];
	_ =	sdelay $0x3  }
0x34: {  	[smem:$0x3FA7] =	sst s10  }
0x35: {  	s10 =	sld [smem:$0x3FA6];
	_ =	sdelay $0x3  }
0x36: {  	p1 =	seq.s32 s10, $0x1;
	s10 =	sld [smem:$0x3FA7];
	_ =	sdelay $0x3  }
0x37: {  	[smem:$0x3FA7] =	sst s10  }
0x38: {  	s10 =	sld [smem:$0x3FA8]  }
0x39: {  	_ = 	snop;
	(pc) =	sbr.ind lr, $3  }
0x3a: {  	_ = 	snop  }
0x3b: {  	_ = 	snop  }
0x3c: {  	p2 =	seq.s32 s10, $0x1;
	s10 =	sld [smem:$0x3FA7]  }
0x3d: {  	_ =	shalt  }
0x3e: {  	_ =	shalt  }
0x3f: {  	_ =	shalt  }
0x40: {  	_ =	shalt  }
0x41: {  	_ =	shalt  }
0x42: {  	_ =	shalt  }
0x43: {  	_ =	shalt  }
0x44: {  	_ =	shalt  }
0x45: {  	_ =	shalt  }
0x46: {  	_ =	shalt  }
0x47: {  	_ =	shalt  }
0x48: {  	_ =	shalt  }
0x49: {  	_ =	shalt  }
0x4a: {  	_ =	shalt  }
0x4b: {  	_ =	shalt  }
0x4c: {  	_ =	shalt  }
0x4d: {  	_ =	shalt  }
0x4e: {  	_ =	shalt  }
0x4f: {  	_ =	shalt  }
0x50: {  	_ =	shalt  }
0x51: {  	_ =	shalt  }
0x52: {  	_ =	shalt  }
0x53: {  	_ =	shalt  }
0x54: {  	_ =	shalt  }
0x55: {  	_ =	shalt  }
0x56: {  	_ =	shalt  }
0x57: {  	_ =	shalt  }
0x58: {  	_ =	shalt  }
0x59: {  	_ =	shalt  }
0x5a: {  	_ =	shalt  }
0x5b: {  	_ =	shalt  }
0x5c: {  	_ =	shalt  }
0x5d: {  	_ =	shalt  }
0x5e: {  	_ =	shalt  }
0x5f: {  	_ =	shalt  }
0x60: {  	_ =	shalt  }
0x61: {  	_ =	shalt  }
0x62: {  	_ =	shalt  }
0x63: {  	_ =	shalt  }
0x64: {  	_ =	shalt  }
0x65: {  	_ =	shalt  }
0x66: {  	_ =	shalt  }
0x67: {  	_ =	shalt  }
0x68: {  	_ =	shalt  }
0x69: {  	_ =	shalt  }
0x6a: {  	_ =	shalt  }
0x6b: {  	_ =	shalt  }
0x6c: {  	_ =	shalt  }
0x6d: {  	_ =	shalt  }
0x6e: {  	_ =	shalt  }
0x6f: {  	_ =	shalt  }
0x70: {  	_ =	shalt  }
0x71: {  	_ =	shalt  }
0x72: {  	_ =	shalt  }
0x73: {  	_ =	shalt  }
0x74: {  	_ =	shalt  }
0x75: {  	_ =	shalt  }
0x76: {  	_ =	shalt  }
0x77: {  	_ =	shalt  }
0x78: {  	_ =	shalt  }
0x79: {  	_ =	shalt  }
0x7a: {  	_ =	shalt  }
0x7b: {  	_ =	shalt  }
0x7c: {  	_ =	shalt  }
0x7d: {  	_ =	shalt  }
0x7e: {  	_ =	shalt  }
0x7f: {  	_ =	shalt  }
0x80: {  	_ =	shalt  }
0x81: {  	_ =	shalt  }
0x82: {  	_ =	shalt  }
0x83: {  	_ =	shalt  }
0x84: {  	_ =	shalt  }
0x85: {  	_ =	shalt  }
0x86: {  	_ =	shalt  }
0x87: {  	_ =	shalt  }
.Lfunc_end0:
.L_simem_size_0:
called_computation.1_lowered:
.L_overlay_start_0:
0x88: {  	s2 =	sld [smem:$0x3FD9]  }
0x89: {  	s3 =	sld [smem:$0x3FFE];
	_ =	sdelay $0x1  }
0x8a: {  	s1 =	srdreg.scid  }
0x8b: {  	s0 =	sand.u32 $0x1, s1  }
0x8c: {  	s17 =	sshll.u32 s0, $0xA;
	s2 =	sadd.s32 s3, s2  }
0x8d: {  	s2 =	sadd.s32 s2, s17  }
0x8e: {  	[smem:$0x3FB3] =	sst s2  }
0x8f: {  	_ = 	snop  }
0x90: {  	(tm) =	ssettm $0x1  }
0x91: {  	s18 =	sld [smem:$0x3FFB];
	_ =	sdelay $0x3  }
0x92: {  	_ =	strace s18  }
0x93: {  	s2 =	sld [smem:$0x3FFC];
	_ =	sdelay $0x3  }
0x94: {  	_ =	strace s2  }
0x95: {  	s2 =	sld [smem:$0x3FFD];
	_ =	sdelay $0x3  }
0x96: {  	_ =	strace s2  }
0x97: {  	_ =	strace $0x8FFFFFFF  }
0x98: {  	s19 =	sld [smem:$0x3FDB];
	_ =	sdelay $0x1  }
0x99: {  	s20 =	simm.s32 $_scs_section_size  }
0x9a: {  	s4 =	simm.s32 $_size__tile_overlayer_lowered;
	s5 =	simm.s32 $_tile_overlayer_lowered  }
0x9b: {  	s6 =	simm.s32 $0x1BFF;
	s21 =	sshll.u32 s5, $0x1;
	s3 =	sadd.s32 s20, s19  }
0x9c: {  	s22 =	simm.s32 $0x0;
	s4 =	sshll.u32 s4, $0x1;
	s5 =	sadd.s32 s21, s3  }
0x9d: {  	[timem:s22], [sflag:s6] =	dma.local [hbm:s5], s4  }
0x9e: {  	_ =	swait.ge [sflag:s6], s4  }
0x9f: {  	s4 =	ssub.s32 $0x0, s4;
	[sflag:s6] =	ssyncset.done $0x0  }
0xa0: {  	[sflag:s6] =	ssyncadd.s32 s4;
	_ =	sdelay $0x1  }
0xa1: {  	s23 =	simm.s32 $0x1B8B  }
0xa2: {  	_ =	swait.ge [sflag:s23], $0x1  }
0xa3: {  	[sflag:s23] =	ssyncset.done $0x0  }
0xa4: {  	[sflag:s23] =	ssyncadd.s32 $0xFFFFFFFF  }
0xa5: {  	s4 =	sld [smem:$0x0]  }
0xa6: {  	s5 =	sand.u32 $0xFFFFFFFE, s1  }
0xa7: {  	p0 =	sne.s32 s1, s5  }
0xa8: {  	s5 =	sshll.u32 @p0 s5, $0xE  }
0xa9: {  	s5 =	sadd.s32 @p0 $0x11B8D, s5;
	s6 =	sshll.u32 @p0 s4, $0x11  }
0xaa: {  	s5 =	sor.u32 @p0 s6, s5  }
0xab: {  	[sflag:s5] =	ssyncadd.remote.s32 @p0 $0x1;
	_ =	sdelay $0x1  }
0xac: {  	s5 =	simm.s32 @p0 $0x1B8D  }
0xad: {  	_ =	swait.eq @p0 [sflag:s5], $0x1  }
0xae: {  	[sflag:s5] =	ssyncadd.s32 @p0 $0xFFFFFFFF  }
0xaf: {  	s6 =	sshll.u32 @!p0 s1, $0xE  }
0xb0: {  	s6 =	sor.u32 @!p0 $0x4000, s6;
	s5 =	simm.s32 @!p0 $0x1B8D  }
0xb1: {  	s4 =	sshll.u32 @!p0 s4, $0x11;
	s6 =	sadd.s32 @!p0 $0x11B8D, s6;
	_ =	swait.eq @!p0 [sflag:s5], $0x1  }
0xb2: {  	s4 =	sor.u32 @!p0 s4, s6;
	[sflag:s5] =	ssyncadd.s32 @!p0 $0xFFFFFFFF  }
0xb3: {  	s25 =	simm.s32 $0x1B8E;
	s24 =	sld [smem:$0x3FFE];
	[sflag:s4] =	ssyncadd.remote.s32 @!p0 $0x1  }
0xb4: {  	s26 =	simm.s32 $execute0_lowered;
	[smem:$0x3FD2] =	sst s25  }
0xb5: {  	s5 =	sshll.u32 s26, $0x1;
	_ =	strace $0x80000050;
	[dreg:$0x1] =	wrdreg $0xFFFFFFFF  }
0xb6: {  	s28 =	simm.s32 $_size_execute0_lowered;
	s3 =	sadd.s32 s3, s5;
	[dreg:$0x0] =	wrdreg $0x0  }
0xb7: {  	s5 =	sshll.u32 s28, $0x1;
	[dreg:$0x2] =	wrdreg s3  }
0xb8: {  	[dreg:$0x3] =	wrdreg s5  }
0xb9: {  	[dreg:$0x4] =	wrdreg $0xC0  }
0xba: {  	_ =	task [dreg:s22], $0x5FFFF  }
0xbb: {  	[dreg:$0x1] =	wrdreg $0xFFFFFFFF  }
0xbc: {  	[dreg:$0x0] =	wrdreg $0x60  }
0xbd: {  	[dreg:$0x2] =	wrdreg s24  }
0xbe: {  	[dreg:$0x3] =	wrdreg $0xA  }
0xbf: {  	_ =	task.clear_ibuf [dreg:s22], $0x4FFFF;
	_ =	strace $0x90000050  }
0xc0: {  	s29 =	simm.s32 $0xA;
	_ =	strace $0x80000059  }
0xc1: {  	_ =	swait.ge [sflag:s29], $0x1  }
0xc2: {  	[sflag:s29] =	ssyncadd.s32 $0xFFFFFFFF  }
0xc3: {  	_ =	strace $0x90000059  }
0xc4: {  	_ =	sfence  }
0xc5: {  	s30 =	sld [smem:$0x0];
	_ =	sdelay $0x2  }
0xc6: {  	s31 =	sshll.u32 s1, $0xD;
	s1 =	sshrl.u32 s1, $0x2  }
0xc7: {  	s4 =	sand.u32 $0x4000, s31;
	s1 =	sadd.s32 s1, s30  }
0xc8: {  	s0 =	sor.u32 s4, s0;
	s1 =	sshll.u32 s1, $0x11  }
0xc9: {  	s0 =	sor.u32 s1, s0  }
0xca: {  	s0 =	sadd.s32 $0x8F2B, s0  }
0xcb: {  	[sflag:s0] =	ssyncadd.remote.s32 $0x1  }
0xcc: {  	_ =	sfence.sel $0xFFFF  }
0xcd: {  	[dreg:$0x0] =	wrdreg $0xFFFFFFFF;
	(pc) =	sbr.abs _section_cstart, $3  }
0xce: {  	[dreg:$0x1] =	wrdreg $0xFFFFFFFF  }
0xcf: {  	_ =	task.clear_ibuf [dreg:s22], $0x2FFFF;
	_ =	strace $0x9FFFFFFF  }
0xd0: {  	(tm) =	ssettm $0x7FFFFFFF  }
0xd1: {  	_ =	shalt  }
tec
execute0_lowered:
.L_overlay_start_1:
0x0: {  	(tag) =	ssettag $0x1  }
0x1: {  	s5 =	rddreg [dreg:$0x0]  }
0x2: {  	s0 =	rddreg [dreg:$0x1];
	s1 =	simm.s32 $0x0  }
0x3: {  	s2 =	srdreg.scid;
	s9 =	simm.s32 $0x4;
	s10 =	simm.s32 $0x0  }
0x4: {  	[smem:$0x7FF] =	sst s1;
	s3 =	sadd.s32 $0x3200, s5;
	s4 =	sadd.s32 $0x143200, s5  }
0x5: {  	s6 =	sand.u32 $0x1, s2;
	s2 =	stileid.u32;
	s5 =	sadd.s32 $0x144200, s5  }
0x6: {  	_ =	strace $0x80000051;
	s7 =	ssub.s32 $0x2, s6;
	s6 =	sshll.u32 s6, $0x4  }
0x7: {  	v2 =	vlaneseq.u32;
	[dreg:$0x2] =	wrdreg s5;
	s8 =	sshrl.u32 s7, $0x1;
	s6 =	sor.u32 s2, s6  }
0x8: {  	vm0 =	vmmov $0xffff;
	v1 =	vshrl.u32 v2, $0x3;
	s7 =	ssub.s32 s7, s8;
	s31 =	sshll.u32 s6, $0x7;
	s5 =	sshll.u32 s6, $0x3  }
0x9: {  	v0 =	vand.u32 $0x7, v2;
	v2 =	vor.u32 $0x8, v2;
	v1 =	vmul.u32 $0x8, v1;
	s8 =	simm.s32 $0x5;
	s6 =	sadd.s32 s4, s31;
	s7 =	smax.u32 s7, $0x1  }
.LBB2_1:
0xa: {  	_ =	strace $0x80000052;
	s11 =	simm.s32 $0x8  }
0xb: {  	s12 =	simm.s32 $0x0;
	s13 =	simm.s32 $0x0;
	s14 =	simm.s32 $0x0  }
0xc: {  	[tilespmem:s1], [sflag:$0x1] =	stream.linear.gather [hbm4b:s6+s1], $0x80, $0x200038;
	[tilespmem:$0x10100] =	vst v63  }
0xd: {  	s15 =	simm.s32 $0x0;
	s16 =	simm.s32 $0x1;
	_ =	strace $0x90000052  }
.LBB2_2:
0xe: {  	s17 =	smov.u32 s12;
	s12 =	sadd.s32 $0x1, s12  }
0xf: {  	p0 =	seq.s32 s12, $0x8  }
0x10: {  	s12 =	simm.s32 @p0 $0x0  }
0x11: {  	p6 =	sne.s32 s11, $0x1;
	p1 =	sne.s32 s17, s12  }
0x12: {  	p0 =	por !p6, !p1  }
0x13: {  	p0 =	por !p0, !p0  }
0x14: {  	s18 =	sadd.s32 @p0 s5, s12  }
0x15: {  	s19 =	sand.u32 @p0 $0x1, s16;
	s18 =	sshll.u32 @p0 s18, $0x4  }
0x16: {  	_ =	strace @p0 $0x80000053;
	s21 =	simm.s32 @p0 $0x0;
	s18 =	sand.u32 @p0 $0x1FFFFFF0, s18  }
0x17: {  	s20 =	sshll.u32 @p0 s19, $0x7;
	s19 =	sadd.s32 @p0 $0x1, s19;
	s18 =	sadd.s32 @p0 s4, s18  }
0x18: {  	[tilespmem:s20], [sflag:s19] =	stream.linear.gather @p0 [hbm4b:s18+s21], $0x80, $0x200038;
	[tilespmem:$0x10100] =	vst v63  }
0x19: {  	s24 =	sand.u32 $0x1, s15;
	_ =	strace @p0 $0x90000053  }
0x1a: {  	s18 =	sadd.s32 $0x1, s24;
	_ =	strace $0x80000054  }
0x1b: {  	_ =	swait.ge [sflag:s18], $0x80  }
0x1c: {  	[sflag:s18] =	ssyncset.done $0x0  }
0x1d: {  	[sflag:s18] =	ssyncadd.s32 $0xFFFFFF80  }
0x1e: {  	s25 =	sshll.u32 s15, $0x7;
	_ =	strace $0x90000054  }
0x1f: {  	s21 =	sand.u32 $0x80, s25;
	_ =	strace $0x80000055  }
0x20: {  	v3 =	vld [tilespmem:s21+$0x0];
	_ =	sdelay $0x4  }
0x21: {  	v4 =	vshll.u32 v3, $0x1  }
0x22: {  	v3 =	vand.u32 $0x7, v3;
	v4 =	vand.u32 $0xFFFFFFF0, v4  }
0x23: {  	v3 =	vor.u32 v3, v4  }
0x24: {  	v4 =	vperm.xlane v3, v0;
	_ =	sdelay $0x1  }
0x25: {  	v3 =	vperm.xlane v3, v2;
	v4 =	vadd.s32 v1, v4;
	_ =	sdelay $0x1  }
0x26: {  	s18 =	sand.u32 $0x1, s14;
	v3 =	vadd.s32 v1, v3  }
0x27: {  	s20 =	sshll.u32 s18, $0xF  }
0x28: {  	s19 =	sor.u32 $0x100, s20  }
0x29: {  	[tilespmem:s19], [sflag:$0x5] =	stream.indirect_vreg.gather [hbm4b:s3+s1], $0x80, v4, vm0, $0x2000b8;
	[tilespmem:$0x10100] =	vst v63  }
0x2a: {  	s22 =	sor.u32 $0x900, s20  }
0x2b: {  	[tilespmem:s22], [sflag:$0x5] =	stream.indirect_vreg.gather [hbm4b:s3+s1], $0x80, v3, vm0, $0x2000b8;
	[tilespmem:$0x10100] =	vst v63  }
0x2c: {  	v3 =	vld [tilespmem:s21+$0x10];
	_ =	sdelay $0x4  }
0x2d: {  	v57 =	vshll.u32 v3, $0x1  }
0x2e: {  	v3 =	vand.u32 $0x7, v3;
	v4 =	vand.u32 $0xFFFFFFF0, v57  }
0x2f: {  	v3 =	vor.u32 v3, v4  }
0x30: {  	v4 =	vperm.xlane v3, v0;
	_ =	sdelay $0x1  }
0x31: {  	v3 =	vperm.xlane v3, v2;
	v4 =	vadd.s32 v1, v4;
	_ =	sdelay $0x1  }
0x32: {  	v3 =	vadd.s32 v1, v3;
	_ =	sdelay $0x1  }
0x33: {  	s26 =	sor.u32 $0x1100, s20  }
0x34: {  	[tilespmem:s26], [sflag:$0x5] =	stream.indirect_vreg.gather [hbm4b:s3+s1], $0x80, v4, vm0, $0x2000b8;
	[tilespmem:$0x10100] =	vst v63  }
0x35: {  	s28 =	sor.u32 $0x1900, s20  }
0x36: {  	[tilespmem:s28], [sflag:$0x5] =	stream.indirect_vreg.gather [hbm4b:s3+s1], $0x80, v3, vm0, $0x2000b8;
	[tilespmem:$0x10100] =	vst v63  }
0x37: {  	v3 =	vld [tilespmem:s21+$0x20];
	_ =	sdelay $0x4  }
0x38: {  	v58 =	vshll.u32 v3, $0x1  }
0x39: {  	v3 =	vand.u32 $0x7, v3;
	v4 =	vand.u32 $0xFFFFFFF0, v58  }
0x3a: {  	v3 =	vor.u32 v3, v4  }
0x3b: {  	v4 =	vperm.xlane v3, v0;
	_ =	sdelay $0x1  }
0x3c: {  	v3 =	vperm.xlane v3, v2;
	v4 =	vadd.s32 v1, v4;
	_ =	sdelay $0x1  }
0x3d: {  	v3 =	vadd.s32 v1, v3;
	_ =	sdelay $0x1  }
0x3e: {  	s29 =	sor.u32 $0x2100, s20  }
0x3f: {  	[tilespmem:s29], [sflag:$0x5] =	stream.indirect_vreg.gather [hbm4b:s3+s1], $0x80, v4, vm0, $0x2000b8;
	[tilespmem:$0x10100] =	vst v63  }
0x40: {  	s30 =	sor.u32 $0x2900, s20  }
0x41: {  	[tilespmem:s30], [sflag:$0x5] =	stream.indirect_vreg.gather [hbm4b:s3+s1], $0x80, v3, vm0, $0x2000b8;
	[tilespmem:$0x10100] =	vst v63  }
0x42: {  	v3 =	vld [tilespmem:s21+$0x30];
	_ =	sdelay $0x4  }
0x43: {  	v59 =	vshll.u32 v3, $0x1  }
0x44: {  	v3 =	vand.u32 $0x7, v3;
	v4 =	vand.u32 $0xFFFFFFF0, v59  }
0x45: {  	v3 =	vor.u32 v3, v4  }
0x46: {  	v4 =	vperm.xlane v3, v0;
	_ =	sdelay $0x1  }
0x47: {  	v3 =	vperm.xlane v3, v2;
	v4 =	vadd.s32 v1, v4;
	_ =	sdelay $0x1  }
0x48: {  	v3 =	vadd.s32 v1, v3;
	_ =	sdelay $0x1  }
0x49: {  	s31 =	sor.u32 $0x3100, s20  }
0x4a: {  	[tilespmem:s31], [sflag:$0x5] =	stream.indirect_vreg.gather [hbm4b:s3+s1], $0x80, v4, vm0, $0x2000b8;
	[tilespmem:$0x10100] =	vst v63  }
0x4b: {  	s23 =	sor.u32 $0x3900, s20  }
0x4c: {  	[tilespmem:s23], [sflag:$0x5] =	stream.indirect_vreg.gather [hbm4b:s3+s1], $0x80, v3, vm0, $0x2000b8;
	[tilespmem:$0x10100] =	vst v63  }
0x4d: {  	v3 =	vld [tilespmem:s21+$0x40];
	_ =	sdelay $0x4  }
0x4e: {  	v60 =	vshll.u32 v3, $0x1  }
0x4f: {  	v3 =	vand.u32 $0x7, v3;
	v4 =	vand.u32 $0xFFFFFFF0, v60  }
0x50: {  	v3 =	vor.u32 v3, v4  }
0x51: {  	v4 =	vperm.xlane v3, v0;
	_ =	sdelay $0x1  }
0x52: {  	v3 =	vperm.xlane v3, v2;
	v4 =	vadd.s32 v1, v4;
	_ =	sdelay $0x1  }
0x53: {  	v3 =	vadd.s32 v1, v3;
	_ =	sdelay $0x1  }
0x54: {  	s24 =	sor.u32 $0x4100, s20  }
0x55: {  	[tilespmem:s24], [sflag:$0x5] =	stream.indirect_vreg.gather [hbm4b:s3+s1], $0x80, v4, vm0, $0x2000b8;
	[tilespmem:$0x10100] =	vst v63  }
0x56: {  	s25 =	sor.u32 $0x4900, s20  }
0x57: {  	[tilespmem:s25], [sflag:$0x5] =	stream.indirect_vreg.gather [hbm4b:s3+s1], $0x80, v3, vm0, $0x2000b8;
	[tilespmem:$0x10100] =	vst v63  }
0x58: {  	v3 =	vld [tilespmem:s21+$0x50];
	_ =	sdelay $0x4  }
0x59: {  	v61 =	vshll.u32 v3, $0x1  }
0x5a: {  	v3 =	vand.u32 $0x7, v3;
	v4 =	vand.u32 $0xFFFFFFF0, v61  }
0x5b: {  	v3 =	vor.u32 v3, v4  }
0x5c: {  	v4 =	vperm.xlane v3, v0;
	_ =	sdelay $0x1  }
0x5d: {  	v3 =	vperm.xlane v3, v2;
	v4 =	vadd.s32 v1, v4;
	_ =	sdelay $0x1  }
0x5e: {  	v3 =	vadd.s32 v1, v3;
	_ =	sdelay $0x1  }
0x5f: {  	s26 =	sor.u32 $0x5100, s20  }
0x60: {  	[tilespmem:s26], [sflag:$0x5] =	stream.indirect_vreg.gather [hbm4b:s3+s1], $0x80, v4, vm0, $0x2000b8;
	[tilespmem:$0x10100] =	vst v63  }
0x61: {  	s28 =	sor.u32 $0x5900, s20  }
0x62: {  	[tilespmem:s28], [sflag:$0x5] =	stream.indirect_vreg.gather [hbm4b:s3+s1], $0x80, v3, vm0, $0x2000b8;
	[tilespmem:$0x10100] =	vst v63  }
0x63: {  	v3 =	vld [tilespmem:s21+$0x60];
	_ =	sdelay $0x4  }
0x64: {  	v62 =	vshll.u32 v3, $0x1  }
0x65: {  	v3 =	vand.u32 $0x7, v3;
	v4 =	vand.u32 $0xFFFFFFF0, v62  }
0x66: {  	v3 =	vor.u32 v3, v4  }
0x67: {  	v4 =	vperm.xlane v3, v0;
	_ =	sdelay $0x1  }
0x68: {  	v3 =	vperm.xlane v3, v2;
	v4 =	vadd.s32 v1, v4;
	_ =	sdelay $0x1  }
0x69: {  	v3 =	vadd.s32 v1, v3;
	_ =	sdelay $0x1  }
0x6a: {  	s29 =	sor.u32 $0x6100, s20  }
0x6b: {  	[tilespmem:s29], [sflag:$0x5] =	stream.indirect_vreg.gather [hbm4b:s3+s1], $0x80, v4, vm0, $0x2000b8;
	[tilespmem:$0x10100] =	vst v63  }
0x6c: {  	s30 =	sor.u32 $0x6900, s20  }
0x6d: {  	[tilespmem:s30], [sflag:$0x5] =	stream.indirect_vreg.gather [hbm4b:s3+s1], $0x80, v3, vm0, $0x2000b8;
	[tilespmem:$0x10100] =	vst v63  }
0x6e: {  	v3 =	vld [tilespmem:s21+$0x70];
	_ =	sdelay $0x4  }
0x6f: {  	v63 =	vshll.u32 v3, $0x1  }
0x70: {  	v3 =	vand.u32 $0x7, v3;
	v4 =	vand.u32 $0xFFFFFFF0, v63  }
0x71: {  	v3 =	vor.u32 v3, v4  }
0x72: {  	v4 =	vperm.xlane v3, v0;
	_ =	sdelay $0x1  }
0x73: {  	v3 =	vperm.xlane v3, v2;
	v4 =	vadd.s32 v1, v4;
	_ =	sdelay $0x1  }
0x74: {  	v3 =	vadd.s32 v1, v3;
	_ =	sdelay $0x1  }
0x75: {  	s31 =	sor.u32 $0x7100, s20  }
0x76: {  	[tilespmem:s31], [sflag:$0x5] =	stream.indirect_vreg.gather [hbm4b:s3+s1], $0x80, v4, vm0, $0x2000b8;
	[tilespmem:$0x10100] =	vst v63  }
0x77: {  	s20 =	sor.u32 $0x7900, s20  }
0x78: {  	[tilespmem:s20], [sflag:$0x5] =	stream.indirect_vreg.gather [hbm4b:s3+s1], $0x80, v3, vm0, $0x2000b8;
	[tilespmem:$0x10100] =	vst v63  }
0x79: {  	_ =	swait.ge [sflag:s8], $0x8000  }
0x7a: {  	p2 =	seq.s32 s11, $0x1;
	[sflag:s8] =	ssyncset.done $0x0  }
0x7b: {  	s17 =	sadd.s32 s5, s17;
	p1 =	por p2, p1;
	[sflag:s8] =	ssyncadd.s32 $0xFFFF8000  }
0x7c: {  	s17 =	sshll.u32 @p1 s17, $0xC;
	_ =	strace $0x90000055  }
0x7d: {  	s17 =	sand.u32 @p1 $0x1FFFF000, s17;
	s21 =	simm.s32 $0x1;
	_ =	strace @p1 $0x80000056  }
0x7e: {  	s18 =	sadd.s32 @p1 $0x3, s18;
	s21 =	simm.s32 @!p0 $0x0;
	s20 =	rddreg [dreg:$0x2]  }
0x7f: {  	p0 =	seq.s32 s11, $0x8;
	s17 =	sadd.s32 @p1 s20, s17;
	s20 =	simm.s32 @p1 $0x0  }
0x80: {  	[hbm4b:s17+s20] =	stream.linear.scatter @p1 [tilespmem:s19], [sflag:s18], $0x8000, $0x200038;
	[tilespmem:$0x10100] =	vst v63  }
0x81: {  	s17 =	simm.s32 $0x1;
	s19 =	simm.s32 $0x1;
	_ =	strace @p1 $0x90000056  }
0x82: {  	s17 =	simm.s32 @!p1 $0x0;
	p1 =	sne.s32 s11, $0x8;
	s11 =	sadd.s32 $0xFFFFFFFF, s11  }
0x83: {  	s18 =	sand.u32 @!p0 $0x1, s13;
	s19 =	simm.s32 @!p1 $0x0;
	p1 =	sne.s32 s11, $0x0  }
.Ltmp0:
0x84: {  	s18 =	sadd.s32 @!p0 $0x3, s18;
	_ =	strace @!p0 $0x80000057;
	(pc) =	sbr.rel @p1 .LBB2_2-.Ltmp0, $4  }
0x85: {  	_ =	swait.ge @!p0 [sflag:s18], $0x8000  }
0x86: {  	[sflag:s18] =	ssyncset.done @!p0 $0x0  }
0x87: {  	s16 =	sadd.s32 s21, s16;
	s14 =	sadd.s32 s17, s14;
	[sflag:s18] =	ssyncadd.s32 @!p0 $0xFFFF8000  }
0x88: {  	s15 =	sadd.s32 s17, s15;
	s13 =	sadd.s32 s19, s13;
	_ =	strace @!p0 $0x90000057  }
0x89: {  	s10 =	sadd.s32 $0x1, s10  }
0x8a: {  	p0 =	sne.s32 s10, s7  }
.Ltmp1:
0x8b: {  	_ =	strace $0x80000058;
	(pc) =	sbr.rel @p0 .LBB2_1-.Ltmp1, $4  }
0x8c: {  	_ =	swait.ge [sflag:s9], $0x8000  }
0x8d: {  	[sflag:s9] =	ssyncset.done $0x0  }
0x8e: {  	[sflag:s9] =	ssyncadd.s32 $0xFFFF8000  }
0x8f: {  	_ =	strace $0x90000058  }
0x90: {  	_ =	sfence.sel $0x180000  }
0x91: {  	[bflag:$0x0] =	sbarrier.arrive $0xFFFF  }
0x92: {  	p0 =	sne.s32 s2, $0x0;
	_ =	strace $0x90000051  }
0x93: {  	s0 =	sadd.s32 @!p0 $0x100000, s0;
	[bflag:$0x2] =	sbarrier.arrive $0xFFFF  }
0x94: {  	[sflag:s0] =	ssyncadd.tile.s32 @!p0 $0x1;
	_ =	shalt  }
.Lfunc_end2:
_tile_overlayer_lowered:
.L_overlay_start_2:
0x95: {  	(tag) =	ssettag $0x2  }
0x96: {  	s0 =	rddreg [dreg:$0x0];
	s2 =	stileid.u32  }
0x97: {  	s1 =	rddreg [dreg:$0x1];
	p0 =	sne.s32 s2, $0x0  }
0x98: {  	s3 =	rddreg [dreg:$0x2];
	[bflag:$0x3] =	sbarrier.arrive $0xFFFF;
	s2 =	simm.s32 @!p0 $0x1C01  }
0x99: {  	[timem:s3], [sflag:s2] =	dma.local @!p0 [hbm:s0], s1  }
0x9a: {  	s0 =	simm.s32 @!p0 $0x1  }
0x9b: {  	_ =	swait.ge @!p0 [sflag:s0], s1  }
0x9c: {  	s1 =	ssub.s32 @!p0 $0x0, s1;
	[sflag:s0] =	ssyncset.done @!p0 $0x0  }
0x9d: {  	[sflag:s0] =	ssyncadd.s32 @!p0 s1  }
0x9e: {  	[bflag:$0x3] =	sbarrier.arrive $0xFFFF  }
0x9f: {  	_ =	shalt  }

// kernel: kernel.9.cloned.1.call-start
scs
__scs_entry_jumppad:
0x0: {  	(pc) =	sbr.rel $0x88, $3  }
0x1: {  	(tag) =	ssettag $0x0;
	lr =	simm.s32 $0x1  }
0x2: {  	[smem:$0x3F8C] =	sst lr;
	_ =	strace $0xD0000000  }
0x3: {  	_ = 	snop  }
0x4: {  	_ = 	snop  }
0x5: {  	_ = 	snop  }
0x6: {  	_ = 	snop  }
0x7: {  	_ = 	snop  }
__scs_overlays_trampoline_lowered:
0x8: {  	[smem:$0x3F9B] =	sst s0  }
0x9: {  	[smem:$0x3F9C] =	sst s1  }
0xa: {  	[smem:$0x3F9D] =	sst s2  }
0xb: {  	[smem:$0x3F9E] =	sst s3  }
0xc: {  	[smem:$0x3F9F] =	sst s4  }
0xd: {  	[smem:$0x3FA0] =	sst s5  }
0xe: {  	[smem:$0x3FA1] =	sst s6  }
0xf: {  	[smem:$0x3FA2] =	sst s7  }
0x10: {  	[smem:$0x3FA3] =	sst s8  }
0x11: {  	[smem:$0x3FA4] =	sst s9;
	s0 =	simm.s32 @!p0 $0x0  }
0x12: {  	s1 =	sld [smem:$0x3F8A];
	s0 =	simm.s32 @p0 $0x1  }
0x13: {  	[smem:$0x3FA5] =	sst s0;
	s0 =	simm.s32 @!p1 $0x0  }
0x14: {  	s2 =	sld [smem:$0x3F89];
	s0 =	simm.s32 @p1 $0x1  }
0x15: {  	[smem:$0x3FA6] =	sst s0;
	s0 =	simm.s32 @!p2 $0x0  }
0x16: {  	s3 =	sld [smem:$0x3FDB];
	s0 =	simm.s32 @p2 $0x1  }
0x17: {  	s4 =	simm.s32 $0x1BF5;
	[smem:$0x3FA8] =	sst s0  }
0x18: {  	s0 =	sld [smem:$0x3F8B];
	_ =	swait.ge [sflag:s4], $0x0  }
0x19: {  	s7 =	sld [smem:$0x3F8C]  }
0x1a: {  	s8 =	sadd.s32 $0xFFFFE003, lr  }
0x1b: {  	s9 =	sadd.s32 $0xFFFFFEF7, lr;
	s5 =	simm.s32 $0xFFFFFFFF;
	p2 =	slt.u32 s8, $0xFFFFF086  }
0x1c: {  	p1 =	slt.u32 s9, $0xF7A;
	s5 =	simm.s32 @!p2 $0x0  }
0x1d: {  	s5 =	simm.s32 @p1 $0x1;
	p0 =	seq.s32 s7, s2  }
0x1e: {  	s7 =	smul.u32 @!p0 $0xF7A, s2;
	p2 =	seq.s32 @!p0 s5, $0x0  }
0x1f: {  	s9 =	smul.u32 $0xF7A, s1;
	s8 =	simm.s32 @!p0 $0x1BF5;
	p2 =	por !p2, p0  }
0x20: {  	[sflag:s8] =	ssyncset.s32 @!p0 $0xFFFFF086;
	s6 =	sadd.s32 @!p0 s3, s7;
	s7 =	simm.s32 @!p0 $0x108  }
0x21: {  	s3 =	sadd.s32 s3, s9;
	s6 =	sadd.s32 @!p0 $0x88, s6;
	s7 =	simm.s32 @p2 $0x1082  }
0x22: {  	[simem:s7], [sflag:s8] =	dma.local @!p0 [hbm:s6], $0xF7A  }
0x23: {  	s9 =	sor.u32 $0xD0000000, s2;
	s6 =	simm.s32 $0x108;
	_ =	swait.ge @!p0 [sflag:s8], $0x0  }
0x24: {  	s3 =	sadd.s32 $0x88, s3;
	s6 =	simm.s32 @!p1 $0x1082;
	[sflag:s4] =	ssyncset.s32 $0xFFFFF086  }
0x25: {  	[simem:s6], [sflag:s4] =	dma.local [hbm:s3], $0xF7A  }
0x26: {  	[smem:$0x3F8C] =	sst s1;
	(tag) =	ssettag s2;
	_ =	strace s9  }
0x27: {  	s1 =	sld [smem:$0x3F9C]  }
0x28: {  	s2 =	sld [smem:$0x3F9D]  }
0x29: {  	s4 =	sld [smem:$0x3F9F]  }
0x2a: {  	p0 =	seq.s32 s5, $0x0;
	s5 =	sld [smem:$0x3FA0]  }
0x2b: {  	s6 =	sld [smem:$0x3FA1]  }
0x2c: {  	s7 =	sld [smem:$0x3FA2]  }
0x2d: {  	s3 =	simm.s32 $0x108;
	s8 =	sld [smem:$0x3FA3]  }
0x2e: {  	s3 =	simm.s32 @!p0 $0x1082;
	s9 =	sld [smem:$0x3FA4]  }
0x2f: {  	lr =	sadd.s32 s0, s3;
	s0 =	sld [smem:$0x3F9B]  }
0x30: {  	s3 =	sld [smem:$0x3F9E]  }
0x31: {  	[smem:$0x3FA7] =	sst s10  }
0x32: {  	s10 =	sld [smem:$0x3FA5];
	_ =	sdelay $0x3  }
0x33: {  	p0 =	seq.s32 s10, $0x1;
	s10 =	sld [smem:$0x3FA7];
	_ =	sdelay $0x3  }
0x34: {  	[smem:$0x3FA7] =	sst s10  }
0x35: {  	s10 =	sld [smem:$0x3FA6];
	_ =	sdelay $0x3  }
0x36: {  	p1 =	seq.s32 s10, $0x1;
	s10 =	sld [smem:$0x3FA7];
	_ =	sdelay $0x3  }
0x37: {  	[smem:$0x3FA7] =	sst s10  }
0x38: {  	s10 =	sld [smem:$0x3FA8]  }
0x39: {  	_ = 	snop;
	(pc) =	sbr.ind lr, $3  }
0x3a: {  	_ = 	snop  }
0x3b: {  	_ = 	snop  }
0x3c: {  	p2 =	seq.s32 s10, $0x1;
	s10 =	sld [smem:$0x3FA7]  }
0x3d: {  	_ =	shalt  }
0x3e: {  	_ =	shalt  }
0x3f: {  	_ =	shalt  }
0x40: {  	_ =	shalt  }
0x41: {  	_ =	shalt  }
0x42: {  	_ =	shalt  }
0x43: {  	_ =	shalt  }
0x44: {  	_ =	shalt  }
0x45: {  	_ =	shalt  }
0x46: {  	_ =	shalt  }
0x47: {  	_ =	shalt  }
0x48: {  	_ =	shalt  }
0x49: {  	_ =	shalt  }
0x4a: {  	_ =	shalt  }
0x4b: {  	_ =	shalt  }
0x4c: {  	_ =	shalt  }
0x4d: {  	_ =	shalt  }
0x4e: {  	_ =	shalt  }
0x4f: {  	_ =	shalt  }
0x50: {  	_ =	shalt  }
0x51: {  	_ =	shalt  }
0x52: {  	_ =	shalt  }
0x53: {  	_ =	shalt  }
0x54: {  	_ =	shalt  }
0x55: {  	_ =	shalt  }
0x56: {  	_ =	shalt  }
0x57: {  	_ =	shalt  }
0x58: {  	_ =	shalt  }
0x59: {  	_ =	shalt  }
0x5a: {  	_ =	shalt  }
0x5b: {  	_ =	shalt  }
0x5c: {  	_ =	shalt  }
0x5d: {  	_ =	shalt  }
0x5e: {  	_ =	shalt  }
0x5f: {  	_ =	shalt  }
0x60: {  	_ =	shalt  }
0x61: {  	_ =	shalt  }
0x62: {  	_ =	shalt  }
0x63: {  	_ =	shalt  }
0x64: {  	_ =	shalt  }
0x65: {  	_ =	shalt  }
0x66: {  	_ =	shalt  }
0x67: {  	_ =	shalt  }
0x68: {  	_ =	shalt  }
0x69: {  	_ =	shalt  }
0x6a: {  	_ =	shalt  }
0x6b: {  	_ =	shalt  }
0x6c: {  	_ =	shalt  }
0x6d: {  	_ =	shalt  }
0x6e: {  	_ =	shalt  }
0x6f: {  	_ =	shalt  }
0x70: {  	_ =	shalt  }
0x71: {  	_ =	shalt  }
0x72: {  	_ =	shalt  }
0x73: {  	_ =	shalt  }
0x74: {  	_ =	shalt  }
0x75: {  	_ =	shalt  }
0x76: {  	_ =	shalt  }
0x77: {  	_ =	shalt  }
0x78: {  	_ =	shalt  }
0x79: {  	_ =	shalt  }
0x7a: {  	_ =	shalt  }
0x7b: {  	_ =	shalt  }
0x7c: {  	_ =	shalt  }
0x7d: {  	_ =	shalt  }
0x7e: {  	_ =	shalt  }
0x7f: {  	_ =	shalt  }
0x80: {  	_ =	shalt  }
0x81: {  	_ =	shalt  }
0x82: {  	_ =	shalt  }
0x83: {  	_ =	shalt  }
0x84: {  	_ =	shalt  }
0x85: {  	_ =	shalt  }
0x86: {  	_ =	shalt  }
0x87: {  	_ =	shalt  }
.Lfunc_end0:
.L_simem_size_0:
called_computation_lowered:
.L_overlay_start_0:
0x88: {  	s2 =	sld [smem:$0x3FD9]  }
0x89: {  	s3 =	sld [smem:$0x3FFE];
	_ =	sdelay $0x1  }
0x8a: {  	s1 =	srdreg.scid  }
0x8b: {  	s0 =	sand.u32 $0x1, s1  }
0x8c: {  	s16 =	sshll.u32 s0, $0xA;
	s2 =	sadd.s32 s3, s2  }
0x8d: {  	s2 =	sadd.s32 s2, s16  }
0x8e: {  	[smem:$0x3FB3] =	sst s2  }
0x8f: {  	_ = 	snop  }
0x90: {  	(tm) =	ssettm $0x1  }
0x91: {  	s17 =	sld [smem:$0x3FFB];
	_ =	sdelay $0x3  }
0x92: {  	_ =	strace s17  }
0x93: {  	s2 =	sld [smem:$0x3FFC];
	_ =	sdelay $0x3  }
0x94: {  	_ =	strace s2  }
0x95: {  	s2 =	sld [smem:$0x3FFD];
	_ =	sdelay $0x3  }
0x96: {  	_ =	strace s2  }
0x97: {  	_ =	strace $0x8FFFFFFF  }
0x98: {  	s18 =	sld [smem:$0x3FDB];
	_ =	sdelay $0x1  }
0x99: {  	s19 =	simm.s32 $_scs_section_size  }
0x9a: {  	s4 =	simm.s32 $_size__tile_overlayer_lowered;
	s5 =	simm.s32 $_tile_overlayer_lowered  }
0x9b: {  	s22 =	simm.s32 $0x1BFF;
	s21 =	sshll.u32 s5, $0x1;
	s2 =	sadd.s32 s19, s18  }
0x9c: {  	s6 =	simm.s32 $0x0;
	s20 =	sshll.u32 s4, $0x1;
	s4 =	sadd.s32 s21, s2  }
0x9d: {  	[timem:s6], [sflag:s22] =	dma.local [hbm:s4], s20  }
0x9e: {  	_ =	swait.ge [sflag:s22], s20  }
0x9f: {  	s3 =	ssub.s32 $0x0, s20;
	[sflag:s22] =	ssyncset.done $0x0  }
0xa0: {  	[sflag:s22] =	ssyncadd.s32 s3;
	_ =	sdelay $0x1  }
0xa1: {  	s23 =	simm.s32 $0x1B8B  }
0xa2: {  	_ =	swait.ge [sflag:s23], $0x1  }
0xa3: {  	[sflag:s23] =	ssyncset.done $0x0  }
0xa4: {  	s25 =	simm.s32 $0x1B8E;
	s24 =	sld [smem:$0x3FFE];
	[sflag:s23] =	ssyncadd.s32 $0xFFFFFFFF  }
0xa5: {  	s26 =	simm.s32 $execute0_lowered;
	[smem:$0x3FD2] =	sst s25  }
0xa6: {  	s4 =	sshll.u32 s26, $0x1;
	_ =	strace $0x80000046;
	[dreg:$0x1] =	wrdreg $0xFFFFFFFF  }
0xa7: {  	s28 =	simm.s32 $_size_execute0_lowered;
	s2 =	sadd.s32 s2, s4;
	[dreg:$0x0] =	wrdreg $0x0  }
0xa8: {  	s4 =	sshll.u32 s28, $0x1;
	[dreg:$0x2] =	wrdreg s2  }
0xa9: {  	[dreg:$0x3] =	wrdreg s4  }
0xaa: {  	[dreg:$0x4] =	wrdreg $0xC0  }
0xab: {  	_ =	task [dreg:s6], $0x5FFFF  }
0xac: {  	[dreg:$0x1] =	wrdreg $0xFFFFFFFF  }
0xad: {  	[dreg:$0x0] =	wrdreg $0x60  }
0xae: {  	[dreg:$0x2] =	wrdreg s24  }
0xaf: {  	[dreg:$0x3] =	wrdreg $0x9  }
0xb0: {  	_ =	task.clear_ibuf [dreg:s6], $0x4FFFF;
	_ =	strace $0x90000046  }
0xb1: {  	s29 =	simm.s32 $0x9;
	_ =	strace $0x8000004F  }
0xb2: {  	_ =	swait.ge [sflag:s29], $0x1  }
0xb3: {  	[sflag:s29] =	ssyncadd.s32 $0xFFFFFFFF  }
0xb4: {  	_ =	strace $0x9000004F  }
0xb5: {  	_ =	sfence  }
0xb6: {  	s30 =	sld [smem:$0x0];
	_ =	sdelay $0x2  }
0xb7: {  	s31 =	sshll.u32 s1, $0xD;
	s1 =	sshrl.u32 s1, $0x2  }
0xb8: {  	s3 =	sand.u32 $0x4000, s31;
	s1 =	sadd.s32 s1, s30  }
0xb9: {  	s0 =	sor.u32 s3, s0;
	s1 =	sshll.u32 s1, $0x11  }
0xba: {  	s0 =	sor.u32 s1, s0  }
0xbb: {  	s0 =	sadd.s32 $0x8F2B, s0  }
0xbc: {  	[sflag:s0] =	ssyncadd.remote.s32 $0x1  }
0xbd: {  	_ =	sfence.sel $0xFFFF  }
0xbe: {  	[dreg:$0x0] =	wrdreg $0xFFFFFFFF;
	(pc) =	sbr.abs _section_cstart, $3  }
0xbf: {  	[dreg:$0x1] =	wrdreg $0xFFFFFFFF  }
0xc0: {  	_ =	task.clear_ibuf [dreg:s6], $0x2FFFF;
	_ =	strace $0x9FFFFFFF  }
0xc1: {  	(tm) =	ssettm $0x7FFFFFFF  }
tec
execute0_lowered:
.L_overlay_start_1:
0x0: {  	(tag) =	ssettag $0x1  }
0x1: {  	s5 =	rddreg [dreg:$0x0]  }
0x2: {  	s0 =	rddreg [dreg:$0x1];
	s1 =	simm.s32 $0x0  }
0x3: {  	s2 =	srdreg.scid;
	s9 =	simm.s32 $0x4;
	s10 =	simm.s32 $0x0  }
0x4: {  	[smem:$0x7FF] =	sst s1;
	s3 =	sadd.s32 $0x3200, s5;
	s4 =	sadd.s32 $0x2200, s5  }
0x5: {  	s6 =	sand.u32 $0x1, s2;
	s2 =	stileid.u32;
	s5 =	sadd.s32 $0x43200, s5  }
0x6: {  	_ =	strace $0x80000047;
	s7 =	ssub.s32 $0x2, s6;
	s6 =	sshll.u32 s6, $0x4  }
0x7: {  	v2 =	vlaneseq.u32;
	[dreg:$0x2] =	wrdreg s5;
	s8 =	sshrl.u32 s7, $0x1;
	s6 =	sor.u32 s2, s6  }
0x8: {  	vm0 =	vmmov $0xffff;
	v1 =	vshrl.u32 v2, $0x3;
	s7 =	ssub.s32 s7, s8;
	s31 =	sshll.u32 s6, $0x7;
	s5 =	sshll.u32 s6, $0x3  }
0x9: {  	v0 =	vand.u32 $0x7, v2;
	v2 =	vor.u32 $0x8, v2;
	v1 =	vmul.u32 $0x8, v1;
	s8 =	simm.s32 $0x5;
	s6 =	sadd.s32 s4, s31;
	s7 =	smax.u32 s7, $0x1  }
.LBB2_1:
0xa: {  	_ =	strace $0x80000048;
	s11 =	simm.s32 $0x8  }
0xb: {  	s12 =	simm.s32 $0x0;
	s13 =	simm.s32 $0x0;
	s14 =	simm.s32 $0x0  }
0xc: {  	[tilespmem:s1], [sflag:$0x1] =	stream.linear.gather [hbm4b:s6+s1], $0x80, $0x200038;
	[tilespmem:$0x10100] =	vst v63  }
0xd: {  	s15 =	simm.s32 $0x0;
	s16 =	simm.s32 $0x1;
	_ =	strace $0x90000048  }
.LBB2_2:
0xe: {  	s17 =	smov.u32 s12;
	s12 =	sadd.s32 $0x1, s12  }
0xf: {  	p0 =	seq.s32 s12, $0x8  }
0x10: {  	s12 =	simm.s32 @p0 $0x0  }
0x11: {  	p6 =	sne.s32 s11, $0x1;
	p1 =	sne.s32 s17, s12  }
0x12: {  	p0 =	por !p6, !p1  }
0x13: {  	p0 =	por !p0, !p0  }
0x14: {  	s18 =	sadd.s32 @p0 s5, s12  }
0x15: {  	s19 =	sand.u32 @p0 $0x1, s16;
	s18 =	sshll.u32 @p0 s18, $0x4  }
0x16: {  	_ =	strace @p0 $0x80000049;
	s21 =	simm.s32 @p0 $0x0;
	s18 =	sand.u32 @p0 $0x1FFFFFF0, s18  }
0x17: {  	s20 =	sshll.u32 @p0 s19, $0x7;
	s19 =	sadd.s32 @p0 $0x1, s19;
	s18 =	sadd.s32 @p0 s4, s18  }
0x18: {  	[tilespmem:s20], [sflag:s19] =	stream.linear.gather @p0 [hbm4b:s18+s21], $0x80, $0x200038;
	[tilespmem:$0x10100] =	vst v63  }
0x19: {  	s24 =	sand.u32 $0x1, s15;
	_ =	strace @p0 $0x90000049  }
0x1a: {  	s18 =	sadd.s32 $0x1, s24;
	_ =	strace $0x8000004A  }
0x1b: {  	_ =	swait.ge [sflag:s18], $0x80  }
0x1c: {  	[sflag:s18] =	ssyncset.done $0x0  }
0x1d: {  	[sflag:s18] =	ssyncadd.s32 $0xFFFFFF80  }
0x1e: {  	s25 =	sshll.u32 s15, $0x7;
	_ =	strace $0x9000004A  }
0x1f: {  	s21 =	sand.u32 $0x80, s25;
	_ =	strace $0x8000004B  }
0x20: {  	v3 =	vld [tilespmem:s21+$0x0];
	_ =	sdelay $0x4  }
0x21: {  	v4 =	vshll.u32 v3, $0x1  }
0x22: {  	v3 =	vand.u32 $0x7, v3;
	v4 =	vand.u32 $0xFFFFFFF0, v4  }
0x23: {  	v3 =	vor.u32 v3, v4  }
0x24: {  	v4 =	vperm.xlane v3, v0;
	_ =	sdelay $0x1  }
0x25: {  	v3 =	vperm.xlane v3, v2;
	v4 =	vadd.s32 v1, v4;
	_ =	sdelay $0x1  }
0x26: {  	s18 =	sand.u32 $0x1, s14;
	v3 =	vadd.s32 v1, v3  }
0x27: {  	s20 =	sshll.u32 s18, $0xF  }
0x28: {  	s19 =	sor.u32 $0x100, s20  }
0x29: {  	[tilespmem:s19], [sflag:$0x5] =	stream.indirect_vreg.gather [hbm4b:s3+s1], $0x80, v4, vm0, $0x2000b8;
	[tilespmem:$0x10100] =	vst v63  }
0x2a: {  	s22 =	sor.u32 $0x900, s20  }
0x2b: {  	[tilespmem:s22], [sflag:$0x5] =	stream.indirect_vreg.gather [hbm4b:s3+s1], $0x80, v3, vm0, $0x2000b8;
	[tilespmem:$0x10100] =	vst v63  }
0x2c: {  	v3 =	vld [tilespmem:s21+$0x10];
	_ =	sdelay $0x4  }
0x2d: {  	v57 =	vshll.u32 v3, $0x1  }
0x2e: {  	v3 =	vand.u32 $0x7, v3;
	v4 =	vand.u32 $0xFFFFFFF0, v57  }
0x2f: {  	v3 =	vor.u32 v3, v4  }
0x30: {  	v4 =	vperm.xlane v3, v0;
	_ =	sdelay $0x1  }
0x31: {  	v3 =	vperm.xlane v3, v2;
	v4 =	vadd.s32 v1, v4;
	_ =	sdelay $0x1  }
0x32: {  	v3 =	vadd.s32 v1, v3;
	_ =	sdelay $0x1  }
0x33: {  	s26 =	sor.u32 $0x1100, s20  }
0x34: {  	[tilespmem:s26], [sflag:$0x5] =	stream.indirect_vreg.gather [hbm4b:s3+s1], $0x80, v4, vm0, $0x2000b8;
	[tilespmem:$0x10100] =	vst v63  }
0x35: {  	s28 =	sor.u32 $0x1900, s20  }
0x36: {  	[tilespmem:s28], [sflag:$0x5] =	stream.indirect_vreg.gather [hbm4b:s3+s1], $0x80, v3, vm0, $0x2000b8;
	[tilespmem:$0x10100] =	vst v63  }
0x37: {  	v3 =	vld [tilespmem:s21+$0x20];
	_ =	sdelay $0x4  }
0x38: {  	v58 =	vshll.u32 v3, $0x1  }
0x39: {  	v3 =	vand.u32 $0x7, v3;
	v4 =	vand.u32 $0xFFFFFFF0, v58  }
0x3a: {  	v3 =	vor.u32 v3, v4  }
0x3b: {  	v4 =	vperm.xlane v3, v0;
	_ =	sdelay $0x1  }
0x3c: {  	v3 =	vperm.xlane v3, v2;
	v4 =	vadd.s32 v1, v4;
	_ =	sdelay $0x1  }
0x3d: {  	v3 =	vadd.s32 v1, v3;
	_ =	sdelay $0x1  }
0x3e: {  	s29 =	sor.u32 $0x2100, s20  }
0x3f: {  	[tilespmem:s29], [sflag:$0x5] =	stream.indirect_vreg.gather [hbm4b:s3+s1], $0x80, v4, vm0, $0x2000b8;
	[tilespmem:$0x10100] =	vst v63  }
0x40: {  	s30 =	sor.u32 $0x2900, s20  }
0x41: {  	[tilespmem:s30], [sflag:$0x5] =	stream.indirect_vreg.gather [hbm4b:s3+s1], $0x80, v3, vm0, $0x2000b8;
	[tilespmem:$0x10100] =	vst v63  }
0x42: {  	v3 =	vld [tilespmem:s21+$0x30];
	_ =	sdelay $0x4  }
0x43: {  	v59 =	vshll.u32 v3, $0x1  }
0x44: {  	v3 =	vand.u32 $0x7, v3;
	v4 =	vand.u32 $0xFFFFFFF0, v59  }
0x45: {  	v3 =	vor.u32 v3, v4  }
0x46: {  	v4 =	vperm.xlane v3, v0;
	_ =	sdelay $0x1  }
0x47: {  	v3 =	vperm.xlane v3, v2;
	v4 =	vadd.s32 v1, v4;
	_ =	sdelay $0x1  }
0x48: {  	v3 =	vadd.s32 v1, v3;
	_ =	sdelay $0x1  }
0x49: {  	s31 =	sor.u32 $0x3100, s20  }
0x4a: {  	[tilespmem:s31], [sflag:$0x5] =	stream.indirect_vreg.gather [hbm4b:s3+s1], $0x80, v4, vm0, $0x2000b8;
	[tilespmem:$0x10100] =	vst v63  }
0x4b: {  	s23 =	sor.u32 $0x3900, s20  }
0x4c: {  	[tilespmem:s23], [sflag:$0x5] =	stream.indirect_vreg.gather [hbm4b:s3+s1], $0x80, v3, vm0, $0x2000b8;
	[tilespmem:$0x10100] =	vst v63  }
0x4d: {  	v3 =	vld [tilespmem:s21+$0x40];
	_ =	sdelay $0x4  }
0x4e: {  	v60 =	vshll.u32 v3, $0x1  }
0x4f: {  	v3 =	vand.u32 $0x7, v3;
	v4 =	vand.u32 $0xFFFFFFF0, v60  }
0x50: {  	v3 =	vor.u32 v3, v4  }
0x51: {  	v4 =	vperm.xlane v3, v0;
	_ =	sdelay $0x1  }
0x52: {  	v3 =	vperm.xlane v3, v2;
	v4 =	vadd.s32 v1, v4;
	_ =	sdelay $0x1  }
0x53: {  	v3 =	vadd.s32 v1, v3;
	_ =	sdelay $0x1  }
0x54: {  	s24 =	sor.u32 $0x4100, s20  }
0x55: {  	[tilespmem:s24], [sflag:$0x5] =	stream.indirect_vreg.gather [hbm4b:s3+s1], $0x80, v4, vm0, $0x2000b8;
	[tilespmem:$0x10100] =	vst v63  }
0x56: {  	s25 =	sor.u32 $0x4900, s20  }
0x57: {  	[tilespmem:s25], [sflag:$0x5] =	stream.indirect_vreg.gather [hbm4b:s3+s1], $0x80, v3, vm0, $0x2000b8;
	[tilespmem:$0x10100] =	vst v63  }
0x58: {  	v3 =	vld [tilespmem:s21+$0x50];
	_ =	sdelay $0x4  }
0x59: {  	v61 =	vshll.u32 v3, $0x1  }
0x5a: {  	v3 =	vand.u32 $0x7, v3;
	v4 =	vand.u32 $0xFFFFFFF0, v61  }
0x5b: {  	v3 =	vor.u32 v3, v4  }
0x5c: {  	v4 =	vperm.xlane v3, v0;
	_ =	sdelay $0x1  }
0x5d: {  	v3 =	vperm.xlane v3, v2;
	v4 =	vadd.s32 v1, v4;
	_ =	sdelay $0x1  }
0x5e: {  	v3 =	vadd.s32 v1, v3;
	_ =	sdelay $0x1  }
0x5f: {  	s26 =	sor.u32 $0x5100, s20  }
0x60: {  	[tilespmem:s26], [sflag:$0x5] =	stream.indirect_vreg.gather [hbm4b:s3+s1], $0x80, v4, vm0, $0x2000b8;
	[tilespmem:$0x10100] =	vst v63  }
0x61: {  	s28 =	sor.u32 $0x5900, s20  }
0x62: {  	[tilespmem:s28], [sflag:$0x5] =	stream.indirect_vreg.gather [hbm4b:s3+s1], $0x80, v3, vm0, $0x2000b8;
	[tilespmem:$0x10100] =	vst v63  }
0x63: {  	v3 =	vld [tilespmem:s21+$0x60];
	_ =	sdelay $0x4  }
0x64: {  	v62 =	vshll.u32 v3, $0x1  }
0x65: {  	v3 =	vand.u32 $0x7, v3;
	v4 =	vand.u32 $0xFFFFFFF0, v62  }
0x66: {  	v3 =	vor.u32 v3, v4  }
0x67: {  	v4 =	vperm.xlane v3, v0;
	_ =	sdelay $0x1  }
0x68: {  	v3 =	vperm.xlane v3, v2;
	v4 =	vadd.s32 v1, v4;
	_ =	sdelay $0x1  }
0x69: {  	v3 =	vadd.s32 v1, v3;
	_ =	sdelay $0x1  }
0x6a: {  	s29 =	sor.u32 $0x6100, s20  }
0x6b: {  	[tilespmem:s29], [sflag:$0x5] =	stream.indirect_vreg.gather [hbm4b:s3+s1], $0x80, v4, vm0, $0x2000b8;
	[tilespmem:$0x10100] =	vst v63  }
0x6c: {  	s30 =	sor.u32 $0x6900, s20  }
0x6d: {  	[tilespmem:s30], [sflag:$0x5] =	stream.indirect_vreg.gather [hbm4b:s3+s1], $0x80, v3, vm0, $0x2000b8;
	[tilespmem:$0x10100] =	vst v63  }
0x6e: {  	v3 =	vld [tilespmem:s21+$0x70];
	_ =	sdelay $0x4  }
0x6f: {  	v63 =	vshll.u32 v3, $0x1  }
0x70: {  	v3 =	vand.u32 $0x7, v3;
	v4 =	vand.u32 $0xFFFFFFF0, v63  }
0x71: {  	v3 =	vor.u32 v3, v4  }
0x72: {  	v4 =	vperm.xlane v3, v0;
	_ =	sdelay $0x1  }
0x73: {  	v3 =	vperm.xlane v3, v2;
	v4 =	vadd.s32 v1, v4;
	_ =	sdelay $0x1  }
0x74: {  	v3 =	vadd.s32 v1, v3;
	_ =	sdelay $0x1  }
0x75: {  	s31 =	sor.u32 $0x7100, s20  }
0x76: {  	[tilespmem:s31], [sflag:$0x5] =	stream.indirect_vreg.gather [hbm4b:s3+s1], $0x80, v4, vm0, $0x2000b8;
	[tilespmem:$0x10100] =	vst v63  }
0x77: {  	s20 =	sor.u32 $0x7900, s20  }
0x78: {  	[tilespmem:s20], [sflag:$0x5] =	stream.indirect_vreg.gather [hbm4b:s3+s1], $0x80, v3, vm0, $0x2000b8;
	[tilespmem:$0x10100] =	vst v63  }
0x79: {  	_ =	swait.ge [sflag:s8], $0x8000  }
0x7a: {  	p2 =	seq.s32 s11, $0x1;
	[sflag:s8] =	ssyncset.done $0x0  }
0x7b: {  	s17 =	sadd.s32 s5, s17;
	p1 =	por p2, p1;
	[sflag:s8] =	ssyncadd.s32 $0xFFFF8000  }
0x7c: {  	s17 =	sshll.u32 @p1 s17, $0xC;
	_ =	strace $0x9000004B  }
0x7d: {  	s17 =	sand.u32 @p1 $0x1FFFF000, s17;
	s21 =	simm.s32 $0x1;
	_ =	strace @p1 $0x8000004C  }
0x7e: {  	s18 =	sadd.s32 @p1 $0x3, s18;
	s21 =	simm.s32 @!p0 $0x0;
	s20 =	rddreg [dreg:$0x2]  }
0x7f: {  	p0 =	seq.s32 s11, $0x8;
	s17 =	sadd.s32 @p1 s20, s17;
	s20 =	simm.s32 @p1 $0x0  }
0x80: {  	[hbm4b:s17+s20] =	stream.linear.scatter @p1 [tilespmem:s19], [sflag:s18], $0x8000, $0x200038;
	[tilespmem:$0x10100] =	vst v63  }
0x81: {  	s17 =	simm.s32 $0x1;
	s19 =	simm.s32 $0x1;
	_ =	strace @p1 $0x9000004C  }
0x82: {  	s17 =	simm.s32 @!p1 $0x0;
	p1 =	sne.s32 s11, $0x8;
	s11 =	sadd.s32 $0xFFFFFFFF, s11  }
0x83: {  	s18 =	sand.u32 @!p0 $0x1, s13;
	s19 =	simm.s32 @!p1 $0x0;
	p1 =	sne.s32 s11, $0x0  }
.Ltmp0:
0x84: {  	s18 =	sadd.s32 @!p0 $0x3, s18;
	_ =	strace @!p0 $0x8000004D;
	(pc) =	sbr.rel @p1 .LBB2_2-.Ltmp0, $4  }
0x85: {  	_ =	swait.ge @!p0 [sflag:s18], $0x8000  }
0x86: {  	[sflag:s18] =	ssyncset.done @!p0 $0x0  }
0x87: {  	s16 =	sadd.s32 s21, s16;
	s14 =	sadd.s32 s17, s14;
	[sflag:s18] =	ssyncadd.s32 @!p0 $0xFFFF8000  }
0x88: {  	s15 =	sadd.s32 s17, s15;
	s13 =	sadd.s32 s19, s13;
	_ =	strace @!p0 $0x9000004D  }
0x89: {  	s10 =	sadd.s32 $0x1, s10  }
0x8a: {  	p0 =	sne.s32 s10, s7  }
.Ltmp1:
0x8b: {  	_ =	strace $0x8000004E;
	(pc) =	sbr.rel @p0 .LBB2_1-.Ltmp1, $4  }
0x8c: {  	_ =	swait.ge [sflag:s9], $0x8000  }
0x8d: {  	[sflag:s9] =	ssyncset.done $0x0  }
0x8e: {  	[sflag:s9] =	ssyncadd.s32 $0xFFFF8000  }
0x8f: {  	_ =	strace $0x9000004E  }
0x90: {  	_ =	sfence.sel $0x180000  }
0x91: {  	[bflag:$0x0] =	sbarrier.arrive $0xFFFF  }
0x92: {  	p0 =	sne.s32 s2, $0x0;
	_ =	strace $0x90000047  }
0x93: {  	s0 =	sadd.s32 @!p0 $0x100000, s0;
	[bflag:$0x2] =	sbarrier.arrive $0xFFFF  }
0x94: {  	[sflag:s0] =	ssyncadd.tile.s32 @!p0 $0x1;
	_ =	shalt  }
.Lfunc_end2:
_tile_overlayer_lowered:
.L_overlay_start_2:
0x95: {  	(tag) =	ssettag $0x2  }
0x96: {  	s0 =	rddreg [dreg:$0x0];
	s2 =	stileid.u32  }
0x97: {  	s1 =	rddreg [dreg:$0x1];
	p0 =	sne.s32 s2, $0x0  }
0x98: {  	s3 =	rddreg [dreg:$0x2];
	[bflag:$0x3] =	sbarrier.arrive $0xFFFF;
	s2 =	simm.s32 @!p0 $0x1C01  }
0x99: {  	[timem:s3], [sflag:s2] =	dma.local @!p0 [hbm:s0], s1  }
0x9a: {  	s0 =	simm.s32 @!p0 $0x1  }
0x9b: {  	_ =	swait.ge @!p0 [sflag:s0], s1  }
0x9c: {  	s1 =	ssub.s32 @!p0 $0x0, s1;
	[sflag:s0] =	ssyncset.done @!p0 $0x0  }
0x9d: {  	[sflag:s0] =	ssyncadd.s32 @!p0 s1  }
0x9e: {  	[bflag:$0x3] =	sbarrier.arrive $0xFFFF  }
0x9f: {  	_ =	shalt  }

</sc_bundles>
